<compile_context>
chip_gen: v7x
topology: tpu7x:2x2x1
jax: 0.10.2.dev20260603
libtpu: 0.0.44.dev20260713+nightly
codegen_flags: <defaults>
</compile_context>

<pallas_src>
import functools

import jax
import jax.numpy as jnp
from jax import lax
from jax.experimental import pallas as pl
from jax.experimental.pallas import tpu as pltpu
from jax.experimental.pallas import tpu_sc as plsc



def _knn_body(xt_ref, c_ref, idx_ref, d2_ref, *, n, nsample):
    b = pl.program_id(0)
    p = c_ref.shape[1]
    c = c_ref[0]
    d2 = (xt_ref[0, 0:1, :] - c[:, 0:1]) ** 2
    d2 = d2 + (xt_ref[0, 1:2, :] - c[:, 1:2]) ** 2
    d2 = d2 + (xt_ref[0, 2:3, :] - c[:, 2:3]) ** 2
    d2_ref[...] = d2
    iota = lax.broadcasted_iota(jnp.int32, (p, n), 1)
    base = b * n
    icols = []
    for _ in range(nsample):
        d2 = d2_ref[...]
        m = jnp.min(d2, axis=1, keepdims=True)
        amin = jnp.min(jnp.where(d2 == m, iota, n), axis=1, keepdims=True)
        icols.append(amin + base)
        d2_ref[...] = jnp.where(iota == amin, jnp.inf, d2)
    idx_ref[0] = jnp.concatenate(icols, axis=1)


def _knn(xt, centers, nsample):
    batch, _, n = xt.shape
    npoint = centers.shape[1]
    p = min(256, npoint)
    grid = (batch, npoint // p)
    return pl.pallas_call(
        functools.partial(_knn_body, n=n, nsample=nsample),
        grid=grid,
        in_specs=[
            pl.BlockSpec((1, 3, n), lambda b, j: (b, 0, 0)),
            pl.BlockSpec((1, p, 3), lambda b, j: (b, j, 0)),
        ],
        out_specs=pl.BlockSpec((1, p, nsample), lambda b, j: (b, j, 0)),
        out_shape=jax.ShapeDtypeStruct((batch, npoint, nsample), jnp.int32),
        scratch_shapes=[pltpu.VMEM((p, n), jnp.float32)],
    )(xt, centers)



def _sc_gather(table, gidx):
    d = table.shape[1]
    nidx = gidx.shape[0]
    nw = 32
    bpw = nidx // nw
    chunk = bpw
    while chunk * d * 4 > 400 * 1024:
        chunk //= 2
    nchunks = bpw // chunk
    mesh = plsc.VectorSubcoreMesh(core_axis_name="c", subcore_axis_name="s")

    @functools.partial(
        pl.kernel,
        mesh=mesh,
        out_type=jax.ShapeDtypeStruct((nidx, d), jnp.float32),
        scratch_types=[
            pltpu.VMEM((bpw,), jnp.int32),
            pltpu.VMEM((chunk, d), jnp.float32),
            pltpu.SemaphoreType.DMA,
        ],
    )
    def gather_k(table_hbm, idx_hbm, out_hbm, idx_v, rows_v, sem):
        wid = lax.axis_index("s") * 2 + lax.axis_index("c")
        base = wid * bpw
        pltpu.sync_copy(idx_hbm.at[pl.ds(base, bpw)], idx_v)

        def body(i, carry):
            off = i * chunk
            pltpu.async_copy(
                table_hbm.at[idx_v.at[pl.ds(off, chunk)]], rows_v, sem
            ).wait()
            pltpu.sync_copy(rows_v, out_hbm.at[pl.ds(base + off, chunk)])
            return carry

        lax.fori_loop(0, nchunks, body, 0)

    return gather_k(table, gidx)



def _mcg_body(g_ref, c_ref, w1a_ref, b1a_ref, w1b_ref,
              b1b_ref, w2a_ref, b2a_ref, w2b_ref, b2b_ref, wproj_ref, out_ref,
              *, cin, nsample):
    r = c_ref.shape[0]
    g = g_ref[...]
    gx = g[:, 0:3]
    gf = g[:, 3:3 + cin]
    c = c_ref[...]
    c3 = jnp.broadcast_to(c[:, None, :], (r, nsample, 3)).reshape(r * nsample, 3)
    rel = gx - c3
    dist = jnp.sqrt(jnp.sum(rel * rel, axis=1, keepdims=True) + 1e-8)
    geo = jnp.concatenate([rel, c3, dist], axis=1)
    h = jnp.maximum(
        jnp.dot(geo, w1a_ref[...], preferred_element_type=jnp.float32)
        + b1a_ref[...], 0.0)
    w = jnp.dot(h, w1b_ref[...], preferred_element_type=jnp.float32) + b1b_ref[...]
    z = jnp.maximum(w * w2a_ref[...] + b2a_ref[...], 0.0)
    lw = jnp.maximum(
        jnp.dot(z, w2b_ref[...], preferred_element_type=jnp.float32)
        + b2b_ref[...], 0.0)
    proj = jnp.dot(gf, wproj_ref[...], preferred_element_type=jnp.float32)
    prod = (proj * lw).reshape(r, nsample, -1)
    out_ref[...] = jnp.max(prod, axis=1)


def _full(shape):
    return pl.BlockSpec(shape, lambda i: tuple(0 for _ in shape))


def _mcg(g, centers_flat, p, cin, cout, nsample):
    rows = centers_flat.shape[0]
    d = g.shape[1]
    r = min(64, rows)
    grid = (rows // r,)
    h1 = p['W1a'].shape[1]
    h2 = p['W2a'].shape[1]
    return pl.pallas_call(
        functools.partial(_mcg_body, cin=cin, nsample=nsample),
        grid=grid,
        in_specs=[
            pl.BlockSpec((r * nsample, d), lambda i: (i, 0)),
            pl.BlockSpec((r, 3), lambda i: (i, 0)),
            _full((7, h1)), _full((1, h1)), _full((h1, 1)), _full((1, 1)),
            _full((1, h2)), _full((1, h2)), _full((h2, cout)), _full((1, cout)),
            _full((cin, cout)),
        ],
        out_specs=pl.BlockSpec((r, cout), lambda i: (i, 0)),
        out_shape=jax.ShapeDtypeStruct((rows, cout), jnp.float32),
    )(g, centers_flat,
      p['W1a'], p['b1a'][None, :], p['W1b'], p['b1b'][None, :],
      p['W2a'], p['b2a'][None, :], p['W2b'], p['b2b'][None, :], p['Wproj'])



def _tail_body(g_ref, m_ref, w1a_ref, b1a_ref, w1b_ref, b1b_ref,
               w2a_ref, b2a_ref, w2b_ref, b2b_ref, wproj_ref,
               fc1w_ref, a1_ref, fc2w_ref, a2_ref, fc3w_ref, b3_ref, out_ref,
               *, cin, nsample, batch):
    g = g_ref[...]
    gf = g[:, :cin]
    gx = g[:, cin:cin + 3]
    c = jnp.dot(m_ref[...], gx, preferred_element_type=jnp.float32)
    c3 = jnp.broadcast_to(c[:, None, :], (batch, nsample, 3)).reshape(
        batch * nsample, 3)
    rel = gx - c3
    dist = jnp.sqrt(jnp.sum(rel * rel, axis=1, keepdims=True) + 1e-8)
    geo = jnp.concatenate([rel, c3, dist], axis=1)
    h = jnp.maximum(
        jnp.dot(geo, w1a_ref[...], preferred_element_type=jnp.float32)
        + b1a_ref[...], 0.0)
    w = jnp.dot(h, w1b_ref[...], preferred_element_type=jnp.float32) + b1b_ref[...]
    z = jnp.maximum(w * w2a_ref[...] + b2a_ref[...], 0.0)
    lw = jnp.maximum(
        jnp.dot(z, w2b_ref[...], preferred_element_type=jnp.float32)
        + b2b_ref[...], 0.0)
    proj = jnp.dot(gf, wproj_ref[...], preferred_element_type=jnp.float32)
    f = jnp.max((proj * lw).reshape(batch, nsample, -1), axis=1)
    es = 1.0 / jnp.sqrt(1.0 + 1e-5)
    x = jnp.maximum(
        jnp.dot(f, fc1w_ref[...], preferred_element_type=jnp.float32) * es
        * a1_ref[0:1, :] + a1_ref[1:2, :], 0.0)
    x = jnp.maximum(
        jnp.dot(x, fc2w_ref[...], preferred_element_type=jnp.float32) * es
        * a2_ref[0:1, :] + a2_ref[1:2, :], 0.0)
    out_ref[...] = (jnp.dot(x, fc3w_ref[...], preferred_element_type=jnp.float32)
                    + b3_ref[0:1, :])


def _tail(s4, f4, p, head):
    batch, nsample, cin = f4.shape
    gx = s4.reshape(batch * nsample, 3)
    gf = f4.reshape(batch * nsample, cin)
    pad = jnp.zeros((batch * nsample, 13), jnp.float32)
    g = jnp.concatenate([gf, gx, pad], axis=1)
    mavg = jnp.repeat(jnp.eye(batch, dtype=jnp.float32), nsample, axis=1) / nsample
    es = 1.0 / jnp.sqrt(1.0 + 1e-5)
    a1 = jnp.stack([head['bn1g'], head['fc1b'] * es * head['bn1g'] + head['bn1b']], 0)
    a2 = jnp.stack([head['bn2g'], head['fc2b'] * es * head['bn2g'] + head['bn2b']], 0)
    return pl.pallas_call(
        functools.partial(_tail_body, cin=cin, nsample=nsample, batch=batch),
        out_shape=jax.ShapeDtypeStruct((batch, 40), jnp.float32),
    )(g, mavg, p['W1a'], p['b1a'][None, :], p['W1b'], p['b1b'][None, :],
      p['W2a'], p['b2a'][None, :], p['W2b'], p['b2b'][None, :], p['Wproj'],
      head['fc1W'], a1, head['fc2W'], a2, head['fc3W'], head['fc3b'][None, :])



def _sa_layer(xt, pts, feats, p, npoint, nsample):
    batch, n, cin = feats.shape
    stride = n // npoint
    centers = pts[:, ::stride, :][:, :npoint, :]
    rows = batch * npoint
    idx = _knn(xt, centers, nsample)
    d = 3 + cin
    dpad = (d + 127) // 128 * 128
    table = jnp.concatenate(
        [pts, feats, jnp.zeros((batch, n, dpad - d), jnp.float32)], axis=2
    ).reshape(batch * n, dpad)
    g = _sc_gather(table, idx.reshape(-1))
    cout = p['W2b'].shape[1]
    f = _mcg(g, centers.reshape(rows, 3), p, cin, cout, nsample)
    return f.reshape(batch, npoint, cout), centers


def kernel(xyz, params):
    ptsT = xyz[:, :3, :]
    pts = jnp.transpose(ptsT, (0, 2, 1))
    norm = jnp.transpose(xyz[:, 3:, :], (0, 2, 1))

    f1, s1 = _sa_layer(ptsT, pts, norm, params['layer0'], 512, 32)
    s1t = jnp.transpose(s1, (0, 2, 1))
    f2, s2 = _sa_layer(s1t, s1, f1, params['layer1'], 256, 32)
    s2t = jnp.transpose(s2, (0, 2, 1))
    f3, s3 = _sa_layer(s2t, s2, f2, params['layer2'], 128, 32)
    s3t = jnp.transpose(s3, (0, 2, 1))
    f4, s4 = _sa_layer(s3t, s3, f3, params['layer3'], 32, 32)

    x = _tail(s4, f4, params['layer4'], params['head'])
    return (x, s3)

# --- scband reference (transcript-rebuilt; emitter-appended) ---
"""Pipeline reference for scband-get-model-33363305955618 (READ-ONLY COPY).

The authoritative reference and input builder live on the scoring server;
editing this copy changes nothing except your own understanding.
"""

import jax, jax.numpy as jnp
import numpy as np

# (npoint, cin, cout, nsample, m1_hidden, m2_hidden) per MCGConv layer
LAYER_CFG = [
    (512, 3, 128, 32, 32, 64),
    (256, 128, 256, 32, 32, 64),
    (128, 256, 256, 32, 64, 128),
    (32, 256, 512, 32, 64, 128),
    (None, 512, 1024, 32, 128, 256),
]


def make_params(key):
    ks = jax.random.split(key, 64)
    ki = [0]
    def nxt():
        k = ks[ki[0]]
        ki[0] += 1
        return k
    params = {}
    for li, (npoint, cin, cout, ns, h1, h2) in enumerate(LAYER_CFG):
        p = {}
        p['W1a'] = jax.random.normal(nxt(), (7, h1), jnp.float32) * 0.1
        p['b1a'] = jnp.zeros((h1,), jnp.float32)
        p['W1b'] = jax.random.normal(nxt(), (h1, 1), jnp.float32) * 0.1
        p['b1b'] = jnp.zeros((1,), jnp.float32)
        p['W2a'] = jax.random.normal(nxt(), (1, h2), jnp.float32) * 0.1
        p['b2a'] = jnp.zeros((h2,), jnp.float32)
        p['W2b'] = jax.random.normal(nxt(), (h2, cout), jnp.float32) * 0.1
        p['b2b'] = jnp.zeros((cout,), jnp.float32)
        p['Wproj'] = jax.random.normal(nxt(), (cin, cout), jnp.float32) * 0.05
        params['layer%d' % li] = p
    head = {}
    head['fc1W'] = jax.random.normal(nxt(), (1024, 512), jnp.float32) * 0.03
    head['fc1b'] = jnp.zeros((512,), jnp.float32)
    head['bn1g'] = jnp.ones((512,), jnp.float32)
    head['bn1b'] = jnp.zeros((512,), jnp.float32)
    head['fc2W'] = jax.random.normal(nxt(), (512, 256), jnp.float32) * 0.05
    head['fc2b'] = jnp.zeros((256,), jnp.float32)
    head['bn2g'] = jnp.ones((256,), jnp.float32)
    head['bn2b'] = jnp.zeros((256,), jnp.float32)
    head['fc3W'] = jax.random.normal(nxt(), (256, 40), jnp.float32) * 0.05
    head['fc3b'] = jnp.zeros((40,), jnp.float32)
    params['head'] = head
    return params


def _gather_nb(points, idx):
    # points: [B, N, D], idx: [B, npoint, nsample] -> [B, npoint, nsample, D]
    return jax.vmap(lambda p, i: p[i])(points, idx)


def mcg_layer(xyz, feats, p, npoint, nsample):
    # xyz: [B, N, 3]; feats: [B, N, cin]
    B, N, _ = xyz.shape
    if npoint is None:
        centers = jnp.mean(xyz, axis=1, keepdims=True)  # [B, 1, 3]
        grouped_xyz = xyz[:, None, :, :]                # [B, 1, N, 3]
        grouped_feats = feats[:, None, :, :]            # [B, 1, N, cin]
    else:
        stride = N // npoint
        centers = xyz[:, ::stride, :][:, :npoint, :]    # [B, npoint, 3]
        d2 = jnp.sum((centers[:, :, None, :] - xyz[:, None, :, :]) ** 2, axis=-1)  # [B, npoint, N]
        _, idx = jax.lax.top_k(-d2, nsample)            # kNN indices [B, npoint, nsample]
        grouped_xyz = _gather_nb(xyz, idx)              # [B, npoint, nsample, 3]
        grouped_feats = _gather_nb(feats, idx)          # [B, npoint, nsample, cin]
    rel = grouped_xyz - centers[:, :, None, :]
    dist = jnp.sqrt(jnp.sum(rel ** 2, axis=-1, keepdims=True) + 1e-8)
    ctr = jnp.broadcast_to(centers[:, :, None, :], rel.shape)
    geo = jnp.concatenate([rel, ctr, dist], axis=-1)    # 7-dim geometric relation
    h = jax.nn.relu(geo @ p['W1a'] + p['b1a'])          # m1: 7 -> h1
    w = h @ p['W1b'] + p['b1b']                         # m1: h1 -> 1 (relation weight)
    lw = jax.nn.relu(w @ p['W2a'] + p['b2a'])           # m2: 1 -> h2
    lw = jax.nn.relu(lw @ p['W2b'] + p['b2b'])          # m2: h2 -> cout (lifted weight)
    proj = grouped_feats @ p['Wproj']                   # cin -> cout
    f = jnp.max(proj * lw, axis=2)                      # max over neighbors -> [B, npoint, cout]
    return f, centers


def forward(xyz_in, params):
    B = xyz_in.shape[0]
    pts = jnp.transpose(xyz_in[:, :3, :], (0, 2, 1))    # [B, N, 3]
    norm = jnp.transpose(xyz_in[:, 3:, :], (0, 2, 1))   # [B, N, 3]
    f1, s1 = mcg_layer(pts, norm, params['layer0'], 512, 32)
    f2, s2 = mcg_layer(s1, f1, params['layer1'], 256, 32)
    f3, s3 = mcg_layer(s2, f2, params['layer2'], 128, 32)
    f4, s4 = mcg_layer(s3, f3, params['layer3'], 32, 32)
    f5, s5 = mcg_layer(s4, f4, params['layer4'], None, 32)
    x = f5.reshape(B, 1024)
    h = params['head']
    es = 1.0 / jnp.sqrt(1.0 + 1e-5)  # BatchNorm eval mode with init running stats
    x = jax.nn.relu((x @ h['fc1W'] + h['fc1b']) * es * h['bn1g'] + h['bn1b'])
    x = jax.nn.relu((x @ h['fc2W'] + h['fc2b']) * es * h['bn2g'] + h['bn2b'])
    x = x @ h['fc3W'] + h['fc3b']
    return (x, s3)


def setup_inputs(seed: int = 0) -> dict:
    key = jax.random.key(seed)
    xyz = jax.random.normal(jax.random.fold_in(key, 1), (16, 6, 4096), jnp.float32)
    params = make_params(jax.random.fold_in(key, 7))
    return {"xyz": xyz, "params": params}


def reference(xyz, params):
    return forward(xyz, params)

if __name__ == "__main__":
    import jax
    _d = setup_inputs()
    print(jax.jit(kernel)(*tuple(_d.values())))

</pallas_src>

<mosaic_0001>
#map = affine_map<(d0, d1) -> (0, 0)>
#map1 = affine_map<(d0, d1) -> (0)>
module attributes {stable_mosaic.version = 14 : i64} {
  func.func @gather_k(%arg0: i32, %arg1: i32, %arg2: memref<65536x128xf32, #tpu.memory_space<hbm>>, %arg3: memref<262144xi32, #tpu.memory_space<hbm>>, %arg4: memref<262144x128xf32, #tpu.memory_space<hbm>>, %arg5: memref<8192xi32, #tpu.memory_space<vmem>>, %arg6: memref<512x128xf32, #tpu.memory_space<vmem>>, %arg7: memref<!tpu.dma_semaphore, #tpu.memory_space<semaphore_mem>>) attributes {dimension_semantics = [#tpu.dimension_semantics<core_parallel>, #tpu.dimension_semantics<subcore_parallel>], iteration_bounds = array<i64: 2, 16>, scalar_prefetch = 0 : i64, scratch_operands = 3 : i64, tpu.core_type = #tpu.core_type<sc_vector_subcore>, window_params = [{transform_indices = #map}, {transform_indices = #map1}, {transform_indices = #map}]} {
    %mul3A = arith.constant 2 : i32
    %mul3A_0 = arith.muli %arg1, %mul3A : i32
    %add3A = arith.addi %mul3A_0, %arg0 : i32
    %mul3A_1 = arith.constant 8192 : i32
    %mul3A_2 = arith.muli %add3A, %mul3A_1 : i32
    "tpu.region"() ({
      %run_scoped3A = tpu.sem_alloc : memref<!tpu.dma_semaphore, #tpu.memory_space<semaphore_mem>>
      %dma_start3A = tpu.memref_slice %arg3[%mul3A_2] : memref<262144xi32, #tpu.memory_space<hbm>> -> memref<8192xi32, #tpu.memory_space<hbm>>
      %dma_start3A_8 = tpu.memref_slice %arg3[%mul3A_2] : memref<262144xi32, #tpu.memory_space<hbm>> -> memref<8192xi32, #tpu.memory_space<hbm>>
      tpu.enqueue_dma source(%dma_start3A_8 : memref<8192xi32, #tpu.memory_space<hbm>>) target(%arg5 : memref<8192xi32, #tpu.memory_space<vmem>>) target_semaphore(%run_scoped3A : memref<!tpu.dma_semaphore, #tpu.memory_space<semaphore_mem>>)
      %dma_wait3A = tpu.memref_slice %arg3[%mul3A_2] : memref<262144xi32, #tpu.memory_space<hbm>> -> memref<8192xi32, #tpu.memory_space<hbm>>
      %dma_wait3A_9 = tpu.memref_slice %arg3[%mul3A_2] : memref<262144xi32, #tpu.memory_space<hbm>> -> memref<8192xi32, #tpu.memory_space<hbm>>
      tpu.wait_dma2 semaphore(%run_scoped3A : memref<!tpu.dma_semaphore, #tpu.memory_space<semaphore_mem>>) src(%dma_wait3A_9 : memref<8192xi32, #tpu.memory_space<hbm>>) dst(%arg5 : memref<8192xi32, #tpu.memory_space<vmem>>)
      tpu.yield
    }) : () -> ()
    %scan3A = arith.constant 0 : i32
    %scan3A_3 = arith.constant 0 : i32
    %scan3A_4 = arith.constant 16 : i32
    %scan3A_5 = arith.addi %scan3A_3, %scan3A_4 : i32
    %scan3A_6 = arith.constant 1 : i32
    scf.for %scan3A_8 = %scan3A_3 to %scan3A_5 step %scan3A_6  : i32 {
      %mul3A_9 = arith.constant 512 : i32
      %mul3A_10 = arith.muli %scan3A_8, %mul3A_9 : i32
      %dma_start3A = tpu.memref_slice %arg5[%mul3A_10] : memref<8192xi32, #tpu.memory_space<vmem>> -> memref<512xi32, #tpu.memory_space<vmem>>
      %dma_start3A_11 = arith.constant 0 : i32
      %dma_start3A_12 = arith.constant 0 : i32
      %dma_start3A_13 = tpu.memref_slice %arg2[%dma_start3A_11, %dma_start3A_12] : memref<65536x128xf32, #tpu.memory_space<hbm>> -> memref<65536x128xf32, #tpu.memory_space<hbm>>
      tpu.enqueue_indirect_dma source(%dma_start3A_13 : memref<65536x128xf32, #tpu.memory_space<hbm>>) target(%arg6 : memref<512x128xf32, #tpu.memory_space<vmem>>) offsets(%dma_start3A : memref<512xi32, #tpu.memory_space<vmem>>) semaphore(%arg7 : memref<!tpu.dma_semaphore, #tpu.memory_space<semaphore_mem>>)
      %dma_wait3A = tpu.memref_slice %arg5[%mul3A_10] : memref<8192xi32, #tpu.memory_space<vmem>> -> memref<512xi32, #tpu.memory_space<vmem>>
      %dma_wait3A_14 = arith.constant 0 : i32
      %dma_wait3A_15 = arith.constant 0 : i32
      %dma_wait3A_16 = tpu.memref_slice %arg2[%dma_wait3A_14, %dma_wait3A_15] : memref<65536x128xf32, #tpu.memory_space<hbm>> -> memref<65536x128xf32, #tpu.memory_space<hbm>>
      tpu.wait_indirect_dma semaphore(%arg7 : memref<!tpu.dma_semaphore, #tpu.memory_space<semaphore_mem>>) src(%dma_wait3A_16 : memref<65536x128xf32, #tpu.memory_space<hbm>>) dst(%arg6 : memref<512x128xf32, #tpu.memory_space<vmem>>)
      %add3A_17 = arith.addi %mul3A_2, %mul3A_10 : i32
      "tpu.region"() ({
        %run_scoped3A = tpu.sem_alloc : memref<!tpu.dma_semaphore, #tpu.memory_space<semaphore_mem>>
        %dma_start3A_18 = arith.constant 0 : i32
        %dma_start3A_19 = tpu.memref_slice %arg4[%add3A_17, %dma_start3A_18] : memref<262144x128xf32, #tpu.memory_space<hbm>> -> memref<512x128xf32, #tpu.memory_space<hbm>>
        %dma_start3A_20 = arith.constant 0 : i32
        %dma_start3A_21 = tpu.memref_slice %arg4[%add3A_17, %dma_start3A_20] : memref<262144x128xf32, #tpu.memory_space<hbm>> -> memref<512x128xf32, #tpu.memory_space<hbm>>
        tpu.enqueue_dma source(%arg6 : memref<512x128xf32, #tpu.memory_space<vmem>>) target(%dma_start3A_21 : memref<512x128xf32, #tpu.memory_space<hbm>>) target_semaphore(%run_scoped3A : memref<!tpu.dma_semaphore, #tpu.memory_space<semaphore_mem>>)
        %dma_wait3A_22 = arith.constant 0 : i32
        %dma_wait3A_23 = tpu.memref_slice %arg4[%add3A_17, %dma_wait3A_22] : memref<262144x128xf32, #tpu.memory_space<hbm>> -> memref<512x128xf32, #tpu.memory_space<hbm>>
        %dma_wait3A_24 = arith.constant 0 : i32
        %dma_wait3A_25 = tpu.memref_slice %arg4[%add3A_17, %dma_wait3A_24] : memref<262144x128xf32, #tpu.memory_space<hbm>> -> memref<512x128xf32, #tpu.memory_space<hbm>>
        tpu.wait_dma2 semaphore(%run_scoped3A : memref<!tpu.dma_semaphore, #tpu.memory_space<semaphore_mem>>) src(%arg6 : memref<512x128xf32, #tpu.memory_space<vmem>>) dst(%dma_wait3A_25 : memref<512x128xf32, #tpu.memory_space<hbm>>)
        tpu.yield
      }) : () -> ()
    }
    %scan3A_7 = arith.constant 16 : i32
    return
  }
}

#map = affine_map<(d0, d1) -> (0, 0)>
#map1 = affine_map<(d0, d1) -> (0)>
module attributes {stable_mosaic.version = 14 : i64} {
  func.func @gather_k(%arg0: i32, %arg1: i32, %arg2: memref<4096x384xf32, #tpu.memory_space<hbm>>, %arg3: memref<65536xi32, #tpu.memory_space<hbm>>, %arg4: memref<65536x384xf32, #tpu.memory_space<hbm>>, %arg5: memref<2048xi32, #tpu.memory_space<vmem>>, %arg6: memref<256x384xf32, #tpu.memory_space<vmem>>, %arg7: memref<!tpu.dma_semaphore, #tpu.memory_space<semaphore_mem>>) attributes {dimension_semantics = [#tpu.dimension_semantics<core_parallel>, #tpu.dimension_semantics<subcore_parallel>], iteration_bounds = array<i64: 2, 16>, scalar_prefetch = 0 : i64, scratch_operands = 3 : i64, tpu.core_type = #tpu.core_type<sc_vector_subcore>, window_params = [{transform_indices = #map}, {transform_indices = #map1}, {transform_indices = #map}]} {
    %mul3A = arith.constant 2 : i32
    %mul3A_0 = arith.muli %arg1, %mul3A : i32
    %add3A = arith.addi %mul3A_0, %arg0 : i32
    %mul3A_1 = arith.constant 2048 : i32
    %mul3A_2 = arith.muli %add3A, %mul3A_1 : i32
    "tpu.region"() ({
      %run_scoped3A = tpu.sem_alloc : memref<!tpu.dma_semaphore, #tpu.memory_space<semaphore_mem>>
      %dma_start3A = tpu.memref_slice %arg3[%mul3A_2] : memref<65536xi32, #tpu.memory_space<hbm>> -> memref<2048xi32, #tpu.memory_space<hbm>>
      %dma_start3A_8 = tpu.memref_slice %arg3[%mul3A_2] : memref<65536xi32, #tpu.memory_space<hbm>> -> memref<2048xi32, #tpu.memory_space<hbm>>
      tpu.enqueue_dma source(%dma_start3A_8 : memref<2048xi32, #tpu.memory_space<hbm>>) target(%arg5 : memref<2048xi32, #tpu.memory_space<vmem>>) target_semaphore(%run_scoped3A : memref<!tpu.dma_semaphore, #tpu.memory_space<semaphore_mem>>)
      %dma_wait3A = tpu.memref_slice %arg3[%mul3A_2] : memref<65536xi32, #tpu.memory_space<hbm>> -> memref<2048xi32, #tpu.memory_space<hbm>>
      %dma_wait3A_9 = tpu.memref_slice %arg3[%mul3A_2] : memref<65536xi32, #tpu.memory_space<hbm>> -> memref<2048xi32, #tpu.memory_space<hbm>>
      tpu.wait_dma2 semaphore(%run_scoped3A : memref<!tpu.dma_semaphore, #tpu.memory_space<semaphore_mem>>) src(%dma_wait3A_9 : memref<2048xi32, #tpu.memory_space<hbm>>) dst(%arg5 : memref<2048xi32, #tpu.memory_space<vmem>>)
      tpu.yield
    }) : () -> ()
    %scan3A = arith.constant 0 : i32
    %scan3A_3 = arith.constant 0 : i32
    %scan3A_4 = arith.constant 8 : i32
    %scan3A_5 = arith.addi %scan3A_3, %scan3A_4 : i32
    %scan3A_6 = arith.constant 1 : i32
    scf.for %scan3A_8 = %scan3A_3 to %scan3A_5 step %scan3A_6  : i32 {
      %mul3A_9 = arith.constant 256 : i32
      %mul3A_10 = arith.muli %scan3A_8, %mul3A_9 : i32
      %dma_start3A = tpu.memref_slice %arg5[%mul3A_10] : memref<2048xi32, #tpu.memory_space<vmem>> -> memref<256xi32, #tpu.memory_space<vmem>>
      %dma_start3A_11 = arith.constant 0 : i32
      %dma_start3A_12 = arith.constant 0 : i32
      %dma_start3A_13 = tpu.memref_slice %arg2[%dma_start3A_11, %dma_start3A_12] : memref<4096x384xf32, #tpu.memory_space<hbm>> -> memref<4096x384xf32, #tpu.memory_space<hbm>>
      tpu.enqueue_indirect_dma source(%dma_start3A_13 : memref<4096x384xf32, #tpu.memory_space<hbm>>) target(%arg6 : memref<256x384xf32, #tpu.memory_space<vmem>>) offsets(%dma_start3A : memref<256xi32, #tpu.memory_space<vmem>>) semaphore(%arg7 : memref<!tpu.dma_semaphore, #tpu.memory_space<semaphore_mem>>)
      %dma_wait3A = tpu.memref_slice %arg5[%mul3A_10] : memref<2048xi32, #tpu.memory_space<vmem>> -> memref<256xi32, #tpu.memory_space<vmem>>
      %dma_wait3A_14 = arith.constant 0 : i32
      %dma_wait3A_15 = arith.constant 0 : i32
      %dma_wait3A_16 = tpu.memref_slice %arg2[%dma_wait3A_14, %dma_wait3A_15] : memref<4096x384xf32, #tpu.memory_space<hbm>> -> memref<4096x384xf32, #tpu.memory_space<hbm>>
      tpu.wait_indirect_dma semaphore(%arg7 : memref<!tpu.dma_semaphore, #tpu.memory_space<semaphore_mem>>) src(%dma_wait3A_16 : memref<4096x384xf32, #tpu.memory_space<hbm>>) dst(%arg6 : memref<256x384xf32, #tpu.memory_space<vmem>>)
      %add3A_17 = arith.addi %mul3A_2, %mul3A_10 : i32
      "tpu.region"() ({
        %run_scoped3A = tpu.sem_alloc : memref<!tpu.dma_semaphore, #tpu.memory_space<semaphore_mem>>
        %dma_start3A_18 = arith.constant 0 : i32
        %dma_start3A_19 = tpu.memref_slice %arg4[%add3A_17, %dma_start3A_18] : memref<65536x384xf32, #tpu.memory_space<hbm>> -> memref<256x384xf32, #tpu.memory_space<hbm>>
        %dma_start3A_20 = arith.constant 0 : i32
        %dma_start3A_21 = tpu.memref_slice %arg4[%add3A_17, %dma_start3A_20] : memref<65536x384xf32, #tpu.memory_space<hbm>> -> memref<256x384xf32, #tpu.memory_space<hbm>>
        tpu.enqueue_dma source(%arg6 : memref<256x384xf32, #tpu.memory_space<vmem>>) target(%dma_start3A_21 : memref<256x384xf32, #tpu.memory_space<hbm>>) target_semaphore(%run_scoped3A : memref<!tpu.dma_semaphore, #tpu.memory_space<semaphore_mem>>)
        %dma_wait3A_22 = arith.constant 0 : i32
        %dma_wait3A_23 = tpu.memref_slice %arg4[%add3A_17, %dma_wait3A_22] : memref<65536x384xf32, #tpu.memory_space<hbm>> -> memref<256x384xf32, #tpu.memory_space<hbm>>
        %dma_wait3A_24 = arith.constant 0 : i32
        %dma_wait3A_25 = tpu.memref_slice %arg4[%add3A_17, %dma_wait3A_24] : memref<65536x384xf32, #tpu.memory_space<hbm>> -> memref<256x384xf32, #tpu.memory_space<hbm>>
        tpu.wait_dma2 semaphore(%run_scoped3A : memref<!tpu.dma_semaphore, #tpu.memory_space<semaphore_mem>>) src(%arg6 : memref<256x384xf32, #tpu.memory_space<vmem>>) dst(%dma_wait3A_25 : memref<256x384xf32, #tpu.memory_space<hbm>>)
        tpu.yield
      }) : () -> ()
    }
    %scan3A_7 = arith.constant 8 : i32
    return
  }
}

#map = affine_map<(d0, d1) -> (0, 0)>
#map1 = affine_map<(d0, d1) -> (0)>
module attributes {stable_mosaic.version = 14 : i64} {
  func.func @gather_k(%arg0: i32, %arg1: i32, %arg2: memref<8192x256xf32, #tpu.memory_space<hbm>>, %arg3: memref<131072xi32, #tpu.memory_space<hbm>>, %arg4: memref<131072x256xf32, #tpu.memory_space<hbm>>, %arg5: memref<4096xi32, #tpu.memory_space<vmem>>, %arg6: memref<256x256xf32, #tpu.memory_space<vmem>>, %arg7: memref<!tpu.dma_semaphore, #tpu.memory_space<semaphore_mem>>) attributes {dimension_semantics = [#tpu.dimension_semantics<core_parallel>, #tpu.dimension_semantics<subcore_parallel>], iteration_bounds = array<i64: 2, 16>, scalar_prefetch = 0 : i64, scratch_operands = 3 : i64, tpu.core_type = #tpu.core_type<sc_vector_subcore>, window_params = [{transform_indices = #map}, {transform_indices = #map1}, {transform_indices = #map}]} {
    %mul3A = arith.constant 2 : i32
    %mul3A_0 = arith.muli %arg1, %mul3A : i32
    %add3A = arith.addi %mul3A_0, %arg0 : i32
    %mul3A_1 = arith.constant 4096 : i32
    %mul3A_2 = arith.muli %add3A, %mul3A_1 : i32
    "tpu.region"() ({
      %run_scoped3A = tpu.sem_alloc : memref<!tpu.dma_semaphore, #tpu.memory_space<semaphore_mem>>
      %dma_start3A = tpu.memref_slice %arg3[%mul3A_2] : memref<131072xi32, #tpu.memory_space<hbm>> -> memref<4096xi32, #tpu.memory_space<hbm>>
      %dma_start3A_8 = tpu.memref_slice %arg3[%mul3A_2] : memref<131072xi32, #tpu.memory_space<hbm>> -> memref<4096xi32, #tpu.memory_space<hbm>>
      tpu.enqueue_dma source(%dma_start3A_8 : memref<4096xi32, #tpu.memory_space<hbm>>) target(%arg5 : memref<4096xi32, #tpu.memory_space<vmem>>) target_semaphore(%run_scoped3A : memref<!tpu.dma_semaphore, #tpu.memory_space<semaphore_mem>>)
      %dma_wait3A = tpu.memref_slice %arg3[%mul3A_2] : memref<131072xi32, #tpu.memory_space<hbm>> -> memref<4096xi32, #tpu.memory_space<hbm>>
      %dma_wait3A_9 = tpu.memref_slice %arg3[%mul3A_2] : memref<131072xi32, #tpu.memory_space<hbm>> -> memref<4096xi32, #tpu.memory_space<hbm>>
      tpu.wait_dma2 semaphore(%run_scoped3A : memref<!tpu.dma_semaphore, #tpu.memory_space<semaphore_mem>>) src(%dma_wait3A_9 : memref<4096xi32, #tpu.memory_space<hbm>>) dst(%arg5 : memref<4096xi32, #tpu.memory_space<vmem>>)
      tpu.yield
    }) : () -> ()
    %scan3A = arith.constant 0 : i32
    %scan3A_3 = arith.constant 0 : i32
    %scan3A_4 = arith.constant 16 : i32
    %scan3A_5 = arith.addi %scan3A_3, %scan3A_4 : i32
    %scan3A_6 = arith.constant 1 : i32
    scf.for %scan3A_8 = %scan3A_3 to %scan3A_5 step %scan3A_6  : i32 {
      %mul3A_9 = arith.constant 256 : i32
      %mul3A_10 = arith.muli %scan3A_8, %mul3A_9 : i32
      %dma_start3A = tpu.memref_slice %arg5[%mul3A_10] : memref<4096xi32, #tpu.memory_space<vmem>> -> memref<256xi32, #tpu.memory_space<vmem>>
      %dma_start3A_11 = arith.constant 0 : i32
      %dma_start3A_12 = arith.constant 0 : i32
      %dma_start3A_13 = tpu.memref_slice %arg2[%dma_start3A_11, %dma_start3A_12] : memref<8192x256xf32, #tpu.memory_space<hbm>> -> memref<8192x256xf32, #tpu.memory_space<hbm>>
      tpu.enqueue_indirect_dma source(%dma_start3A_13 : memref<8192x256xf32, #tpu.memory_space<hbm>>) target(%arg6 : memref<256x256xf32, #tpu.memory_space<vmem>>) offsets(%dma_start3A : memref<256xi32, #tpu.memory_space<vmem>>) semaphore(%arg7 : memref<!tpu.dma_semaphore, #tpu.memory_space<semaphore_mem>>)
      %dma_wait3A = tpu.memref_slice %arg5[%mul3A_10] : memref<4096xi32, #tpu.memory_space<vmem>> -> memref<256xi32, #tpu.memory_space<vmem>>
      %dma_wait3A_14 = arith.constant 0 : i32
      %dma_wait3A_15 = arith.constant 0 : i32
      %dma_wait3A_16 = tpu.memref_slice %arg2[%dma_wait3A_14, %dma_wait3A_15] : memref<8192x256xf32, #tpu.memory_space<hbm>> -> memref<8192x256xf32, #tpu.memory_space<hbm>>
      tpu.wait_indirect_dma semaphore(%arg7 : memref<!tpu.dma_semaphore, #tpu.memory_space<semaphore_mem>>) src(%dma_wait3A_16 : memref<8192x256xf32, #tpu.memory_space<hbm>>) dst(%arg6 : memref<256x256xf32, #tpu.memory_space<vmem>>)
      %add3A_17 = arith.addi %mul3A_2, %mul3A_10 : i32
      "tpu.region"() ({
        %run_scoped3A = tpu.sem_alloc : memref<!tpu.dma_semaphore, #tpu.memory_space<semaphore_mem>>
        %dma_start3A_18 = arith.constant 0 : i32
        %dma_start3A_19 = tpu.memref_slice %arg4[%add3A_17, %dma_start3A_18] : memref<131072x256xf32, #tpu.memory_space<hbm>> -> memref<256x256xf32, #tpu.memory_space<hbm>>
        %dma_start3A_20 = arith.constant 0 : i32
        %dma_start3A_21 = tpu.memref_slice %arg4[%add3A_17, %dma_start3A_20] : memref<131072x256xf32, #tpu.memory_space<hbm>> -> memref<256x256xf32, #tpu.memory_space<hbm>>
        tpu.enqueue_dma source(%arg6 : memref<256x256xf32, #tpu.memory_space<vmem>>) target(%dma_start3A_21 : memref<256x256xf32, #tpu.memory_space<hbm>>) target_semaphore(%run_scoped3A : memref<!tpu.dma_semaphore, #tpu.memory_space<semaphore_mem>>)
        %dma_wait3A_22 = arith.constant 0 : i32
        %dma_wait3A_23 = tpu.memref_slice %arg4[%add3A_17, %dma_wait3A_22] : memref<131072x256xf32, #tpu.memory_space<hbm>> -> memref<256x256xf32, #tpu.memory_space<hbm>>
        %dma_wait3A_24 = arith.constant 0 : i32
        %dma_wait3A_25 = tpu.memref_slice %arg4[%add3A_17, %dma_wait3A_24] : memref<131072x256xf32, #tpu.memory_space<hbm>> -> memref<256x256xf32, #tpu.memory_space<hbm>>
        tpu.wait_dma2 semaphore(%run_scoped3A : memref<!tpu.dma_semaphore, #tpu.memory_space<semaphore_mem>>) src(%arg6 : memref<256x256xf32, #tpu.memory_space<vmem>>) dst(%dma_wait3A_25 : memref<256x256xf32, #tpu.memory_space<hbm>>)
        tpu.yield
      }) : () -> ()
    }
    %scan3A_7 = arith.constant 16 : i32
    return
  }
}

#map = affine_map<(d0, d1) -> (0, 0)>
#map1 = affine_map<(d0, d1) -> (0)>
module attributes {stable_mosaic.version = 14 : i64} {
  func.func @gather_k(%arg0: i32, %arg1: i32, %arg2: memref<2048x384xf32, #tpu.memory_space<hbm>>, %arg3: memref<16384xi32, #tpu.memory_space<hbm>>, %arg4: memref<16384x384xf32, #tpu.memory_space<hbm>>, %arg5: memref<512xi32, #tpu.memory_space<vmem>>, %arg6: memref<256x384xf32, #tpu.memory_space<vmem>>, %arg7: memref<!tpu.dma_semaphore, #tpu.memory_space<semaphore_mem>>) attributes {dimension_semantics = [#tpu.dimension_semantics<core_parallel>, #tpu.dimension_semantics<subcore_parallel>], iteration_bounds = array<i64: 2, 16>, scalar_prefetch = 0 : i64, scratch_operands = 3 : i64, tpu.core_type = #tpu.core_type<sc_vector_subcore>, window_params = [{transform_indices = #map}, {transform_indices = #map1}, {transform_indices = #map}]} {
    %mul3A = arith.constant 2 : i32
    %mul3A_0 = arith.muli %arg1, %mul3A : i32
    %add3A = arith.addi %mul3A_0, %arg0 : i32
    %mul3A_1 = arith.constant 512 : i32
    %mul3A_2 = arith.muli %add3A, %mul3A_1 : i32
    "tpu.region"() ({
      %run_scoped3A = tpu.sem_alloc : memref<!tpu.dma_semaphore, #tpu.memory_space<semaphore_mem>>
      %dma_start3A = tpu.memref_slice %arg3[%mul3A_2] : memref<16384xi32, #tpu.memory_space<hbm>> -> memref<512xi32, #tpu.memory_space<hbm>>
      %dma_start3A_8 = tpu.memref_slice %arg3[%mul3A_2] : memref<16384xi32, #tpu.memory_space<hbm>> -> memref<512xi32, #tpu.memory_space<hbm>>
      tpu.enqueue_dma source(%dma_start3A_8 : memref<512xi32, #tpu.memory_space<hbm>>) target(%arg5 : memref<512xi32, #tpu.memory_space<vmem>>) target_semaphore(%run_scoped3A : memref<!tpu.dma_semaphore, #tpu.memory_space<semaphore_mem>>)
      %dma_wait3A = tpu.memref_slice %arg3[%mul3A_2] : memref<16384xi32, #tpu.memory_space<hbm>> -> memref<512xi32, #tpu.memory_space<hbm>>
      %dma_wait3A_9 = tpu.memref_slice %arg3[%mul3A_2] : memref<16384xi32, #tpu.memory_space<hbm>> -> memref<512xi32, #tpu.memory_space<hbm>>
      tpu.wait_dma2 semaphore(%run_scoped3A : memref<!tpu.dma_semaphore, #tpu.memory_space<semaphore_mem>>) src(%dma_wait3A_9 : memref<512xi32, #tpu.memory_space<hbm>>) dst(%arg5 : memref<512xi32, #tpu.memory_space<vmem>>)
      tpu.yield
    }) : () -> ()
    %scan3A = arith.constant 0 : i32
    %scan3A_3 = arith.constant 0 : i32
    %scan3A_4 = arith.constant 2 : i32
    %scan3A_5 = arith.addi %scan3A_3, %scan3A_4 : i32
    %scan3A_6 = arith.constant 1 : i32
    scf.for %scan3A_8 = %scan3A_3 to %scan3A_5 step %scan3A_6  : i32 {
      %mul3A_9 = arith.constant 256 : i32
      %mul3A_10 = arith.muli %scan3A_8, %mul3A_9 : i32
      %dma_start3A = tpu.memref_slice %arg5[%mul3A_10] : memref<512xi32, #tpu.memory_space<vmem>> -> memref<256xi32, #tpu.memory_space<vmem>>
      %dma_start3A_11 = arith.constant 0 : i32
      %dma_start3A_12 = arith.constant 0 : i32
      %dma_start3A_13 = tpu.memref_slice %arg2[%dma_start3A_11, %dma_start3A_12] : memref<2048x384xf32, #tpu.memory_space<hbm>> -> memref<2048x384xf32, #tpu.memory_space<hbm>>
      tpu.enqueue_indirect_dma source(%dma_start3A_13 : memref<2048x384xf32, #tpu.memory_space<hbm>>) target(%arg6 : memref<256x384xf32, #tpu.memory_space<vmem>>) offsets(%dma_start3A : memref<256xi32, #tpu.memory_space<vmem>>) semaphore(%arg7 : memref<!tpu.dma_semaphore, #tpu.memory_space<semaphore_mem>>)
      %dma_wait3A = tpu.memref_slice %arg5[%mul3A_10] : memref<512xi32, #tpu.memory_space<vmem>> -> memref<256xi32, #tpu.memory_space<vmem>>
      %dma_wait3A_14 = arith.constant 0 : i32
      %dma_wait3A_15 = arith.constant 0 : i32
      %dma_wait3A_16 = tpu.memref_slice %arg2[%dma_wait3A_14, %dma_wait3A_15] : memref<2048x384xf32, #tpu.memory_space<hbm>> -> memref<2048x384xf32, #tpu.memory_space<hbm>>
      tpu.wait_indirect_dma semaphore(%arg7 : memref<!tpu.dma_semaphore, #tpu.memory_space<semaphore_mem>>) src(%dma_wait3A_16 : memref<2048x384xf32, #tpu.memory_space<hbm>>) dst(%arg6 : memref<256x384xf32, #tpu.memory_space<vmem>>)
      %add3A_17 = arith.addi %mul3A_2, %mul3A_10 : i32
      "tpu.region"() ({
        %run_scoped3A = tpu.sem_alloc : memref<!tpu.dma_semaphore, #tpu.memory_space<semaphore_mem>>
        %dma_start3A_18 = arith.constant 0 : i32
        %dma_start3A_19 = tpu.memref_slice %arg4[%add3A_17, %dma_start3A_18] : memref<16384x384xf32, #tpu.memory_space<hbm>> -> memref<256x384xf32, #tpu.memory_space<hbm>>
        %dma_start3A_20 = arith.constant 0 : i32
        %dma_start3A_21 = tpu.memref_slice %arg4[%add3A_17, %dma_start3A_20] : memref<16384x384xf32, #tpu.memory_space<hbm>> -> memref<256x384xf32, #tpu.memory_space<hbm>>
        tpu.enqueue_dma source(%arg6 : memref<256x384xf32, #tpu.memory_space<vmem>>) target(%dma_start3A_21 : memref<256x384xf32, #tpu.memory_space<hbm>>) target_semaphore(%run_scoped3A : memref<!tpu.dma_semaphore, #tpu.memory_space<semaphore_mem>>)
        %dma_wait3A_22 = arith.constant 0 : i32
        %dma_wait3A_23 = tpu.memref_slice %arg4[%add3A_17, %dma_wait3A_22] : memref<16384x384xf32, #tpu.memory_space<hbm>> -> memref<256x384xf32, #tpu.memory_space<hbm>>
        %dma_wait3A_24 = arith.constant 0 : i32
        %dma_wait3A_25 = tpu.memref_slice %arg4[%add3A_17, %dma_wait3A_24] : memref<16384x384xf32, #tpu.memory_space<hbm>> -> memref<256x384xf32, #tpu.memory_space<hbm>>
        tpu.wait_dma2 semaphore(%run_scoped3A : memref<!tpu.dma_semaphore, #tpu.memory_space<semaphore_mem>>) src(%arg6 : memref<256x384xf32, #tpu.memory_space<vmem>>) dst(%dma_wait3A_25 : memref<256x384xf32, #tpu.memory_space<hbm>>)
        tpu.yield
      }) : () -> ()
    }
    %scan3A_7 = arith.constant 2 : i32
    return
  }
}

module attributes {stable_mosaic.version = 14 : i64} {
  func.func @_knn_body(%arg0: i32, %arg1: i32, %arg2: memref<1x3x4096xf32, #tpu.memory_space<vmem>>, %arg3: memref<1x256x3xf32, #tpu.memory_space<vmem>>, %arg4: memref<1x256x32xi32, #tpu.memory_space<vmem>>, %arg5: memref<256x4096xf32, #tpu.memory_space<vmem>>) attributes {dimension_semantics = [#tpu.dimension_semantics<arbitrary>, #tpu.dimension_semantics<arbitrary>], iteration_bounds = array<i64: 16, 2>, scalar_prefetch = 0 : i64, scratch_operands = 1 : i64, tpu.core_type = #tpu.core_type<tc>, window_params = [{transform_indices = @transform_0, window_bounds = array<i64: 1, 3, 4096>}, {transform_indices = @transform_1, window_bounds = array<i64: 1, 256, 3>}, {transform_indices = @transform_2, window_bounds = array<i64: 1, 256, 32>}]} {
    %get3A = arith.constant 0 : index
    %get3A_0 = arith.constant 0 : index
    %get3A_1 = arith.constant 0 : index
    %get3A_2 = vector.load %arg3[%get3A, %get3A_0, %get3A_1] : memref<1x256x3xf32, #tpu.memory_space<vmem>>, vector<1x256x3xf32>
    %get3A_3 = vector.shape_cast %get3A_2 : vector<1x256x3xf32> to vector<256x3xf32>
    %get3A_4 = arith.constant 0 : index
    %get3A_5 = arith.constant 0 : index
    %get3A_6 = arith.constant 0 : index
    %get3A_7 = vector.load %arg2[%get3A_4, %get3A_5, %get3A_6] : memref<1x3x4096xf32, #tpu.memory_space<vmem>>, vector<1x1x4096xf32>
    %get3A_8 = vector.shape_cast %get3A_7 : vector<1x1x4096xf32> to vector<1x4096xf32>
    %slice3A = vector.extract_strided_slice %get3A_3 {offsets = [0, 0], sizes = [256, 1], strides = [1, 1]} : vector<256x3xf32> to vector<256x1xf32>
    %sub3A = vector.broadcast %get3A_8 : vector<1x4096xf32> to vector<256x4096xf32>
    %sub3A_9 = vector.broadcast %slice3A : vector<256x1xf32> to vector<256x4096xf32>
    %sub3A_10 = arith.subf %sub3A, %sub3A_9 : vector<256x4096xf32>
    %integer_pow3A = arith.mulf %sub3A_10, %sub3A_10 : vector<256x4096xf32>
    %get3A_11 = arith.constant 0 : index
    %get3A_12 = arith.constant 1 : index
    %get3A_13 = arith.constant 0 : index
    %get3A_14 = vector.load %arg2[%get3A_11, %get3A_12, %get3A_13] : memref<1x3x4096xf32, #tpu.memory_space<vmem>>, vector<1x1x4096xf32>
    %get3A_15 = vector.shape_cast %get3A_14 : vector<1x1x4096xf32> to vector<1x4096xf32>
    %slice3A_16 = vector.extract_strided_slice %get3A_3 {offsets = [0, 1], sizes = [256, 1], strides = [1, 1]} : vector<256x3xf32> to vector<256x1xf32>
    %sub3A_17 = vector.broadcast %get3A_15 : vector<1x4096xf32> to vector<256x4096xf32>
    %sub3A_18 = vector.broadcast %slice3A_16 : vector<256x1xf32> to vector<256x4096xf32>
    %sub3A_19 = arith.subf %sub3A_17, %sub3A_18 : vector<256x4096xf32>
    %integer_pow3A_20 = arith.mulf %sub3A_19, %sub3A_19 : vector<256x4096xf32>
    %add3A = arith.addf %integer_pow3A, %integer_pow3A_20 : vector<256x4096xf32>
    %get3A_21 = arith.constant 0 : index
    %get3A_22 = arith.constant 2 : index
    %get3A_23 = arith.constant 0 : index
    %get3A_24 = vector.load %arg2[%get3A_21, %get3A_22, %get3A_23] : memref<1x3x4096xf32, #tpu.memory_space<vmem>>, vector<1x1x4096xf32>
    %get3A_25 = vector.shape_cast %get3A_24 : vector<1x1x4096xf32> to vector<1x4096xf32>
    %slice3A_26 = vector.extract_strided_slice %get3A_3 {offsets = [0, 2], sizes = [256, 1], strides = [1, 1]} : vector<256x3xf32> to vector<256x1xf32>
    %sub3A_27 = vector.broadcast %get3A_25 : vector<1x4096xf32> to vector<256x4096xf32>
    %sub3A_28 = vector.broadcast %slice3A_26 : vector<256x1xf32> to vector<256x4096xf32>
    %sub3A_29 = arith.subf %sub3A_27, %sub3A_28 : vector<256x4096xf32>
    %integer_pow3A_30 = arith.mulf %sub3A_29, %sub3A_29 : vector<256x4096xf32>
    %add3A_31 = arith.addf %add3A, %integer_pow3A_30 : vector<256x4096xf32>
    %swap3A = arith.constant 0 : index
    %swap3A_32 = arith.constant 0 : index
    %swap3A_33 = vector.load %arg5[%swap3A, %swap3A_32] : memref<256x4096xf32, #tpu.memory_space<vmem>>, vector<256x4096xf32>
    tpu.vector_store %arg5[%swap3A, %swap3A_32], %add3A_31 {strides = array<i32>} : memref<256x4096xf32, #tpu.memory_space<vmem>>, vector<256x4096xf32>,
    %iota3A = tpu.iota {dimensions = array<i32: 1>} : vector<256x4096xi32>
    %mul3A = arith.constant 4096 : i32
    %mul3A_34 = arith.muli %arg0, %mul3A : i32
    %get3A_35 = arith.constant 0 : index
    %get3A_36 = arith.constant 0 : index
    %get3A_37 = vector.load %arg5[%get3A_35, %get3A_36] : memref<256x4096xf32, #tpu.memory_space<vmem>>, vector<256x4096xf32>
    %reduce_min3A = arith.constant dense<0x7F800000> : vector<256xf32>
    %reduce_min3A_38 = vector.multi_reduction <minimumf>, %get3A_37, %reduce_min3A [1] : vector<256x4096xf32> to vector<256xf32>
    %broadcast_in_dim3A = vector.shape_cast %reduce_min3A_38 : vector<256xf32> to vector<256x1xf32>
    %eq3A = vector.broadcast %broadcast_in_dim3A : vector<256x1xf32> to vector<256x4096xf32>
    %eq3A_39 = arith.cmpf oeq, %get3A_37, %eq3A : vector<256x4096xf32>
    %jit3A = arith.constant 4096 : i32
    %broadcast_in_dim3A_40 = vector.broadcast %jit3A : i32 to vector<256x4096xi32>
    %select_n3A = arith.select %eq3A_39, %iota3A, %broadcast_in_dim3A_40 : vector<256x4096xi1>, vector<256x4096xi32>
    %reduce_min3A_41 = arith.constant dense<2147483647> : vector<256xi32>
    %reduce_min3A_42 = vector.multi_reduction <minsi>, %select_n3A, %reduce_min3A_41 [1] : vector<256x4096xi32> to vector<256xi32>
    %broadcast_in_dim3A_43 = vector.shape_cast %reduce_min3A_42 : vector<256xi32> to vector<256x1xi32>
    %add3A_44 = vector.broadcast %mul3A_34 : i32 to vector<256x1xi32>
    %add3A_45 = arith.addi %broadcast_in_dim3A_43, %add3A_44 : vector<256x1xi32>
    %eq3A_46 = vector.broadcast %broadcast_in_dim3A_43 : vector<256x1xi32> to vector<256x4096xi32>
    %eq3A_47 = arith.cmpi eq, %iota3A, %eq3A_46 : vector<256x4096xi32>
    %jit3A_48 = arith.constant 0x7F800000 : f32
    %broadcast_in_dim3A_49 = vector.broadcast %jit3A_48 : f32 to vector<256x4096xf32>
    %select_n3A_50 = arith.select %eq3A_47, %broadcast_in_dim3A_49, %get3A_37 : vector<256x4096xi1>, vector<256x4096xf32>
    %swap3A_51 = arith.constant 0 : index
    %swap3A_52 = arith.constant 0 : index
    %swap3A_53 = vector.load %arg5[%swap3A_51, %swap3A_52] : memref<256x4096xf32, #tpu.memory_space<vmem>>, vector<256x4096xf32>
    tpu.vector_store %arg5[%swap3A_51, %swap3A_52], %select_n3A_50 {strides = array<i32>} : memref<256x4096xf32, #tpu.memory_space<vmem>>, vector<256x4096xf32>,
    %get3A_54 = arith.constant 0 : index
    %get3A_55 = arith.constant 0 : index
    %get3A_56 = vector.load %arg5[%get3A_54, %get3A_55] : memref<256x4096xf32, #tpu.memory_space<vmem>>, vector<256x4096xf32>
    %reduce_min3A_57 = arith.constant dense<0x7F800000> : vector<256xf32>
    %reduce_min3A_58 = vector.multi_reduction <minimumf>, %get3A_56, %reduce_min3A_57 [1] : vector<256x4096xf32> to vector<256xf32>
    %broadcast_in_dim3A_59 = vector.shape_cast %reduce_min3A_58 : vector<256xf32> to vector<256x1xf32>
    %eq3A_60 = vector.broadcast %broadcast_in_dim3A_59 : vector<256x1xf32> to vector<256x4096xf32>
    %eq3A_61 = arith.cmpf oeq, %get3A_56, %eq3A_60 : vector<256x4096xf32>
    %jit3A_62 = arith.constant 4096 : i32
    %broadcast_in_dim3A_63 = vector.broadcast %jit3A_62 : i32 to vector<256x4096xi32>
    %select_n3A_64 = arith.select %eq3A_61, %iota3A, %broadcast_in_dim3A_63 : vector<256x4096xi1>, vector<256x4096xi32>
    %reduce_min3A_65 = arith.constant dense<2147483647> : vector<256xi32>
    %reduce_min3A_66 = vector.multi_reduction <minsi>, %select_n3A_64, %reduce_min3A_65 [1] : vector<256x4096xi32> to vector<256xi32>
    %broadcast_in_dim3A_67 = vector.shape_cast %reduce_min3A_66 : vector<256xi32> to vector<256x1xi32>
    %add3A_68 = vector.broadcast %mul3A_34 : i32 to vector<256x1xi32>
    %add3A_69 = arith.addi %broadcast_in_dim3A_67, %add3A_68 : vector<256x1xi32>
    %eq3A_70 = vector.broadcast %broadcast_in_dim3A_67 : vector<256x1xi32> to vector<256x4096xi32>
    %eq3A_71 = arith.cmpi eq, %iota3A, %eq3A_70 : vector<256x4096xi32>
    %jit3A_72 = arith.constant 0x7F800000 : f32
    %broadcast_in_dim3A_73 = vector.broadcast %jit3A_72 : f32 to vector<256x4096xf32>
    %select_n3A_74 = arith.select %eq3A_71, %broadcast_in_dim3A_73, %get3A_56 : vector<256x4096xi1>, vector<256x4096xf32>
    %swap3A_75 = arith.constant 0 : index
    %swap3A_76 = arith.constant 0 : index
    %swap3A_77 = vector.load %arg5[%swap3A_75, %swap3A_76] : memref<256x4096xf32, #tpu.memory_space<vmem>>, vector<256x4096xf32>
    tpu.vector_store %arg5[%swap3A_75, %swap3A_76], %select_n3A_74 {strides = array<i32>} : memref<256x4096xf32, #tpu.memory_space<vmem>>, vector<256x4096xf32>,
    %get3A_78 = arith.constant 0 : index
    %get3A_79 = arith.constant 0 : index
    %get3A_80 = vector.load %arg5[%get3A_78, %get3A_79] : memref<256x4096xf32, #tpu.memory_space<vmem>>, vector<256x4096xf32>
    %reduce_min3A_81 = arith.constant dense<0x7F800000> : vector<256xf32>
    %reduce_min3A_82 = vector.multi_reduction <minimumf>, %get3A_80, %reduce_min3A_81 [1] : vector<256x4096xf32> to vector<256xf32>
    %broadcast_in_dim3A_83 = vector.shape_cast %reduce_min3A_82 : vector<256xf32> to vector<256x1xf32>
    %eq3A_84 = vector.broadcast %broadcast_in_dim3A_83 : vector<256x1xf32> to vector<256x4096xf32>
    %eq3A_85 = arith.cmpf oeq, %get3A_80, %eq3A_84 : vector<256x4096xf32>
    %jit3A_86 = arith.constant 4096 : i32
    %broadcast_in_dim3A_87 = vector.broadcast %jit3A_86 : i32 to vector<256x4096xi32>
    %select_n3A_88 = arith.select %eq3A_85, %iota3A, %broadcast_in_dim3A_87 : vector<256x4096xi1>, vector<256x4096xi32>
    %reduce_min3A_89 = arith.constant dense<2147483647> : vector<256xi32>
    %reduce_min3A_90 = vector.multi_reduction <minsi>, %select_n3A_88, %reduce_min3A_89 [1] : vector<256x4096xi32> to vector<256xi32>
    %broadcast_in_dim3A_91 = vector.shape_cast %reduce_min3A_90 : vector<256xi32> to vector<256x1xi32>
    %add3A_92 = vector.broadcast %mul3A_34 : i32 to vector<256x1xi32>
    %add3A_93 = arith.addi %broadcast_in_dim3A_91, %add3A_92 : vector<256x1xi32>
    %eq3A_94 = vector.broadcast %broadcast_in_dim3A_91 : vector<256x1xi32> to vector<256x4096xi32>
    %eq3A_95 = arith.cmpi eq, %iota3A, %eq3A_94 : vector<256x4096xi32>
    %jit3A_96 = arith.constant 0x7F800000 : f32
    %broadcast_in_dim3A_97 = vector.broadcast %jit3A_96 : f32 to vector<256x4096xf32>
    %select_n3A_98 = arith.select %eq3A_95, %broadcast_in_dim3A_97, %get3A_80 : vector<256x4096xi1>, vector<256x4096xf32>
    %swap3A_99 = arith.constant 0 : index
    %swap3A_100 = arith.constant 0 : index
    %swap3A_101 = vector.load %arg5[%swap3A_99, %swap3A_100] : memref<256x4096xf32, #tpu.memory_space<vmem>>, vector<256x4096xf32>
    tpu.vector_store %arg5[%swap3A_99, %swap3A_100], %select_n3A_98 {strides = array<i32>} : memref<256x4096xf32, #tpu.memory_space<vmem>>, vector<256x4096xf32>,
    %get3A_102 = arith.constant 0 : index
    %get3A_103 = arith.constant 0 : index
    %get3A_104 = vector.load %arg5[%get3A_102, %get3A_103] : memref<256x4096xf32, #tpu.memory_space<vmem>>, vector<256x4096xf32>
    %reduce_min3A_105 = arith.constant dense<0x7F800000> : vector<256xf32>
    %reduce_min3A_106 = vector.multi_reduction <minimumf>, %get3A_104, %reduce_min3A_105 [1] : vector<256x4096xf32> to vector<256xf32>
    %broadcast_in_dim3A_107 = vector.shape_cast %reduce_min3A_106 : vector<256xf32> to vector<256x1xf32>
    %eq3A_108 = vector.broadcast %broadcast_in_dim3A_107 : vector<256x1xf32> to vector<256x4096xf32>
    %eq3A_109 = arith.cmpf oeq, %get3A_104, %eq3A_108 : vector<256x4096xf32>
    %jit3A_110 = arith.constant 4096 : i32
    %broadcast_in_dim3A_111 = vector.broadcast %jit3A_110 : i32 to vector<256x4096xi32>
    %select_n3A_112 = arith.select %eq3A_109, %iota3A, %broadcast_in_dim3A_111 : vector<256x4096xi1>, vector<256x4096xi32>
    %reduce_min3A_113 = arith.constant dense<2147483647> : vector<256xi32>
    %reduce_min3A_114 = vector.multi_reduction <minsi>, %select_n3A_112, %reduce_min3A_113 [1] : vector<256x4096xi32> to vector<256xi32>
    %broadcast_in_dim3A_115 = vector.shape_cast %reduce_min3A_114 : vector<256xi32> to vector<256x1xi32>
    %add3A_116 = vector.broadcast %mul3A_34 : i32 to vector<256x1xi32>
    %add3A_117 = arith.addi %broadcast_in_dim3A_115, %add3A_116 : vector<256x1xi32>
    %eq3A_118 = vector.broadcast %broadcast_in_dim3A_115 : vector<256x1xi32> to vector<256x4096xi32>
    %eq3A_119 = arith.cmpi eq, %iota3A, %eq3A_118 : vector<256x4096xi32>
    %jit3A_120 = arith.constant 0x7F800000 : f32
    %broadcast_in_dim3A_121 = vector.broadcast %jit3A_120 : f32 to vector<256x4096xf32>
    %select_n3A_122 = arith.select %eq3A_119, %broadcast_in_dim3A_121, %get3A_104 : vector<256x4096xi1>, vector<256x4096xf32>
    %swap3A_123 = arith.constant 0 : index
    %swap3A_124 = arith.constant 0 : index
    %swap3A_125 = vector.load %arg5[%swap3A_123, %swap3A_124] : memref<256x4096xf32, #tpu.memory_space<vmem>>, vector<256x4096xf32>
    tpu.vector_store %arg5[%swap3A_123, %swap3A_124], %select_n3A_122 {strides = array<i32>} : memref<256x4096xf32, #tpu.memory_space<vmem>>, vector<256x4096xf32>,
    %get3A_126 = arith.constant 0 : index
    %get3A_127 = arith.constant 0 : index
    %get3A_128 = vector.load %arg5[%get3A_126, %get3A_127] : memref<256x4096xf32, #tpu.memory_space<vmem>>, vector<256x4096xf32>
    %reduce_min3A_129 = arith.constant dense<0x7F800000> : vector<256xf32>
    %reduce_min3A_130 = vector.multi_reduction <minimumf>, %get3A_128, %reduce_min3A_129 [1] : vector<256x4096xf32> to vector<256xf32>
    %broadcast_in_dim3A_131 = vector.shape_cast %reduce_min3A_130 : vector<256xf32> to vector<256x1xf32>
    %eq3A_132 = vector.broadcast %broadcast_in_dim3A_131 : vector<256x1xf32> to vector<256x4096xf32>
    %eq3A_133 = arith.cmpf oeq, %get3A_128, %eq3A_132 : vector<256x4096xf32>
    %jit3A_134 = arith.constant 4096 : i32
    %broadcast_in_dim3A_135 = vector.broadcast %jit3A_134 : i32 to vector<256x4096xi32>
    %select_n3A_136 = arith.select %eq3A_133, %iota3A, %broadcast_in_dim3A_135 : vector<256x4096xi1>, vector<256x4096xi32>
    %reduce_min3A_137 = arith.constant dense<2147483647> : vector<256xi32>
    %reduce_min3A_138 = vector.multi_reduction <minsi>, %select_n3A_136, %reduce_min3A_137 [1] : vector<256x4096xi32> to vector<256xi32>
    %broadcast_in_dim3A_139 = vector.shape_cast %reduce_min3A_138 : vector<256xi32> to vector<256x1xi32>
    %add3A_140 = vector.broadcast %mul3A_34 : i32 to vector<256x1xi32>
    %add3A_141 = arith.addi %broadcast_in_dim3A_139, %add3A_140 : vector<256x1xi32>
    %eq3A_142 = vector.broadcast %broadcast_in_dim3A_139 : vector<256x1xi32> to vector<256x4096xi32>
    %eq3A_143 = arith.cmpi eq, %iota3A, %eq3A_142 : vector<256x4096xi32>
    %jit3A_144 = arith.constant 0x7F800000 : f32
    %broadcast_in_dim3A_145 = vector.broadcast %jit3A_144 : f32 to vector<256x4096xf32>
    %select_n3A_146 = arith.select %eq3A_143, %broadcast_in_dim3A_145, %get3A_128 : vector<256x4096xi1>, vector<256x4096xf32>
    %swap3A_147 = arith.constant 0 : index
    %swap3A_148 = arith.constant 0 : index
    %swap3A_149 = vector.load %arg5[%swap3A_147, %swap3A_148] : memref<256x4096xf32, #tpu.memory_space<vmem>>, vector<256x4096xf32>
    tpu.vector_store %arg5[%swap3A_147, %swap3A_148], %select_n3A_146 {strides = array<i32>} : memref<256x4096xf32, #tpu.memory_space<vmem>>, vector<256x4096xf32>,
    %get3A_150 = arith.constant 0 : index
    %get3A_151 = arith.constant 0 : index
    %get3A_152 = vector.load %arg5[%get3A_150, %get3A_151] : memref<256x4096xf32, #tpu.memory_space<vmem>>, vector<256x4096xf32>
    %reduce_min3A_153 = arith.constant dense<0x7F800000> : vector<256xf32>
    %reduce_min3A_154 = vector.multi_reduction <minimumf>, %get3A_152, %reduce_min3A_153 [1] : vector<256x4096xf32> to vector<256xf32>
    %broadcast_in_dim3A_155 = vector.shape_cast %reduce_min3A_154 : vector<256xf32> to vector<256x1xf32>
    %eq3A_156 = vector.broadcast %broadcast_in_dim3A_155 : vector<256x1xf32> to vector<256x4096xf32>
    %eq3A_157 = arith.cmpf oeq, %get3A_152, %eq3A_156 : vector<256x4096xf32>
    %jit3A_158 = arith.constant 4096 : i32
    %broadcast_in_dim3A_159 = vector.broadcast %jit3A_158 : i32 to vector<256x4096xi32>
    %select_n3A_160 = arith.select %eq3A_157, %iota3A, %broadcast_in_dim3A_159 : vector<256x4096xi1>, vector<256x4096xi32>
    %reduce_min3A_161 = arith.constant dense<2147483647> : vector<256xi32>
    %reduce_min3A_162 = vector.multi_reduction <minsi>, %select_n3A_160, %reduce_min3A_161 [1] : vector<256x4096xi32> to vector<256xi32>
    %broadcast_in_dim3A_163 = vector.shape_cast %reduce_min3A_162 : vector<256xi32> to vector<256x1xi32>
    %add3A_164 = vector.broadcast %mul3A_34 : i32 to vector<256x1xi32>
    %add3A_165 = arith.addi %broadcast_in_dim3A_163, %add3A_164 : vector<256x1xi32>
    %eq3A_166 = vector.broadcast %broadcast_in_dim3A_163 : vector<256x1xi32> to vector<256x4096xi32>
    %eq3A_167 = arith.cmpi eq, %iota3A, %eq3A_166 : vector<256x4096xi32>
    %jit3A_168 = arith.constant 0x7F800000 : f32
    %broadcast_in_dim3A_169 = vector.broadcast %jit3A_168 : f32 to vector<256x4096xf32>
    %select_n3A_170 = arith.select %eq3A_167, %broadcast_in_dim3A_169, %get3A_152 : vector<256x4096xi1>, vector<256x4096xf32>
    %swap3A_171 = arith.constant 0 : index
    %swap3A_172 = arith.constant 0 : index
    %swap3A_173 = vector.load %arg5[%swap3A_171, %swap3A_172] : memref<256x4096xf32, #tpu.memory_space<vmem>>, vector<256x4096xf32>
    tpu.vector_store %arg5[%swap3A_171, %swap3A_172], %select_n3A_170 {strides = array<i32>} : memref<256x4096xf32, #tpu.memory_space<vmem>>, vector<256x4096xf32>,
    %get3A_174 = arith.constant 0 : index
    %get3A_175 = arith.constant 0 : index
    %get3A_176 = vector.load %arg5[%get3A_174, %get3A_175] : memref<256x4096xf32, #tpu.memory_space<vmem>>, vector<256x4096xf32>
    %reduce_min3A_177 = arith.constant dense<0x7F800000> : vector<256xf32>
    %reduce_min3A_178 = vector.multi_reduction <minimumf>, %get3A_176, %reduce_min3A_177 [1] : vector<256x4096xf32> to vector<256xf32>
    %broadcast_in_dim3A_179 = vector.shape_cast %reduce_min3A_178 : vector<256xf32> to vector<256x1xf32>
    %eq3A_180 = vector.broadcast %broadcast_in_dim3A_179 : vector<256x1xf32> to vector<256x4096xf32>
    %eq3A_181 = arith.cmpf oeq, %get3A_176, %eq3A_180 : vector<256x4096xf32>
    %jit3A_182 = arith.constant 4096 : i32
    %broadcast_in_dim3A_183 = vector.broadcast %jit3A_182 : i32 to vector<256x4096xi32>
    %select_n3A_184 = arith.select %eq3A_181, %iota3A, %broadcast_in_dim3A_183 : vector<256x4096xi1>, vector<256x4096xi32>
    %reduce_min3A_185 = arith.constant dense<2147483647> : vector<256xi32>
    %reduce_min3A_186 = vector.multi_reduction <minsi>, %select_n3A_184, %reduce_min3A_185 [1] : vector<256x4096xi32> to vector<256xi32>
    %broadcast_in_dim3A_187 = vector.shape_cast %reduce_min3A_186 : vector<256xi32> to vector<256x1xi32>
    %add3A_188 = vector.broadcast %mul3A_34 : i32 to vector<256x1xi32>
    %add3A_189 = arith.addi %broadcast_in_dim3A_187, %add3A_188 : vector<256x1xi32>
    %eq3A_190 = vector.broadcast %broadcast_in_dim3A_187 : vector<256x1xi32> to vector<256x4096xi32>
    %eq3A_191 = arith.cmpi eq, %iota3A, %eq3A_190 : vector<256x4096xi32>
    %jit3A_192 = arith.constant 0x7F800000 : f32
    %broadcast_in_dim3A_193 = vector.broadcast %jit3A_192 : f32 to vector<256x4096xf32>
    %select_n3A_194 = arith.select %eq3A_191, %broadcast_in_dim3A_193, %get3A_176 : vector<256x4096xi1>, vector<256x4096xf32>
    %swap3A_195 = arith.constant 0 : index
    %swap3A_196 = arith.constant 0 : index
    %swap3A_197 = vector.load %arg5[%swap3A_195, %swap3A_196] : memref<256x4096xf32, #tpu.memory_space<vmem>>, vector<256x4096xf32>
    tpu.vector_store %arg5[%swap3A_195, %swap3A_196], %select_n3A_194 {strides = array<i32>} : memref<256x4096xf32, #tpu.memory_space<vmem>>, vector<256x4096xf32>,
    %get3A_198 = arith.constant 0 : index
    %get3A_199 = arith.constant 0 : index
    %get3A_200 = vector.load %arg5[%get3A_198, %get3A_199] : memref<256x4096xf32, #tpu.memory_space<vmem>>, vector<256x4096xf32>
    %reduce_min3A_201 = arith.constant dense<0x7F800000> : vector<256xf32>
    %reduce_min3A_202 = vector.multi_reduction <minimumf>, %get3A_200, %reduce_min3A_201 [1] : vector<256x4096xf32> to vector<256xf32>
    %broadcast_in_dim3A_203 = vector.shape_cast %reduce_min3A_202 : vector<256xf32> to vector<256x1xf32>
    %eq3A_204 = vector.broadcast %broadcast_in_dim3A_203 : vector<256x1xf32> to vector<256x4096xf32>
    %eq3A_205 = arith.cmpf oeq, %get3A_200, %eq3A_204 : vector<256x4096xf32>
    %jit3A_206 = arith.constant 4096 : i32
    %broadcast_in_dim3A_207 = vector.broadcast %jit3A_206 : i32 to vector<256x4096xi32>
    %select_n3A_208 = arith.select %eq3A_205, %iota3A, %broadcast_in_dim3A_207 : vector<256x4096xi1>, vector<256x4096xi32>
    %reduce_min3A_209 = arith.constant dense<2147483647> : vector<256xi32>
    %reduce_min3A_210 = vector.multi_reduction <minsi>, %select_n3A_208, %reduce_min3A_209 [1] : vector<256x4096xi32> to vector<256xi32>
    %broadcast_in_dim3A_211 = vector.shape_cast %reduce_min3A_210 : vector<256xi32> to vector<256x1xi32>
    %add3A_212 = vector.broadcast %mul3A_34 : i32 to vector<256x1xi32>
    %add3A_213 = arith.addi %broadcast_in_dim3A_211, %add3A_212 : vector<256x1xi32>
    %eq3A_214 = vector.broadcast %broadcast_in_dim3A_211 : vector<256x1xi32> to vector<256x4096xi32>
    %eq3A_215 = arith.cmpi eq, %iota3A, %eq3A_214 : vector<256x4096xi32>
    %jit3A_216 = arith.constant 0x7F800000 : f32
    %broadcast_in_dim3A_217 = vector.broadcast %jit3A_216 : f32 to vector<256x4096xf32>
    %select_n3A_218 = arith.select %eq3A_215, %broadcast_in_dim3A_217, %get3A_200 : vector<256x4096xi1>, vector<256x4096xf32>
    %swap3A_219 = arith.constant 0 : index
    %swap3A_220 = arith.constant 0 : index
    %swap3A_221 = vector.load %arg5[%swap3A_219, %swap3A_220] : memref<256x4096xf32, #tpu.memory_space<vmem>>, vector<256x4096xf32>
    tpu.vector_store %arg5[%swap3A_219, %swap3A_220], %select_n3A_218 {strides = array<i32>} : memref<256x4096xf32, #tpu.memory_space<vmem>>, vector<256x4096xf32>,
    %get3A_222 = arith.constant 0 : index
    %get3A_223 = arith.constant 0 : index
    %get3A_224 = vector.load %arg5[%get3A_222, %get3A_223] : memref<256x4096xf32, #tpu.memory_space<vmem>>, vector<256x4096xf32>
    %reduce_min3A_225 = arith.constant dense<0x7F800000> : vector<256xf32>
    %reduce_min3A_226 = vector.multi_reduction <minimumf>, %get3A_224, %reduce_min3A_225 [1] : vector<256x4096xf32> to vector<256xf32>
    %broadcast_in_dim3A_227 = vector.shape_cast %reduce_min3A_226 : vector<256xf32> to vector<256x1xf32>
    %eq3A_228 = vector.broadcast %broadcast_in_dim3A_227 : vector<256x1xf32> to vector<256x4096xf32>
    %eq3A_229 = arith.cmpf oeq, %get3A_224, %eq3A_228 : vector<256x4096xf32>
    %jit3A_230 = arith.constant 4096 : i32
    %broadcast_in_dim3A_231 = vector.broadcast %jit3A_230 : i32 to vector<256x4096xi32>
    %select_n3A_232 = arith.select %eq3A_229, %iota3A, %broadcast_in_dim3A_231 : vector<256x4096xi1>, vector<256x4096xi32>
    %reduce_min3A_233 = arith.constant dense<2147483647> : vector<256xi32>
    %reduce_min3A_234 = vector.multi_reduction <minsi>, %select_n3A_232, %reduce_min3A_233 [1] : vector<256x4096xi32> to vector<256xi32>
    %broadcast_in_dim3A_235 = vector.shape_cast %reduce_min3A_234 : vector<256xi32> to vector<256x1xi32>
    %add3A_236 = vector.broadcast %mul3A_34 : i32 to vector<256x1xi32>
    %add3A_237 = arith.addi %broadcast_in_dim3A_235, %add3A_236 : vector<256x1xi32>
    %eq3A_238 = vector.broadcast %broadcast_in_dim3A_235 : vector<256x1xi32> to vector<256x4096xi32>
    %eq3A_239 = arith.cmpi eq, %iota3A, %eq3A_238 : vector<256x4096xi32>
    %jit3A_240 = arith.constant 0x7F800000 : f32
    %broadcast_in_dim3A_241 = vector.broadcast %jit3A_240 : f32 to vector<256x4096xf32>
    %select_n3A_242 = arith.select %eq3A_239, %broadcast_in_dim3A_241, %get3A_224 : vector<256x4096xi1>, vector<256x4096xf32>
    %swap3A_243 = arith.constant 0 : index
    %swap3A_244 = arith.constant 0 : index
    %swap3A_245 = vector.load %arg5[%swap3A_243, %swap3A_244] : memref<256x4096xf32, #tpu.memory_space<vmem>>, vector<256x4096xf32>
    tpu.vector_store %arg5[%swap3A_243, %swap3A_244], %select_n3A_242 {strides = array<i32>} : memref<256x4096xf32, #tpu.memory_space<vmem>>, vector<256x4096xf32>,
    %get3A_246 = arith.constant 0 : index
    %get3A_247 = arith.constant 0 : index
    %get3A_248 = vector.load %arg5[%get3A_246, %get3A_247] : memref<256x4096xf32, #tpu.memory_space<vmem>>, vector<256x4096xf32>
    %reduce_min3A_249 = arith.constant dense<0x7F800000> : vector<256xf32>
    %reduce_min3A_250 = vector.multi_reduction <minimumf>, %get3A_248, %reduce_min3A_249 [1] : vector<256x4096xf32> to vector<256xf32>
    %broadcast_in_dim3A_251 = vector.shape_cast %reduce_min3A_250 : vector<256xf32> to vector<256x1xf32>
    %eq3A_252 = vector.broadcast %broadcast_in_dim3A_251 : vector<256x1xf32> to vector<256x4096xf32>
    %eq3A_253 = arith.cmpf oeq, %get3A_248, %eq3A_252 : vector<256x4096xf32>
    %jit3A_254 = arith.constant 4096 : i32
    %broadcast_in_dim3A_255 = vector.broadcast %jit3A_254 : i32 to vector<256x4096xi32>
    %select_n3A_256 = arith.select %eq3A_253, %iota3A, %broadcast_in_dim3A_255 : vector<256x4096xi1>, vector<256x4096xi32>
    %reduce_min3A_257 = arith.constant dense<2147483647> : vector<256xi32>
    %reduce_min3A_258 = vector.multi_reduction <minsi>, %select_n3A_256, %reduce_min3A_257 [1] : vector<256x4096xi32> to vector<256xi32>
    %broadcast_in_dim3A_259 = vector.shape_cast %reduce_min3A_258 : vector<256xi32> to vector<256x1xi32>
    %add3A_260 = vector.broadcast %mul3A_34 : i32 to vector<256x1xi32>
    %add3A_261 = arith.addi %broadcast_in_dim3A_259, %add3A_260 : vector<256x1xi32>
    %eq3A_262 = vector.broadcast %broadcast_in_dim3A_259 : vector<256x1xi32> to vector<256x4096xi32>
    %eq3A_263 = arith.cmpi eq, %iota3A, %eq3A_262 : vector<256x4096xi32>
    %jit3A_264 = arith.constant 0x7F800000 : f32
    %broadcast_in_dim3A_265 = vector.broadcast %jit3A_264 : f32 to vector<256x4096xf32>
    %select_n3A_266 = arith.select %eq3A_263, %broadcast_in_dim3A_265, %get3A_248 : vector<256x4096xi1>, vector<256x4096xf32>
    %swap3A_267 = arith.constant 0 : index
    %swap3A_268 = arith.constant 0 : index
    %swap3A_269 = vector.load %arg5[%swap3A_267, %swap3A_268] : memref<256x4096xf32, #tpu.memory_space<vmem>>, vector<256x4096xf32>
    tpu.vector_store %arg5[%swap3A_267, %swap3A_268], %select_n3A_266 {strides = array<i32>} : memref<256x4096xf32, #tpu.memory_space<vmem>>, vector<256x4096xf32>,
    %get3A_270 = arith.constant 0 : index
    %get3A_271 = arith.constant 0 : index
    %get3A_272 = vector.load %arg5[%get3A_270, %get3A_271] : memref<256x4096xf32, #tpu.memory_space<vmem>>, vector<256x4096xf32>
    %reduce_min3A_273 = arith.constant dense<0x7F800000> : vector<256xf32>
    %reduce_min3A_274 = vector.multi_reduction <minimumf>, %get3A_272, %reduce_min3A_273 [1] : vector<256x4096xf32> to vector<256xf32>
    %broadcast_in_dim3A_275 = vector.shape_cast %reduce_min3A_274 : vector<256xf32> to vector<256x1xf32>
    %eq3A_276 = vector.broadcast %broadcast_in_dim3A_275 : vector<256x1xf32> to vector<256x4096xf32>
    %eq3A_277 = arith.cmpf oeq, %get3A_272, %eq3A_276 : vector<256x4096xf32>
    %jit3A_278 = arith.constant 4096 : i32
    %broadcast_in_dim3A_279 = vector.broadcast %jit3A_278 : i32 to vector<256x4096xi32>
    %select_n3A_280 = arith.select %eq3A_277, %iota3A, %broadcast_in_dim3A_279 : vector<256x4096xi1>, vector<256x4096xi32>
    %reduce_min3A_281 = arith.constant dense<2147483647> : vector<256xi32>
    %reduce_min3A_282 = vector.multi_reduction <minsi>, %select_n3A_280, %reduce_min3A_281 [1] : vector<256x4096xi32> to vector<256xi32>
    %broadcast_in_dim3A_283 = vector.shape_cast %reduce_min3A_282 : vector<256xi32> to vector<256x1xi32>
    %add3A_284 = vector.broadcast %mul3A_34 : i32 to vector<256x1xi32>
    %add3A_285 = arith.addi %broadcast_in_dim3A_283, %add3A_284 : vector<256x1xi32>
    %eq3A_286 = vector.broadcast %broadcast_in_dim3A_283 : vector<256x1xi32> to vector<256x4096xi32>
    %eq3A_287 = arith.cmpi eq, %iota3A, %eq3A_286 : vector<256x4096xi32>
    %jit3A_288 = arith.constant 0x7F800000 : f32
    %broadcast_in_dim3A_289 = vector.broadcast %jit3A_288 : f32 to vector<256x4096xf32>
    %select_n3A_290 = arith.select %eq3A_287, %broadcast_in_dim3A_289, %get3A_272 : vector<256x4096xi1>, vector<256x4096xf32>
    %swap3A_291 = arith.constant 0 : index
    %swap3A_292 = arith.constant 0 : index
    %swap3A_293 = vector.load %arg5[%swap3A_291, %swap3A_292] : memref<256x4096xf32, #tpu.memory_space<vmem>>, vector<256x4096xf32>
    tpu.vector_store %arg5[%swap3A_291, %swap3A_292], %select_n3A_290 {strides = array<i32>} : memref<256x4096xf32, #tpu.memory_space<vmem>>, vector<256x4096xf32>,
    %get3A_294 = arith.constant 0 : index
    %get3A_295 = arith.constant 0 : index
    %get3A_296 = vector.load %arg5[%get3A_294, %get3A_295] : memref<256x4096xf32, #tpu.memory_space<vmem>>, vector<256x4096xf32>
    %reduce_min3A_297 = arith.constant dense<0x7F800000> : vector<256xf32>
    %reduce_min3A_298 = vector.multi_reduction <minimumf>, %get3A_296, %reduce_min3A_297 [1] : vector<256x4096xf32> to vector<256xf32>
    %broadcast_in_dim3A_299 = vector.shape_cast %reduce_min3A_298 : vector<256xf32> to vector<256x1xf32>
    %eq3A_300 = vector.broadcast %broadcast_in_dim3A_299 : vector<256x1xf32> to vector<256x4096xf32>
    %eq3A_301 = arith.cmpf oeq, %get3A_296, %eq3A_300 : vector<256x4096xf32>
    %jit3A_302 = arith.constant 4096 : i32
    %broadcast_in_dim3A_303 = vector.broadcast %jit3A_302 : i32 to vector<256x4096xi32>
    %select_n3A_304 = arith.select %eq3A_301, %iota3A, %broadcast_in_dim3A_303 : vector<256x4096xi1>, vector<256x4096xi32>
    %reduce_min3A_305 = arith.constant dense<2147483647> : vector<256xi32>
    %reduce_min3A_306 = vector.multi_reduction <minsi>, %select_n3A_304, %reduce_min3A_305 [1] : vector<256x4096xi32> to vector<256xi32>
    %broadcast_in_dim3A_307 = vector.shape_cast %reduce_min3A_306 : vector<256xi32> to vector<256x1xi32>
    %add3A_308 = vector.broadcast %mul3A_34 : i32 to vector<256x1xi32>
    %add3A_309 = arith.addi %broadcast_in_dim3A_307, %add3A_308 : vector<256x1xi32>
    %eq3A_310 = vector.broadcast %broadcast_in_dim3A_307 : vector<256x1xi32> to vector<256x4096xi32>
    %eq3A_311 = arith.cmpi eq, %iota3A, %eq3A_310 : vector<256x4096xi32>
    %jit3A_312 = arith.constant 0x7F800000 : f32
    %broadcast_in_dim3A_313 = vector.broadcast %jit3A_312 : f32 to vector<256x4096xf32>
    %select_n3A_314 = arith.select %eq3A_311, %broadcast_in_dim3A_313, %get3A_296 : vector<256x4096xi1>, vector<256x4096xf32>
    %swap3A_315 = arith.constant 0 : index
    %swap3A_316 = arith.constant 0 : index
    %swap3A_317 = vector.load %arg5[%swap3A_315, %swap3A_316] : memref<256x4096xf32, #tpu.memory_space<vmem>>, vector<256x4096xf32>
    tpu.vector_store %arg5[%swap3A_315, %swap3A_316], %select_n3A_314 {strides = array<i32>} : memref<256x4096xf32, #tpu.memory_space<vmem>>, vector<256x4096xf32>,
    %get3A_318 = arith.constant 0 : index
    %get3A_319 = arith.constant 0 : index
    %get3A_320 = vector.load %arg5[%get3A_318, %get3A_319] : memref<256x4096xf32, #tpu.memory_space<vmem>>, vector<256x4096xf32>
    %reduce_min3A_321 = arith.constant dense<0x7F800000> : vector<256xf32>
    %reduce_min3A_322 = vector.multi_reduction <minimumf>, %get3A_320, %reduce_min3A_321 [1] : vector<256x4096xf32> to vector<256xf32>
    %broadcast_in_dim3A_323 = vector.shape_cast %reduce_min3A_322 : vector<256xf32> to vector<256x1xf32>
    %eq3A_324 = vector.broadcast %broadcast_in_dim3A_323 : vector<256x1xf32> to vector<256x4096xf32>
    %eq3A_325 = arith.cmpf oeq, %get3A_320, %eq3A_324 : vector<256x4096xf32>
    %jit3A_326 = arith.constant 4096 : i32
    %broadcast_in_dim3A_327 = vector.broadcast %jit3A_326 : i32 to vector<256x4096xi32>
    %select_n3A_328 = arith.select %eq3A_325, %iota3A, %broadcast_in_dim3A_327 : vector<256x4096xi1>, vector<256x4096xi32>
    %reduce_min3A_329 = arith.constant dense<2147483647> : vector<256xi32>
    %reduce_min3A_330 = vector.multi_reduction <minsi>, %select_n3A_328, %reduce_min3A_329 [1] : vector<256x4096xi32> to vector<256xi32>
    %broadcast_in_dim3A_331 = vector.shape_cast %reduce_min3A_330 : vector<256xi32> to vector<256x1xi32>
    %add3A_332 = vector.broadcast %mul3A_34 : i32 to vector<256x1xi32>
    %add3A_333 = arith.addi %broadcast_in_dim3A_331, %add3A_332 : vector<256x1xi32>
    %eq3A_334 = vector.broadcast %broadcast_in_dim3A_331 : vector<256x1xi32> to vector<256x4096xi32>
    %eq3A_335 = arith.cmpi eq, %iota3A, %eq3A_334 : vector<256x4096xi32>
    %jit3A_336 = arith.constant 0x7F800000 : f32
    %broadcast_in_dim3A_337 = vector.broadcast %jit3A_336 : f32 to vector<256x4096xf32>
    %select_n3A_338 = arith.select %eq3A_335, %broadcast_in_dim3A_337, %get3A_320 : vector<256x4096xi1>, vector<256x4096xf32>
    %swap3A_339 = arith.constant 0 : index
    %swap3A_340 = arith.constant 0 : index
    %swap3A_341 = vector.load %arg5[%swap3A_339, %swap3A_340] : memref<256x4096xf32, #tpu.memory_space<vmem>>, vector<256x4096xf32>
    tpu.vector_store %arg5[%swap3A_339, %swap3A_340], %select_n3A_338 {strides = array<i32>} : memref<256x4096xf32, #tpu.memory_space<vmem>>, vector<256x4096xf32>,
    %get3A_342 = arith.constant 0 : index
    %get3A_343 = arith.constant 0 : index
    %get3A_344 = vector.load %arg5[%get3A_342, %get3A_343] : memref<256x4096xf32, #tpu.memory_space<vmem>>, vector<256x4096xf32>
    %reduce_min3A_345 = arith.constant dense<0x7F800000> : vector<256xf32>
    %reduce_min3A_346 = vector.multi_reduction <minimumf>, %get3A_344, %reduce_min3A_345 [1] : vector<256x4096xf32> to vector<256xf32>
    %broadcast_in_dim3A_347 = vector.shape_cast %reduce_min3A_346 : vector<256xf32> to vector<256x1xf32>
    %eq3A_348 = vector.broadcast %broadcast_in_dim3A_347 : vector<256x1xf32> to vector<256x4096xf32>
    %eq3A_349 = arith.cmpf oeq, %get3A_344, %eq3A_348 : vector<256x4096xf32>
    %jit3A_350 = arith.constant 4096 : i32
    %broadcast_in_dim3A_351 = vector.broadcast %jit3A_350 : i32 to vector<256x4096xi32>
    %select_n3A_352 = arith.select %eq3A_349, %iota3A, %broadcast_in_dim3A_351 : vector<256x4096xi1>, vector<256x4096xi32>
    %reduce_min3A_353 = arith.constant dense<2147483647> : vector<256xi32>
    %reduce_min3A_354 = vector.multi_reduction <minsi>, %select_n3A_352, %reduce_min3A_353 [1] : vector<256x4096xi32> to vector<256xi32>
    %broadcast_in_dim3A_355 = vector.shape_cast %reduce_min3A_354 : vector<256xi32> to vector<256x1xi32>
    %add3A_356 = vector.broadcast %mul3A_34 : i32 to vector<256x1xi32>
    %add3A_357 = arith.addi %broadcast_in_dim3A_355, %add3A_356 : vector<256x1xi32>
    %eq3A_358 = vector.broadcast %broadcast_in_dim3A_355 : vector<256x1xi32> to vector<256x4096xi32>
    %eq3A_359 = arith.cmpi eq, %iota3A, %eq3A_358 : vector<256x4096xi32>
    %jit3A_360 = arith.constant 0x7F800000 : f32
    %broadcast_in_dim3A_361 = vector.broadcast %jit3A_360 : f32 to vector<256x4096xf32>
    %select_n3A_362 = arith.select %eq3A_359, %broadcast_in_dim3A_361, %get3A_344 : vector<256x4096xi1>, vector<256x4096xf32>
    %swap3A_363 = arith.constant 0 : index
    %swap3A_364 = arith.constant 0 : index
    %swap3A_365 = vector.load %arg5[%swap3A_363, %swap3A_364] : memref<256x4096xf32, #tpu.memory_space<vmem>>, vector<256x4096xf32>
    tpu.vector_store %arg5[%swap3A_363, %swap3A_364], %select_n3A_362 {strides = array<i32>} : memref<256x4096xf32, #tpu.memory_space<vmem>>, vector<256x4096xf32>,
    %get3A_366 = arith.constant 0 : index
    %get3A_367 = arith.constant 0 : index
    %get3A_368 = vector.load %arg5[%get3A_366, %get3A_367] : memref<256x4096xf32, #tpu.memory_space<vmem>>, vector<256x4096xf32>
    %reduce_min3A_369 = arith.constant dense<0x7F800000> : vector<256xf32>
    %reduce_min3A_370 = vector.multi_reduction <minimumf>, %get3A_368, %reduce_min3A_369 [1] : vector<256x4096xf32> to vector<256xf32>
    %broadcast_in_dim3A_371 = vector.shape_cast %reduce_min3A_370 : vector<256xf32> to vector<256x1xf32>
    %eq3A_372 = vector.broadcast %broadcast_in_dim3A_371 : vector<256x1xf32> to vector<256x4096xf32>
    %eq3A_373 = arith.cmpf oeq, %get3A_368, %eq3A_372 : vector<256x4096xf32>
    %jit3A_374 = arith.constant 4096 : i32
    %broadcast_in_dim3A_375 = vector.broadcast %jit3A_374 : i32 to vector<256x4096xi32>
    %select_n3A_376 = arith.select %eq3A_373, %iota3A, %broadcast_in_dim3A_375 : vector<256x4096xi1>, vector<256x4096xi32>
    %reduce_min3A_377 = arith.constant dense<2147483647> : vector<256xi32>
    %reduce_min3A_378 = vector.multi_reduction <minsi>, %select_n3A_376, %reduce_min3A_377 [1] : vector<256x4096xi32> to vector<256xi32>
    %broadcast_in_dim3A_379 = vector.shape_cast %reduce_min3A_378 : vector<256xi32> to vector<256x1xi32>
    %add3A_380 = vector.broadcast %mul3A_34 : i32 to vector<256x1xi32>
    %add3A_381 = arith.addi %broadcast_in_dim3A_379, %add3A_380 : vector<256x1xi32>
    %eq3A_382 = vector.broadcast %broadcast_in_dim3A_379 : vector<256x1xi32> to vector<256x4096xi32>
    %eq3A_383 = arith.cmpi eq, %iota3A, %eq3A_382 : vector<256x4096xi32>
    %jit3A_384 = arith.constant 0x7F800000 : f32
    %broadcast_in_dim3A_385 = vector.broadcast %jit3A_384 : f32 to vector<256x4096xf32>
    %select_n3A_386 = arith.select %eq3A_383, %broadcast_in_dim3A_385, %get3A_368 : vector<256x4096xi1>, vector<256x4096xf32>
    %swap3A_387 = arith.constant 0 : index
    %swap3A_388 = arith.constant 0 : index
    %swap3A_389 = vector.load %arg5[%swap3A_387, %swap3A_388] : memref<256x4096xf32, #tpu.memory_space<vmem>>, vector<256x4096xf32>
    tpu.vector_store %arg5[%swap3A_387, %swap3A_388], %select_n3A_386 {strides = array<i32>} : memref<256x4096xf32, #tpu.memory_space<vmem>>, vector<256x4096xf32>,
    %get3A_390 = arith.constant 0 : index
    %get3A_391 = arith.constant 0 : index
    %get3A_392 = vector.load %arg5[%get3A_390, %get3A_391] : memref<256x4096xf32, #tpu.memory_space<vmem>>, vector<256x4096xf32>
    %reduce_min3A_393 = arith.constant dense<0x7F800000> : vector<256xf32>
    %reduce_min3A_394 = vector.multi_reduction <minimumf>, %get3A_392, %reduce_min3A_393 [1] : vector<256x4096xf32> to vector<256xf32>
    %broadcast_in_dim3A_395 = vector.shape_cast %reduce_min3A_394 : vector<256xf32> to vector<256x1xf32>
    %eq3A_396 = vector.broadcast %broadcast_in_dim3A_395 : vector<256x1xf32> to vector<256x4096xf32>
    %eq3A_397 = arith.cmpf oeq, %get3A_392, %eq3A_396 : vector<256x4096xf32>
    %jit3A_398 = arith.constant 4096 : i32
    %broadcast_in_dim3A_399 = vector.broadcast %jit3A_398 : i32 to vector<256x4096xi32>
    %select_n3A_400 = arith.select %eq3A_397, %iota3A, %broadcast_in_dim3A_399 : vector<256x4096xi1>, vector<256x4096xi32>
    %reduce_min3A_401 = arith.constant dense<2147483647> : vector<256xi32>
    %reduce_min3A_402 = vector.multi_reduction <minsi>, %select_n3A_400, %reduce_min3A_401 [1] : vector<256x4096xi32> to vector<256xi32>
    %broadcast_in_dim3A_403 = vector.shape_cast %reduce_min3A_402 : vector<256xi32> to vector<256x1xi32>
    %add3A_404 = vector.broadcast %mul3A_34 : i32 to vector<256x1xi32>
    %add3A_405 = arith.addi %broadcast_in_dim3A_403, %add3A_404 : vector<256x1xi32>
    %eq3A_406 = vector.broadcast %broadcast_in_dim3A_403 : vector<256x1xi32> to vector<256x4096xi32>
    %eq3A_407 = arith.cmpi eq, %iota3A, %eq3A_406 : vector<256x4096xi32>
    %jit3A_408 = arith.constant 0x7F800000 : f32
    %broadcast_in_dim3A_409 = vector.broadcast %jit3A_408 : f32 to vector<256x4096xf32>
    %select_n3A_410 = arith.select %eq3A_407, %broadcast_in_dim3A_409, %get3A_392 : vector<256x4096xi1>, vector<256x4096xf32>
    %swap3A_411 = arith.constant 0 : index
    %swap3A_412 = arith.constant 0 : index
    %swap3A_413 = vector.load %arg5[%swap3A_411, %swap3A_412] : memref<256x4096xf32, #tpu.memory_space<vmem>>, vector<256x4096xf32>
    tpu.vector_store %arg5[%swap3A_411, %swap3A_412], %select_n3A_410 {strides = array<i32>} : memref<256x4096xf32, #tpu.memory_space<vmem>>, vector<256x4096xf32>,
    %get3A_414 = arith.constant 0 : index
    %get3A_415 = arith.constant 0 : index
    %get3A_416 = vector.load %arg5[%get3A_414, %get3A_415] : memref<256x4096xf32, #tpu.memory_space<vmem>>, vector<256x4096xf32>
    %reduce_min3A_417 = arith.constant dense<0x7F800000> : vector<256xf32>
    %reduce_min3A_418 = vector.multi_reduction <minimumf>, %get3A_416, %reduce_min3A_417 [1] : vector<256x4096xf32> to vector<256xf32>
    %broadcast_in_dim3A_419 = vector.shape_cast %reduce_min3A_418 : vector<256xf32> to vector<256x1xf32>
    %eq3A_420 = vector.broadcast %broadcast_in_dim3A_419 : vector<256x1xf32> to vector<256x4096xf32>
    %eq3A_421 = arith.cmpf oeq, %get3A_416, %eq3A_420 : vector<256x4096xf32>
    %jit3A_422 = arith.constant 4096 : i32
    %broadcast_in_dim3A_423 = vector.broadcast %jit3A_422 : i32 to vector<256x4096xi32>
    %select_n3A_424 = arith.select %eq3A_421, %iota3A, %broadcast_in_dim3A_423 : vector<256x4096xi1>, vector<256x4096xi32>
    %reduce_min3A_425 = arith.constant dense<2147483647> : vector<256xi32>
    %reduce_min3A_426 = vector.multi_reduction <minsi>, %select_n3A_424, %reduce_min3A_425 [1] : vector<256x4096xi32> to vector<256xi32>
    %broadcast_in_dim3A_427 = vector.shape_cast %reduce_min3A_426 : vector<256xi32> to vector<256x1xi32>
    %add3A_428 = vector.broadcast %mul3A_34 : i32 to vector<256x1xi32>
    %add3A_429 = arith.addi %broadcast_in_dim3A_427, %add3A_428 : vector<256x1xi32>
    %eq3A_430 = vector.broadcast %broadcast_in_dim3A_427 : vector<256x1xi32> to vector<256x4096xi32>
    %eq3A_431 = arith.cmpi eq, %iota3A, %eq3A_430 : vector<256x4096xi32>
    %jit3A_432 = arith.constant 0x7F800000 : f32
    %broadcast_in_dim3A_433 = vector.broadcast %jit3A_432 : f32 to vector<256x4096xf32>
    %select_n3A_434 = arith.select %eq3A_431, %broadcast_in_dim3A_433, %get3A_416 : vector<256x4096xi1>, vector<256x4096xf32>
    %swap3A_435 = arith.constant 0 : index
    %swap3A_436 = arith.constant 0 : index
    %swap3A_437 = vector.load %arg5[%swap3A_435, %swap3A_436] : memref<256x4096xf32, #tpu.memory_space<vmem>>, vector<256x4096xf32>
    tpu.vector_store %arg5[%swap3A_435, %swap3A_436], %select_n3A_434 {strides = array<i32>} : memref<256x4096xf32, #tpu.memory_space<vmem>>, vector<256x4096xf32>,
    %get3A_438 = arith.constant 0 : index
    %get3A_439 = arith.constant 0 : index
    %get3A_440 = vector.load %arg5[%get3A_438, %get3A_439] : memref<256x4096xf32, #tpu.memory_space<vmem>>, vector<256x4096xf32>
    %reduce_min3A_441 = arith.constant dense<0x7F800000> : vector<256xf32>
    %reduce_min3A_442 = vector.multi_reduction <minimumf>, %get3A_440, %reduce_min3A_441 [1] : vector<256x4096xf32> to vector<256xf32>
    %broadcast_in_dim3A_443 = vector.shape_cast %reduce_min3A_442 : vector<256xf32> to vector<256x1xf32>
    %eq3A_444 = vector.broadcast %broadcast_in_dim3A_443 : vector<256x1xf32> to vector<256x4096xf32>
    %eq3A_445 = arith.cmpf oeq, %get3A_440, %eq3A_444 : vector<256x4096xf32>
    %jit3A_446 = arith.constant 4096 : i32
    %broadcast_in_dim3A_447 = vector.broadcast %jit3A_446 : i32 to vector<256x4096xi32>
    %select_n3A_448 = arith.select %eq3A_445, %iota3A, %broadcast_in_dim3A_447 : vector<256x4096xi1>, vector<256x4096xi32>
    %reduce_min3A_449 = arith.constant dense<2147483647> : vector<256xi32>
    %reduce_min3A_450 = vector.multi_reduction <minsi>, %select_n3A_448, %reduce_min3A_449 [1] : vector<256x4096xi32> to vector<256xi32>
    %broadcast_in_dim3A_451 = vector.shape_cast %reduce_min3A_450 : vector<256xi32> to vector<256x1xi32>
    %add3A_452 = vector.broadcast %mul3A_34 : i32 to vector<256x1xi32>
    %add3A_453 = arith.addi %broadcast_in_dim3A_451, %add3A_452 : vector<256x1xi32>
    %eq3A_454 = vector.broadcast %broadcast_in_dim3A_451 : vector<256x1xi32> to vector<256x4096xi32>
    %eq3A_455 = arith.cmpi eq, %iota3A, %eq3A_454 : vector<256x4096xi32>
    %jit3A_456 = arith.constant 0x7F800000 : f32
    %broadcast_in_dim3A_457 = vector.broadcast %jit3A_456 : f32 to vector<256x4096xf32>
    %select_n3A_458 = arith.select %eq3A_455, %broadcast_in_dim3A_457, %get3A_440 : vector<256x4096xi1>, vector<256x4096xf32>
    %swap3A_459 = arith.constant 0 : index
    %swap3A_460 = arith.constant 0 : index
    %swap3A_461 = vector.load %arg5[%swap3A_459, %swap3A_460] : memref<256x4096xf32, #tpu.memory_space<vmem>>, vector<256x4096xf32>
    tpu.vector_store %arg5[%swap3A_459, %swap3A_460], %select_n3A_458 {strides = array<i32>} : memref<256x4096xf32, #tpu.memory_space<vmem>>, vector<256x4096xf32>,
    %get3A_462 = arith.constant 0 : index
    %get3A_463 = arith.constant 0 : index
    %get3A_464 = vector.load %arg5[%get3A_462, %get3A_463] : memref<256x4096xf32, #tpu.memory_space<vmem>>, vector<256x4096xf32>
    %reduce_min3A_465 = arith.constant dense<0x7F800000> : vector<256xf32>
    %reduce_min3A_466 = vector.multi_reduction <minimumf>, %get3A_464, %reduce_min3A_465 [1] : vector<256x4096xf32> to vector<256xf32>
    %broadcast_in_dim3A_467 = vector.shape_cast %reduce_min3A_466 : vector<256xf32> to vector<256x1xf32>
    %eq3A_468 = vector.broadcast %broadcast_in_dim3A_467 : vector<256x1xf32> to vector<256x4096xf32>
    %eq3A_469 = arith.cmpf oeq, %get3A_464, %eq3A_468 : vector<256x4096xf32>
    %jit3A_470 = arith.constant 4096 : i32
    %broadcast_in_dim3A_471 = vector.broadcast %jit3A_470 : i32 to vector<256x4096xi32>
    %select_n3A_472 = arith.select %eq3A_469, %iota3A, %broadcast_in_dim3A_471 : vector<256x4096xi1>, vector<256x4096xi32>
    %reduce_min3A_473 = arith.constant dense<2147483647> : vector<256xi32>
    %reduce_min3A_474 = vector.multi_reduction <minsi>, %select_n3A_472, %reduce_min3A_473 [1] : vector<256x4096xi32> to vector<256xi32>
    %broadcast_in_dim3A_475 = vector.shape_cast %reduce_min3A_474 : vector<256xi32> to vector<256x1xi32>
    %add3A_476 = vector.broadcast %mul3A_34 : i32 to vector<256x1xi32>
    %add3A_477 = arith.addi %broadcast_in_dim3A_475, %add3A_476 : vector<256x1xi32>
    %eq3A_478 = vector.broadcast %broadcast_in_dim3A_475 : vector<256x1xi32> to vector<256x4096xi32>
    %eq3A_479 = arith.cmpi eq, %iota3A, %eq3A_478 : vector<256x4096xi32>
    %jit3A_480 = arith.constant 0x7F800000 : f32
    %broadcast_in_dim3A_481 = vector.broadcast %jit3A_480 : f32 to vector<256x4096xf32>
    %select_n3A_482 = arith.select %eq3A_479, %broadcast_in_dim3A_481, %get3A_464 : vector<256x4096xi1>, vector<256x4096xf32>
    %swap3A_483 = arith.constant 0 : index
    %swap3A_484 = arith.constant 0 : index
    %swap3A_485 = vector.load %arg5[%swap3A_483, %swap3A_484] : memref<256x4096xf32, #tpu.memory_space<vmem>>, vector<256x4096xf32>
    tpu.vector_store %arg5[%swap3A_483, %swap3A_484], %select_n3A_482 {strides = array<i32>} : memref<256x4096xf32, #tpu.memory_space<vmem>>, vector<256x4096xf32>,
    %get3A_486 = arith.constant 0 : index
    %get3A_487 = arith.constant 0 : index
    %get3A_488 = vector.load %arg5[%get3A_486, %get3A_487] : memref<256x4096xf32, #tpu.memory_space<vmem>>, vector<256x4096xf32>
    %reduce_min3A_489 = arith.constant dense<0x7F800000> : vector<256xf32>
    %reduce_min3A_490 = vector.multi_reduction <minimumf>, %get3A_488, %reduce_min3A_489 [1] : vector<256x4096xf32> to vector<256xf32>
    %broadcast_in_dim3A_491 = vector.shape_cast %reduce_min3A_490 : vector<256xf32> to vector<256x1xf32>
    %eq3A_492 = vector.broadcast %broadcast_in_dim3A_491 : vector<256x1xf32> to vector<256x4096xf32>
    %eq3A_493 = arith.cmpf oeq, %get3A_488, %eq3A_492 : vector<256x4096xf32>
    %jit3A_494 = arith.constant 4096 : i32
    %broadcast_in_dim3A_495 = vector.broadcast %jit3A_494 : i32 to vector<256x4096xi32>
    %select_n3A_496 = arith.select %eq3A_493, %iota3A, %broadcast_in_dim3A_495 : vector<256x4096xi1>, vector<256x4096xi32>
    %reduce_min3A_497 = arith.constant dense<2147483647> : vector<256xi32>
    %reduce_min3A_498 = vector.multi_reduction <minsi>, %select_n3A_496, %reduce_min3A_497 [1] : vector<256x4096xi32> to vector<256xi32>
    %broadcast_in_dim3A_499 = vector.shape_cast %reduce_min3A_498 : vector<256xi32> to vector<256x1xi32>
    %add3A_500 = vector.broadcast %mul3A_34 : i32 to vector<256x1xi32>
    %add3A_501 = arith.addi %broadcast_in_dim3A_499, %add3A_500 : vector<256x1xi32>
    %eq3A_502 = vector.broadcast %broadcast_in_dim3A_499 : vector<256x1xi32> to vector<256x4096xi32>
    %eq3A_503 = arith.cmpi eq, %iota3A, %eq3A_502 : vector<256x4096xi32>
    %jit3A_504 = arith.constant 0x7F800000 : f32
    %broadcast_in_dim3A_505 = vector.broadcast %jit3A_504 : f32 to vector<256x4096xf32>
    %select_n3A_506 = arith.select %eq3A_503, %broadcast_in_dim3A_505, %get3A_488 : vector<256x4096xi1>, vector<256x4096xf32>
    %swap3A_507 = arith.constant 0 : index
    %swap3A_508 = arith.constant 0 : index
    %swap3A_509 = vector.load %arg5[%swap3A_507, %swap3A_508] : memref<256x4096xf32, #tpu.memory_space<vmem>>, vector<256x4096xf32>
    tpu.vector_store %arg5[%swap3A_507, %swap3A_508], %select_n3A_506 {strides = array<i32>} : memref<256x4096xf32, #tpu.memory_space<vmem>>, vector<256x4096xf32>,
    %get3A_510 = arith.constant 0 : index
    %get3A_511 = arith.constant 0 : index
    %get3A_512 = vector.load %arg5[%get3A_510, %get3A_511] : memref<256x4096xf32, #tpu.memory_space<vmem>>, vector<256x4096xf32>
    %reduce_min3A_513 = arith.constant dense<0x7F800000> : vector<256xf32>
    %reduce_min3A_514 = vector.multi_reduction <minimumf>, %get3A_512, %reduce_min3A_513 [1] : vector<256x4096xf32> to vector<256xf32>
    %broadcast_in_dim3A_515 = vector.shape_cast %reduce_min3A_514 : vector<256xf32> to vector<256x1xf32>
    %eq3A_516 = vector.broadcast %broadcast_in_dim3A_515 : vector<256x1xf32> to vector<256x4096xf32>
    %eq3A_517 = arith.cmpf oeq, %get3A_512, %eq3A_516 : vector<256x4096xf32>
    %jit3A_518 = arith.constant 4096 : i32
    %broadcast_in_dim3A_519 = vector.broadcast %jit3A_518 : i32 to vector<256x4096xi32>
    %select_n3A_520 = arith.select %eq3A_517, %iota3A, %broadcast_in_dim3A_519 : vector<256x4096xi1>, vector<256x4096xi32>
    %reduce_min3A_521 = arith.constant dense<2147483647> : vector<256xi32>
    %reduce_min3A_522 = vector.multi_reduction <minsi>, %select_n3A_520, %reduce_min3A_521 [1] : vector<256x4096xi32> to vector<256xi32>
    %broadcast_in_dim3A_523 = vector.shape_cast %reduce_min3A_522 : vector<256xi32> to vector<256x1xi32>
    %add3A_524 = vector.broadcast %mul3A_34 : i32 to vector<256x1xi32>
    %add3A_525 = arith.addi %broadcast_in_dim3A_523, %add3A_524 : vector<256x1xi32>
    %eq3A_526 = vector.broadcast %broadcast_in_dim3A_523 : vector<256x1xi32> to vector<256x4096xi32>
    %eq3A_527 = arith.cmpi eq, %iota3A, %eq3A_526 : vector<256x4096xi32>
    %jit3A_528 = arith.constant 0x7F800000 : f32
    %broadcast_in_dim3A_529 = vector.broadcast %jit3A_528 : f32 to vector<256x4096xf32>
    %select_n3A_530 = arith.select %eq3A_527, %broadcast_in_dim3A_529, %get3A_512 : vector<256x4096xi1>, vector<256x4096xf32>
    %swap3A_531 = arith.constant 0 : index
    %swap3A_532 = arith.constant 0 : index
    %swap3A_533 = vector.load %arg5[%swap3A_531, %swap3A_532] : memref<256x4096xf32, #tpu.memory_space<vmem>>, vector<256x4096xf32>
    tpu.vector_store %arg5[%swap3A_531, %swap3A_532], %select_n3A_530 {strides = array<i32>} : memref<256x4096xf32, #tpu.memory_space<vmem>>, vector<256x4096xf32>,
    %get3A_534 = arith.constant 0 : index
    %get3A_535 = arith.constant 0 : index
    %get3A_536 = vector.load %arg5[%get3A_534, %get3A_535] : memref<256x4096xf32, #tpu.memory_space<vmem>>, vector<256x4096xf32>
    %reduce_min3A_537 = arith.constant dense<0x7F800000> : vector<256xf32>
    %reduce_min3A_538 = vector.multi_reduction <minimumf>, %get3A_536, %reduce_min3A_537 [1] : vector<256x4096xf32> to vector<256xf32>
    %broadcast_in_dim3A_539 = vector.shape_cast %reduce_min3A_538 : vector<256xf32> to vector<256x1xf32>
    %eq3A_540 = vector.broadcast %broadcast_in_dim3A_539 : vector<256x1xf32> to vector<256x4096xf32>
    %eq3A_541 = arith.cmpf oeq, %get3A_536, %eq3A_540 : vector<256x4096xf32>
    %jit3A_542 = arith.constant 4096 : i32
    %broadcast_in_dim3A_543 = vector.broadcast %jit3A_542 : i32 to vector<256x4096xi32>
    %select_n3A_544 = arith.select %eq3A_541, %iota3A, %broadcast_in_dim3A_543 : vector<256x4096xi1>, vector<256x4096xi32>
    %reduce_min3A_545 = arith.constant dense<2147483647> : vector<256xi32>
    %reduce_min3A_546 = vector.multi_reduction <minsi>, %select_n3A_544, %reduce_min3A_545 [1] : vector<256x4096xi32> to vector<256xi32>
    %broadcast_in_dim3A_547 = vector.shape_cast %reduce_min3A_546 : vector<256xi32> to vector<256x1xi32>
    %add3A_548 = vector.broadcast %mul3A_34 : i32 to vector<256x1xi32>
    %add3A_549 = arith.addi %broadcast_in_dim3A_547, %add3A_548 : vector<256x1xi32>
    %eq3A_550 = vector.broadcast %broadcast_in_dim3A_547 : vector<256x1xi32> to vector<256x4096xi32>
    %eq3A_551 = arith.cmpi eq, %iota3A, %eq3A_550 : vector<256x4096xi32>
    %jit3A_552 = arith.constant 0x7F800000 : f32
    %broadcast_in_dim3A_553 = vector.broadcast %jit3A_552 : f32 to vector<256x4096xf32>
    %select_n3A_554 = arith.select %eq3A_551, %broadcast_in_dim3A_553, %get3A_536 : vector<256x4096xi1>, vector<256x4096xf32>
    %swap3A_555 = arith.constant 0 : index
    %swap3A_556 = arith.constant 0 : index
    %swap3A_557 = vector.load %arg5[%swap3A_555, %swap3A_556] : memref<256x4096xf32, #tpu.memory_space<vmem>>, vector<256x4096xf32>
    tpu.vector_store %arg5[%swap3A_555, %swap3A_556], %select_n3A_554 {strides = array<i32>} : memref<256x4096xf32, #tpu.memory_space<vmem>>, vector<256x4096xf32>,
    %get3A_558 = arith.constant 0 : index
    %get3A_559 = arith.constant 0 : index
    %get3A_560 = vector.load %arg5[%get3A_558, %get3A_559] : memref<256x4096xf32, #tpu.memory_space<vmem>>, vector<256x4096xf32>
    %reduce_min3A_561 = arith.constant dense<0x7F800000> : vector<256xf32>
    %reduce_min3A_562 = vector.multi_reduction <minimumf>, %get3A_560, %reduce_min3A_561 [1] : vector<256x4096xf32> to vector<256xf32>
    %broadcast_in_dim3A_563 = vector.shape_cast %reduce_min3A_562 : vector<256xf32> to vector<256x1xf32>
    %eq3A_564 = vector.broadcast %broadcast_in_dim3A_563 : vector<256x1xf32> to vector<256x4096xf32>
    %eq3A_565 = arith.cmpf oeq, %get3A_560, %eq3A_564 : vector<256x4096xf32>
    %jit3A_566 = arith.constant 4096 : i32
    %broadcast_in_dim3A_567 = vector.broadcast %jit3A_566 : i32 to vector<256x4096xi32>
    %select_n3A_568 = arith.select %eq3A_565, %iota3A, %broadcast_in_dim3A_567 : vector<256x4096xi1>, vector<256x4096xi32>
    %reduce_min3A_569 = arith.constant dense<2147483647> : vector<256xi32>
    %reduce_min3A_570 = vector.multi_reduction <minsi>, %select_n3A_568, %reduce_min3A_569 [1] : vector<256x4096xi32> to vector<256xi32>
    %broadcast_in_dim3A_571 = vector.shape_cast %reduce_min3A_570 : vector<256xi32> to vector<256x1xi32>
    %add3A_572 = vector.broadcast %mul3A_34 : i32 to vector<256x1xi32>
    %add3A_573 = arith.addi %broadcast_in_dim3A_571, %add3A_572 : vector<256x1xi32>
    %eq3A_574 = vector.broadcast %broadcast_in_dim3A_571 : vector<256x1xi32> to vector<256x4096xi32>
    %eq3A_575 = arith.cmpi eq, %iota3A, %eq3A_574 : vector<256x4096xi32>
    %jit3A_576 = arith.constant 0x7F800000 : f32
    %broadcast_in_dim3A_577 = vector.broadcast %jit3A_576 : f32 to vector<256x4096xf32>
    %select_n3A_578 = arith.select %eq3A_575, %broadcast_in_dim3A_577, %get3A_560 : vector<256x4096xi1>, vector<256x4096xf32>
    %swap3A_579 = arith.constant 0 : index
    %swap3A_580 = arith.constant 0 : index
    %swap3A_581 = vector.load %arg5[%swap3A_579, %swap3A_580] : memref<256x4096xf32, #tpu.memory_space<vmem>>, vector<256x4096xf32>
    tpu.vector_store %arg5[%swap3A_579, %swap3A_580], %select_n3A_578 {strides = array<i32>} : memref<256x4096xf32, #tpu.memory_space<vmem>>, vector<256x4096xf32>,
    %get3A_582 = arith.constant 0 : index
    %get3A_583 = arith.constant 0 : index
    %get3A_584 = vector.load %arg5[%get3A_582, %get3A_583] : memref<256x4096xf32, #tpu.memory_space<vmem>>, vector<256x4096xf32>
    %reduce_min3A_585 = arith.constant dense<0x7F800000> : vector<256xf32>
    %reduce_min3A_586 = vector.multi_reduction <minimumf>, %get3A_584, %reduce_min3A_585 [1] : vector<256x4096xf32> to vector<256xf32>
    %broadcast_in_dim3A_587 = vector.shape_cast %reduce_min3A_586 : vector<256xf32> to vector<256x1xf32>
    %eq3A_588 = vector.broadcast %broadcast_in_dim3A_587 : vector<256x1xf32> to vector<256x4096xf32>
    %eq3A_589 = arith.cmpf oeq, %get3A_584, %eq3A_588 : vector<256x4096xf32>
    %jit3A_590 = arith.constant 4096 : i32
    %broadcast_in_dim3A_591 = vector.broadcast %jit3A_590 : i32 to vector<256x4096xi32>
    %select_n3A_592 = arith.select %eq3A_589, %iota3A, %broadcast_in_dim3A_591 : vector<256x4096xi1>, vector<256x4096xi32>
    %reduce_min3A_593 = arith.constant dense<2147483647> : vector<256xi32>
    %reduce_min3A_594 = vector.multi_reduction <minsi>, %select_n3A_592, %reduce_min3A_593 [1] : vector<256x4096xi32> to vector<256xi32>
    %broadcast_in_dim3A_595 = vector.shape_cast %reduce_min3A_594 : vector<256xi32> to vector<256x1xi32>
    %add3A_596 = vector.broadcast %mul3A_34 : i32 to vector<256x1xi32>
    %add3A_597 = arith.addi %broadcast_in_dim3A_595, %add3A_596 : vector<256x1xi32>
    %eq3A_598 = vector.broadcast %broadcast_in_dim3A_595 : vector<256x1xi32> to vector<256x4096xi32>
    %eq3A_599 = arith.cmpi eq, %iota3A, %eq3A_598 : vector<256x4096xi32>
    %jit3A_600 = arith.constant 0x7F800000 : f32
    %broadcast_in_dim3A_601 = vector.broadcast %jit3A_600 : f32 to vector<256x4096xf32>
    %select_n3A_602 = arith.select %eq3A_599, %broadcast_in_dim3A_601, %get3A_584 : vector<256x4096xi1>, vector<256x4096xf32>
    %swap3A_603 = arith.constant 0 : index
    %swap3A_604 = arith.constant 0 : index
    %swap3A_605 = vector.load %arg5[%swap3A_603, %swap3A_604] : memref<256x4096xf32, #tpu.memory_space<vmem>>, vector<256x4096xf32>
    tpu.vector_store %arg5[%swap3A_603, %swap3A_604], %select_n3A_602 {strides = array<i32>} : memref<256x4096xf32, #tpu.memory_space<vmem>>, vector<256x4096xf32>,
    %get3A_606 = arith.constant 0 : index
    %get3A_607 = arith.constant 0 : index
    %get3A_608 = vector.load %arg5[%get3A_606, %get3A_607] : memref<256x4096xf32, #tpu.memory_space<vmem>>, vector<256x4096xf32>
    %reduce_min3A_609 = arith.constant dense<0x7F800000> : vector<256xf32>
    %reduce_min3A_610 = vector.multi_reduction <minimumf>, %get3A_608, %reduce_min3A_609 [1] : vector<256x4096xf32> to vector<256xf32>
    %broadcast_in_dim3A_611 = vector.shape_cast %reduce_min3A_610 : vector<256xf32> to vector<256x1xf32>
    %eq3A_612 = vector.broadcast %broadcast_in_dim3A_611 : vector<256x1xf32> to vector<256x4096xf32>
    %eq3A_613 = arith.cmpf oeq, %get3A_608, %eq3A_612 : vector<256x4096xf32>
    %jit3A_614 = arith.constant 4096 : i32
    %broadcast_in_dim3A_615 = vector.broadcast %jit3A_614 : i32 to vector<256x4096xi32>
    %select_n3A_616 = arith.select %eq3A_613, %iota3A, %broadcast_in_dim3A_615 : vector<256x4096xi1>, vector<256x4096xi32>
    %reduce_min3A_617 = arith.constant dense<2147483647> : vector<256xi32>
    %reduce_min3A_618 = vector.multi_reduction <minsi>, %select_n3A_616, %reduce_min3A_617 [1] : vector<256x4096xi32> to vector<256xi32>
    %broadcast_in_dim3A_619 = vector.shape_cast %reduce_min3A_618 : vector<256xi32> to vector<256x1xi32>
    %add3A_620 = vector.broadcast %mul3A_34 : i32 to vector<256x1xi32>
    %add3A_621 = arith.addi %broadcast_in_dim3A_619, %add3A_620 : vector<256x1xi32>
    %eq3A_622 = vector.broadcast %broadcast_in_dim3A_619 : vector<256x1xi32> to vector<256x4096xi32>
    %eq3A_623 = arith.cmpi eq, %iota3A, %eq3A_622 : vector<256x4096xi32>
    %jit3A_624 = arith.constant 0x7F800000 : f32
    %broadcast_in_dim3A_625 = vector.broadcast %jit3A_624 : f32 to vector<256x4096xf32>
    %select_n3A_626 = arith.select %eq3A_623, %broadcast_in_dim3A_625, %get3A_608 : vector<256x4096xi1>, vector<256x4096xf32>
    %swap3A_627 = arith.constant 0 : index
    %swap3A_628 = arith.constant 0 : index
    %swap3A_629 = vector.load %arg5[%swap3A_627, %swap3A_628] : memref<256x4096xf32, #tpu.memory_space<vmem>>, vector<256x4096xf32>
    tpu.vector_store %arg5[%swap3A_627, %swap3A_628], %select_n3A_626 {strides = array<i32>} : memref<256x4096xf32, #tpu.memory_space<vmem>>, vector<256x4096xf32>,
    %get3A_630 = arith.constant 0 : index
    %get3A_631 = arith.constant 0 : index
    %get3A_632 = vector.load %arg5[%get3A_630, %get3A_631] : memref<256x4096xf32, #tpu.memory_space<vmem>>, vector<256x4096xf32>
    %reduce_min3A_633 = arith.constant dense<0x7F800000> : vector<256xf32>
    %reduce_min3A_634 = vector.multi_reduction <minimumf>, %get3A_632, %reduce_min3A_633 [1] : vector<256x4096xf32> to vector<256xf32>
    %broadcast_in_dim3A_635 = vector.shape_cast %reduce_min3A_634 : vector<256xf32> to vector<256x1xf32>
    %eq3A_636 = vector.broadcast %broadcast_in_dim3A_635 : vector<256x1xf32> to vector<256x4096xf32>
    %eq3A_637 = arith.cmpf oeq, %get3A_632, %eq3A_636 : vector<256x4096xf32>
    %jit3A_638 = arith.constant 4096 : i32
    %broadcast_in_dim3A_639 = vector.broadcast %jit3A_638 : i32 to vector<256x4096xi32>
    %select_n3A_640 = arith.select %eq3A_637, %iota3A, %broadcast_in_dim3A_639 : vector<256x4096xi1>, vector<256x4096xi32>
    %reduce_min3A_641 = arith.constant dense<2147483647> : vector<256xi32>
    %reduce_min3A_642 = vector.multi_reduction <minsi>, %select_n3A_640, %reduce_min3A_641 [1] : vector<256x4096xi32> to vector<256xi32>
    %broadcast_in_dim3A_643 = vector.shape_cast %reduce_min3A_642 : vector<256xi32> to vector<256x1xi32>
    %add3A_644 = vector.broadcast %mul3A_34 : i32 to vector<256x1xi32>
    %add3A_645 = arith.addi %broadcast_in_dim3A_643, %add3A_644 : vector<256x1xi32>
    %eq3A_646 = vector.broadcast %broadcast_in_dim3A_643 : vector<256x1xi32> to vector<256x4096xi32>
    %eq3A_647 = arith.cmpi eq, %iota3A, %eq3A_646 : vector<256x4096xi32>
    %jit3A_648 = arith.constant 0x7F800000 : f32
    %broadcast_in_dim3A_649 = vector.broadcast %jit3A_648 : f32 to vector<256x4096xf32>
    %select_n3A_650 = arith.select %eq3A_647, %broadcast_in_dim3A_649, %get3A_632 : vector<256x4096xi1>, vector<256x4096xf32>
    %swap3A_651 = arith.constant 0 : index
    %swap3A_652 = arith.constant 0 : index
    %swap3A_653 = vector.load %arg5[%swap3A_651, %swap3A_652] : memref<256x4096xf32, #tpu.memory_space<vmem>>, vector<256x4096xf32>
    tpu.vector_store %arg5[%swap3A_651, %swap3A_652], %select_n3A_650 {strides = array<i32>} : memref<256x4096xf32, #tpu.memory_space<vmem>>, vector<256x4096xf32>,
    %get3A_654 = arith.constant 0 : index
    %get3A_655 = arith.constant 0 : index
    %get3A_656 = vector.load %arg5[%get3A_654, %get3A_655] : memref<256x4096xf32, #tpu.memory_space<vmem>>, vector<256x4096xf32>
    %reduce_min3A_657 = arith.constant dense<0x7F800000> : vector<256xf32>
    %reduce_min3A_658 = vector.multi_reduction <minimumf>, %get3A_656, %reduce_min3A_657 [1] : vector<256x4096xf32> to vector<256xf32>
    %broadcast_in_dim3A_659 = vector.shape_cast %reduce_min3A_658 : vector<256xf32> to vector<256x1xf32>
    %eq3A_660 = vector.broadcast %broadcast_in_dim3A_659 : vector<256x1xf32> to vector<256x4096xf32>
    %eq3A_661 = arith.cmpf oeq, %get3A_656, %eq3A_660 : vector<256x4096xf32>
    %jit3A_662 = arith.constant 4096 : i32
    %broadcast_in_dim3A_663 = vector.broadcast %jit3A_662 : i32 to vector<256x4096xi32>
    %select_n3A_664 = arith.select %eq3A_661, %iota3A, %broadcast_in_dim3A_663 : vector<256x4096xi1>, vector<256x4096xi32>
    %reduce_min3A_665 = arith.constant dense<2147483647> : vector<256xi32>
    %reduce_min3A_666 = vector.multi_reduction <minsi>, %select_n3A_664, %reduce_min3A_665 [1] : vector<256x4096xi32> to vector<256xi32>
    %broadcast_in_dim3A_667 = vector.shape_cast %reduce_min3A_666 : vector<256xi32> to vector<256x1xi32>
    %add3A_668 = vector.broadcast %mul3A_34 : i32 to vector<256x1xi32>
    %add3A_669 = arith.addi %broadcast_in_dim3A_667, %add3A_668 : vector<256x1xi32>
    %eq3A_670 = vector.broadcast %broadcast_in_dim3A_667 : vector<256x1xi32> to vector<256x4096xi32>
    %eq3A_671 = arith.cmpi eq, %iota3A, %eq3A_670 : vector<256x4096xi32>
    %jit3A_672 = arith.constant 0x7F800000 : f32
    %broadcast_in_dim3A_673 = vector.broadcast %jit3A_672 : f32 to vector<256x4096xf32>
    %select_n3A_674 = arith.select %eq3A_671, %broadcast_in_dim3A_673, %get3A_656 : vector<256x4096xi1>, vector<256x4096xf32>
    %swap3A_675 = arith.constant 0 : index
    %swap3A_676 = arith.constant 0 : index
    %swap3A_677 = vector.load %arg5[%swap3A_675, %swap3A_676] : memref<256x4096xf32, #tpu.memory_space<vmem>>, vector<256x4096xf32>
    tpu.vector_store %arg5[%swap3A_675, %swap3A_676], %select_n3A_674 {strides = array<i32>} : memref<256x4096xf32, #tpu.memory_space<vmem>>, vector<256x4096xf32>,
    %get3A_678 = arith.constant 0 : index
    %get3A_679 = arith.constant 0 : index
    %get3A_680 = vector.load %arg5[%get3A_678, %get3A_679] : memref<256x4096xf32, #tpu.memory_space<vmem>>, vector<256x4096xf32>
    %reduce_min3A_681 = arith.constant dense<0x7F800000> : vector<256xf32>
    %reduce_min3A_682 = vector.multi_reduction <minimumf>, %get3A_680, %reduce_min3A_681 [1] : vector<256x4096xf32> to vector<256xf32>
    %broadcast_in_dim3A_683 = vector.shape_cast %reduce_min3A_682 : vector<256xf32> to vector<256x1xf32>
    %eq3A_684 = vector.broadcast %broadcast_in_dim3A_683 : vector<256x1xf32> to vector<256x4096xf32>
    %eq3A_685 = arith.cmpf oeq, %get3A_680, %eq3A_684 : vector<256x4096xf32>
    %jit3A_686 = arith.constant 4096 : i32
    %broadcast_in_dim3A_687 = vector.broadcast %jit3A_686 : i32 to vector<256x4096xi32>
    %select_n3A_688 = arith.select %eq3A_685, %iota3A, %broadcast_in_dim3A_687 : vector<256x4096xi1>, vector<256x4096xi32>
    %reduce_min3A_689 = arith.constant dense<2147483647> : vector<256xi32>
    %reduce_min3A_690 = vector.multi_reduction <minsi>, %select_n3A_688, %reduce_min3A_689 [1] : vector<256x4096xi32> to vector<256xi32>
    %broadcast_in_dim3A_691 = vector.shape_cast %reduce_min3A_690 : vector<256xi32> to vector<256x1xi32>
    %add3A_692 = vector.broadcast %mul3A_34 : i32 to vector<256x1xi32>
    %add3A_693 = arith.addi %broadcast_in_dim3A_691, %add3A_692 : vector<256x1xi32>
    %eq3A_694 = vector.broadcast %broadcast_in_dim3A_691 : vector<256x1xi32> to vector<256x4096xi32>
    %eq3A_695 = arith.cmpi eq, %iota3A, %eq3A_694 : vector<256x4096xi32>
    %jit3A_696 = arith.constant 0x7F800000 : f32
    %broadcast_in_dim3A_697 = vector.broadcast %jit3A_696 : f32 to vector<256x4096xf32>
    %select_n3A_698 = arith.select %eq3A_695, %broadcast_in_dim3A_697, %get3A_680 : vector<256x4096xi1>, vector<256x4096xf32>
    %swap3A_699 = arith.constant 0 : index
    %swap3A_700 = arith.constant 0 : index
    %swap3A_701 = vector.load %arg5[%swap3A_699, %swap3A_700] : memref<256x4096xf32, #tpu.memory_space<vmem>>, vector<256x4096xf32>
    tpu.vector_store %arg5[%swap3A_699, %swap3A_700], %select_n3A_698 {strides = array<i32>} : memref<256x4096xf32, #tpu.memory_space<vmem>>, vector<256x4096xf32>,
    %get3A_702 = arith.constant 0 : index
    %get3A_703 = arith.constant 0 : index
    %get3A_704 = vector.load %arg5[%get3A_702, %get3A_703] : memref<256x4096xf32, #tpu.memory_space<vmem>>, vector<256x4096xf32>
    %reduce_min3A_705 = arith.constant dense<0x7F800000> : vector<256xf32>
    %reduce_min3A_706 = vector.multi_reduction <minimumf>, %get3A_704, %reduce_min3A_705 [1] : vector<256x4096xf32> to vector<256xf32>
    %broadcast_in_dim3A_707 = vector.shape_cast %reduce_min3A_706 : vector<256xf32> to vector<256x1xf32>
    %eq3A_708 = vector.broadcast %broadcast_in_dim3A_707 : vector<256x1xf32> to vector<256x4096xf32>
    %eq3A_709 = arith.cmpf oeq, %get3A_704, %eq3A_708 : vector<256x4096xf32>
    %jit3A_710 = arith.constant 4096 : i32
    %broadcast_in_dim3A_711 = vector.broadcast %jit3A_710 : i32 to vector<256x4096xi32>
    %select_n3A_712 = arith.select %eq3A_709, %iota3A, %broadcast_in_dim3A_711 : vector<256x4096xi1>, vector<256x4096xi32>
    %reduce_min3A_713 = arith.constant dense<2147483647> : vector<256xi32>
    %reduce_min3A_714 = vector.multi_reduction <minsi>, %select_n3A_712, %reduce_min3A_713 [1] : vector<256x4096xi32> to vector<256xi32>
    %broadcast_in_dim3A_715 = vector.shape_cast %reduce_min3A_714 : vector<256xi32> to vector<256x1xi32>
    %add3A_716 = vector.broadcast %mul3A_34 : i32 to vector<256x1xi32>
    %add3A_717 = arith.addi %broadcast_in_dim3A_715, %add3A_716 : vector<256x1xi32>
    %eq3A_718 = vector.broadcast %broadcast_in_dim3A_715 : vector<256x1xi32> to vector<256x4096xi32>
    %eq3A_719 = arith.cmpi eq, %iota3A, %eq3A_718 : vector<256x4096xi32>
    %jit3A_720 = arith.constant 0x7F800000 : f32
    %broadcast_in_dim3A_721 = vector.broadcast %jit3A_720 : f32 to vector<256x4096xf32>
    %select_n3A_722 = arith.select %eq3A_719, %broadcast_in_dim3A_721, %get3A_704 : vector<256x4096xi1>, vector<256x4096xf32>
    %swap3A_723 = arith.constant 0 : index
    %swap3A_724 = arith.constant 0 : index
    %swap3A_725 = vector.load %arg5[%swap3A_723, %swap3A_724] : memref<256x4096xf32, #tpu.memory_space<vmem>>, vector<256x4096xf32>
    tpu.vector_store %arg5[%swap3A_723, %swap3A_724], %select_n3A_722 {strides = array<i32>} : memref<256x4096xf32, #tpu.memory_space<vmem>>, vector<256x4096xf32>,
    %get3A_726 = arith.constant 0 : index
    %get3A_727 = arith.constant 0 : index
    %get3A_728 = vector.load %arg5[%get3A_726, %get3A_727] : memref<256x4096xf32, #tpu.memory_space<vmem>>, vector<256x4096xf32>
    %reduce_min3A_729 = arith.constant dense<0x7F800000> : vector<256xf32>
    %reduce_min3A_730 = vector.multi_reduction <minimumf>, %get3A_728, %reduce_min3A_729 [1] : vector<256x4096xf32> to vector<256xf32>
    %broadcast_in_dim3A_731 = vector.shape_cast %reduce_min3A_730 : vector<256xf32> to vector<256x1xf32>
    %eq3A_732 = vector.broadcast %broadcast_in_dim3A_731 : vector<256x1xf32> to vector<256x4096xf32>
    %eq3A_733 = arith.cmpf oeq, %get3A_728, %eq3A_732 : vector<256x4096xf32>
    %jit3A_734 = arith.constant 4096 : i32
    %broadcast_in_dim3A_735 = vector.broadcast %jit3A_734 : i32 to vector<256x4096xi32>
    %select_n3A_736 = arith.select %eq3A_733, %iota3A, %broadcast_in_dim3A_735 : vector<256x4096xi1>, vector<256x4096xi32>
    %reduce_min3A_737 = arith.constant dense<2147483647> : vector<256xi32>
    %reduce_min3A_738 = vector.multi_reduction <minsi>, %select_n3A_736, %reduce_min3A_737 [1] : vector<256x4096xi32> to vector<256xi32>
    %broadcast_in_dim3A_739 = vector.shape_cast %reduce_min3A_738 : vector<256xi32> to vector<256x1xi32>
    %add3A_740 = vector.broadcast %mul3A_34 : i32 to vector<256x1xi32>
    %add3A_741 = arith.addi %broadcast_in_dim3A_739, %add3A_740 : vector<256x1xi32>
    %eq3A_742 = vector.broadcast %broadcast_in_dim3A_739 : vector<256x1xi32> to vector<256x4096xi32>
    %eq3A_743 = arith.cmpi eq, %iota3A, %eq3A_742 : vector<256x4096xi32>
    %jit3A_744 = arith.constant 0x7F800000 : f32
    %broadcast_in_dim3A_745 = vector.broadcast %jit3A_744 : f32 to vector<256x4096xf32>
    %select_n3A_746 = arith.select %eq3A_743, %broadcast_in_dim3A_745, %get3A_728 : vector<256x4096xi1>, vector<256x4096xf32>
    %swap3A_747 = arith.constant 0 : index
    %swap3A_748 = arith.constant 0 : index
    %swap3A_749 = vector.load %arg5[%swap3A_747, %swap3A_748] : memref<256x4096xf32, #tpu.memory_space<vmem>>, vector<256x4096xf32>
    tpu.vector_store %arg5[%swap3A_747, %swap3A_748], %select_n3A_746 {strides = array<i32>} : memref<256x4096xf32, #tpu.memory_space<vmem>>, vector<256x4096xf32>,
    %get3A_750 = arith.constant 0 : index
    %get3A_751 = arith.constant 0 : index
    %get3A_752 = vector.load %arg5[%get3A_750, %get3A_751] : memref<256x4096xf32, #tpu.memory_space<vmem>>, vector<256x4096xf32>
    %reduce_min3A_753 = arith.constant dense<0x7F800000> : vector<256xf32>
    %reduce_min3A_754 = vector.multi_reduction <minimumf>, %get3A_752, %reduce_min3A_753 [1] : vector<256x4096xf32> to vector<256xf32>
    %broadcast_in_dim3A_755 = vector.shape_cast %reduce_min3A_754 : vector<256xf32> to vector<256x1xf32>
    %eq3A_756 = vector.broadcast %broadcast_in_dim3A_755 : vector<256x1xf32> to vector<256x4096xf32>
    %eq3A_757 = arith.cmpf oeq, %get3A_752, %eq3A_756 : vector<256x4096xf32>
    %jit3A_758 = arith.constant 4096 : i32
    %broadcast_in_dim3A_759 = vector.broadcast %jit3A_758 : i32 to vector<256x4096xi32>
    %select_n3A_760 = arith.select %eq3A_757, %iota3A, %broadcast_in_dim3A_759 : vector<256x4096xi1>, vector<256x4096xi32>
    %reduce_min3A_761 = arith.constant dense<2147483647> : vector<256xi32>
    %reduce_min3A_762 = vector.multi_reduction <minsi>, %select_n3A_760, %reduce_min3A_761 [1] : vector<256x4096xi32> to vector<256xi32>
    %broadcast_in_dim3A_763 = vector.shape_cast %reduce_min3A_762 : vector<256xi32> to vector<256x1xi32>
    %add3A_764 = vector.broadcast %mul3A_34 : i32 to vector<256x1xi32>
    %add3A_765 = arith.addi %broadcast_in_dim3A_763, %add3A_764 : vector<256x1xi32>
    %eq3A_766 = vector.broadcast %broadcast_in_dim3A_763 : vector<256x1xi32> to vector<256x4096xi32>
    %eq3A_767 = arith.cmpi eq, %iota3A, %eq3A_766 : vector<256x4096xi32>
    %jit3A_768 = arith.constant 0x7F800000 : f32
    %broadcast_in_dim3A_769 = vector.broadcast %jit3A_768 : f32 to vector<256x4096xf32>
    %select_n3A_770 = arith.select %eq3A_767, %broadcast_in_dim3A_769, %get3A_752 : vector<256x4096xi1>, vector<256x4096xf32>
    %swap3A_771 = arith.constant 0 : index
    %swap3A_772 = arith.constant 0 : index
    %swap3A_773 = vector.load %arg5[%swap3A_771, %swap3A_772] : memref<256x4096xf32, #tpu.memory_space<vmem>>, vector<256x4096xf32>
    tpu.vector_store %arg5[%swap3A_771, %swap3A_772], %select_n3A_770 {strides = array<i32>} : memref<256x4096xf32, #tpu.memory_space<vmem>>, vector<256x4096xf32>,
    %get3A_774 = arith.constant 0 : index
    %get3A_775 = arith.constant 0 : index
    %get3A_776 = vector.load %arg5[%get3A_774, %get3A_775] : memref<256x4096xf32, #tpu.memory_space<vmem>>, vector<256x4096xf32>
    %reduce_min3A_777 = arith.constant dense<0x7F800000> : vector<256xf32>
    %reduce_min3A_778 = vector.multi_reduction <minimumf>, %get3A_776, %reduce_min3A_777 [1] : vector<256x4096xf32> to vector<256xf32>
    %broadcast_in_dim3A_779 = vector.shape_cast %reduce_min3A_778 : vector<256xf32> to vector<256x1xf32>
    %eq3A_780 = vector.broadcast %broadcast_in_dim3A_779 : vector<256x1xf32> to vector<256x4096xf32>
    %eq3A_781 = arith.cmpf oeq, %get3A_776, %eq3A_780 : vector<256x4096xf32>
    %jit3A_782 = arith.constant 4096 : i32
    %broadcast_in_dim3A_783 = vector.broadcast %jit3A_782 : i32 to vector<256x4096xi32>
    %select_n3A_784 = arith.select %eq3A_781, %iota3A, %broadcast_in_dim3A_783 : vector<256x4096xi1>, vector<256x4096xi32>
    %reduce_min3A_785 = arith.constant dense<2147483647> : vector<256xi32>
    %reduce_min3A_786 = vector.multi_reduction <minsi>, %select_n3A_784, %reduce_min3A_785 [1] : vector<256x4096xi32> to vector<256xi32>
    %broadcast_in_dim3A_787 = vector.shape_cast %reduce_min3A_786 : vector<256xi32> to vector<256x1xi32>
    %add3A_788 = vector.broadcast %mul3A_34 : i32 to vector<256x1xi32>
    %add3A_789 = arith.addi %broadcast_in_dim3A_787, %add3A_788 : vector<256x1xi32>
    %eq3A_790 = vector.broadcast %broadcast_in_dim3A_787 : vector<256x1xi32> to vector<256x4096xi32>
    %eq3A_791 = arith.cmpi eq, %iota3A, %eq3A_790 : vector<256x4096xi32>
    %jit3A_792 = arith.constant 0x7F800000 : f32
    %broadcast_in_dim3A_793 = vector.broadcast %jit3A_792 : f32 to vector<256x4096xf32>
    %select_n3A_794 = arith.select %eq3A_791, %broadcast_in_dim3A_793, %get3A_776 : vector<256x4096xi1>, vector<256x4096xf32>
    %swap3A_795 = arith.constant 0 : index
    %swap3A_796 = arith.constant 0 : index
    %swap3A_797 = vector.load %arg5[%swap3A_795, %swap3A_796] : memref<256x4096xf32, #tpu.memory_space<vmem>>, vector<256x4096xf32>
    tpu.vector_store %arg5[%swap3A_795, %swap3A_796], %select_n3A_794 {strides = array<i32>} : memref<256x4096xf32, #tpu.memory_space<vmem>>, vector<256x4096xf32>,
    %concatenate3A = tpu.concatenate %add3A_45, %add3A_69, %add3A_93, %add3A_117, %add3A_141, %add3A_165, %add3A_189, %add3A_213, %add3A_237, %add3A_261, %add3A_285, %add3A_309, %add3A_333, %add3A_357, %add3A_381, %add3A_405, %add3A_429, %add3A_453, %add3A_477, %add3A_501, %add3A_525, %add3A_549, %add3A_573, %add3A_597, %add3A_621, %add3A_645, %add3A_669, %add3A_693, %add3A_717, %add3A_741, %add3A_765, %add3A_789 in 1 : vector<256x1xi32>, vector<256x1xi32>, vector<256x1xi32>, vector<256x1xi32>, vector<256x1xi32>, vector<256x1xi32>, vector<256x1xi32>, vector<256x1xi32>, vector<256x1xi32>, vector<256x1xi32>, vector<256x1xi32>, vector<256x1xi32>, vector<256x1xi32>, vector<256x1xi32>, vector<256x1xi32>, vector<256x1xi32>, vector<256x1xi32>, vector<256x1xi32>, vector<256x1xi32>, vector<256x1xi32>, vector<256x1xi32>, vector<256x1xi32>, vector<256x1xi32>, vector<256x1xi32>, vector<256x1xi32>, vector<256x1xi32>, vector<256x1xi32>, vector<256x1xi32>, vector<256x1xi32>, vector<256x1xi32>, vector<256x1xi32>, vector<256x1xi32> -> vector<256x32xi32>
    %swap3A_798 = arith.constant 0 : index
    %swap3A_799 = arith.constant 0 : index
    %swap3A_800 = arith.constant 0 : index
    %swap3A_801 = vector.load %arg4[%swap3A_798, %swap3A_799, %swap3A_800] : memref<1x256x32xi32, #tpu.memory_space<vmem>>, vector<1x256x32xi32>
    %swap3A_802 = vector.shape_cast %swap3A_801 : vector<1x256x32xi32> to vector<256x32xi32>
    %swap3A_803 = vector.shape_cast %concatenate3A : vector<256x32xi32> to vector<1x256x32xi32>
    tpu.vector_store %arg4[%swap3A_798, %swap3A_799, %swap3A_800], %swap3A_803 {strides = array<i32>} : memref<1x256x32xi32, #tpu.memory_space<vmem>>, vector<1x256x32xi32>,
    return
  }
  func.func @transform_0(%arg0: i32, %arg1: i32) -> (i32, i32, i32) {
    %c0_i32 = arith.constant 0 : i32
    %c0_i32_0 = arith.constant 0 : i32
    %c0_i32_1 = arith.constant 0 : i32
    return %arg0, %c0_i32, %c0_i32_0 : i32, i32, i32
  }
  func.func @transform_1(%arg0: i32, %arg1: i32) -> (i32, i32, i32) {
    %c0_i32 = arith.constant 0 : i32
    %c0_i32_0 = arith.constant 0 : i32
    return %arg0, %arg1, %c0_i32 : i32, i32, i32
  }
  func.func @transform_2(%arg0: i32, %arg1: i32) -> (i32, i32, i32) {
    %c0_i32 = arith.constant 0 : i32
    %c0_i32_0 = arith.constant 0 : i32
    return %arg0, %arg1, %c0_i32 : i32, i32, i32
  }
}

module attributes {stable_mosaic.version = 14 : i64} {
  func.func @_knn_body(%arg0: i32, %arg1: i32, %arg2: memref<1x3x512xf32, #tpu.memory_space<vmem>>, %arg3: memref<1x256x3xf32, #tpu.memory_space<vmem>>, %arg4: memref<1x256x32xi32, #tpu.memory_space<vmem>>, %arg5: memref<256x512xf32, #tpu.memory_space<vmem>>) attributes {dimension_semantics = [#tpu.dimension_semantics<arbitrary>, #tpu.dimension_semantics<arbitrary>], iteration_bounds = array<i64: 16, 1>, scalar_prefetch = 0 : i64, scratch_operands = 1 : i64, tpu.core_type = #tpu.core_type<tc>, window_params = [{transform_indices = @transform_0, window_bounds = array<i64: 1, 3, 512>}, {transform_indices = @transform_1, window_bounds = array<i64: 1, 256, 3>}, {transform_indices = @transform_2, window_bounds = array<i64: 1, 256, 32>}]} {
    %get3A = arith.constant 0 : index
    %get3A_0 = arith.constant 0 : index
    %get3A_1 = arith.constant 0 : index
    %get3A_2 = vector.load %arg3[%get3A, %get3A_0, %get3A_1] : memref<1x256x3xf32, #tpu.memory_space<vmem>>, vector<1x256x3xf32>
    %get3A_3 = vector.shape_cast %get3A_2 : vector<1x256x3xf32> to vector<256x3xf32>
    %get3A_4 = arith.constant 0 : index
    %get3A_5 = arith.constant 0 : index
    %get3A_6 = arith.constant 0 : index
    %get3A_7 = vector.load %arg2[%get3A_4, %get3A_5, %get3A_6] : memref<1x3x512xf32, #tpu.memory_space<vmem>>, vector<1x1x512xf32>
    %get3A_8 = vector.shape_cast %get3A_7 : vector<1x1x512xf32> to vector<1x512xf32>
    %slice3A = vector.extract_strided_slice %get3A_3 {offsets = [0, 0], sizes = [256, 1], strides = [1, 1]} : vector<256x3xf32> to vector<256x1xf32>
    %sub3A = vector.broadcast %get3A_8 : vector<1x512xf32> to vector<256x512xf32>
    %sub3A_9 = vector.broadcast %slice3A : vector<256x1xf32> to vector<256x512xf32>
    %sub3A_10 = arith.subf %sub3A, %sub3A_9 : vector<256x512xf32>
    %integer_pow3A = arith.mulf %sub3A_10, %sub3A_10 : vector<256x512xf32>
    %get3A_11 = arith.constant 0 : index
    %get3A_12 = arith.constant 1 : index
    %get3A_13 = arith.constant 0 : index
    %get3A_14 = vector.load %arg2[%get3A_11, %get3A_12, %get3A_13] : memref<1x3x512xf32, #tpu.memory_space<vmem>>, vector<1x1x512xf32>
    %get3A_15 = vector.shape_cast %get3A_14 : vector<1x1x512xf32> to vector<1x512xf32>
    %slice3A_16 = vector.extract_strided_slice %get3A_3 {offsets = [0, 1], sizes = [256, 1], strides = [1, 1]} : vector<256x3xf32> to vector<256x1xf32>
    %sub3A_17 = vector.broadcast %get3A_15 : vector<1x512xf32> to vector<256x512xf32>
    %sub3A_18 = vector.broadcast %slice3A_16 : vector<256x1xf32> to vector<256x512xf32>
    %sub3A_19 = arith.subf %sub3A_17, %sub3A_18 : vector<256x512xf32>
    %integer_pow3A_20 = arith.mulf %sub3A_19, %sub3A_19 : vector<256x512xf32>
    %add3A = arith.addf %integer_pow3A, %integer_pow3A_20 : vector<256x512xf32>
    %get3A_21 = arith.constant 0 : index
    %get3A_22 = arith.constant 2 : index
    %get3A_23 = arith.constant 0 : index
    %get3A_24 = vector.load %arg2[%get3A_21, %get3A_22, %get3A_23] : memref<1x3x512xf32, #tpu.memory_space<vmem>>, vector<1x1x512xf32>
    %get3A_25 = vector.shape_cast %get3A_24 : vector<1x1x512xf32> to vector<1x512xf32>
    %slice3A_26 = vector.extract_strided_slice %get3A_3 {offsets = [0, 2], sizes = [256, 1], strides = [1, 1]} : vector<256x3xf32> to vector<256x1xf32>
    %sub3A_27 = vector.broadcast %get3A_25 : vector<1x512xf32> to vector<256x512xf32>
    %sub3A_28 = vector.broadcast %slice3A_26 : vector<256x1xf32> to vector<256x512xf32>
    %sub3A_29 = arith.subf %sub3A_27, %sub3A_28 : vector<256x512xf32>
    %integer_pow3A_30 = arith.mulf %sub3A_29, %sub3A_29 : vector<256x512xf32>
    %add3A_31 = arith.addf %add3A, %integer_pow3A_30 : vector<256x512xf32>
    %swap3A = arith.constant 0 : index
    %swap3A_32 = arith.constant 0 : index
    %swap3A_33 = vector.load %arg5[%swap3A, %swap3A_32] : memref<256x512xf32, #tpu.memory_space<vmem>>, vector<256x512xf32>
    tpu.vector_store %arg5[%swap3A, %swap3A_32], %add3A_31 {strides = array<i32>} : memref<256x512xf32, #tpu.memory_space<vmem>>, vector<256x512xf32>,
    %iota3A = tpu.iota {dimensions = array<i32: 1>} : vector<256x512xi32>
    %mul3A = arith.constant 512 : i32
    %mul3A_34 = arith.muli %arg0, %mul3A : i32
    %get3A_35 = arith.constant 0 : index
    %get3A_36 = arith.constant 0 : index
    %get3A_37 = vector.load %arg5[%get3A_35, %get3A_36] : memref<256x512xf32, #tpu.memory_space<vmem>>, vector<256x512xf32>
    %reduce_min3A = arith.constant dense<0x7F800000> : vector<256xf32>
    %reduce_min3A_38 = vector.multi_reduction <minimumf>, %get3A_37, %reduce_min3A [1] : vector<256x512xf32> to vector<256xf32>
    %broadcast_in_dim3A = vector.shape_cast %reduce_min3A_38 : vector<256xf32> to vector<256x1xf32>
    %eq3A = vector.broadcast %broadcast_in_dim3A : vector<256x1xf32> to vector<256x512xf32>
    %eq3A_39 = arith.cmpf oeq, %get3A_37, %eq3A : vector<256x512xf32>
    %jit3A = arith.constant 512 : i32
    %broadcast_in_dim3A_40 = vector.broadcast %jit3A : i32 to vector<256x512xi32>
    %select_n3A = arith.select %eq3A_39, %iota3A, %broadcast_in_dim3A_40 : vector<256x512xi1>, vector<256x512xi32>
    %reduce_min3A_41 = arith.constant dense<2147483647> : vector<256xi32>
    %reduce_min3A_42 = vector.multi_reduction <minsi>, %select_n3A, %reduce_min3A_41 [1] : vector<256x512xi32> to vector<256xi32>
    %broadcast_in_dim3A_43 = vector.shape_cast %reduce_min3A_42 : vector<256xi32> to vector<256x1xi32>
    %add3A_44 = vector.broadcast %mul3A_34 : i32 to vector<256x1xi32>
    %add3A_45 = arith.addi %broadcast_in_dim3A_43, %add3A_44 : vector<256x1xi32>
    %eq3A_46 = vector.broadcast %broadcast_in_dim3A_43 : vector<256x1xi32> to vector<256x512xi32>
    %eq3A_47 = arith.cmpi eq, %iota3A, %eq3A_46 : vector<256x512xi32>
    %jit3A_48 = arith.constant 0x7F800000 : f32
    %broadcast_in_dim3A_49 = vector.broadcast %jit3A_48 : f32 to vector<256x512xf32>
    %select_n3A_50 = arith.select %eq3A_47, %broadcast_in_dim3A_49, %get3A_37 : vector<256x512xi1>, vector<256x512xf32>
    %swap3A_51 = arith.constant 0 : index
    %swap3A_52 = arith.constant 0 : index
    %swap3A_53 = vector.load %arg5[%swap3A_51, %swap3A_52] : memref<256x512xf32, #tpu.memory_space<vmem>>, vector<256x512xf32>
    tpu.vector_store %arg5[%swap3A_51, %swap3A_52], %select_n3A_50 {strides = array<i32>} : memref<256x512xf32, #tpu.memory_space<vmem>>, vector<256x512xf32>,
    %get3A_54 = arith.constant 0 : index
    %get3A_55 = arith.constant 0 : index
    %get3A_56 = vector.load %arg5[%get3A_54, %get3A_55] : memref<256x512xf32, #tpu.memory_space<vmem>>, vector<256x512xf32>
    %reduce_min3A_57 = arith.constant dense<0x7F800000> : vector<256xf32>
    %reduce_min3A_58 = vector.multi_reduction <minimumf>, %get3A_56, %reduce_min3A_57 [1] : vector<256x512xf32> to vector<256xf32>
    %broadcast_in_dim3A_59 = vector.shape_cast %reduce_min3A_58 : vector<256xf32> to vector<256x1xf32>
    %eq3A_60 = vector.broadcast %broadcast_in_dim3A_59 : vector<256x1xf32> to vector<256x512xf32>
    %eq3A_61 = arith.cmpf oeq, %get3A_56, %eq3A_60 : vector<256x512xf32>
    %jit3A_62 = arith.constant 512 : i32
    %broadcast_in_dim3A_63 = vector.broadcast %jit3A_62 : i32 to vector<256x512xi32>
    %select_n3A_64 = arith.select %eq3A_61, %iota3A, %broadcast_in_dim3A_63 : vector<256x512xi1>, vector<256x512xi32>
    %reduce_min3A_65 = arith.constant dense<2147483647> : vector<256xi32>
    %reduce_min3A_66 = vector.multi_reduction <minsi>, %select_n3A_64, %reduce_min3A_65 [1] : vector<256x512xi32> to vector<256xi32>
    %broadcast_in_dim3A_67 = vector.shape_cast %reduce_min3A_66 : vector<256xi32> to vector<256x1xi32>
    %add3A_68 = vector.broadcast %mul3A_34 : i32 to vector<256x1xi32>
    %add3A_69 = arith.addi %broadcast_in_dim3A_67, %add3A_68 : vector<256x1xi32>
    %eq3A_70 = vector.broadcast %broadcast_in_dim3A_67 : vector<256x1xi32> to vector<256x512xi32>
    %eq3A_71 = arith.cmpi eq, %iota3A, %eq3A_70 : vector<256x512xi32>
    %jit3A_72 = arith.constant 0x7F800000 : f32
    %broadcast_in_dim3A_73 = vector.broadcast %jit3A_72 : f32 to vector<256x512xf32>
    %select_n3A_74 = arith.select %eq3A_71, %broadcast_in_dim3A_73, %get3A_56 : vector<256x512xi1>, vector<256x512xf32>
    %swap3A_75 = arith.constant 0 : index
    %swap3A_76 = arith.constant 0 : index
    %swap3A_77 = vector.load %arg5[%swap3A_75, %swap3A_76] : memref<256x512xf32, #tpu.memory_space<vmem>>, vector<256x512xf32>
    tpu.vector_store %arg5[%swap3A_75, %swap3A_76], %select_n3A_74 {strides = array<i32>} : memref<256x512xf32, #tpu.memory_space<vmem>>, vector<256x512xf32>,
    %get3A_78 = arith.constant 0 : index
    %get3A_79 = arith.constant 0 : index
    %get3A_80 = vector.load %arg5[%get3A_78, %get3A_79] : memref<256x512xf32, #tpu.memory_space<vmem>>, vector<256x512xf32>
    %reduce_min3A_81 = arith.constant dense<0x7F800000> : vector<256xf32>
    %reduce_min3A_82 = vector.multi_reduction <minimumf>, %get3A_80, %reduce_min3A_81 [1] : vector<256x512xf32> to vector<256xf32>
    %broadcast_in_dim3A_83 = vector.shape_cast %reduce_min3A_82 : vector<256xf32> to vector<256x1xf32>
    %eq3A_84 = vector.broadcast %broadcast_in_dim3A_83 : vector<256x1xf32> to vector<256x512xf32>
    %eq3A_85 = arith.cmpf oeq, %get3A_80, %eq3A_84 : vector<256x512xf32>
    %jit3A_86 = arith.constant 512 : i32
    %broadcast_in_dim3A_87 = vector.broadcast %jit3A_86 : i32 to vector<256x512xi32>
    %select_n3A_88 = arith.select %eq3A_85, %iota3A, %broadcast_in_dim3A_87 : vector<256x512xi1>, vector<256x512xi32>
    %reduce_min3A_89 = arith.constant dense<2147483647> : vector<256xi32>
    %reduce_min3A_90 = vector.multi_reduction <minsi>, %select_n3A_88, %reduce_min3A_89 [1] : vector<256x512xi32> to vector<256xi32>
    %broadcast_in_dim3A_91 = vector.shape_cast %reduce_min3A_90 : vector<256xi32> to vector<256x1xi32>
    %add3A_92 = vector.broadcast %mul3A_34 : i32 to vector<256x1xi32>
    %add3A_93 = arith.addi %broadcast_in_dim3A_91, %add3A_92 : vector<256x1xi32>
    %eq3A_94 = vector.broadcast %broadcast_in_dim3A_91 : vector<256x1xi32> to vector<256x512xi32>
    %eq3A_95 = arith.cmpi eq, %iota3A, %eq3A_94 : vector<256x512xi32>
    %jit3A_96 = arith.constant 0x7F800000 : f32
    %broadcast_in_dim3A_97 = vector.broadcast %jit3A_96 : f32 to vector<256x512xf32>
    %select_n3A_98 = arith.select %eq3A_95, %broadcast_in_dim3A_97, %get3A_80 : vector<256x512xi1>, vector<256x512xf32>
    %swap3A_99 = arith.constant 0 : index
    %swap3A_100 = arith.constant 0 : index
    %swap3A_101 = vector.load %arg5[%swap3A_99, %swap3A_100] : memref<256x512xf32, #tpu.memory_space<vmem>>, vector<256x512xf32>
    tpu.vector_store %arg5[%swap3A_99, %swap3A_100], %select_n3A_98 {strides = array<i32>} : memref<256x512xf32, #tpu.memory_space<vmem>>, vector<256x512xf32>,
    %get3A_102 = arith.constant 0 : index
    %get3A_103 = arith.constant 0 : index
    %get3A_104 = vector.load %arg5[%get3A_102, %get3A_103] : memref<256x512xf32, #tpu.memory_space<vmem>>, vector<256x512xf32>
    %reduce_min3A_105 = arith.constant dense<0x7F800000> : vector<256xf32>
    %reduce_min3A_106 = vector.multi_reduction <minimumf>, %get3A_104, %reduce_min3A_105 [1] : vector<256x512xf32> to vector<256xf32>
    %broadcast_in_dim3A_107 = vector.shape_cast %reduce_min3A_106 : vector<256xf32> to vector<256x1xf32>
    %eq3A_108 = vector.broadcast %broadcast_in_dim3A_107 : vector<256x1xf32> to vector<256x512xf32>
    %eq3A_109 = arith.cmpf oeq, %get3A_104, %eq3A_108 : vector<256x512xf32>
    %jit3A_110 = arith.constant 512 : i32
    %broadcast_in_dim3A_111 = vector.broadcast %jit3A_110 : i32 to vector<256x512xi32>
    %select_n3A_112 = arith.select %eq3A_109, %iota3A, %broadcast_in_dim3A_111 : vector<256x512xi1>, vector<256x512xi32>
    %reduce_min3A_113 = arith.constant dense<2147483647> : vector<256xi32>
    %reduce_min3A_114 = vector.multi_reduction <minsi>, %select_n3A_112, %reduce_min3A_113 [1] : vector<256x512xi32> to vector<256xi32>
    %broadcast_in_dim3A_115 = vector.shape_cast %reduce_min3A_114 : vector<256xi32> to vector<256x1xi32>
    %add3A_116 = vector.broadcast %mul3A_34 : i32 to vector<256x1xi32>
    %add3A_117 = arith.addi %broadcast_in_dim3A_115, %add3A_116 : vector<256x1xi32>
    %eq3A_118 = vector.broadcast %broadcast_in_dim3A_115 : vector<256x1xi32> to vector<256x512xi32>
    %eq3A_119 = arith.cmpi eq, %iota3A, %eq3A_118 : vector<256x512xi32>
    %jit3A_120 = arith.constant 0x7F800000 : f32
    %broadcast_in_dim3A_121 = vector.broadcast %jit3A_120 : f32 to vector<256x512xf32>
    %select_n3A_122 = arith.select %eq3A_119, %broadcast_in_dim3A_121, %get3A_104 : vector<256x512xi1>, vector<256x512xf32>
    %swap3A_123 = arith.constant 0 : index
    %swap3A_124 = arith.constant 0 : index
    %swap3A_125 = vector.load %arg5[%swap3A_123, %swap3A_124] : memref<256x512xf32, #tpu.memory_space<vmem>>, vector<256x512xf32>
    tpu.vector_store %arg5[%swap3A_123, %swap3A_124], %select_n3A_122 {strides = array<i32>} : memref<256x512xf32, #tpu.memory_space<vmem>>, vector<256x512xf32>,
    %get3A_126 = arith.constant 0 : index
    %get3A_127 = arith.constant 0 : index
    %get3A_128 = vector.load %arg5[%get3A_126, %get3A_127] : memref<256x512xf32, #tpu.memory_space<vmem>>, vector<256x512xf32>
    %reduce_min3A_129 = arith.constant dense<0x7F800000> : vector<256xf32>
    %reduce_min3A_130 = vector.multi_reduction <minimumf>, %get3A_128, %reduce_min3A_129 [1] : vector<256x512xf32> to vector<256xf32>
    %broadcast_in_dim3A_131 = vector.shape_cast %reduce_min3A_130 : vector<256xf32> to vector<256x1xf32>
    %eq3A_132 = vector.broadcast %broadcast_in_dim3A_131 : vector<256x1xf32> to vector<256x512xf32>
    %eq3A_133 = arith.cmpf oeq, %get3A_128, %eq3A_132 : vector<256x512xf32>
    %jit3A_134 = arith.constant 512 : i32
    %broadcast_in_dim3A_135 = vector.broadcast %jit3A_134 : i32 to vector<256x512xi32>
    %select_n3A_136 = arith.select %eq3A_133, %iota3A, %broadcast_in_dim3A_135 : vector<256x512xi1>, vector<256x512xi32>
    %reduce_min3A_137 = arith.constant dense<2147483647> : vector<256xi32>
    %reduce_min3A_138 = vector.multi_reduction <minsi>, %select_n3A_136, %reduce_min3A_137 [1] : vector<256x512xi32> to vector<256xi32>
    %broadcast_in_dim3A_139 = vector.shape_cast %reduce_min3A_138 : vector<256xi32> to vector<256x1xi32>
    %add3A_140 = vector.broadcast %mul3A_34 : i32 to vector<256x1xi32>
    %add3A_141 = arith.addi %broadcast_in_dim3A_139, %add3A_140 : vector<256x1xi32>
    %eq3A_142 = vector.broadcast %broadcast_in_dim3A_139 : vector<256x1xi32> to vector<256x512xi32>
    %eq3A_143 = arith.cmpi eq, %iota3A, %eq3A_142 : vector<256x512xi32>
    %jit3A_144 = arith.constant 0x7F800000 : f32
    %broadcast_in_dim3A_145 = vector.broadcast %jit3A_144 : f32 to vector<256x512xf32>
    %select_n3A_146 = arith.select %eq3A_143, %broadcast_in_dim3A_145, %get3A_128 : vector<256x512xi1>, vector<256x512xf32>
    %swap3A_147 = arith.constant 0 : index
    %swap3A_148 = arith.constant 0 : index
    %swap3A_149 = vector.load %arg5[%swap3A_147, %swap3A_148] : memref<256x512xf32, #tpu.memory_space<vmem>>, vector<256x512xf32>
    tpu.vector_store %arg5[%swap3A_147, %swap3A_148], %select_n3A_146 {strides = array<i32>} : memref<256x512xf32, #tpu.memory_space<vmem>>, vector<256x512xf32>,
    %get3A_150 = arith.constant 0 : index
    %get3A_151 = arith.constant 0 : index
    %get3A_152 = vector.load %arg5[%get3A_150, %get3A_151] : memref<256x512xf32, #tpu.memory_space<vmem>>, vector<256x512xf32>
    %reduce_min3A_153 = arith.constant dense<0x7F800000> : vector<256xf32>
    %reduce_min3A_154 = vector.multi_reduction <minimumf>, %get3A_152, %reduce_min3A_153 [1] : vector<256x512xf32> to vector<256xf32>
    %broadcast_in_dim3A_155 = vector.shape_cast %reduce_min3A_154 : vector<256xf32> to vector<256x1xf32>
    %eq3A_156 = vector.broadcast %broadcast_in_dim3A_155 : vector<256x1xf32> to vector<256x512xf32>
    %eq3A_157 = arith.cmpf oeq, %get3A_152, %eq3A_156 : vector<256x512xf32>
    %jit3A_158 = arith.constant 512 : i32
    %broadcast_in_dim3A_159 = vector.broadcast %jit3A_158 : i32 to vector<256x512xi32>
    %select_n3A_160 = arith.select %eq3A_157, %iota3A, %broadcast_in_dim3A_159 : vector<256x512xi1>, vector<256x512xi32>
    %reduce_min3A_161 = arith.constant dense<2147483647> : vector<256xi32>
    %reduce_min3A_162 = vector.multi_reduction <minsi>, %select_n3A_160, %reduce_min3A_161 [1] : vector<256x512xi32> to vector<256xi32>
    %broadcast_in_dim3A_163 = vector.shape_cast %reduce_min3A_162 : vector<256xi32> to vector<256x1xi32>
    %add3A_164 = vector.broadcast %mul3A_34 : i32 to vector<256x1xi32>
    %add3A_165 = arith.addi %broadcast_in_dim3A_163, %add3A_164 : vector<256x1xi32>
    %eq3A_166 = vector.broadcast %broadcast_in_dim3A_163 : vector<256x1xi32> to vector<256x512xi32>
    %eq3A_167 = arith.cmpi eq, %iota3A, %eq3A_166 : vector<256x512xi32>
    %jit3A_168 = arith.constant 0x7F800000 : f32
    %broadcast_in_dim3A_169 = vector.broadcast %jit3A_168 : f32 to vector<256x512xf32>
    %select_n3A_170 = arith.select %eq3A_167, %broadcast_in_dim3A_169, %get3A_152 : vector<256x512xi1>, vector<256x512xf32>
    %swap3A_171 = arith.constant 0 : index
    %swap3A_172 = arith.constant 0 : index
    %swap3A_173 = vector.load %arg5[%swap3A_171, %swap3A_172] : memref<256x512xf32, #tpu.memory_space<vmem>>, vector<256x512xf32>
    tpu.vector_store %arg5[%swap3A_171, %swap3A_172], %select_n3A_170 {strides = array<i32>} : memref<256x512xf32, #tpu.memory_space<vmem>>, vector<256x512xf32>,
    %get3A_174 = arith.constant 0 : index
    %get3A_175 = arith.constant 0 : index
    %get3A_176 = vector.load %arg5[%get3A_174, %get3A_175] : memref<256x512xf32, #tpu.memory_space<vmem>>, vector<256x512xf32>
    %reduce_min3A_177 = arith.constant dense<0x7F800000> : vector<256xf32>
    %reduce_min3A_178 = vector.multi_reduction <minimumf>, %get3A_176, %reduce_min3A_177 [1] : vector<256x512xf32> to vector<256xf32>
    %broadcast_in_dim3A_179 = vector.shape_cast %reduce_min3A_178 : vector<256xf32> to vector<256x1xf32>
    %eq3A_180 = vector.broadcast %broadcast_in_dim3A_179 : vector<256x1xf32> to vector<256x512xf32>
    %eq3A_181 = arith.cmpf oeq, %get3A_176, %eq3A_180 : vector<256x512xf32>
    %jit3A_182 = arith.constant 512 : i32
    %broadcast_in_dim3A_183 = vector.broadcast %jit3A_182 : i32 to vector<256x512xi32>
    %select_n3A_184 = arith.select %eq3A_181, %iota3A, %broadcast_in_dim3A_183 : vector<256x512xi1>, vector<256x512xi32>
    %reduce_min3A_185 = arith.constant dense<2147483647> : vector<256xi32>
    %reduce_min3A_186 = vector.multi_reduction <minsi>, %select_n3A_184, %reduce_min3A_185 [1] : vector<256x512xi32> to vector<256xi32>
    %broadcast_in_dim3A_187 = vector.shape_cast %reduce_min3A_186 : vector<256xi32> to vector<256x1xi32>
    %add3A_188 = vector.broadcast %mul3A_34 : i32 to vector<256x1xi32>
    %add3A_189 = arith.addi %broadcast_in_dim3A_187, %add3A_188 : vector<256x1xi32>
    %eq3A_190 = vector.broadcast %broadcast_in_dim3A_187 : vector<256x1xi32> to vector<256x512xi32>
    %eq3A_191 = arith.cmpi eq, %iota3A, %eq3A_190 : vector<256x512xi32>
    %jit3A_192 = arith.constant 0x7F800000 : f32
    %broadcast_in_dim3A_193 = vector.broadcast %jit3A_192 : f32 to vector<256x512xf32>
    %select_n3A_194 = arith.select %eq3A_191, %broadcast_in_dim3A_193, %get3A_176 : vector<256x512xi1>, vector<256x512xf32>
    %swap3A_195 = arith.constant 0 : index
    %swap3A_196 = arith.constant 0 : index
    %swap3A_197 = vector.load %arg5[%swap3A_195, %swap3A_196] : memref<256x512xf32, #tpu.memory_space<vmem>>, vector<256x512xf32>
    tpu.vector_store %arg5[%swap3A_195, %swap3A_196], %select_n3A_194 {strides = array<i32>} : memref<256x512xf32, #tpu.memory_space<vmem>>, vector<256x512xf32>,
    %get3A_198 = arith.constant 0 : index
    %get3A_199 = arith.constant 0 : index
    %get3A_200 = vector.load %arg5[%get3A_198, %get3A_199] : memref<256x512xf32, #tpu.memory_space<vmem>>, vector<256x512xf32>
    %reduce_min3A_201 = arith.constant dense<0x7F800000> : vector<256xf32>
    %reduce_min3A_202 = vector.multi_reduction <minimumf>, %get3A_200, %reduce_min3A_201 [1] : vector<256x512xf32> to vector<256xf32>
    %broadcast_in_dim3A_203 = vector.shape_cast %reduce_min3A_202 : vector<256xf32> to vector<256x1xf32>
    %eq3A_204 = vector.broadcast %broadcast_in_dim3A_203 : vector<256x1xf32> to vector<256x512xf32>
    %eq3A_205 = arith.cmpf oeq, %get3A_200, %eq3A_204 : vector<256x512xf32>
    %jit3A_206 = arith.constant 512 : i32
    %broadcast_in_dim3A_207 = vector.broadcast %jit3A_206 : i32 to vector<256x512xi32>
    %select_n3A_208 = arith.select %eq3A_205, %iota3A, %broadcast_in_dim3A_207 : vector<256x512xi1>, vector<256x512xi32>
    %reduce_min3A_209 = arith.constant dense<2147483647> : vector<256xi32>
    %reduce_min3A_210 = vector.multi_reduction <minsi>, %select_n3A_208, %reduce_min3A_209 [1] : vector<256x512xi32> to vector<256xi32>
    %broadcast_in_dim3A_211 = vector.shape_cast %reduce_min3A_210 : vector<256xi32> to vector<256x1xi32>
    %add3A_212 = vector.broadcast %mul3A_34 : i32 to vector<256x1xi32>
    %add3A_213 = arith.addi %broadcast_in_dim3A_211, %add3A_212 : vector<256x1xi32>
    %eq3A_214 = vector.broadcast %broadcast_in_dim3A_211 : vector<256x1xi32> to vector<256x512xi32>
    %eq3A_215 = arith.cmpi eq, %iota3A, %eq3A_214 : vector<256x512xi32>
    %jit3A_216 = arith.constant 0x7F800000 : f32
    %broadcast_in_dim3A_217 = vector.broadcast %jit3A_216 : f32 to vector<256x512xf32>
    %select_n3A_218 = arith.select %eq3A_215, %broadcast_in_dim3A_217, %get3A_200 : vector<256x512xi1>, vector<256x512xf32>
    %swap3A_219 = arith.constant 0 : index
    %swap3A_220 = arith.constant 0 : index
    %swap3A_221 = vector.load %arg5[%swap3A_219, %swap3A_220] : memref<256x512xf32, #tpu.memory_space<vmem>>, vector<256x512xf32>
    tpu.vector_store %arg5[%swap3A_219, %swap3A_220], %select_n3A_218 {strides = array<i32>} : memref<256x512xf32, #tpu.memory_space<vmem>>, vector<256x512xf32>,
    %get3A_222 = arith.constant 0 : index
    %get3A_223 = arith.constant 0 : index
    %get3A_224 = vector.load %arg5[%get3A_222, %get3A_223] : memref<256x512xf32, #tpu.memory_space<vmem>>, vector<256x512xf32>
    %reduce_min3A_225 = arith.constant dense<0x7F800000> : vector<256xf32>
    %reduce_min3A_226 = vector.multi_reduction <minimumf>, %get3A_224, %reduce_min3A_225 [1] : vector<256x512xf32> to vector<256xf32>
    %broadcast_in_dim3A_227 = vector.shape_cast %reduce_min3A_226 : vector<256xf32> to vector<256x1xf32>
    %eq3A_228 = vector.broadcast %broadcast_in_dim3A_227 : vector<256x1xf32> to vector<256x512xf32>
    %eq3A_229 = arith.cmpf oeq, %get3A_224, %eq3A_228 : vector<256x512xf32>
    %jit3A_230 = arith.constant 512 : i32
    %broadcast_in_dim3A_231 = vector.broadcast %jit3A_230 : i32 to vector<256x512xi32>
    %select_n3A_232 = arith.select %eq3A_229, %iota3A, %broadcast_in_dim3A_231 : vector<256x512xi1>, vector<256x512xi32>
    %reduce_min3A_233 = arith.constant dense<2147483647> : vector<256xi32>
    %reduce_min3A_234 = vector.multi_reduction <minsi>, %select_n3A_232, %reduce_min3A_233 [1] : vector<256x512xi32> to vector<256xi32>
    %broadcast_in_dim3A_235 = vector.shape_cast %reduce_min3A_234 : vector<256xi32> to vector<256x1xi32>
    %add3A_236 = vector.broadcast %mul3A_34 : i32 to vector<256x1xi32>
    %add3A_237 = arith.addi %broadcast_in_dim3A_235, %add3A_236 : vector<256x1xi32>
    %eq3A_238 = vector.broadcast %broadcast_in_dim3A_235 : vector<256x1xi32> to vector<256x512xi32>
    %eq3A_239 = arith.cmpi eq, %iota3A, %eq3A_238 : vector<256x512xi32>
    %jit3A_240 = arith.constant 0x7F800000 : f32
    %broadcast_in_dim3A_241 = vector.broadcast %jit3A_240 : f32 to vector<256x512xf32>
    %select_n3A_242 = arith.select %eq3A_239, %broadcast_in_dim3A_241, %get3A_224 : vector<256x512xi1>, vector<256x512xf32>
    %swap3A_243 = arith.constant 0 : index
    %swap3A_244 = arith.constant 0 : index
    %swap3A_245 = vector.load %arg5[%swap3A_243, %swap3A_244] : memref<256x512xf32, #tpu.memory_space<vmem>>, vector<256x512xf32>
    tpu.vector_store %arg5[%swap3A_243, %swap3A_244], %select_n3A_242 {strides = array<i32>} : memref<256x512xf32, #tpu.memory_space<vmem>>, vector<256x512xf32>,
    %get3A_246 = arith.constant 0 : index
    %get3A_247 = arith.constant 0 : index
    %get3A_248 = vector.load %arg5[%get3A_246, %get3A_247] : memref<256x512xf32, #tpu.memory_space<vmem>>, vector<256x512xf32>
    %reduce_min3A_249 = arith.constant dense<0x7F800000> : vector<256xf32>
    %reduce_min3A_250 = vector.multi_reduction <minimumf>, %get3A_248, %reduce_min3A_249 [1] : vector<256x512xf32> to vector<256xf32>
    %broadcast_in_dim3A_251 = vector.shape_cast %reduce_min3A_250 : vector<256xf32> to vector<256x1xf32>
    %eq3A_252 = vector.broadcast %broadcast_in_dim3A_251 : vector<256x1xf32> to vector<256x512xf32>
    %eq3A_253 = arith.cmpf oeq, %get3A_248, %eq3A_252 : vector<256x512xf32>
    %jit3A_254 = arith.constant 512 : i32
    %broadcast_in_dim3A_255 = vector.broadcast %jit3A_254 : i32 to vector<256x512xi32>
    %select_n3A_256 = arith.select %eq3A_253, %iota3A, %broadcast_in_dim3A_255 : vector<256x512xi1>, vector<256x512xi32>
    %reduce_min3A_257 = arith.constant dense<2147483647> : vector<256xi32>
    %reduce_min3A_258 = vector.multi_reduction <minsi>, %select_n3A_256, %reduce_min3A_257 [1] : vector<256x512xi32> to vector<256xi32>
    %broadcast_in_dim3A_259 = vector.shape_cast %reduce_min3A_258 : vector<256xi32> to vector<256x1xi32>
    %add3A_260 = vector.broadcast %mul3A_34 : i32 to vector<256x1xi32>
    %add3A_261 = arith.addi %broadcast_in_dim3A_259, %add3A_260 : vector<256x1xi32>
    %eq3A_262 = vector.broadcast %broadcast_in_dim3A_259 : vector<256x1xi32> to vector<256x512xi32>
    %eq3A_263 = arith.cmpi eq, %iota3A, %eq3A_262 : vector<256x512xi32>
    %jit3A_264 = arith.constant 0x7F800000 : f32
    %broadcast_in_dim3A_265 = vector.broadcast %jit3A_264 : f32 to vector<256x512xf32>
    %select_n3A_266 = arith.select %eq3A_263, %broadcast_in_dim3A_265, %get3A_248 : vector<256x512xi1>, vector<256x512xf32>
    %swap3A_267 = arith.constant 0 : index
    %swap3A_268 = arith.constant 0 : index
    %swap3A_269 = vector.load %arg5[%swap3A_267, %swap3A_268] : memref<256x512xf32, #tpu.memory_space<vmem>>, vector<256x512xf32>
    tpu.vector_store %arg5[%swap3A_267, %swap3A_268], %select_n3A_266 {strides = array<i32>} : memref<256x512xf32, #tpu.memory_space<vmem>>, vector<256x512xf32>,
    %get3A_270 = arith.constant 0 : index
    %get3A_271 = arith.constant 0 : index
    %get3A_272 = vector.load %arg5[%get3A_270, %get3A_271] : memref<256x512xf32, #tpu.memory_space<vmem>>, vector<256x512xf32>
    %reduce_min3A_273 = arith.constant dense<0x7F800000> : vector<256xf32>
    %reduce_min3A_274 = vector.multi_reduction <minimumf>, %get3A_272, %reduce_min3A_273 [1] : vector<256x512xf32> to vector<256xf32>
    %broadcast_in_dim3A_275 = vector.shape_cast %reduce_min3A_274 : vector<256xf32> to vector<256x1xf32>
    %eq3A_276 = vector.broadcast %broadcast_in_dim3A_275 : vector<256x1xf32> to vector<256x512xf32>
    %eq3A_277 = arith.cmpf oeq, %get3A_272, %eq3A_276 : vector<256x512xf32>
    %jit3A_278 = arith.constant 512 : i32
    %broadcast_in_dim3A_279 = vector.broadcast %jit3A_278 : i32 to vector<256x512xi32>
    %select_n3A_280 = arith.select %eq3A_277, %iota3A, %broadcast_in_dim3A_279 : vector<256x512xi1>, vector<256x512xi32>
    %reduce_min3A_281 = arith.constant dense<2147483647> : vector<256xi32>
    %reduce_min3A_282 = vector.multi_reduction <minsi>, %select_n3A_280, %reduce_min3A_281 [1] : vector<256x512xi32> to vector<256xi32>
    %broadcast_in_dim3A_283 = vector.shape_cast %reduce_min3A_282 : vector<256xi32> to vector<256x1xi32>
    %add3A_284 = vector.broadcast %mul3A_34 : i32 to vector<256x1xi32>
    %add3A_285 = arith.addi %broadcast_in_dim3A_283, %add3A_284 : vector<256x1xi32>
    %eq3A_286 = vector.broadcast %broadcast_in_dim3A_283 : vector<256x1xi32> to vector<256x512xi32>
    %eq3A_287 = arith.cmpi eq, %iota3A, %eq3A_286 : vector<256x512xi32>
    %jit3A_288 = arith.constant 0x7F800000 : f32
    %broadcast_in_dim3A_289 = vector.broadcast %jit3A_288 : f32 to vector<256x512xf32>
    %select_n3A_290 = arith.select %eq3A_287, %broadcast_in_dim3A_289, %get3A_272 : vector<256x512xi1>, vector<256x512xf32>
    %swap3A_291 = arith.constant 0 : index
    %swap3A_292 = arith.constant 0 : index
    %swap3A_293 = vector.load %arg5[%swap3A_291, %swap3A_292] : memref<256x512xf32, #tpu.memory_space<vmem>>, vector<256x512xf32>
    tpu.vector_store %arg5[%swap3A_291, %swap3A_292], %select_n3A_290 {strides = array<i32>} : memref<256x512xf32, #tpu.memory_space<vmem>>, vector<256x512xf32>,
    %get3A_294 = arith.constant 0 : index
    %get3A_295 = arith.constant 0 : index
    %get3A_296 = vector.load %arg5[%get3A_294, %get3A_295] : memref<256x512xf32, #tpu.memory_space<vmem>>, vector<256x512xf32>
    %reduce_min3A_297 = arith.constant dense<0x7F800000> : vector<256xf32>
    %reduce_min3A_298 = vector.multi_reduction <minimumf>, %get3A_296, %reduce_min3A_297 [1] : vector<256x512xf32> to vector<256xf32>
    %broadcast_in_dim3A_299 = vector.shape_cast %reduce_min3A_298 : vector<256xf32> to vector<256x1xf32>
    %eq3A_300 = vector.broadcast %broadcast_in_dim3A_299 : vector<256x1xf32> to vector<256x512xf32>
    %eq3A_301 = arith.cmpf oeq, %get3A_296, %eq3A_300 : vector<256x512xf32>
    %jit3A_302 = arith.constant 512 : i32
    %broadcast_in_dim3A_303 = vector.broadcast %jit3A_302 : i32 to vector<256x512xi32>
    %select_n3A_304 = arith.select %eq3A_301, %iota3A, %broadcast_in_dim3A_303 : vector<256x512xi1>, vector<256x512xi32>
    %reduce_min3A_305 = arith.constant dense<2147483647> : vector<256xi32>
    %reduce_min3A_306 = vector.multi_reduction <minsi>, %select_n3A_304, %reduce_min3A_305 [1] : vector<256x512xi32> to vector<256xi32>
    %broadcast_in_dim3A_307 = vector.shape_cast %reduce_min3A_306 : vector<256xi32> to vector<256x1xi32>
    %add3A_308 = vector.broadcast %mul3A_34 : i32 to vector<256x1xi32>
    %add3A_309 = arith.addi %broadcast_in_dim3A_307, %add3A_308 : vector<256x1xi32>
    %eq3A_310 = vector.broadcast %broadcast_in_dim3A_307 : vector<256x1xi32> to vector<256x512xi32>
    %eq3A_311 = arith.cmpi eq, %iota3A, %eq3A_310 : vector<256x512xi32>
    %jit3A_312 = arith.constant 0x7F800000 : f32
    %broadcast_in_dim3A_313 = vector.broadcast %jit3A_312 : f32 to vector<256x512xf32>
    %select_n3A_314 = arith.select %eq3A_311, %broadcast_in_dim3A_313, %get3A_296 : vector<256x512xi1>, vector<256x512xf32>
    %swap3A_315 = arith.constant 0 : index
    %swap3A_316 = arith.constant 0 : index
    %swap3A_317 = vector.load %arg5[%swap3A_315, %swap3A_316] : memref<256x512xf32, #tpu.memory_space<vmem>>, vector<256x512xf32>
    tpu.vector_store %arg5[%swap3A_315, %swap3A_316], %select_n3A_314 {strides = array<i32>} : memref<256x512xf32, #tpu.memory_space<vmem>>, vector<256x512xf32>,
    %get3A_318 = arith.constant 0 : index
    %get3A_319 = arith.constant 0 : index
    %get3A_320 = vector.load %arg5[%get3A_318, %get3A_319] : memref<256x512xf32, #tpu.memory_space<vmem>>, vector<256x512xf32>
    %reduce_min3A_321 = arith.constant dense<0x7F800000> : vector<256xf32>
    %reduce_min3A_322 = vector.multi_reduction <minimumf>, %get3A_320, %reduce_min3A_321 [1] : vector<256x512xf32> to vector<256xf32>
    %broadcast_in_dim3A_323 = vector.shape_cast %reduce_min3A_322 : vector<256xf32> to vector<256x1xf32>
    %eq3A_324 = vector.broadcast %broadcast_in_dim3A_323 : vector<256x1xf32> to vector<256x512xf32>
    %eq3A_325 = arith.cmpf oeq, %get3A_320, %eq3A_324 : vector<256x512xf32>
    %jit3A_326 = arith.constant 512 : i32
    %broadcast_in_dim3A_327 = vector.broadcast %jit3A_326 : i32 to vector<256x512xi32>
    %select_n3A_328 = arith.select %eq3A_325, %iota3A, %broadcast_in_dim3A_327 : vector<256x512xi1>, vector<256x512xi32>
    %reduce_min3A_329 = arith.constant dense<2147483647> : vector<256xi32>
    %reduce_min3A_330 = vector.multi_reduction <minsi>, %select_n3A_328, %reduce_min3A_329 [1] : vector<256x512xi32> to vector<256xi32>
    %broadcast_in_dim3A_331 = vector.shape_cast %reduce_min3A_330 : vector<256xi32> to vector<256x1xi32>
    %add3A_332 = vector.broadcast %mul3A_34 : i32 to vector<256x1xi32>
    %add3A_333 = arith.addi %broadcast_in_dim3A_331, %add3A_332 : vector<256x1xi32>
    %eq3A_334 = vector.broadcast %broadcast_in_dim3A_331 : vector<256x1xi32> to vector<256x512xi32>
    %eq3A_335 = arith.cmpi eq, %iota3A, %eq3A_334 : vector<256x512xi32>
    %jit3A_336 = arith.constant 0x7F800000 : f32
    %broadcast_in_dim3A_337 = vector.broadcast %jit3A_336 : f32 to vector<256x512xf32>
    %select_n3A_338 = arith.select %eq3A_335, %broadcast_in_dim3A_337, %get3A_320 : vector<256x512xi1>, vector<256x512xf32>
    %swap3A_339 = arith.constant 0 : index
    %swap3A_340 = arith.constant 0 : index
    %swap3A_341 = vector.load %arg5[%swap3A_339, %swap3A_340] : memref<256x512xf32, #tpu.memory_space<vmem>>, vector<256x512xf32>
    tpu.vector_store %arg5[%swap3A_339, %swap3A_340], %select_n3A_338 {strides = array<i32>} : memref<256x512xf32, #tpu.memory_space<vmem>>, vector<256x512xf32>,
    %get3A_342 = arith.constant 0 : index
    %get3A_343 = arith.constant 0 : index
    %get3A_344 = vector.load %arg5[%get3A_342, %get3A_343] : memref<256x512xf32, #tpu.memory_space<vmem>>, vector<256x512xf32>
    %reduce_min3A_345 = arith.constant dense<0x7F800000> : vector<256xf32>
    %reduce_min3A_346 = vector.multi_reduction <minimumf>, %get3A_344, %reduce_min3A_345 [1] : vector<256x512xf32> to vector<256xf32>
    %broadcast_in_dim3A_347 = vector.shape_cast %reduce_min3A_346 : vector<256xf32> to vector<256x1xf32>
    %eq3A_348 = vector.broadcast %broadcast_in_dim3A_347 : vector<256x1xf32> to vector<256x512xf32>
    %eq3A_349 = arith.cmpf oeq, %get3A_344, %eq3A_348 : vector<256x512xf32>
    %jit3A_350 = arith.constant 512 : i32
    %broadcast_in_dim3A_351 = vector.broadcast %jit3A_350 : i32 to vector<256x512xi32>
    %select_n3A_352 = arith.select %eq3A_349, %iota3A, %broadcast_in_dim3A_351 : vector<256x512xi1>, vector<256x512xi32>
    %reduce_min3A_353 = arith.constant dense<2147483647> : vector<256xi32>
    %reduce_min3A_354 = vector.multi_reduction <minsi>, %select_n3A_352, %reduce_min3A_353 [1] : vector<256x512xi32> to vector<256xi32>
    %broadcast_in_dim3A_355 = vector.shape_cast %reduce_min3A_354 : vector<256xi32> to vector<256x1xi32>
    %add3A_356 = vector.broadcast %mul3A_34 : i32 to vector<256x1xi32>
    %add3A_357 = arith.addi %broadcast_in_dim3A_355, %add3A_356 : vector<256x1xi32>
    %eq3A_358 = vector.broadcast %broadcast_in_dim3A_355 : vector<256x1xi32> to vector<256x512xi32>
    %eq3A_359 = arith.cmpi eq, %iota3A, %eq3A_358 : vector<256x512xi32>
    %jit3A_360 = arith.constant 0x7F800000 : f32
    %broadcast_in_dim3A_361 = vector.broadcast %jit3A_360 : f32 to vector<256x512xf32>
    %select_n3A_362 = arith.select %eq3A_359, %broadcast_in_dim3A_361, %get3A_344 : vector<256x512xi1>, vector<256x512xf32>
    %swap3A_363 = arith.constant 0 : index
    %swap3A_364 = arith.constant 0 : index
    %swap3A_365 = vector.load %arg5[%swap3A_363, %swap3A_364] : memref<256x512xf32, #tpu.memory_space<vmem>>, vector<256x512xf32>
    tpu.vector_store %arg5[%swap3A_363, %swap3A_364], %select_n3A_362 {strides = array<i32>} : memref<256x512xf32, #tpu.memory_space<vmem>>, vector<256x512xf32>,
    %get3A_366 = arith.constant 0 : index
    %get3A_367 = arith.constant 0 : index
    %get3A_368 = vector.load %arg5[%get3A_366, %get3A_367] : memref<256x512xf32, #tpu.memory_space<vmem>>, vector<256x512xf32>
    %reduce_min3A_369 = arith.constant dense<0x7F800000> : vector<256xf32>
    %reduce_min3A_370 = vector.multi_reduction <minimumf>, %get3A_368, %reduce_min3A_369 [1] : vector<256x512xf32> to vector<256xf32>
    %broadcast_in_dim3A_371 = vector.shape_cast %reduce_min3A_370 : vector<256xf32> to vector<256x1xf32>
    %eq3A_372 = vector.broadcast %broadcast_in_dim3A_371 : vector<256x1xf32> to vector<256x512xf32>
    %eq3A_373 = arith.cmpf oeq, %get3A_368, %eq3A_372 : vector<256x512xf32>
    %jit3A_374 = arith.constant 512 : i32
    %broadcast_in_dim3A_375 = vector.broadcast %jit3A_374 : i32 to vector<256x512xi32>
    %select_n3A_376 = arith.select %eq3A_373, %iota3A, %broadcast_in_dim3A_375 : vector<256x512xi1>, vector<256x512xi32>
    %reduce_min3A_377 = arith.constant dense<2147483647> : vector<256xi32>
    %reduce_min3A_378 = vector.multi_reduction <minsi>, %select_n3A_376, %reduce_min3A_377 [1] : vector<256x512xi32> to vector<256xi32>
    %broadcast_in_dim3A_379 = vector.shape_cast %reduce_min3A_378 : vector<256xi32> to vector<256x1xi32>
    %add3A_380 = vector.broadcast %mul3A_34 : i32 to vector<256x1xi32>
    %add3A_381 = arith.addi %broadcast_in_dim3A_379, %add3A_380 : vector<256x1xi32>
    %eq3A_382 = vector.broadcast %broadcast_in_dim3A_379 : vector<256x1xi32> to vector<256x512xi32>
    %eq3A_383 = arith.cmpi eq, %iota3A, %eq3A_382 : vector<256x512xi32>
    %jit3A_384 = arith.constant 0x7F800000 : f32
    %broadcast_in_dim3A_385 = vector.broadcast %jit3A_384 : f32 to vector<256x512xf32>
    %select_n3A_386 = arith.select %eq3A_383, %broadcast_in_dim3A_385, %get3A_368 : vector<256x512xi1>, vector<256x512xf32>
    %swap3A_387 = arith.constant 0 : index
    %swap3A_388 = arith.constant 0 : index
    %swap3A_389 = vector.load %arg5[%swap3A_387, %swap3A_388] : memref<256x512xf32, #tpu.memory_space<vmem>>, vector<256x512xf32>
    tpu.vector_store %arg5[%swap3A_387, %swap3A_388], %select_n3A_386 {strides = array<i32>} : memref<256x512xf32, #tpu.memory_space<vmem>>, vector<256x512xf32>,
    %get3A_390 = arith.constant 0 : index
    %get3A_391 = arith.constant 0 : index
    %get3A_392 = vector.load %arg5[%get3A_390, %get3A_391] : memref<256x512xf32, #tpu.memory_space<vmem>>, vector<256x512xf32>
    %reduce_min3A_393 = arith.constant dense<0x7F800000> : vector<256xf32>
    %reduce_min3A_394 = vector.multi_reduction <minimumf>, %get3A_392, %reduce_min3A_393 [1] : vector<256x512xf32> to vector<256xf32>
    %broadcast_in_dim3A_395 = vector.shape_cast %reduce_min3A_394 : vector<256xf32> to vector<256x1xf32>
    %eq3A_396 = vector.broadcast %broadcast_in_dim3A_395 : vector<256x1xf32> to vector<256x512xf32>
    %eq3A_397 = arith.cmpf oeq, %get3A_392, %eq3A_396 : vector<256x512xf32>
    %jit3A_398 = arith.constant 512 : i32
    %broadcast_in_dim3A_399 = vector.broadcast %jit3A_398 : i32 to vector<256x512xi32>
    %select_n3A_400 = arith.select %eq3A_397, %iota3A, %broadcast_in_dim3A_399 : vector<256x512xi1>, vector<256x512xi32>
    %reduce_min3A_401 = arith.constant dense<2147483647> : vector<256xi32>
    %reduce_min3A_402 = vector.multi_reduction <minsi>, %select_n3A_400, %reduce_min3A_401 [1] : vector<256x512xi32> to vector<256xi32>
    %broadcast_in_dim3A_403 = vector.shape_cast %reduce_min3A_402 : vector<256xi32> to vector<256x1xi32>
    %add3A_404 = vector.broadcast %mul3A_34 : i32 to vector<256x1xi32>
    %add3A_405 = arith.addi %broadcast_in_dim3A_403, %add3A_404 : vector<256x1xi32>
    %eq3A_406 = vector.broadcast %broadcast_in_dim3A_403 : vector<256x1xi32> to vector<256x512xi32>
    %eq3A_407 = arith.cmpi eq, %iota3A, %eq3A_406 : vector<256x512xi32>
    %jit3A_408 = arith.constant 0x7F800000 : f32
    %broadcast_in_dim3A_409 = vector.broadcast %jit3A_408 : f32 to vector<256x512xf32>
    %select_n3A_410 = arith.select %eq3A_407, %broadcast_in_dim3A_409, %get3A_392 : vector<256x512xi1>, vector<256x512xf32>
    %swap3A_411 = arith.constant 0 : index
    %swap3A_412 = arith.constant 0 : index
    %swap3A_413 = vector.load %arg5[%swap3A_411, %swap3A_412] : memref<256x512xf32, #tpu.memory_space<vmem>>, vector<256x512xf32>
    tpu.vector_store %arg5[%swap3A_411, %swap3A_412], %select_n3A_410 {strides = array<i32>} : memref<256x512xf32, #tpu.memory_space<vmem>>, vector<256x512xf32>,
    %get3A_414 = arith.constant 0 : index
    %get3A_415 = arith.constant 0 : index
    %get3A_416 = vector.load %arg5[%get3A_414, %get3A_415] : memref<256x512xf32, #tpu.memory_space<vmem>>, vector<256x512xf32>
    %reduce_min3A_417 = arith.constant dense<0x7F800000> : vector<256xf32>
    %reduce_min3A_418 = vector.multi_reduction <minimumf>, %get3A_416, %reduce_min3A_417 [1] : vector<256x512xf32> to vector<256xf32>
    %broadcast_in_dim3A_419 = vector.shape_cast %reduce_min3A_418 : vector<256xf32> to vector<256x1xf32>
    %eq3A_420 = vector.broadcast %broadcast_in_dim3A_419 : vector<256x1xf32> to vector<256x512xf32>
    %eq3A_421 = arith.cmpf oeq, %get3A_416, %eq3A_420 : vector<256x512xf32>
    %jit3A_422 = arith.constant 512 : i32
    %broadcast_in_dim3A_423 = vector.broadcast %jit3A_422 : i32 to vector<256x512xi32>
    %select_n3A_424 = arith.select %eq3A_421, %iota3A, %broadcast_in_dim3A_423 : vector<256x512xi1>, vector<256x512xi32>
    %reduce_min3A_425 = arith.constant dense<2147483647> : vector<256xi32>
    %reduce_min3A_426 = vector.multi_reduction <minsi>, %select_n3A_424, %reduce_min3A_425 [1] : vector<256x512xi32> to vector<256xi32>
    %broadcast_in_dim3A_427 = vector.shape_cast %reduce_min3A_426 : vector<256xi32> to vector<256x1xi32>
    %add3A_428 = vector.broadcast %mul3A_34 : i32 to vector<256x1xi32>
    %add3A_429 = arith.addi %broadcast_in_dim3A_427, %add3A_428 : vector<256x1xi32>
    %eq3A_430 = vector.broadcast %broadcast_in_dim3A_427 : vector<256x1xi32> to vector<256x512xi32>
    %eq3A_431 = arith.cmpi eq, %iota3A, %eq3A_430 : vector<256x512xi32>
    %jit3A_432 = arith.constant 0x7F800000 : f32
    %broadcast_in_dim3A_433 = vector.broadcast %jit3A_432 : f32 to vector<256x512xf32>
    %select_n3A_434 = arith.select %eq3A_431, %broadcast_in_dim3A_433, %get3A_416 : vector<256x512xi1>, vector<256x512xf32>
    %swap3A_435 = arith.constant 0 : index
    %swap3A_436 = arith.constant 0 : index
    %swap3A_437 = vector.load %arg5[%swap3A_435, %swap3A_436] : memref<256x512xf32, #tpu.memory_space<vmem>>, vector<256x512xf32>
    tpu.vector_store %arg5[%swap3A_435, %swap3A_436], %select_n3A_434 {strides = array<i32>} : memref<256x512xf32, #tpu.memory_space<vmem>>, vector<256x512xf32>,
    %get3A_438 = arith.constant 0 : index
    %get3A_439 = arith.constant 0 : index
    %get3A_440 = vector.load %arg5[%get3A_438, %get3A_439] : memref<256x512xf32, #tpu.memory_space<vmem>>, vector<256x512xf32>
    %reduce_min3A_441 = arith.constant dense<0x7F800000> : vector<256xf32>
    %reduce_min3A_442 = vector.multi_reduction <minimumf>, %get3A_440, %reduce_min3A_441 [1] : vector<256x512xf32> to vector<256xf32>
    %broadcast_in_dim3A_443 = vector.shape_cast %reduce_min3A_442 : vector<256xf32> to vector<256x1xf32>
    %eq3A_444 = vector.broadcast %broadcast_in_dim3A_443 : vector<256x1xf32> to vector<256x512xf32>
    %eq3A_445 = arith.cmpf oeq, %get3A_440, %eq3A_444 : vector<256x512xf32>
    %jit3A_446 = arith.constant 512 : i32
    %broadcast_in_dim3A_447 = vector.broadcast %jit3A_446 : i32 to vector<256x512xi32>
    %select_n3A_448 = arith.select %eq3A_445, %iota3A, %broadcast_in_dim3A_447 : vector<256x512xi1>, vector<256x512xi32>
    %reduce_min3A_449 = arith.constant dense<2147483647> : vector<256xi32>
    %reduce_min3A_450 = vector.multi_reduction <minsi>, %select_n3A_448, %reduce_min3A_449 [1] : vector<256x512xi32> to vector<256xi32>
    %broadcast_in_dim3A_451 = vector.shape_cast %reduce_min3A_450 : vector<256xi32> to vector<256x1xi32>
    %add3A_452 = vector.broadcast %mul3A_34 : i32 to vector<256x1xi32>
    %add3A_453 = arith.addi %broadcast_in_dim3A_451, %add3A_452 : vector<256x1xi32>
    %eq3A_454 = vector.broadcast %broadcast_in_dim3A_451 : vector<256x1xi32> to vector<256x512xi32>
    %eq3A_455 = arith.cmpi eq, %iota3A, %eq3A_454 : vector<256x512xi32>
    %jit3A_456 = arith.constant 0x7F800000 : f32
    %broadcast_in_dim3A_457 = vector.broadcast %jit3A_456 : f32 to vector<256x512xf32>
    %select_n3A_458 = arith.select %eq3A_455, %broadcast_in_dim3A_457, %get3A_440 : vector<256x512xi1>, vector<256x512xf32>
    %swap3A_459 = arith.constant 0 : index
    %swap3A_460 = arith.constant 0 : index
    %swap3A_461 = vector.load %arg5[%swap3A_459, %swap3A_460] : memref<256x512xf32, #tpu.memory_space<vmem>>, vector<256x512xf32>
    tpu.vector_store %arg5[%swap3A_459, %swap3A_460], %select_n3A_458 {strides = array<i32>} : memref<256x512xf32, #tpu.memory_space<vmem>>, vector<256x512xf32>,
    %get3A_462 = arith.constant 0 : index
    %get3A_463 = arith.constant 0 : index
    %get3A_464 = vector.load %arg5[%get3A_462, %get3A_463] : memref<256x512xf32, #tpu.memory_space<vmem>>, vector<256x512xf32>
    %reduce_min3A_465 = arith.constant dense<0x7F800000> : vector<256xf32>
    %reduce_min3A_466 = vector.multi_reduction <minimumf>, %get3A_464, %reduce_min3A_465 [1] : vector<256x512xf32> to vector<256xf32>
    %broadcast_in_dim3A_467 = vector.shape_cast %reduce_min3A_466 : vector<256xf32> to vector<256x1xf32>
    %eq3A_468 = vector.broadcast %broadcast_in_dim3A_467 : vector<256x1xf32> to vector<256x512xf32>
    %eq3A_469 = arith.cmpf oeq, %get3A_464, %eq3A_468 : vector<256x512xf32>
    %jit3A_470 = arith.constant 512 : i32
    %broadcast_in_dim3A_471 = vector.broadcast %jit3A_470 : i32 to vector<256x512xi32>
    %select_n3A_472 = arith.select %eq3A_469, %iota3A, %broadcast_in_dim3A_471 : vector<256x512xi1>, vector<256x512xi32>
    %reduce_min3A_473 = arith.constant dense<2147483647> : vector<256xi32>
    %reduce_min3A_474 = vector.multi_reduction <minsi>, %select_n3A_472, %reduce_min3A_473 [1] : vector<256x512xi32> to vector<256xi32>
    %broadcast_in_dim3A_475 = vector.shape_cast %reduce_min3A_474 : vector<256xi32> to vector<256x1xi32>
    %add3A_476 = vector.broadcast %mul3A_34 : i32 to vector<256x1xi32>
    %add3A_477 = arith.addi %broadcast_in_dim3A_475, %add3A_476 : vector<256x1xi32>
    %eq3A_478 = vector.broadcast %broadcast_in_dim3A_475 : vector<256x1xi32> to vector<256x512xi32>
    %eq3A_479 = arith.cmpi eq, %iota3A, %eq3A_478 : vector<256x512xi32>
    %jit3A_480 = arith.constant 0x7F800000 : f32
    %broadcast_in_dim3A_481 = vector.broadcast %jit3A_480 : f32 to vector<256x512xf32>
    %select_n3A_482 = arith.select %eq3A_479, %broadcast_in_dim3A_481, %get3A_464 : vector<256x512xi1>, vector<256x512xf32>
    %swap3A_483 = arith.constant 0 : index
    %swap3A_484 = arith.constant 0 : index
    %swap3A_485 = vector.load %arg5[%swap3A_483, %swap3A_484] : memref<256x512xf32, #tpu.memory_space<vmem>>, vector<256x512xf32>
    tpu.vector_store %arg5[%swap3A_483, %swap3A_484], %select_n3A_482 {strides = array<i32>} : memref<256x512xf32, #tpu.memory_space<vmem>>, vector<256x512xf32>,
    %get3A_486 = arith.constant 0 : index
    %get3A_487 = arith.constant 0 : index
    %get3A_488 = vector.load %arg5[%get3A_486, %get3A_487] : memref<256x512xf32, #tpu.memory_space<vmem>>, vector<256x512xf32>
    %reduce_min3A_489 = arith.constant dense<0x7F800000> : vector<256xf32>
    %reduce_min3A_490 = vector.multi_reduction <minimumf>, %get3A_488, %reduce_min3A_489 [1] : vector<256x512xf32> to vector<256xf32>
    %broadcast_in_dim3A_491 = vector.shape_cast %reduce_min3A_490 : vector<256xf32> to vector<256x1xf32>
    %eq3A_492 = vector.broadcast %broadcast_in_dim3A_491 : vector<256x1xf32> to vector<256x512xf32>
    %eq3A_493 = arith.cmpf oeq, %get3A_488, %eq3A_492 : vector<256x512xf32>
    %jit3A_494 = arith.constant 512 : i32
    %broadcast_in_dim3A_495 = vector.broadcast %jit3A_494 : i32 to vector<256x512xi32>
    %select_n3A_496 = arith.select %eq3A_493, %iota3A, %broadcast_in_dim3A_495 : vector<256x512xi1>, vector<256x512xi32>
    %reduce_min3A_497 = arith.constant dense<2147483647> : vector<256xi32>
    %reduce_min3A_498 = vector.multi_reduction <minsi>, %select_n3A_496, %reduce_min3A_497 [1] : vector<256x512xi32> to vector<256xi32>
    %broadcast_in_dim3A_499 = vector.shape_cast %reduce_min3A_498 : vector<256xi32> to vector<256x1xi32>
    %add3A_500 = vector.broadcast %mul3A_34 : i32 to vector<256x1xi32>
    %add3A_501 = arith.addi %broadcast_in_dim3A_499, %add3A_500 : vector<256x1xi32>
    %eq3A_502 = vector.broadcast %broadcast_in_dim3A_499 : vector<256x1xi32> to vector<256x512xi32>
    %eq3A_503 = arith.cmpi eq, %iota3A, %eq3A_502 : vector<256x512xi32>
    %jit3A_504 = arith.constant 0x7F800000 : f32
    %broadcast_in_dim3A_505 = vector.broadcast %jit3A_504 : f32 to vector<256x512xf32>
    %select_n3A_506 = arith.select %eq3A_503, %broadcast_in_dim3A_505, %get3A_488 : vector<256x512xi1>, vector<256x512xf32>
    %swap3A_507 = arith.constant 0 : index
    %swap3A_508 = arith.constant 0 : index
    %swap3A_509 = vector.load %arg5[%swap3A_507, %swap3A_508] : memref<256x512xf32, #tpu.memory_space<vmem>>, vector<256x512xf32>
    tpu.vector_store %arg5[%swap3A_507, %swap3A_508], %select_n3A_506 {strides = array<i32>} : memref<256x512xf32, #tpu.memory_space<vmem>>, vector<256x512xf32>,
    %get3A_510 = arith.constant 0 : index
    %get3A_511 = arith.constant 0 : index
    %get3A_512 = vector.load %arg5[%get3A_510, %get3A_511] : memref<256x512xf32, #tpu.memory_space<vmem>>, vector<256x512xf32>
    %reduce_min3A_513 = arith.constant dense<0x7F800000> : vector<256xf32>
    %reduce_min3A_514 = vector.multi_reduction <minimumf>, %get3A_512, %reduce_min3A_513 [1] : vector<256x512xf32> to vector<256xf32>
    %broadcast_in_dim3A_515 = vector.shape_cast %reduce_min3A_514 : vector<256xf32> to vector<256x1xf32>
    %eq3A_516 = vector.broadcast %broadcast_in_dim3A_515 : vector<256x1xf32> to vector<256x512xf32>
    %eq3A_517 = arith.cmpf oeq, %get3A_512, %eq3A_516 : vector<256x512xf32>
    %jit3A_518 = arith.constant 512 : i32
    %broadcast_in_dim3A_519 = vector.broadcast %jit3A_518 : i32 to vector<256x512xi32>
    %select_n3A_520 = arith.select %eq3A_517, %iota3A, %broadcast_in_dim3A_519 : vector<256x512xi1>, vector<256x512xi32>
    %reduce_min3A_521 = arith.constant dense<2147483647> : vector<256xi32>
    %reduce_min3A_522 = vector.multi_reduction <minsi>, %select_n3A_520, %reduce_min3A_521 [1] : vector<256x512xi32> to vector<256xi32>
    %broadcast_in_dim3A_523 = vector.shape_cast %reduce_min3A_522 : vector<256xi32> to vector<256x1xi32>
    %add3A_524 = vector.broadcast %mul3A_34 : i32 to vector<256x1xi32>
    %add3A_525 = arith.addi %broadcast_in_dim3A_523, %add3A_524 : vector<256x1xi32>
    %eq3A_526 = vector.broadcast %broadcast_in_dim3A_523 : vector<256x1xi32> to vector<256x512xi32>
    %eq3A_527 = arith.cmpi eq, %iota3A, %eq3A_526 : vector<256x512xi32>
    %jit3A_528 = arith.constant 0x7F800000 : f32
    %broadcast_in_dim3A_529 = vector.broadcast %jit3A_528 : f32 to vector<256x512xf32>
    %select_n3A_530 = arith.select %eq3A_527, %broadcast_in_dim3A_529, %get3A_512 : vector<256x512xi1>, vector<256x512xf32>
    %swap3A_531 = arith.constant 0 : index
    %swap3A_532 = arith.constant 0 : index
    %swap3A_533 = vector.load %arg5[%swap3A_531, %swap3A_532] : memref<256x512xf32, #tpu.memory_space<vmem>>, vector<256x512xf32>
    tpu.vector_store %arg5[%swap3A_531, %swap3A_532], %select_n3A_530 {strides = array<i32>} : memref<256x512xf32, #tpu.memory_space<vmem>>, vector<256x512xf32>,
    %get3A_534 = arith.constant 0 : index
    %get3A_535 = arith.constant 0 : index
    %get3A_536 = vector.load %arg5[%get3A_534, %get3A_535] : memref<256x512xf32, #tpu.memory_space<vmem>>, vector<256x512xf32>
    %reduce_min3A_537 = arith.constant dense<0x7F800000> : vector<256xf32>
    %reduce_min3A_538 = vector.multi_reduction <minimumf>, %get3A_536, %reduce_min3A_537 [1] : vector<256x512xf32> to vector<256xf32>
    %broadcast_in_dim3A_539 = vector.shape_cast %reduce_min3A_538 : vector<256xf32> to vector<256x1xf32>
    %eq3A_540 = vector.broadcast %broadcast_in_dim3A_539 : vector<256x1xf32> to vector<256x512xf32>
    %eq3A_541 = arith.cmpf oeq, %get3A_536, %eq3A_540 : vector<256x512xf32>
    %jit3A_542 = arith.constant 512 : i32
    %broadcast_in_dim3A_543 = vector.broadcast %jit3A_542 : i32 to vector<256x512xi32>
    %select_n3A_544 = arith.select %eq3A_541, %iota3A, %broadcast_in_dim3A_543 : vector<256x512xi1>, vector<256x512xi32>
    %reduce_min3A_545 = arith.constant dense<2147483647> : vector<256xi32>
    %reduce_min3A_546 = vector.multi_reduction <minsi>, %select_n3A_544, %reduce_min3A_545 [1] : vector<256x512xi32> to vector<256xi32>
    %broadcast_in_dim3A_547 = vector.shape_cast %reduce_min3A_546 : vector<256xi32> to vector<256x1xi32>
    %add3A_548 = vector.broadcast %mul3A_34 : i32 to vector<256x1xi32>
    %add3A_549 = arith.addi %broadcast_in_dim3A_547, %add3A_548 : vector<256x1xi32>
    %eq3A_550 = vector.broadcast %broadcast_in_dim3A_547 : vector<256x1xi32> to vector<256x512xi32>
    %eq3A_551 = arith.cmpi eq, %iota3A, %eq3A_550 : vector<256x512xi32>
    %jit3A_552 = arith.constant 0x7F800000 : f32
    %broadcast_in_dim3A_553 = vector.broadcast %jit3A_552 : f32 to vector<256x512xf32>
    %select_n3A_554 = arith.select %eq3A_551, %broadcast_in_dim3A_553, %get3A_536 : vector<256x512xi1>, vector<256x512xf32>
    %swap3A_555 = arith.constant 0 : index
    %swap3A_556 = arith.constant 0 : index
    %swap3A_557 = vector.load %arg5[%swap3A_555, %swap3A_556] : memref<256x512xf32, #tpu.memory_space<vmem>>, vector<256x512xf32>
    tpu.vector_store %arg5[%swap3A_555, %swap3A_556], %select_n3A_554 {strides = array<i32>} : memref<256x512xf32, #tpu.memory_space<vmem>>, vector<256x512xf32>,
    %get3A_558 = arith.constant 0 : index
    %get3A_559 = arith.constant 0 : index
    %get3A_560 = vector.load %arg5[%get3A_558, %get3A_559] : memref<256x512xf32, #tpu.memory_space<vmem>>, vector<256x512xf32>
    %reduce_min3A_561 = arith.constant dense<0x7F800000> : vector<256xf32>
    %reduce_min3A_562 = vector.multi_reduction <minimumf>, %get3A_560, %reduce_min3A_561 [1] : vector<256x512xf32> to vector<256xf32>
    %broadcast_in_dim3A_563 = vector.shape_cast %reduce_min3A_562 : vector<256xf32> to vector<256x1xf32>
    %eq3A_564 = vector.broadcast %broadcast_in_dim3A_563 : vector<256x1xf32> to vector<256x512xf32>
    %eq3A_565 = arith.cmpf oeq, %get3A_560, %eq3A_564 : vector<256x512xf32>
    %jit3A_566 = arith.constant 512 : i32
    %broadcast_in_dim3A_567 = vector.broadcast %jit3A_566 : i32 to vector<256x512xi32>
    %select_n3A_568 = arith.select %eq3A_565, %iota3A, %broadcast_in_dim3A_567 : vector<256x512xi1>, vector<256x512xi32>
    %reduce_min3A_569 = arith.constant dense<2147483647> : vector<256xi32>
    %reduce_min3A_570 = vector.multi_reduction <minsi>, %select_n3A_568, %reduce_min3A_569 [1] : vector<256x512xi32> to vector<256xi32>
    %broadcast_in_dim3A_571 = vector.shape_cast %reduce_min3A_570 : vector<256xi32> to vector<256x1xi32>
    %add3A_572 = vector.broadcast %mul3A_34 : i32 to vector<256x1xi32>
    %add3A_573 = arith.addi %broadcast_in_dim3A_571, %add3A_572 : vector<256x1xi32>
    %eq3A_574 = vector.broadcast %broadcast_in_dim3A_571 : vector<256x1xi32> to vector<256x512xi32>
    %eq3A_575 = arith.cmpi eq, %iota3A, %eq3A_574 : vector<256x512xi32>
    %jit3A_576 = arith.constant 0x7F800000 : f32
    %broadcast_in_dim3A_577 = vector.broadcast %jit3A_576 : f32 to vector<256x512xf32>
    %select_n3A_578 = arith.select %eq3A_575, %broadcast_in_dim3A_577, %get3A_560 : vector<256x512xi1>, vector<256x512xf32>
    %swap3A_579 = arith.constant 0 : index
    %swap3A_580 = arith.constant 0 : index
    %swap3A_581 = vector.load %arg5[%swap3A_579, %swap3A_580] : memref<256x512xf32, #tpu.memory_space<vmem>>, vector<256x512xf32>
    tpu.vector_store %arg5[%swap3A_579, %swap3A_580], %select_n3A_578 {strides = array<i32>} : memref<256x512xf32, #tpu.memory_space<vmem>>, vector<256x512xf32>,
    %get3A_582 = arith.constant 0 : index
    %get3A_583 = arith.constant 0 : index
    %get3A_584 = vector.load %arg5[%get3A_582, %get3A_583] : memref<256x512xf32, #tpu.memory_space<vmem>>, vector<256x512xf32>
    %reduce_min3A_585 = arith.constant dense<0x7F800000> : vector<256xf32>
    %reduce_min3A_586 = vector.multi_reduction <minimumf>, %get3A_584, %reduce_min3A_585 [1] : vector<256x512xf32> to vector<256xf32>
    %broadcast_in_dim3A_587 = vector.shape_cast %reduce_min3A_586 : vector<256xf32> to vector<256x1xf32>
    %eq3A_588 = vector.broadcast %broadcast_in_dim3A_587 : vector<256x1xf32> to vector<256x512xf32>
    %eq3A_589 = arith.cmpf oeq, %get3A_584, %eq3A_588 : vector<256x512xf32>
    %jit3A_590 = arith.constant 512 : i32
    %broadcast_in_dim3A_591 = vector.broadcast %jit3A_590 : i32 to vector<256x512xi32>
    %select_n3A_592 = arith.select %eq3A_589, %iota3A, %broadcast_in_dim3A_591 : vector<256x512xi1>, vector<256x512xi32>
    %reduce_min3A_593 = arith.constant dense<2147483647> : vector<256xi32>
    %reduce_min3A_594 = vector.multi_reduction <minsi>, %select_n3A_592, %reduce_min3A_593 [1] : vector<256x512xi32> to vector<256xi32>
    %broadcast_in_dim3A_595 = vector.shape_cast %reduce_min3A_594 : vector<256xi32> to vector<256x1xi32>
    %add3A_596 = vector.broadcast %mul3A_34 : i32 to vector<256x1xi32>
    %add3A_597 = arith.addi %broadcast_in_dim3A_595, %add3A_596 : vector<256x1xi32>
    %eq3A_598 = vector.broadcast %broadcast_in_dim3A_595 : vector<256x1xi32> to vector<256x512xi32>
    %eq3A_599 = arith.cmpi eq, %iota3A, %eq3A_598 : vector<256x512xi32>
    %jit3A_600 = arith.constant 0x7F800000 : f32
    %broadcast_in_dim3A_601 = vector.broadcast %jit3A_600 : f32 to vector<256x512xf32>
    %select_n3A_602 = arith.select %eq3A_599, %broadcast_in_dim3A_601, %get3A_584 : vector<256x512xi1>, vector<256x512xf32>
    %swap3A_603 = arith.constant 0 : index
    %swap3A_604 = arith.constant 0 : index
    %swap3A_605 = vector.load %arg5[%swap3A_603, %swap3A_604] : memref<256x512xf32, #tpu.memory_space<vmem>>, vector<256x512xf32>
    tpu.vector_store %arg5[%swap3A_603, %swap3A_604], %select_n3A_602 {strides = array<i32>} : memref<256x512xf32, #tpu.memory_space<vmem>>, vector<256x512xf32>,
    %get3A_606 = arith.constant 0 : index
    %get3A_607 = arith.constant 0 : index
    %get3A_608 = vector.load %arg5[%get3A_606, %get3A_607] : memref<256x512xf32, #tpu.memory_space<vmem>>, vector<256x512xf32>
    %reduce_min3A_609 = arith.constant dense<0x7F800000> : vector<256xf32>
    %reduce_min3A_610 = vector.multi_reduction <minimumf>, %get3A_608, %reduce_min3A_609 [1] : vector<256x512xf32> to vector<256xf32>
    %broadcast_in_dim3A_611 = vector.shape_cast %reduce_min3A_610 : vector<256xf32> to vector<256x1xf32>
    %eq3A_612 = vector.broadcast %broadcast_in_dim3A_611 : vector<256x1xf32> to vector<256x512xf32>
    %eq3A_613 = arith.cmpf oeq, %get3A_608, %eq3A_612 : vector<256x512xf32>
    %jit3A_614 = arith.constant 512 : i32
    %broadcast_in_dim3A_615 = vector.broadcast %jit3A_614 : i32 to vector<256x512xi32>
    %select_n3A_616 = arith.select %eq3A_613, %iota3A, %broadcast_in_dim3A_615 : vector<256x512xi1>, vector<256x512xi32>
    %reduce_min3A_617 = arith.constant dense<2147483647> : vector<256xi32>
    %reduce_min3A_618 = vector.multi_reduction <minsi>, %select_n3A_616, %reduce_min3A_617 [1] : vector<256x512xi32> to vector<256xi32>
    %broadcast_in_dim3A_619 = vector.shape_cast %reduce_min3A_618 : vector<256xi32> to vector<256x1xi32>
    %add3A_620 = vector.broadcast %mul3A_34 : i32 to vector<256x1xi32>
    %add3A_621 = arith.addi %broadcast_in_dim3A_619, %add3A_620 : vector<256x1xi32>
    %eq3A_622 = vector.broadcast %broadcast_in_dim3A_619 : vector<256x1xi32> to vector<256x512xi32>
    %eq3A_623 = arith.cmpi eq, %iota3A, %eq3A_622 : vector<256x512xi32>
    %jit3A_624 = arith.constant 0x7F800000 : f32
    %broadcast_in_dim3A_625 = vector.broadcast %jit3A_624 : f32 to vector<256x512xf32>
    %select_n3A_626 = arith.select %eq3A_623, %broadcast_in_dim3A_625, %get3A_608 : vector<256x512xi1>, vector<256x512xf32>
    %swap3A_627 = arith.constant 0 : index
    %swap3A_628 = arith.constant 0 : index
    %swap3A_629 = vector.load %arg5[%swap3A_627, %swap3A_628] : memref<256x512xf32, #tpu.memory_space<vmem>>, vector<256x512xf32>
    tpu.vector_store %arg5[%swap3A_627, %swap3A_628], %select_n3A_626 {strides = array<i32>} : memref<256x512xf32, #tpu.memory_space<vmem>>, vector<256x512xf32>,
    %get3A_630 = arith.constant 0 : index
    %get3A_631 = arith.constant 0 : index
    %get3A_632 = vector.load %arg5[%get3A_630, %get3A_631] : memref<256x512xf32, #tpu.memory_space<vmem>>, vector<256x512xf32>
    %reduce_min3A_633 = arith.constant dense<0x7F800000> : vector<256xf32>
    %reduce_min3A_634 = vector.multi_reduction <minimumf>, %get3A_632, %reduce_min3A_633 [1] : vector<256x512xf32> to vector<256xf32>
    %broadcast_in_dim3A_635 = vector.shape_cast %reduce_min3A_634 : vector<256xf32> to vector<256x1xf32>
    %eq3A_636 = vector.broadcast %broadcast_in_dim3A_635 : vector<256x1xf32> to vector<256x512xf32>
    %eq3A_637 = arith.cmpf oeq, %get3A_632, %eq3A_636 : vector<256x512xf32>
    %jit3A_638 = arith.constant 512 : i32
    %broadcast_in_dim3A_639 = vector.broadcast %jit3A_638 : i32 to vector<256x512xi32>
    %select_n3A_640 = arith.select %eq3A_637, %iota3A, %broadcast_in_dim3A_639 : vector<256x512xi1>, vector<256x512xi32>
    %reduce_min3A_641 = arith.constant dense<2147483647> : vector<256xi32>
    %reduce_min3A_642 = vector.multi_reduction <minsi>, %select_n3A_640, %reduce_min3A_641 [1] : vector<256x512xi32> to vector<256xi32>
    %broadcast_in_dim3A_643 = vector.shape_cast %reduce_min3A_642 : vector<256xi32> to vector<256x1xi32>
    %add3A_644 = vector.broadcast %mul3A_34 : i32 to vector<256x1xi32>
    %add3A_645 = arith.addi %broadcast_in_dim3A_643, %add3A_644 : vector<256x1xi32>
    %eq3A_646 = vector.broadcast %broadcast_in_dim3A_643 : vector<256x1xi32> to vector<256x512xi32>
    %eq3A_647 = arith.cmpi eq, %iota3A, %eq3A_646 : vector<256x512xi32>
    %jit3A_648 = arith.constant 0x7F800000 : f32
    %broadcast_in_dim3A_649 = vector.broadcast %jit3A_648 : f32 to vector<256x512xf32>
    %select_n3A_650 = arith.select %eq3A_647, %broadcast_in_dim3A_649, %get3A_632 : vector<256x512xi1>, vector<256x512xf32>
    %swap3A_651 = arith.constant 0 : index
    %swap3A_652 = arith.constant 0 : index
    %swap3A_653 = vector.load %arg5[%swap3A_651, %swap3A_652] : memref<256x512xf32, #tpu.memory_space<vmem>>, vector<256x512xf32>
    tpu.vector_store %arg5[%swap3A_651, %swap3A_652], %select_n3A_650 {strides = array<i32>} : memref<256x512xf32, #tpu.memory_space<vmem>>, vector<256x512xf32>,
    %get3A_654 = arith.constant 0 : index
    %get3A_655 = arith.constant 0 : index
    %get3A_656 = vector.load %arg5[%get3A_654, %get3A_655] : memref<256x512xf32, #tpu.memory_space<vmem>>, vector<256x512xf32>
    %reduce_min3A_657 = arith.constant dense<0x7F800000> : vector<256xf32>
    %reduce_min3A_658 = vector.multi_reduction <minimumf>, %get3A_656, %reduce_min3A_657 [1] : vector<256x512xf32> to vector<256xf32>
    %broadcast_in_dim3A_659 = vector.shape_cast %reduce_min3A_658 : vector<256xf32> to vector<256x1xf32>
    %eq3A_660 = vector.broadcast %broadcast_in_dim3A_659 : vector<256x1xf32> to vector<256x512xf32>
    %eq3A_661 = arith.cmpf oeq, %get3A_656, %eq3A_660 : vector<256x512xf32>
    %jit3A_662 = arith.constant 512 : i32
    %broadcast_in_dim3A_663 = vector.broadcast %jit3A_662 : i32 to vector<256x512xi32>
    %select_n3A_664 = arith.select %eq3A_661, %iota3A, %broadcast_in_dim3A_663 : vector<256x512xi1>, vector<256x512xi32>
    %reduce_min3A_665 = arith.constant dense<2147483647> : vector<256xi32>
    %reduce_min3A_666 = vector.multi_reduction <minsi>, %select_n3A_664, %reduce_min3A_665 [1] : vector<256x512xi32> to vector<256xi32>
    %broadcast_in_dim3A_667 = vector.shape_cast %reduce_min3A_666 : vector<256xi32> to vector<256x1xi32>
    %add3A_668 = vector.broadcast %mul3A_34 : i32 to vector<256x1xi32>
    %add3A_669 = arith.addi %broadcast_in_dim3A_667, %add3A_668 : vector<256x1xi32>
    %eq3A_670 = vector.broadcast %broadcast_in_dim3A_667 : vector<256x1xi32> to vector<256x512xi32>
    %eq3A_671 = arith.cmpi eq, %iota3A, %eq3A_670 : vector<256x512xi32>
    %jit3A_672 = arith.constant 0x7F800000 : f32
    %broadcast_in_dim3A_673 = vector.broadcast %jit3A_672 : f32 to vector<256x512xf32>
    %select_n3A_674 = arith.select %eq3A_671, %broadcast_in_dim3A_673, %get3A_656 : vector<256x512xi1>, vector<256x512xf32>
    %swap3A_675 = arith.constant 0 : index
    %swap3A_676 = arith.constant 0 : index
    %swap3A_677 = vector.load %arg5[%swap3A_675, %swap3A_676] : memref<256x512xf32, #tpu.memory_space<vmem>>, vector<256x512xf32>
    tpu.vector_store %arg5[%swap3A_675, %swap3A_676], %select_n3A_674 {strides = array<i32>} : memref<256x512xf32, #tpu.memory_space<vmem>>, vector<256x512xf32>,
    %get3A_678 = arith.constant 0 : index
    %get3A_679 = arith.constant 0 : index
    %get3A_680 = vector.load %arg5[%get3A_678, %get3A_679] : memref<256x512xf32, #tpu.memory_space<vmem>>, vector<256x512xf32>
    %reduce_min3A_681 = arith.constant dense<0x7F800000> : vector<256xf32>
    %reduce_min3A_682 = vector.multi_reduction <minimumf>, %get3A_680, %reduce_min3A_681 [1] : vector<256x512xf32> to vector<256xf32>
    %broadcast_in_dim3A_683 = vector.shape_cast %reduce_min3A_682 : vector<256xf32> to vector<256x1xf32>
    %eq3A_684 = vector.broadcast %broadcast_in_dim3A_683 : vector<256x1xf32> to vector<256x512xf32>
    %eq3A_685 = arith.cmpf oeq, %get3A_680, %eq3A_684 : vector<256x512xf32>
    %jit3A_686 = arith.constant 512 : i32
    %broadcast_in_dim3A_687 = vector.broadcast %jit3A_686 : i32 to vector<256x512xi32>
    %select_n3A_688 = arith.select %eq3A_685, %iota3A, %broadcast_in_dim3A_687 : vector<256x512xi1>, vector<256x512xi32>
    %reduce_min3A_689 = arith.constant dense<2147483647> : vector<256xi32>
    %reduce_min3A_690 = vector.multi_reduction <minsi>, %select_n3A_688, %reduce_min3A_689 [1] : vector<256x512xi32> to vector<256xi32>
    %broadcast_in_dim3A_691 = vector.shape_cast %reduce_min3A_690 : vector<256xi32> to vector<256x1xi32>
    %add3A_692 = vector.broadcast %mul3A_34 : i32 to vector<256x1xi32>
    %add3A_693 = arith.addi %broadcast_in_dim3A_691, %add3A_692 : vector<256x1xi32>
    %eq3A_694 = vector.broadcast %broadcast_in_dim3A_691 : vector<256x1xi32> to vector<256x512xi32>
    %eq3A_695 = arith.cmpi eq, %iota3A, %eq3A_694 : vector<256x512xi32>
    %jit3A_696 = arith.constant 0x7F800000 : f32
    %broadcast_in_dim3A_697 = vector.broadcast %jit3A_696 : f32 to vector<256x512xf32>
    %select_n3A_698 = arith.select %eq3A_695, %broadcast_in_dim3A_697, %get3A_680 : vector<256x512xi1>, vector<256x512xf32>
    %swap3A_699 = arith.constant 0 : index
    %swap3A_700 = arith.constant 0 : index
    %swap3A_701 = vector.load %arg5[%swap3A_699, %swap3A_700] : memref<256x512xf32, #tpu.memory_space<vmem>>, vector<256x512xf32>
    tpu.vector_store %arg5[%swap3A_699, %swap3A_700], %select_n3A_698 {strides = array<i32>} : memref<256x512xf32, #tpu.memory_space<vmem>>, vector<256x512xf32>,
    %get3A_702 = arith.constant 0 : index
    %get3A_703 = arith.constant 0 : index
    %get3A_704 = vector.load %arg5[%get3A_702, %get3A_703] : memref<256x512xf32, #tpu.memory_space<vmem>>, vector<256x512xf32>
    %reduce_min3A_705 = arith.constant dense<0x7F800000> : vector<256xf32>
    %reduce_min3A_706 = vector.multi_reduction <minimumf>, %get3A_704, %reduce_min3A_705 [1] : vector<256x512xf32> to vector<256xf32>
    %broadcast_in_dim3A_707 = vector.shape_cast %reduce_min3A_706 : vector<256xf32> to vector<256x1xf32>
    %eq3A_708 = vector.broadcast %broadcast_in_dim3A_707 : vector<256x1xf32> to vector<256x512xf32>
    %eq3A_709 = arith.cmpf oeq, %get3A_704, %eq3A_708 : vector<256x512xf32>
    %jit3A_710 = arith.constant 512 : i32
    %broadcast_in_dim3A_711 = vector.broadcast %jit3A_710 : i32 to vector<256x512xi32>
    %select_n3A_712 = arith.select %eq3A_709, %iota3A, %broadcast_in_dim3A_711 : vector<256x512xi1>, vector<256x512xi32>
    %reduce_min3A_713 = arith.constant dense<2147483647> : vector<256xi32>
    %reduce_min3A_714 = vector.multi_reduction <minsi>, %select_n3A_712, %reduce_min3A_713 [1] : vector<256x512xi32> to vector<256xi32>
    %broadcast_in_dim3A_715 = vector.shape_cast %reduce_min3A_714 : vector<256xi32> to vector<256x1xi32>
    %add3A_716 = vector.broadcast %mul3A_34 : i32 to vector<256x1xi32>
    %add3A_717 = arith.addi %broadcast_in_dim3A_715, %add3A_716 : vector<256x1xi32>
    %eq3A_718 = vector.broadcast %broadcast_in_dim3A_715 : vector<256x1xi32> to vector<256x512xi32>
    %eq3A_719 = arith.cmpi eq, %iota3A, %eq3A_718 : vector<256x512xi32>
    %jit3A_720 = arith.constant 0x7F800000 : f32
    %broadcast_in_dim3A_721 = vector.broadcast %jit3A_720 : f32 to vector<256x512xf32>
    %select_n3A_722 = arith.select %eq3A_719, %broadcast_in_dim3A_721, %get3A_704 : vector<256x512xi1>, vector<256x512xf32>
    %swap3A_723 = arith.constant 0 : index
    %swap3A_724 = arith.constant 0 : index
    %swap3A_725 = vector.load %arg5[%swap3A_723, %swap3A_724] : memref<256x512xf32, #tpu.memory_space<vmem>>, vector<256x512xf32>
    tpu.vector_store %arg5[%swap3A_723, %swap3A_724], %select_n3A_722 {strides = array<i32>} : memref<256x512xf32, #tpu.memory_space<vmem>>, vector<256x512xf32>,
    %get3A_726 = arith.constant 0 : index
    %get3A_727 = arith.constant 0 : index
    %get3A_728 = vector.load %arg5[%get3A_726, %get3A_727] : memref<256x512xf32, #tpu.memory_space<vmem>>, vector<256x512xf32>
    %reduce_min3A_729 = arith.constant dense<0x7F800000> : vector<256xf32>
    %reduce_min3A_730 = vector.multi_reduction <minimumf>, %get3A_728, %reduce_min3A_729 [1] : vector<256x512xf32> to vector<256xf32>
    %broadcast_in_dim3A_731 = vector.shape_cast %reduce_min3A_730 : vector<256xf32> to vector<256x1xf32>
    %eq3A_732 = vector.broadcast %broadcast_in_dim3A_731 : vector<256x1xf32> to vector<256x512xf32>
    %eq3A_733 = arith.cmpf oeq, %get3A_728, %eq3A_732 : vector<256x512xf32>
    %jit3A_734 = arith.constant 512 : i32
    %broadcast_in_dim3A_735 = vector.broadcast %jit3A_734 : i32 to vector<256x512xi32>
    %select_n3A_736 = arith.select %eq3A_733, %iota3A, %broadcast_in_dim3A_735 : vector<256x512xi1>, vector<256x512xi32>
    %reduce_min3A_737 = arith.constant dense<2147483647> : vector<256xi32>
    %reduce_min3A_738 = vector.multi_reduction <minsi>, %select_n3A_736, %reduce_min3A_737 [1] : vector<256x512xi32> to vector<256xi32>
    %broadcast_in_dim3A_739 = vector.shape_cast %reduce_min3A_738 : vector<256xi32> to vector<256x1xi32>
    %add3A_740 = vector.broadcast %mul3A_34 : i32 to vector<256x1xi32>
    %add3A_741 = arith.addi %broadcast_in_dim3A_739, %add3A_740 : vector<256x1xi32>
    %eq3A_742 = vector.broadcast %broadcast_in_dim3A_739 : vector<256x1xi32> to vector<256x512xi32>
    %eq3A_743 = arith.cmpi eq, %iota3A, %eq3A_742 : vector<256x512xi32>
    %jit3A_744 = arith.constant 0x7F800000 : f32
    %broadcast_in_dim3A_745 = vector.broadcast %jit3A_744 : f32 to vector<256x512xf32>
    %select_n3A_746 = arith.select %eq3A_743, %broadcast_in_dim3A_745, %get3A_728 : vector<256x512xi1>, vector<256x512xf32>
    %swap3A_747 = arith.constant 0 : index
    %swap3A_748 = arith.constant 0 : index
    %swap3A_749 = vector.load %arg5[%swap3A_747, %swap3A_748] : memref<256x512xf32, #tpu.memory_space<vmem>>, vector<256x512xf32>
    tpu.vector_store %arg5[%swap3A_747, %swap3A_748], %select_n3A_746 {strides = array<i32>} : memref<256x512xf32, #tpu.memory_space<vmem>>, vector<256x512xf32>,
    %get3A_750 = arith.constant 0 : index
    %get3A_751 = arith.constant 0 : index
    %get3A_752 = vector.load %arg5[%get3A_750, %get3A_751] : memref<256x512xf32, #tpu.memory_space<vmem>>, vector<256x512xf32>
    %reduce_min3A_753 = arith.constant dense<0x7F800000> : vector<256xf32>
    %reduce_min3A_754 = vector.multi_reduction <minimumf>, %get3A_752, %reduce_min3A_753 [1] : vector<256x512xf32> to vector<256xf32>
    %broadcast_in_dim3A_755 = vector.shape_cast %reduce_min3A_754 : vector<256xf32> to vector<256x1xf32>
    %eq3A_756 = vector.broadcast %broadcast_in_dim3A_755 : vector<256x1xf32> to vector<256x512xf32>
    %eq3A_757 = arith.cmpf oeq, %get3A_752, %eq3A_756 : vector<256x512xf32>
    %jit3A_758 = arith.constant 512 : i32
    %broadcast_in_dim3A_759 = vector.broadcast %jit3A_758 : i32 to vector<256x512xi32>
    %select_n3A_760 = arith.select %eq3A_757, %iota3A, %broadcast_in_dim3A_759 : vector<256x512xi1>, vector<256x512xi32>
    %reduce_min3A_761 = arith.constant dense<2147483647> : vector<256xi32>
    %reduce_min3A_762 = vector.multi_reduction <minsi>, %select_n3A_760, %reduce_min3A_761 [1] : vector<256x512xi32> to vector<256xi32>
    %broadcast_in_dim3A_763 = vector.shape_cast %reduce_min3A_762 : vector<256xi32> to vector<256x1xi32>
    %add3A_764 = vector.broadcast %mul3A_34 : i32 to vector<256x1xi32>
    %add3A_765 = arith.addi %broadcast_in_dim3A_763, %add3A_764 : vector<256x1xi32>
    %eq3A_766 = vector.broadcast %broadcast_in_dim3A_763 : vector<256x1xi32> to vector<256x512xi32>
    %eq3A_767 = arith.cmpi eq, %iota3A, %eq3A_766 : vector<256x512xi32>
    %jit3A_768 = arith.constant 0x7F800000 : f32
    %broadcast_in_dim3A_769 = vector.broadcast %jit3A_768 : f32 to vector<256x512xf32>
    %select_n3A_770 = arith.select %eq3A_767, %broadcast_in_dim3A_769, %get3A_752 : vector<256x512xi1>, vector<256x512xf32>
    %swap3A_771 = arith.constant 0 : index
    %swap3A_772 = arith.constant 0 : index
    %swap3A_773 = vector.load %arg5[%swap3A_771, %swap3A_772] : memref<256x512xf32, #tpu.memory_space<vmem>>, vector<256x512xf32>
    tpu.vector_store %arg5[%swap3A_771, %swap3A_772], %select_n3A_770 {strides = array<i32>} : memref<256x512xf32, #tpu.memory_space<vmem>>, vector<256x512xf32>,
    %get3A_774 = arith.constant 0 : index
    %get3A_775 = arith.constant 0 : index
    %get3A_776 = vector.load %arg5[%get3A_774, %get3A_775] : memref<256x512xf32, #tpu.memory_space<vmem>>, vector<256x512xf32>
    %reduce_min3A_777 = arith.constant dense<0x7F800000> : vector<256xf32>
    %reduce_min3A_778 = vector.multi_reduction <minimumf>, %get3A_776, %reduce_min3A_777 [1] : vector<256x512xf32> to vector<256xf32>
    %broadcast_in_dim3A_779 = vector.shape_cast %reduce_min3A_778 : vector<256xf32> to vector<256x1xf32>
    %eq3A_780 = vector.broadcast %broadcast_in_dim3A_779 : vector<256x1xf32> to vector<256x512xf32>
    %eq3A_781 = arith.cmpf oeq, %get3A_776, %eq3A_780 : vector<256x512xf32>
    %jit3A_782 = arith.constant 512 : i32
    %broadcast_in_dim3A_783 = vector.broadcast %jit3A_782 : i32 to vector<256x512xi32>
    %select_n3A_784 = arith.select %eq3A_781, %iota3A, %broadcast_in_dim3A_783 : vector<256x512xi1>, vector<256x512xi32>
    %reduce_min3A_785 = arith.constant dense<2147483647> : vector<256xi32>
    %reduce_min3A_786 = vector.multi_reduction <minsi>, %select_n3A_784, %reduce_min3A_785 [1] : vector<256x512xi32> to vector<256xi32>
    %broadcast_in_dim3A_787 = vector.shape_cast %reduce_min3A_786 : vector<256xi32> to vector<256x1xi32>
    %add3A_788 = vector.broadcast %mul3A_34 : i32 to vector<256x1xi32>
    %add3A_789 = arith.addi %broadcast_in_dim3A_787, %add3A_788 : vector<256x1xi32>
    %eq3A_790 = vector.broadcast %broadcast_in_dim3A_787 : vector<256x1xi32> to vector<256x512xi32>
    %eq3A_791 = arith.cmpi eq, %iota3A, %eq3A_790 : vector<256x512xi32>
    %jit3A_792 = arith.constant 0x7F800000 : f32
    %broadcast_in_dim3A_793 = vector.broadcast %jit3A_792 : f32 to vector<256x512xf32>
    %select_n3A_794 = arith.select %eq3A_791, %broadcast_in_dim3A_793, %get3A_776 : vector<256x512xi1>, vector<256x512xf32>
    %swap3A_795 = arith.constant 0 : index
    %swap3A_796 = arith.constant 0 : index
    %swap3A_797 = vector.load %arg5[%swap3A_795, %swap3A_796] : memref<256x512xf32, #tpu.memory_space<vmem>>, vector<256x512xf32>
    tpu.vector_store %arg5[%swap3A_795, %swap3A_796], %select_n3A_794 {strides = array<i32>} : memref<256x512xf32, #tpu.memory_space<vmem>>, vector<256x512xf32>,
    %concatenate3A = tpu.concatenate %add3A_45, %add3A_69, %add3A_93, %add3A_117, %add3A_141, %add3A_165, %add3A_189, %add3A_213, %add3A_237, %add3A_261, %add3A_285, %add3A_309, %add3A_333, %add3A_357, %add3A_381, %add3A_405, %add3A_429, %add3A_453, %add3A_477, %add3A_501, %add3A_525, %add3A_549, %add3A_573, %add3A_597, %add3A_621, %add3A_645, %add3A_669, %add3A_693, %add3A_717, %add3A_741, %add3A_765, %add3A_789 in 1 : vector<256x1xi32>, vector<256x1xi32>, vector<256x1xi32>, vector<256x1xi32>, vector<256x1xi32>, vector<256x1xi32>, vector<256x1xi32>, vector<256x1xi32>, vector<256x1xi32>, vector<256x1xi32>, vector<256x1xi32>, vector<256x1xi32>, vector<256x1xi32>, vector<256x1xi32>, vector<256x1xi32>, vector<256x1xi32>, vector<256x1xi32>, vector<256x1xi32>, vector<256x1xi32>, vector<256x1xi32>, vector<256x1xi32>, vector<256x1xi32>, vector<256x1xi32>, vector<256x1xi32>, vector<256x1xi32>, vector<256x1xi32>, vector<256x1xi32>, vector<256x1xi32>, vector<256x1xi32>, vector<256x1xi32>, vector<256x1xi32>, vector<256x1xi32> -> vector<256x32xi32>
    %swap3A_798 = arith.constant 0 : index
    %swap3A_799 = arith.constant 0 : index
    %swap3A_800 = arith.constant 0 : index
    %swap3A_801 = vector.load %arg4[%swap3A_798, %swap3A_799, %swap3A_800] : memref<1x256x32xi32, #tpu.memory_space<vmem>>, vector<1x256x32xi32>
    %swap3A_802 = vector.shape_cast %swap3A_801 : vector<1x256x32xi32> to vector<256x32xi32>
    %swap3A_803 = vector.shape_cast %concatenate3A : vector<256x32xi32> to vector<1x256x32xi32>
    tpu.vector_store %arg4[%swap3A_798, %swap3A_799, %swap3A_800], %swap3A_803 {strides = array<i32>} : memref<1x256x32xi32, #tpu.memory_space<vmem>>, vector<1x256x32xi32>,
    return
  }
  func.func @transform_0(%arg0: i32, %arg1: i32) -> (i32, i32, i32) {
    %c0_i32 = arith.constant 0 : i32
    %c0_i32_0 = arith.constant 0 : i32
    %c0_i32_1 = arith.constant 0 : i32
    return %arg0, %c0_i32, %c0_i32_0 : i32, i32, i32
  }
  func.func @transform_1(%arg0: i32, %arg1: i32) -> (i32, i32, i32) {
    %c0_i32 = arith.constant 0 : i32
    %c0_i32_0 = arith.constant 0 : i32
    return %arg0, %arg1, %c0_i32 : i32, i32, i32
  }
  func.func @transform_2(%arg0: i32, %arg1: i32) -> (i32, i32, i32) {
    %c0_i32 = arith.constant 0 : i32
    %c0_i32_0 = arith.constant 0 : i32
    return %arg0, %arg1, %c0_i32 : i32, i32, i32
  }
}

module attributes {stable_mosaic.version = 14 : i64} {
  func.func @_mcg_body(%arg0: i32, %arg1: memref<2048x128xf32, #tpu.memory_space<vmem>>, %arg2: memref<64x3xf32, #tpu.memory_space<vmem>>, %arg3: memref<7x32xf32, #tpu.memory_space<vmem>>, %arg4: memref<1x32xf32, #tpu.memory_space<vmem>>, %arg5: memref<32x1xf32, #tpu.memory_space<vmem>>, %arg6: memref<1x1xf32, #tpu.memory_space<vmem>>, %arg7: memref<1x64xf32, #tpu.memory_space<vmem>>, %arg8: memref<1x64xf32, #tpu.memory_space<vmem>>, %arg9: memref<64x128xf32, #tpu.memory_space<vmem>>, %arg10: memref<1x128xf32, #tpu.memory_space<vmem>>, %arg11: memref<3x128xf32, #tpu.memory_space<vmem>>, %arg12: memref<64x128xf32, #tpu.memory_space<vmem>>) attributes {dimension_semantics = [#tpu.dimension_semantics<arbitrary>], iteration_bounds = array<i64: 128>, scalar_prefetch = 0 : i64, scratch_operands = 0 : i64, tpu.core_type = #tpu.core_type<tc>, window_params = [{transform_indices = @transform_0, window_bounds = array<i64: 2048, 128>}, {transform_indices = @transform_1, window_bounds = array<i64: 64, 3>}, {pipeline_mode = #tpu.pipeline_mode<synchronous>, transform_indices = @transform_2, window_bounds = array<i64: 7, 32>}, {pipeline_mode = #tpu.pipeline_mode<synchronous>, transform_indices = @transform_3, window_bounds = array<i64: 1, 32>}, {pipeline_mode = #tpu.pipeline_mode<synchronous>, transform_indices = @transform_4, window_bounds = array<i64: 32, 1>}, {pipeline_mode = #tpu.pipeline_mode<synchronous>, transform_indices = @transform_5, window_bounds = array<i64: 1, 1>}, {pipeline_mode = #tpu.pipeline_mode<synchronous>, transform_indices = @transform_6, window_bounds = array<i64: 1, 64>}, {pipeline_mode = #tpu.pipeline_mode<synchronous>, transform_indices = @transform_7, window_bounds = array<i64: 1, 64>}, {pipeline_mode = #tpu.pipeline_mode<synchronous>, transform_indices = @transform_8, window_bounds = array<i64: 64, 128>}, {pipeline_mode = #tpu.pipeline_mode<synchronous>, transform_indices = @transform_9, window_bounds = array<i64: 1, 128>}, {pipeline_mode = #tpu.pipeline_mode<synchronous>, transform_indices = @transform_10, window_bounds = array<i64: 3, 128>}, {transform_indices = @transform_11, window_bounds = array<i64: 64, 128>}]} {
    %get3A = arith.constant 0 : index
    %get3A_0 = arith.constant 0 : index
    %get3A_1 = vector.load %arg1[%get3A, %get3A_0] : memref<2048x128xf32, #tpu.memory_space<vmem>>, vector<2048x128xf32>
    %slice3A = vector.extract_strided_slice %get3A_1 {offsets = [0, 0], sizes = [2048, 3], strides = [1, 1]} : vector<2048x128xf32> to vector<2048x3xf32>
    %slice3A_2 = vector.extract_strided_slice %get3A_1 {offsets = [0, 3], sizes = [2048, 3], strides = [1, 1]} : vector<2048x128xf32> to vector<2048x3xf32>
    %get3A_3 = arith.constant 0 : index
    %get3A_4 = arith.constant 0 : index
    %get3A_5 = vector.load %arg2[%get3A_3, %get3A_4] : memref<64x3xf32, #tpu.memory_space<vmem>>, vector<64x3xf32>
    %broadcast_in_dim3A = vector.shape_cast %get3A_5 : vector<64x3xf32> to vector<64x1x3xf32>
    %broadcast_in_dim3A_6 = vector.shape_cast %broadcast_in_dim3A : vector<64x1x3xf32> to vector<64x1x3xf32>
    %broadcast_in_dim3A_7 = vector.broadcast %broadcast_in_dim3A_6 : vector<64x1x3xf32> to vector<64x32x3xf32>
    %reshape3A = vector.shape_cast %broadcast_in_dim3A_7 : vector<64x32x3xf32> to vector<2048x3xf32>
    %sub3A = arith.subf %slice3A, %reshape3A : vector<2048x3xf32>
    %mul3A = arith.mulf %sub3A, %sub3A : vector<2048x3xf32>
    %reduce_sum3A = arith.constant dense<0.000000e+00> : vector<2048xf32>
    %reduce_sum3A_8 = vector.multi_reduction <add>, %mul3A, %reduce_sum3A [1] : vector<2048x3xf32> to vector<2048xf32>
    %broadcast_in_dim3A_9 = vector.shape_cast %reduce_sum3A_8 : vector<2048xf32> to vector<2048x1xf32>
    %add3A = arith.constant 9.99999993E-9 : f32
    %add3A_10 = vector.broadcast %add3A : f32 to vector<2048x1xf32>
    %add3A_11 = arith.addf %broadcast_in_dim3A_9, %add3A_10 : vector<2048x1xf32>
    %sqrt3A = math.sqrt %add3A_11 : vector<2048x1xf32>
    %concatenate3A = tpu.concatenate %sub3A, %reshape3A, %sqrt3A in 1 : vector<2048x3xf32>, vector<2048x3xf32>, vector<2048x1xf32> -> vector<2048x7xf32>
    %get3A_12 = arith.constant 0 : index
    %get3A_13 = arith.constant 0 : index
    %get3A_14 = vector.load %arg3[%get3A_12, %get3A_13] : memref<7x32xf32, #tpu.memory_space<vmem>>, vector<7x32xf32>
    %dot_general3A = arith.constant dense<0.000000e+00> : vector<2048x32xf32>
    %dot_general3A_15 = tpu.matmul %concatenate3A, %get3A_14, %dot_general3A {dimension_numbers = #tpu.dot_dimension_numbers<[1], [0], [0], [1], [0, 0, 1, 1], [], []>, transpose_lhs_hint = false} : vector<2048x7xf32>, vector<7x32xf32>, vector<2048x32xf32> -> vector<2048x32xf32>
    %get3A_16 = arith.constant 0 : index
    %get3A_17 = arith.constant 0 : index
    %get3A_18 = vector.load %arg4[%get3A_16, %get3A_17] : memref<1x32xf32, #tpu.memory_space<vmem>>, vector<1x32xf32>
    %add3A_19 = vector.broadcast %get3A_18 : vector<1x32xf32> to vector<2048x32xf32>
    %add3A_20 = arith.addf %dot_general3A_15, %add3A_19 : vector<2048x32xf32>
    %max3A = arith.constant 0.000000e+00 : f32
    %max3A_21 = vector.broadcast %max3A : f32 to vector<2048x32xf32>
    %max3A_22 = arith.maximumf %add3A_20, %max3A_21 : vector<2048x32xf32>
    %get3A_23 = arith.constant 0 : index
    %get3A_24 = arith.constant 0 : index
    %get3A_25 = vector.load %arg5[%get3A_23, %get3A_24] : memref<32x1xf32, #tpu.memory_space<vmem>>, vector<32x1xf32>
    %dot_general3A_26 = arith.constant dense<0.000000e+00> : vector<2048x1xf32>
    %dot_general3A_27 = tpu.matmul %max3A_22, %get3A_25, %dot_general3A_26 {dimension_numbers = #tpu.dot_dimension_numbers<[1], [0], [0], [1], [0, 0, 1, 1], [], []>, transpose_lhs_hint = false} : vector<2048x32xf32>, vector<32x1xf32>, vector<2048x1xf32> -> vector<2048x1xf32>
    %get3A_28 = arith.constant 0 : index
    %get3A_29 = arith.constant 0 : index
    %get3A_30 = vector.load %arg6[%get3A_28, %get3A_29] : memref<1x1xf32, #tpu.memory_space<vmem>>, vector<1x1xf32>
    %add3A_31 = vector.broadcast %get3A_30 : vector<1x1xf32> to vector<2048x1xf32>
    %add3A_32 = arith.addf %dot_general3A_27, %add3A_31 : vector<2048x1xf32>
    %get3A_33 = arith.constant 0 : index
    %get3A_34 = arith.constant 0 : index
    %get3A_35 = vector.load %arg7[%get3A_33, %get3A_34] : memref<1x64xf32, #tpu.memory_space<vmem>>, vector<1x64xf32>
    %mul3A_36 = vector.broadcast %add3A_32 : vector<2048x1xf32> to vector<2048x64xf32>
    %mul3A_37 = vector.broadcast %get3A_35 : vector<1x64xf32> to vector<2048x64xf32>
    %mul3A_38 = arith.mulf %mul3A_36, %mul3A_37 : vector<2048x64xf32>
    %get3A_39 = arith.constant 0 : index
    %get3A_40 = arith.constant 0 : index
    %get3A_41 = vector.load %arg8[%get3A_39, %get3A_40] : memref<1x64xf32, #tpu.memory_space<vmem>>, vector<1x64xf32>
    %add3A_42 = vector.broadcast %get3A_41 : vector<1x64xf32> to vector<2048x64xf32>
    %add3A_43 = arith.addf %mul3A_38, %add3A_42 : vector<2048x64xf32>
    %max3A_44 = arith.constant 0.000000e+00 : f32
    %max3A_45 = vector.broadcast %max3A_44 : f32 to vector<2048x64xf32>
    %max3A_46 = arith.maximumf %add3A_43, %max3A_45 : vector<2048x64xf32>
    %get3A_47 = arith.constant 0 : index
    %get3A_48 = arith.constant 0 : index
    %get3A_49 = vector.load %arg9[%get3A_47, %get3A_48] : memref<64x128xf32, #tpu.memory_space<vmem>>, vector<64x128xf32>
    %dot_general3A_50 = arith.constant dense<0.000000e+00> : vector<2048x128xf32>
    %dot_general3A_51 = tpu.matmul %max3A_46, %get3A_49, %dot_general3A_50 {dimension_numbers = #tpu.dot_dimension_numbers<[1], [0], [0], [1], [0, 0, 1, 1], [], []>, transpose_lhs_hint = false} : vector<2048x64xf32>, vector<64x128xf32>, vector<2048x128xf32> -> vector<2048x128xf32>
    %get3A_52 = arith.constant 0 : index
    %get3A_53 = arith.constant 0 : index
    %get3A_54 = vector.load %arg10[%get3A_52, %get3A_53] : memref<1x128xf32, #tpu.memory_space<vmem>>, vector<1x128xf32>
    %add3A_55 = vector.broadcast %get3A_54 : vector<1x128xf32> to vector<2048x128xf32>
    %add3A_56 = arith.addf %dot_general3A_51, %add3A_55 : vector<2048x128xf32>
    %max3A_57 = arith.constant 0.000000e+00 : f32
    %max3A_58 = vector.broadcast %max3A_57 : f32 to vector<2048x128xf32>
    %max3A_59 = arith.maximumf %add3A_56, %max3A_58 : vector<2048x128xf32>
    %get3A_60 = arith.constant 0 : index
    %get3A_61 = arith.constant 0 : index
    %get3A_62 = vector.load %arg11[%get3A_60, %get3A_61] : memref<3x128xf32, #tpu.memory_space<vmem>>, vector<3x128xf32>
    %dot_general3A_63 = arith.constant dense<0.000000e+00> : vector<2048x128xf32>
    %dot_general3A_64 = tpu.matmul %slice3A_2, %get3A_62, %dot_general3A_63 {dimension_numbers = #tpu.dot_dimension_numbers<[1], [0], [0], [1], [0, 0, 1, 1], [], []>, transpose_lhs_hint = false} : vector<2048x3xf32>, vector<3x128xf32>, vector<2048x128xf32> -> vector<2048x128xf32>
    %mul3A_65 = arith.mulf %dot_general3A_64, %max3A_59 : vector<2048x128xf32>
    %reshape3A_66 = vector.shape_cast %mul3A_65 : vector<2048x128xf32> to vector<64x32x128xf32>
    %reduce_max3A = arith.constant dense<0xFF800000> : vector<64x128xf32>
    %reduce_max3A_67 = vector.multi_reduction <maximumf>, %reshape3A_66, %reduce_max3A [1] : vector<64x32x128xf32> to vector<64x128xf32>
    %swap3A = arith.constant 0 : index
    %swap3A_68 = arith.constant 0 : index
    %swap3A_69 = vector.load %arg12[%swap3A, %swap3A_68] : memref<64x128xf32, #tpu.memory_space<vmem>>, vector<64x128xf32>
    tpu.vector_store %arg12[%swap3A, %swap3A_68], %reduce_max3A_67 {strides = array<i32>} : memref<64x128xf32, #tpu.memory_space<vmem>>, vector<64x128xf32>,
    return
  }
  func.func @transform_0(%arg0: i32) -> (i32, i32) {
    %c0_i32 = arith.constant 0 : i32
    %c0_i32_0 = arith.constant 0 : i32
    return %arg0, %c0_i32 : i32, i32
  }
  func.func @transform_1(%arg0: i32) -> (i32, i32) {
    %c0_i32 = arith.constant 0 : i32
    %c0_i32_0 = arith.constant 0 : i32
    return %arg0, %c0_i32 : i32, i32
  }
  func.func @transform_2(%arg0: i32) -> (i32, i32) {
    %c0_i32 = arith.constant 0 : i32
    %c0_i32_0 = arith.constant 0 : i32
    %c0_i32_1 = arith.constant 0 : i32
    return %c0_i32, %c0_i32_0 : i32, i32
  }
  func.func @transform_3(%arg0: i32) -> (i32, i32) {
    %c0_i32 = arith.constant 0 : i32
    %c0_i32_0 = arith.constant 0 : i32
    %c0_i32_1 = arith.constant 0 : i32
    return %c0_i32, %c0_i32_0 : i32, i32
  }
  func.func @transform_4(%arg0: i32) -> (i32, i32) {
    %c0_i32 = arith.constant 0 : i32
    %c0_i32_0 = arith.constant 0 : i32
    %c0_i32_1 = arith.constant 0 : i32
    return %c0_i32, %c0_i32_0 : i32, i32
  }
  func.func @transform_5(%arg0: i32) -> (i32, i32) {
    %c0_i32 = arith.constant 0 : i32
    %c0_i32_0 = arith.constant 0 : i32
    %c0_i32_1 = arith.constant 0 : i32
    return %c0_i32, %c0_i32_0 : i32, i32
  }
  func.func @transform_6(%arg0: i32) -> (i32, i32) {
    %c0_i32 = arith.constant 0 : i32
    %c0_i32_0 = arith.constant 0 : i32
    %c0_i32_1 = arith.constant 0 : i32
    return %c0_i32, %c0_i32_0 : i32, i32
  }
  func.func @transform_7(%arg0: i32) -> (i32, i32) {
    %c0_i32 = arith.constant 0 : i32
    %c0_i32_0 = arith.constant 0 : i32
    %c0_i32_1 = arith.constant 0 : i32
    return %c0_i32, %c0_i32_0 : i32, i32
  }
  func.func @transform_8(%arg0: i32) -> (i32, i32) {
    %c0_i32 = arith.constant 0 : i32
    %c0_i32_0 = arith.constant 0 : i32
    %c0_i32_1 = arith.constant 0 : i32
    return %c0_i32, %c0_i32_0 : i32, i32
  }
  func.func @transform_9(%arg0: i32) -> (i32, i32) {
    %c0_i32 = arith.constant 0 : i32
    %c0_i32_0 = arith.constant 0 : i32
    %c0_i32_1 = arith.constant 0 : i32
    return %c0_i32, %c0_i32_0 : i32, i32
  }
  func.func @transform_10(%arg0: i32) -> (i32, i32) {
    %c0_i32 = arith.constant 0 : i32
    %c0_i32_0 = arith.constant 0 : i32
    %c0_i32_1 = arith.constant 0 : i32
    return %c0_i32, %c0_i32_0 : i32, i32
  }
  func.func @transform_11(%arg0: i32) -> (i32, i32) {
    %c0_i32 = arith.constant 0 : i32
    %c0_i32_0 = arith.constant 0 : i32
    return %arg0, %c0_i32 : i32, i32
  }
}

module attributes {stable_mosaic.version = 14 : i64} {
  func.func @_knn_body(%arg0: i32, %arg1: i32, %arg2: memref<1x3x256xf32, #tpu.memory_space<vmem>>, %arg3: memref<1x128x3xf32, #tpu.memory_space<vmem>>, %arg4: memref<1x128x32xi32, #tpu.memory_space<vmem>>, %arg5: memref<128x256xf32, #tpu.memory_space<vmem>>) attributes {dimension_semantics = [#tpu.dimension_semantics<arbitrary>, #tpu.dimension_semantics<arbitrary>], iteration_bounds = array<i64: 16, 1>, scalar_prefetch = 0 : i64, scratch_operands = 1 : i64, tpu.core_type = #tpu.core_type<tc>, window_params = [{transform_indices = @transform_0, window_bounds = array<i64: 1, 3, 256>}, {transform_indices = @transform_1, window_bounds = array<i64: 1, 128, 3>}, {transform_indices = @transform_2, window_bounds = array<i64: 1, 128, 32>}]} {
    %get3A = arith.constant 0 : index
    %get3A_0 = arith.constant 0 : index
    %get3A_1 = arith.constant 0 : index
    %get3A_2 = vector.load %arg3[%get3A, %get3A_0, %get3A_1] : memref<1x128x3xf32, #tpu.memory_space<vmem>>, vector<1x128x3xf32>
    %get3A_3 = vector.shape_cast %get3A_2 : vector<1x128x3xf32> to vector<128x3xf32>
    %get3A_4 = arith.constant 0 : index
    %get3A_5 = arith.constant 0 : index
    %get3A_6 = arith.constant 0 : index
    %get3A_7 = vector.load %arg2[%get3A_4, %get3A_5, %get3A_6] : memref<1x3x256xf32, #tpu.memory_space<vmem>>, vector<1x1x256xf32>
    %get3A_8 = vector.shape_cast %get3A_7 : vector<1x1x256xf32> to vector<1x256xf32>
    %slice3A = vector.extract_strided_slice %get3A_3 {offsets = [0, 0], sizes = [128, 1], strides = [1, 1]} : vector<128x3xf32> to vector<128x1xf32>
    %sub3A = vector.broadcast %get3A_8 : vector<1x256xf32> to vector<128x256xf32>
    %sub3A_9 = vector.broadcast %slice3A : vector<128x1xf32> to vector<128x256xf32>
    %sub3A_10 = arith.subf %sub3A, %sub3A_9 : vector<128x256xf32>
    %integer_pow3A = arith.mulf %sub3A_10, %sub3A_10 : vector<128x256xf32>
    %get3A_11 = arith.constant 0 : index
    %get3A_12 = arith.constant 1 : index
    %get3A_13 = arith.constant 0 : index
    %get3A_14 = vector.load %arg2[%get3A_11, %get3A_12, %get3A_13] : memref<1x3x256xf32, #tpu.memory_space<vmem>>, vector<1x1x256xf32>
    %get3A_15 = vector.shape_cast %get3A_14 : vector<1x1x256xf32> to vector<1x256xf32>
    %slice3A_16 = vector.extract_strided_slice %get3A_3 {offsets = [0, 1], sizes = [128, 1], strides = [1, 1]} : vector<128x3xf32> to vector<128x1xf32>
    %sub3A_17 = vector.broadcast %get3A_15 : vector<1x256xf32> to vector<128x256xf32>
    %sub3A_18 = vector.broadcast %slice3A_16 : vector<128x1xf32> to vector<128x256xf32>
    %sub3A_19 = arith.subf %sub3A_17, %sub3A_18 : vector<128x256xf32>
    %integer_pow3A_20 = arith.mulf %sub3A_19, %sub3A_19 : vector<128x256xf32>
    %add3A = arith.addf %integer_pow3A, %integer_pow3A_20 : vector<128x256xf32>
    %get3A_21 = arith.constant 0 : index
    %get3A_22 = arith.constant 2 : index
    %get3A_23 = arith.constant 0 : index
    %get3A_24 = vector.load %arg2[%get3A_21, %get3A_22, %get3A_23] : memref<1x3x256xf32, #tpu.memory_space<vmem>>, vector<1x1x256xf32>
    %get3A_25 = vector.shape_cast %get3A_24 : vector<1x1x256xf32> to vector<1x256xf32>
    %slice3A_26 = vector.extract_strided_slice %get3A_3 {offsets = [0, 2], sizes = [128, 1], strides = [1, 1]} : vector<128x3xf32> to vector<128x1xf32>
    %sub3A_27 = vector.broadcast %get3A_25 : vector<1x256xf32> to vector<128x256xf32>
    %sub3A_28 = vector.broadcast %slice3A_26 : vector<128x1xf32> to vector<128x256xf32>
    %sub3A_29 = arith.subf %sub3A_27, %sub3A_28 : vector<128x256xf32>
    %integer_pow3A_30 = arith.mulf %sub3A_29, %sub3A_29 : vector<128x256xf32>
    %add3A_31 = arith.addf %add3A, %integer_pow3A_30 : vector<128x256xf32>
    %swap3A = arith.constant 0 : index
    %swap3A_32 = arith.constant 0 : index
    %swap3A_33 = vector.load %arg5[%swap3A, %swap3A_32] : memref<128x256xf32, #tpu.memory_space<vmem>>, vector<128x256xf32>
    tpu.vector_store %arg5[%swap3A, %swap3A_32], %add3A_31 {strides = array<i32>} : memref<128x256xf32, #tpu.memory_space<vmem>>, vector<128x256xf32>,
    %iota3A = tpu.iota {dimensions = array<i32: 1>} : vector<128x256xi32>
    %mul3A = arith.constant 256 : i32
    %mul3A_34 = arith.muli %arg0, %mul3A : i32
    %get3A_35 = arith.constant 0 : index
    %get3A_36 = arith.constant 0 : index
    %get3A_37 = vector.load %arg5[%get3A_35, %get3A_36] : memref<128x256xf32, #tpu.memory_space<vmem>>, vector<128x256xf32>
    %reduce_min3A = arith.constant dense<0x7F800000> : vector<128xf32>
    %reduce_min3A_38 = vector.multi_reduction <minimumf>, %get3A_37, %reduce_min3A [1] : vector<128x256xf32> to vector<128xf32>
    %broadcast_in_dim3A = vector.shape_cast %reduce_min3A_38 : vector<128xf32> to vector<128x1xf32>
    %eq3A = vector.broadcast %broadcast_in_dim3A : vector<128x1xf32> to vector<128x256xf32>
    %eq3A_39 = arith.cmpf oeq, %get3A_37, %eq3A : vector<128x256xf32>
    %jit3A = arith.constant 256 : i32
    %broadcast_in_dim3A_40 = vector.broadcast %jit3A : i32 to vector<128x256xi32>
    %select_n3A = arith.select %eq3A_39, %iota3A, %broadcast_in_dim3A_40 : vector<128x256xi1>, vector<128x256xi32>
    %reduce_min3A_41 = arith.constant dense<2147483647> : vector<128xi32>
    %reduce_min3A_42 = vector.multi_reduction <minsi>, %select_n3A, %reduce_min3A_41 [1] : vector<128x256xi32> to vector<128xi32>
    %broadcast_in_dim3A_43 = vector.shape_cast %reduce_min3A_42 : vector<128xi32> to vector<128x1xi32>
    %add3A_44 = vector.broadcast %mul3A_34 : i32 to vector<128x1xi32>
    %add3A_45 = arith.addi %broadcast_in_dim3A_43, %add3A_44 : vector<128x1xi32>
    %eq3A_46 = vector.broadcast %broadcast_in_dim3A_43 : vector<128x1xi32> to vector<128x256xi32>
    %eq3A_47 = arith.cmpi eq, %iota3A, %eq3A_46 : vector<128x256xi32>
    %jit3A_48 = arith.constant 0x7F800000 : f32
    %broadcast_in_dim3A_49 = vector.broadcast %jit3A_48 : f32 to vector<128x256xf32>
    %select_n3A_50 = arith.select %eq3A_47, %broadcast_in_dim3A_49, %get3A_37 : vector<128x256xi1>, vector<128x256xf32>
    %swap3A_51 = arith.constant 0 : index
    %swap3A_52 = arith.constant 0 : index
    %swap3A_53 = vector.load %arg5[%swap3A_51, %swap3A_52] : memref<128x256xf32, #tpu.memory_space<vmem>>, vector<128x256xf32>
    tpu.vector_store %arg5[%swap3A_51, %swap3A_52], %select_n3A_50 {strides = array<i32>} : memref<128x256xf32, #tpu.memory_space<vmem>>, vector<128x256xf32>,
    %get3A_54 = arith.constant 0 : index
    %get3A_55 = arith.constant 0 : index
    %get3A_56 = vector.load %arg5[%get3A_54, %get3A_55] : memref<128x256xf32, #tpu.memory_space<vmem>>, vector<128x256xf32>
    %reduce_min3A_57 = arith.constant dense<0x7F800000> : vector<128xf32>
    %reduce_min3A_58 = vector.multi_reduction <minimumf>, %get3A_56, %reduce_min3A_57 [1] : vector<128x256xf32> to vector<128xf32>
    %broadcast_in_dim3A_59 = vector.shape_cast %reduce_min3A_58 : vector<128xf32> to vector<128x1xf32>
    %eq3A_60 = vector.broadcast %broadcast_in_dim3A_59 : vector<128x1xf32> to vector<128x256xf32>
    %eq3A_61 = arith.cmpf oeq, %get3A_56, %eq3A_60 : vector<128x256xf32>
    %jit3A_62 = arith.constant 256 : i32
    %broadcast_in_dim3A_63 = vector.broadcast %jit3A_62 : i32 to vector<128x256xi32>
    %select_n3A_64 = arith.select %eq3A_61, %iota3A, %broadcast_in_dim3A_63 : vector<128x256xi1>, vector<128x256xi32>
    %reduce_min3A_65 = arith.constant dense<2147483647> : vector<128xi32>
    %reduce_min3A_66 = vector.multi_reduction <minsi>, %select_n3A_64, %reduce_min3A_65 [1] : vector<128x256xi32> to vector<128xi32>
    %broadcast_in_dim3A_67 = vector.shape_cast %reduce_min3A_66 : vector<128xi32> to vector<128x1xi32>
    %add3A_68 = vector.broadcast %mul3A_34 : i32 to vector<128x1xi32>
    %add3A_69 = arith.addi %broadcast_in_dim3A_67, %add3A_68 : vector<128x1xi32>
    %eq3A_70 = vector.broadcast %broadcast_in_dim3A_67 : vector<128x1xi32> to vector<128x256xi32>
    %eq3A_71 = arith.cmpi eq, %iota3A, %eq3A_70 : vector<128x256xi32>
    %jit3A_72 = arith.constant 0x7F800000 : f32
    %broadcast_in_dim3A_73 = vector.broadcast %jit3A_72 : f32 to vector<128x256xf32>
    %select_n3A_74 = arith.select %eq3A_71, %broadcast_in_dim3A_73, %get3A_56 : vector<128x256xi1>, vector<128x256xf32>
    %swap3A_75 = arith.constant 0 : index
    %swap3A_76 = arith.constant 0 : index
    %swap3A_77 = vector.load %arg5[%swap3A_75, %swap3A_76] : memref<128x256xf32, #tpu.memory_space<vmem>>, vector<128x256xf32>
    tpu.vector_store %arg5[%swap3A_75, %swap3A_76], %select_n3A_74 {strides = array<i32>} : memref<128x256xf32, #tpu.memory_space<vmem>>, vector<128x256xf32>,
    %get3A_78 = arith.constant 0 : index
    %get3A_79 = arith.constant 0 : index
    %get3A_80 = vector.load %arg5[%get3A_78, %get3A_79] : memref<128x256xf32, #tpu.memory_space<vmem>>, vector<128x256xf32>
    %reduce_min3A_81 = arith.constant dense<0x7F800000> : vector<128xf32>
    %reduce_min3A_82 = vector.multi_reduction <minimumf>, %get3A_80, %reduce_min3A_81 [1] : vector<128x256xf32> to vector<128xf32>
    %broadcast_in_dim3A_83 = vector.shape_cast %reduce_min3A_82 : vector<128xf32> to vector<128x1xf32>
    %eq3A_84 = vector.broadcast %broadcast_in_dim3A_83 : vector<128x1xf32> to vector<128x256xf32>
    %eq3A_85 = arith.cmpf oeq, %get3A_80, %eq3A_84 : vector<128x256xf32>
    %jit3A_86 = arith.constant 256 : i32
    %broadcast_in_dim3A_87 = vector.broadcast %jit3A_86 : i32 to vector<128x256xi32>
    %select_n3A_88 = arith.select %eq3A_85, %iota3A, %broadcast_in_dim3A_87 : vector<128x256xi1>, vector<128x256xi32>
    %reduce_min3A_89 = arith.constant dense<2147483647> : vector<128xi32>
    %reduce_min3A_90 = vector.multi_reduction <minsi>, %select_n3A_88, %reduce_min3A_89 [1] : vector<128x256xi32> to vector<128xi32>
    %broadcast_in_dim3A_91 = vector.shape_cast %reduce_min3A_90 : vector<128xi32> to vector<128x1xi32>
    %add3A_92 = vector.broadcast %mul3A_34 : i32 to vector<128x1xi32>
    %add3A_93 = arith.addi %broadcast_in_dim3A_91, %add3A_92 : vector<128x1xi32>
    %eq3A_94 = vector.broadcast %broadcast_in_dim3A_91 : vector<128x1xi32> to vector<128x256xi32>
    %eq3A_95 = arith.cmpi eq, %iota3A, %eq3A_94 : vector<128x256xi32>
    %jit3A_96 = arith.constant 0x7F800000 : f32
    %broadcast_in_dim3A_97 = vector.broadcast %jit3A_96 : f32 to vector<128x256xf32>
    %select_n3A_98 = arith.select %eq3A_95, %broadcast_in_dim3A_97, %get3A_80 : vector<128x256xi1>, vector<128x256xf32>
    %swap3A_99 = arith.constant 0 : index
    %swap3A_100 = arith.constant 0 : index
    %swap3A_101 = vector.load %arg5[%swap3A_99, %swap3A_100] : memref<128x256xf32, #tpu.memory_space<vmem>>, vector<128x256xf32>
    tpu.vector_store %arg5[%swap3A_99, %swap3A_100], %select_n3A_98 {strides = array<i32>} : memref<128x256xf32, #tpu.memory_space<vmem>>, vector<128x256xf32>,
    %get3A_102 = arith.constant 0 : index
    %get3A_103 = arith.constant 0 : index
    %get3A_104 = vector.load %arg5[%get3A_102, %get3A_103] : memref<128x256xf32, #tpu.memory_space<vmem>>, vector<128x256xf32>
    %reduce_min3A_105 = arith.constant dense<0x7F800000> : vector<128xf32>
    %reduce_min3A_106 = vector.multi_reduction <minimumf>, %get3A_104, %reduce_min3A_105 [1] : vector<128x256xf32> to vector<128xf32>
    %broadcast_in_dim3A_107 = vector.shape_cast %reduce_min3A_106 : vector<128xf32> to vector<128x1xf32>
    %eq3A_108 = vector.broadcast %broadcast_in_dim3A_107 : vector<128x1xf32> to vector<128x256xf32>
    %eq3A_109 = arith.cmpf oeq, %get3A_104, %eq3A_108 : vector<128x256xf32>
    %jit3A_110 = arith.constant 256 : i32
    %broadcast_in_dim3A_111 = vector.broadcast %jit3A_110 : i32 to vector<128x256xi32>
    %select_n3A_112 = arith.select %eq3A_109, %iota3A, %broadcast_in_dim3A_111 : vector<128x256xi1>, vector<128x256xi32>
    %reduce_min3A_113 = arith.constant dense<2147483647> : vector<128xi32>
    %reduce_min3A_114 = vector.multi_reduction <minsi>, %select_n3A_112, %reduce_min3A_113 [1] : vector<128x256xi32> to vector<128xi32>
    %broadcast_in_dim3A_115 = vector.shape_cast %reduce_min3A_114 : vector<128xi32> to vector<128x1xi32>
    %add3A_116 = vector.broadcast %mul3A_34 : i32 to vector<128x1xi32>
    %add3A_117 = arith.addi %broadcast_in_dim3A_115, %add3A_116 : vector<128x1xi32>
    %eq3A_118 = vector.broadcast %broadcast_in_dim3A_115 : vector<128x1xi32> to vector<128x256xi32>
    %eq3A_119 = arith.cmpi eq, %iota3A, %eq3A_118 : vector<128x256xi32>
    %jit3A_120 = arith.constant 0x7F800000 : f32
    %broadcast_in_dim3A_121 = vector.broadcast %jit3A_120 : f32 to vector<128x256xf32>
    %select_n3A_122 = arith.select %eq3A_119, %broadcast_in_dim3A_121, %get3A_104 : vector<128x256xi1>, vector<128x256xf32>
    %swap3A_123 = arith.constant 0 : index
    %swap3A_124 = arith.constant 0 : index
    %swap3A_125 = vector.load %arg5[%swap3A_123, %swap3A_124] : memref<128x256xf32, #tpu.memory_space<vmem>>, vector<128x256xf32>
    tpu.vector_store %arg5[%swap3A_123, %swap3A_124], %select_n3A_122 {strides = array<i32>} : memref<128x256xf32, #tpu.memory_space<vmem>>, vector<128x256xf32>,
    %get3A_126 = arith.constant 0 : index
    %get3A_127 = arith.constant 0 : index
    %get3A_128 = vector.load %arg5[%get3A_126, %get3A_127] : memref<128x256xf32, #tpu.memory_space<vmem>>, vector<128x256xf32>
    %reduce_min3A_129 = arith.constant dense<0x7F800000> : vector<128xf32>
    %reduce_min3A_130 = vector.multi_reduction <minimumf>, %get3A_128, %reduce_min3A_129 [1] : vector<128x256xf32> to vector<128xf32>
    %broadcast_in_dim3A_131 = vector.shape_cast %reduce_min3A_130 : vector<128xf32> to vector<128x1xf32>
    %eq3A_132 = vector.broadcast %broadcast_in_dim3A_131 : vector<128x1xf32> to vector<128x256xf32>
    %eq3A_133 = arith.cmpf oeq, %get3A_128, %eq3A_132 : vector<128x256xf32>
    %jit3A_134 = arith.constant 256 : i32
    %broadcast_in_dim3A_135 = vector.broadcast %jit3A_134 : i32 to vector<128x256xi32>
    %select_n3A_136 = arith.select %eq3A_133, %iota3A, %broadcast_in_dim3A_135 : vector<128x256xi1>, vector<128x256xi32>
    %reduce_min3A_137 = arith.constant dense<2147483647> : vector<128xi32>
    %reduce_min3A_138 = vector.multi_reduction <minsi>, %select_n3A_136, %reduce_min3A_137 [1] : vector<128x256xi32> to vector<128xi32>
    %broadcast_in_dim3A_139 = vector.shape_cast %reduce_min3A_138 : vector<128xi32> to vector<128x1xi32>
    %add3A_140 = vector.broadcast %mul3A_34 : i32 to vector<128x1xi32>
    %add3A_141 = arith.addi %broadcast_in_dim3A_139, %add3A_140 : vector<128x1xi32>
    %eq3A_142 = vector.broadcast %broadcast_in_dim3A_139 : vector<128x1xi32> to vector<128x256xi32>
    %eq3A_143 = arith.cmpi eq, %iota3A, %eq3A_142 : vector<128x256xi32>
    %jit3A_144 = arith.constant 0x7F800000 : f32
    %broadcast_in_dim3A_145 = vector.broadcast %jit3A_144 : f32 to vector<128x256xf32>
    %select_n3A_146 = arith.select %eq3A_143, %broadcast_in_dim3A_145, %get3A_128 : vector<128x256xi1>, vector<128x256xf32>
    %swap3A_147 = arith.constant 0 : index
    %swap3A_148 = arith.constant 0 : index
    %swap3A_149 = vector.load %arg5[%swap3A_147, %swap3A_148] : memref<128x256xf32, #tpu.memory_space<vmem>>, vector<128x256xf32>
    tpu.vector_store %arg5[%swap3A_147, %swap3A_148], %select_n3A_146 {strides = array<i32>} : memref<128x256xf32, #tpu.memory_space<vmem>>, vector<128x256xf32>,
    %get3A_150 = arith.constant 0 : index
    %get3A_151 = arith.constant 0 : index
    %get3A_152 = vector.load %arg5[%get3A_150, %get3A_151] : memref<128x256xf32, #tpu.memory_space<vmem>>, vector<128x256xf32>
    %reduce_min3A_153 = arith.constant dense<0x7F800000> : vector<128xf32>
    %reduce_min3A_154 = vector.multi_reduction <minimumf>, %get3A_152, %reduce_min3A_153 [1] : vector<128x256xf32> to vector<128xf32>
    %broadcast_in_dim3A_155 = vector.shape_cast %reduce_min3A_154 : vector<128xf32> to vector<128x1xf32>
    %eq3A_156 = vector.broadcast %broadcast_in_dim3A_155 : vector<128x1xf32> to vector<128x256xf32>
    %eq3A_157 = arith.cmpf oeq, %get3A_152, %eq3A_156 : vector<128x256xf32>
    %jit3A_158 = arith.constant 256 : i32
    %broadcast_in_dim3A_159 = vector.broadcast %jit3A_158 : i32 to vector<128x256xi32>
    %select_n3A_160 = arith.select %eq3A_157, %iota3A, %broadcast_in_dim3A_159 : vector<128x256xi1>, vector<128x256xi32>
    %reduce_min3A_161 = arith.constant dense<2147483647> : vector<128xi32>
    %reduce_min3A_162 = vector.multi_reduction <minsi>, %select_n3A_160, %reduce_min3A_161 [1] : vector<128x256xi32> to vector<128xi32>
    %broadcast_in_dim3A_163 = vector.shape_cast %reduce_min3A_162 : vector<128xi32> to vector<128x1xi32>
    %add3A_164 = vector.broadcast %mul3A_34 : i32 to vector<128x1xi32>
    %add3A_165 = arith.addi %broadcast_in_dim3A_163, %add3A_164 : vector<128x1xi32>
    %eq3A_166 = vector.broadcast %broadcast_in_dim3A_163 : vector<128x1xi32> to vector<128x256xi32>
    %eq3A_167 = arith.cmpi eq, %iota3A, %eq3A_166 : vector<128x256xi32>
    %jit3A_168 = arith.constant 0x7F800000 : f32
    %broadcast_in_dim3A_169 = vector.broadcast %jit3A_168 : f32 to vector<128x256xf32>
    %select_n3A_170 = arith.select %eq3A_167, %broadcast_in_dim3A_169, %get3A_152 : vector<128x256xi1>, vector<128x256xf32>
    %swap3A_171 = arith.constant 0 : index
    %swap3A_172 = arith.constant 0 : index
    %swap3A_173 = vector.load %arg5[%swap3A_171, %swap3A_172] : memref<128x256xf32, #tpu.memory_space<vmem>>, vector<128x256xf32>
    tpu.vector_store %arg5[%swap3A_171, %swap3A_172], %select_n3A_170 {strides = array<i32>} : memref<128x256xf32, #tpu.memory_space<vmem>>, vector<128x256xf32>,
    %get3A_174 = arith.constant 0 : index
    %get3A_175 = arith.constant 0 : index
    %get3A_176 = vector.load %arg5[%get3A_174, %get3A_175] : memref<128x256xf32, #tpu.memory_space<vmem>>, vector<128x256xf32>
    %reduce_min3A_177 = arith.constant dense<0x7F800000> : vector<128xf32>
    %reduce_min3A_178 = vector.multi_reduction <minimumf>, %get3A_176, %reduce_min3A_177 [1] : vector<128x256xf32> to vector<128xf32>
    %broadcast_in_dim3A_179 = vector.shape_cast %reduce_min3A_178 : vector<128xf32> to vector<128x1xf32>
    %eq3A_180 = vector.broadcast %broadcast_in_dim3A_179 : vector<128x1xf32> to vector<128x256xf32>
    %eq3A_181 = arith.cmpf oeq, %get3A_176, %eq3A_180 : vector<128x256xf32>
    %jit3A_182 = arith.constant 256 : i32
    %broadcast_in_dim3A_183 = vector.broadcast %jit3A_182 : i32 to vector<128x256xi32>
    %select_n3A_184 = arith.select %eq3A_181, %iota3A, %broadcast_in_dim3A_183 : vector<128x256xi1>, vector<128x256xi32>
    %reduce_min3A_185 = arith.constant dense<2147483647> : vector<128xi32>
    %reduce_min3A_186 = vector.multi_reduction <minsi>, %select_n3A_184, %reduce_min3A_185 [1] : vector<128x256xi32> to vector<128xi32>
    %broadcast_in_dim3A_187 = vector.shape_cast %reduce_min3A_186 : vector<128xi32> to vector<128x1xi32>
    %add3A_188 = vector.broadcast %mul3A_34 : i32 to vector<128x1xi32>
    %add3A_189 = arith.addi %broadcast_in_dim3A_187, %add3A_188 : vector<128x1xi32>
    %eq3A_190 = vector.broadcast %broadcast_in_dim3A_187 : vector<128x1xi32> to vector<128x256xi32>
    %eq3A_191 = arith.cmpi eq, %iota3A, %eq3A_190 : vector<128x256xi32>
    %jit3A_192 = arith.constant 0x7F800000 : f32
    %broadcast_in_dim3A_193 = vector.broadcast %jit3A_192 : f32 to vector<128x256xf32>
    %select_n3A_194 = arith.select %eq3A_191, %broadcast_in_dim3A_193, %get3A_176 : vector<128x256xi1>, vector<128x256xf32>
    %swap3A_195 = arith.constant 0 : index
    %swap3A_196 = arith.constant 0 : index
    %swap3A_197 = vector.load %arg5[%swap3A_195, %swap3A_196] : memref<128x256xf32, #tpu.memory_space<vmem>>, vector<128x256xf32>
    tpu.vector_store %arg5[%swap3A_195, %swap3A_196], %select_n3A_194 {strides = array<i32>} : memref<128x256xf32, #tpu.memory_space<vmem>>, vector<128x256xf32>,
    %get3A_198 = arith.constant 0 : index
    %get3A_199 = arith.constant 0 : index
    %get3A_200 = vector.load %arg5[%get3A_198, %get3A_199] : memref<128x256xf32, #tpu.memory_space<vmem>>, vector<128x256xf32>
    %reduce_min3A_201 = arith.constant dense<0x7F800000> : vector<128xf32>
    %reduce_min3A_202 = vector.multi_reduction <minimumf>, %get3A_200, %reduce_min3A_201 [1] : vector<128x256xf32> to vector<128xf32>
    %broadcast_in_dim3A_203 = vector.shape_cast %reduce_min3A_202 : vector<128xf32> to vector<128x1xf32>
    %eq3A_204 = vector.broadcast %broadcast_in_dim3A_203 : vector<128x1xf32> to vector<128x256xf32>
    %eq3A_205 = arith.cmpf oeq, %get3A_200, %eq3A_204 : vector<128x256xf32>
    %jit3A_206 = arith.constant 256 : i32
    %broadcast_in_dim3A_207 = vector.broadcast %jit3A_206 : i32 to vector<128x256xi32>
    %select_n3A_208 = arith.select %eq3A_205, %iota3A, %broadcast_in_dim3A_207 : vector<128x256xi1>, vector<128x256xi32>
    %reduce_min3A_209 = arith.constant dense<2147483647> : vector<128xi32>
    %reduce_min3A_210 = vector.multi_reduction <minsi>, %select_n3A_208, %reduce_min3A_209 [1] : vector<128x256xi32> to vector<128xi32>
    %broadcast_in_dim3A_211 = vector.shape_cast %reduce_min3A_210 : vector<128xi32> to vector<128x1xi32>
    %add3A_212 = vector.broadcast %mul3A_34 : i32 to vector<128x1xi32>
    %add3A_213 = arith.addi %broadcast_in_dim3A_211, %add3A_212 : vector<128x1xi32>
    %eq3A_214 = vector.broadcast %broadcast_in_dim3A_211 : vector<128x1xi32> to vector<128x256xi32>
    %eq3A_215 = arith.cmpi eq, %iota3A, %eq3A_214 : vector<128x256xi32>
    %jit3A_216 = arith.constant 0x7F800000 : f32
    %broadcast_in_dim3A_217 = vector.broadcast %jit3A_216 : f32 to vector<128x256xf32>
    %select_n3A_218 = arith.select %eq3A_215, %broadcast_in_dim3A_217, %get3A_200 : vector<128x256xi1>, vector<128x256xf32>
    %swap3A_219 = arith.constant 0 : index
    %swap3A_220 = arith.constant 0 : index
    %swap3A_221 = vector.load %arg5[%swap3A_219, %swap3A_220] : memref<128x256xf32, #tpu.memory_space<vmem>>, vector<128x256xf32>
    tpu.vector_store %arg5[%swap3A_219, %swap3A_220], %select_n3A_218 {strides = array<i32>} : memref<128x256xf32, #tpu.memory_space<vmem>>, vector<128x256xf32>,
    %get3A_222 = arith.constant 0 : index
    %get3A_223 = arith.constant 0 : index
    %get3A_224 = vector.load %arg5[%get3A_222, %get3A_223] : memref<128x256xf32, #tpu.memory_space<vmem>>, vector<128x256xf32>
    %reduce_min3A_225 = arith.constant dense<0x7F800000> : vector<128xf32>
    %reduce_min3A_226 = vector.multi_reduction <minimumf>, %get3A_224, %reduce_min3A_225 [1] : vector<128x256xf32> to vector<128xf32>
    %broadcast_in_dim3A_227 = vector.shape_cast %reduce_min3A_226 : vector<128xf32> to vector<128x1xf32>
    %eq3A_228 = vector.broadcast %broadcast_in_dim3A_227 : vector<128x1xf32> to vector<128x256xf32>
    %eq3A_229 = arith.cmpf oeq, %get3A_224, %eq3A_228 : vector<128x256xf32>
    %jit3A_230 = arith.constant 256 : i32
    %broadcast_in_dim3A_231 = vector.broadcast %jit3A_230 : i32 to vector<128x256xi32>
    %select_n3A_232 = arith.select %eq3A_229, %iota3A, %broadcast_in_dim3A_231 : vector<128x256xi1>, vector<128x256xi32>
    %reduce_min3A_233 = arith.constant dense<2147483647> : vector<128xi32>
    %reduce_min3A_234 = vector.multi_reduction <minsi>, %select_n3A_232, %reduce_min3A_233 [1] : vector<128x256xi32> to vector<128xi32>
    %broadcast_in_dim3A_235 = vector.shape_cast %reduce_min3A_234 : vector<128xi32> to vector<128x1xi32>
    %add3A_236 = vector.broadcast %mul3A_34 : i32 to vector<128x1xi32>
    %add3A_237 = arith.addi %broadcast_in_dim3A_235, %add3A_236 : vector<128x1xi32>
    %eq3A_238 = vector.broadcast %broadcast_in_dim3A_235 : vector<128x1xi32> to vector<128x256xi32>
    %eq3A_239 = arith.cmpi eq, %iota3A, %eq3A_238 : vector<128x256xi32>
    %jit3A_240 = arith.constant 0x7F800000 : f32
    %broadcast_in_dim3A_241 = vector.broadcast %jit3A_240 : f32 to vector<128x256xf32>
    %select_n3A_242 = arith.select %eq3A_239, %broadcast_in_dim3A_241, %get3A_224 : vector<128x256xi1>, vector<128x256xf32>
    %swap3A_243 = arith.constant 0 : index
    %swap3A_244 = arith.constant 0 : index
    %swap3A_245 = vector.load %arg5[%swap3A_243, %swap3A_244] : memref<128x256xf32, #tpu.memory_space<vmem>>, vector<128x256xf32>
    tpu.vector_store %arg5[%swap3A_243, %swap3A_244], %select_n3A_242 {strides = array<i32>} : memref<128x256xf32, #tpu.memory_space<vmem>>, vector<128x256xf32>,
    %get3A_246 = arith.constant 0 : index
    %get3A_247 = arith.constant 0 : index
    %get3A_248 = vector.load %arg5[%get3A_246, %get3A_247] : memref<128x256xf32, #tpu.memory_space<vmem>>, vector<128x256xf32>
    %reduce_min3A_249 = arith.constant dense<0x7F800000> : vector<128xf32>
    %reduce_min3A_250 = vector.multi_reduction <minimumf>, %get3A_248, %reduce_min3A_249 [1] : vector<128x256xf32> to vector<128xf32>
    %broadcast_in_dim3A_251 = vector.shape_cast %reduce_min3A_250 : vector<128xf32> to vector<128x1xf32>
    %eq3A_252 = vector.broadcast %broadcast_in_dim3A_251 : vector<128x1xf32> to vector<128x256xf32>
    %eq3A_253 = arith.cmpf oeq, %get3A_248, %eq3A_252 : vector<128x256xf32>
    %jit3A_254 = arith.constant 256 : i32
    %broadcast_in_dim3A_255 = vector.broadcast %jit3A_254 : i32 to vector<128x256xi32>
    %select_n3A_256 = arith.select %eq3A_253, %iota3A, %broadcast_in_dim3A_255 : vector<128x256xi1>, vector<128x256xi32>
    %reduce_min3A_257 = arith.constant dense<2147483647> : vector<128xi32>
    %reduce_min3A_258 = vector.multi_reduction <minsi>, %select_n3A_256, %reduce_min3A_257 [1] : vector<128x256xi32> to vector<128xi32>
    %broadcast_in_dim3A_259 = vector.shape_cast %reduce_min3A_258 : vector<128xi32> to vector<128x1xi32>
    %add3A_260 = vector.broadcast %mul3A_34 : i32 to vector<128x1xi32>
    %add3A_261 = arith.addi %broadcast_in_dim3A_259, %add3A_260 : vector<128x1xi32>
    %eq3A_262 = vector.broadcast %broadcast_in_dim3A_259 : vector<128x1xi32> to vector<128x256xi32>
    %eq3A_263 = arith.cmpi eq, %iota3A, %eq3A_262 : vector<128x256xi32>
    %jit3A_264 = arith.constant 0x7F800000 : f32
    %broadcast_in_dim3A_265 = vector.broadcast %jit3A_264 : f32 to vector<128x256xf32>
    %select_n3A_266 = arith.select %eq3A_263, %broadcast_in_dim3A_265, %get3A_248 : vector<128x256xi1>, vector<128x256xf32>
    %swap3A_267 = arith.constant 0 : index
    %swap3A_268 = arith.constant 0 : index
    %swap3A_269 = vector.load %arg5[%swap3A_267, %swap3A_268] : memref<128x256xf32, #tpu.memory_space<vmem>>, vector<128x256xf32>
    tpu.vector_store %arg5[%swap3A_267, %swap3A_268], %select_n3A_266 {strides = array<i32>} : memref<128x256xf32, #tpu.memory_space<vmem>>, vector<128x256xf32>,
    %get3A_270 = arith.constant 0 : index
    %get3A_271 = arith.constant 0 : index
    %get3A_272 = vector.load %arg5[%get3A_270, %get3A_271] : memref<128x256xf32, #tpu.memory_space<vmem>>, vector<128x256xf32>
    %reduce_min3A_273 = arith.constant dense<0x7F800000> : vector<128xf32>
    %reduce_min3A_274 = vector.multi_reduction <minimumf>, %get3A_272, %reduce_min3A_273 [1] : vector<128x256xf32> to vector<128xf32>
    %broadcast_in_dim3A_275 = vector.shape_cast %reduce_min3A_274 : vector<128xf32> to vector<128x1xf32>
    %eq3A_276 = vector.broadcast %broadcast_in_dim3A_275 : vector<128x1xf32> to vector<128x256xf32>
    %eq3A_277 = arith.cmpf oeq, %get3A_272, %eq3A_276 : vector<128x256xf32>
    %jit3A_278 = arith.constant 256 : i32
    %broadcast_in_dim3A_279 = vector.broadcast %jit3A_278 : i32 to vector<128x256xi32>
    %select_n3A_280 = arith.select %eq3A_277, %iota3A, %broadcast_in_dim3A_279 : vector<128x256xi1>, vector<128x256xi32>
    %reduce_min3A_281 = arith.constant dense<2147483647> : vector<128xi32>
    %reduce_min3A_282 = vector.multi_reduction <minsi>, %select_n3A_280, %reduce_min3A_281 [1] : vector<128x256xi32> to vector<128xi32>
    %broadcast_in_dim3A_283 = vector.shape_cast %reduce_min3A_282 : vector<128xi32> to vector<128x1xi32>
    %add3A_284 = vector.broadcast %mul3A_34 : i32 to vector<128x1xi32>
    %add3A_285 = arith.addi %broadcast_in_dim3A_283, %add3A_284 : vector<128x1xi32>
    %eq3A_286 = vector.broadcast %broadcast_in_dim3A_283 : vector<128x1xi32> to vector<128x256xi32>
    %eq3A_287 = arith.cmpi eq, %iota3A, %eq3A_286 : vector<128x256xi32>
    %jit3A_288 = arith.constant 0x7F800000 : f32
    %broadcast_in_dim3A_289 = vector.broadcast %jit3A_288 : f32 to vector<128x256xf32>
    %select_n3A_290 = arith.select %eq3A_287, %broadcast_in_dim3A_289, %get3A_272 : vector<128x256xi1>, vector<128x256xf32>
    %swap3A_291 = arith.constant 0 : index
    %swap3A_292 = arith.constant 0 : index
    %swap3A_293 = vector.load %arg5[%swap3A_291, %swap3A_292] : memref<128x256xf32, #tpu.memory_space<vmem>>, vector<128x256xf32>
    tpu.vector_store %arg5[%swap3A_291, %swap3A_292], %select_n3A_290 {strides = array<i32>} : memref<128x256xf32, #tpu.memory_space<vmem>>, vector<128x256xf32>,
    %get3A_294 = arith.constant 0 : index
    %get3A_295 = arith.constant 0 : index
    %get3A_296 = vector.load %arg5[%get3A_294, %get3A_295] : memref<128x256xf32, #tpu.memory_space<vmem>>, vector<128x256xf32>
    %reduce_min3A_297 = arith.constant dense<0x7F800000> : vector<128xf32>
    %reduce_min3A_298 = vector.multi_reduction <minimumf>, %get3A_296, %reduce_min3A_297 [1] : vector<128x256xf32> to vector<128xf32>
    %broadcast_in_dim3A_299 = vector.shape_cast %reduce_min3A_298 : vector<128xf32> to vector<128x1xf32>
    %eq3A_300 = vector.broadcast %broadcast_in_dim3A_299 : vector<128x1xf32> to vector<128x256xf32>
    %eq3A_301 = arith.cmpf oeq, %get3A_296, %eq3A_300 : vector<128x256xf32>
    %jit3A_302 = arith.constant 256 : i32
    %broadcast_in_dim3A_303 = vector.broadcast %jit3A_302 : i32 to vector<128x256xi32>
    %select_n3A_304 = arith.select %eq3A_301, %iota3A, %broadcast_in_dim3A_303 : vector<128x256xi1>, vector<128x256xi32>
    %reduce_min3A_305 = arith.constant dense<2147483647> : vector<128xi32>
    %reduce_min3A_306 = vector.multi_reduction <minsi>, %select_n3A_304, %reduce_min3A_305 [1] : vector<128x256xi32> to vector<128xi32>
    %broadcast_in_dim3A_307 = vector.shape_cast %reduce_min3A_306 : vector<128xi32> to vector<128x1xi32>
    %add3A_308 = vector.broadcast %mul3A_34 : i32 to vector<128x1xi32>
    %add3A_309 = arith.addi %broadcast_in_dim3A_307, %add3A_308 : vector<128x1xi32>
    %eq3A_310 = vector.broadcast %broadcast_in_dim3A_307 : vector<128x1xi32> to vector<128x256xi32>
    %eq3A_311 = arith.cmpi eq, %iota3A, %eq3A_310 : vector<128x256xi32>
    %jit3A_312 = arith.constant 0x7F800000 : f32
    %broadcast_in_dim3A_313 = vector.broadcast %jit3A_312 : f32 to vector<128x256xf32>
    %select_n3A_314 = arith.select %eq3A_311, %broadcast_in_dim3A_313, %get3A_296 : vector<128x256xi1>, vector<128x256xf32>
    %swap3A_315 = arith.constant 0 : index
    %swap3A_316 = arith.constant 0 : index
    %swap3A_317 = vector.load %arg5[%swap3A_315, %swap3A_316] : memref<128x256xf32, #tpu.memory_space<vmem>>, vector<128x256xf32>
    tpu.vector_store %arg5[%swap3A_315, %swap3A_316], %select_n3A_314 {strides = array<i32>} : memref<128x256xf32, #tpu.memory_space<vmem>>, vector<128x256xf32>,
    %get3A_318 = arith.constant 0 : index
    %get3A_319 = arith.constant 0 : index
    %get3A_320 = vector.load %arg5[%get3A_318, %get3A_319] : memref<128x256xf32, #tpu.memory_space<vmem>>, vector<128x256xf32>
    %reduce_min3A_321 = arith.constant dense<0x7F800000> : vector<128xf32>
    %reduce_min3A_322 = vector.multi_reduction <minimumf>, %get3A_320, %reduce_min3A_321 [1] : vector<128x256xf32> to vector<128xf32>
    %broadcast_in_dim3A_323 = vector.shape_cast %reduce_min3A_322 : vector<128xf32> to vector<128x1xf32>
    %eq3A_324 = vector.broadcast %broadcast_in_dim3A_323 : vector<128x1xf32> to vector<128x256xf32>
    %eq3A_325 = arith.cmpf oeq, %get3A_320, %eq3A_324 : vector<128x256xf32>
    %jit3A_326 = arith.constant 256 : i32
    %broadcast_in_dim3A_327 = vector.broadcast %jit3A_326 : i32 to vector<128x256xi32>
    %select_n3A_328 = arith.select %eq3A_325, %iota3A, %broadcast_in_dim3A_327 : vector<128x256xi1>, vector<128x256xi32>
    %reduce_min3A_329 = arith.constant dense<2147483647> : vector<128xi32>
    %reduce_min3A_330 = vector.multi_reduction <minsi>, %select_n3A_328, %reduce_min3A_329 [1] : vector<128x256xi32> to vector<128xi32>
    %broadcast_in_dim3A_331 = vector.shape_cast %reduce_min3A_330 : vector<128xi32> to vector<128x1xi32>
    %add3A_332 = vector.broadcast %mul3A_34 : i32 to vector<128x1xi32>
    %add3A_333 = arith.addi %broadcast_in_dim3A_331, %add3A_332 : vector<128x1xi32>
    %eq3A_334 = vector.broadcast %broadcast_in_dim3A_331 : vector<128x1xi32> to vector<128x256xi32>
    %eq3A_335 = arith.cmpi eq, %iota3A, %eq3A_334 : vector<128x256xi32>
    %jit3A_336 = arith.constant 0x7F800000 : f32
    %broadcast_in_dim3A_337 = vector.broadcast %jit3A_336 : f32 to vector<128x256xf32>
    %select_n3A_338 = arith.select %eq3A_335, %broadcast_in_dim3A_337, %get3A_320 : vector<128x256xi1>, vector<128x256xf32>
    %swap3A_339 = arith.constant 0 : index
    %swap3A_340 = arith.constant 0 : index
    %swap3A_341 = vector.load %arg5[%swap3A_339, %swap3A_340] : memref<128x256xf32, #tpu.memory_space<vmem>>, vector<128x256xf32>
    tpu.vector_store %arg5[%swap3A_339, %swap3A_340], %select_n3A_338 {strides = array<i32>} : memref<128x256xf32, #tpu.memory_space<vmem>>, vector<128x256xf32>,
    %get3A_342 = arith.constant 0 : index
    %get3A_343 = arith.constant 0 : index
    %get3A_344 = vector.load %arg5[%get3A_342, %get3A_343] : memref<128x256xf32, #tpu.memory_space<vmem>>, vector<128x256xf32>
    %reduce_min3A_345 = arith.constant dense<0x7F800000> : vector<128xf32>
    %reduce_min3A_346 = vector.multi_reduction <minimumf>, %get3A_344, %reduce_min3A_345 [1] : vector<128x256xf32> to vector<128xf32>
    %broadcast_in_dim3A_347 = vector.shape_cast %reduce_min3A_346 : vector<128xf32> to vector<128x1xf32>
    %eq3A_348 = vector.broadcast %broadcast_in_dim3A_347 : vector<128x1xf32> to vector<128x256xf32>
    %eq3A_349 = arith.cmpf oeq, %get3A_344, %eq3A_348 : vector<128x256xf32>
    %jit3A_350 = arith.constant 256 : i32
    %broadcast_in_dim3A_351 = vector.broadcast %jit3A_350 : i32 to vector<128x256xi32>
    %select_n3A_352 = arith.select %eq3A_349, %iota3A, %broadcast_in_dim3A_351 : vector<128x256xi1>, vector<128x256xi32>
    %reduce_min3A_353 = arith.constant dense<2147483647> : vector<128xi32>
    %reduce_min3A_354 = vector.multi_reduction <minsi>, %select_n3A_352, %reduce_min3A_353 [1] : vector<128x256xi32> to vector<128xi32>
    %broadcast_in_dim3A_355 = vector.shape_cast %reduce_min3A_354 : vector<128xi32> to vector<128x1xi32>
    %add3A_356 = vector.broadcast %mul3A_34 : i32 to vector<128x1xi32>
    %add3A_357 = arith.addi %broadcast_in_dim3A_355, %add3A_356 : vector<128x1xi32>
    %eq3A_358 = vector.broadcast %broadcast_in_dim3A_355 : vector<128x1xi32> to vector<128x256xi32>
    %eq3A_359 = arith.cmpi eq, %iota3A, %eq3A_358 : vector<128x256xi32>
    %jit3A_360 = arith.constant 0x7F800000 : f32
    %broadcast_in_dim3A_361 = vector.broadcast %jit3A_360 : f32 to vector<128x256xf32>
    %select_n3A_362 = arith.select %eq3A_359, %broadcast_in_dim3A_361, %get3A_344 : vector<128x256xi1>, vector<128x256xf32>
    %swap3A_363 = arith.constant 0 : index
    %swap3A_364 = arith.constant 0 : index
    %swap3A_365 = vector.load %arg5[%swap3A_363, %swap3A_364] : memref<128x256xf32, #tpu.memory_space<vmem>>, vector<128x256xf32>
    tpu.vector_store %arg5[%swap3A_363, %swap3A_364], %select_n3A_362 {strides = array<i32>} : memref<128x256xf32, #tpu.memory_space<vmem>>, vector<128x256xf32>,
    %get3A_366 = arith.constant 0 : index
    %get3A_367 = arith.constant 0 : index
    %get3A_368 = vector.load %arg5[%get3A_366, %get3A_367] : memref<128x256xf32, #tpu.memory_space<vmem>>, vector<128x256xf32>
    %reduce_min3A_369 = arith.constant dense<0x7F800000> : vector<128xf32>
    %reduce_min3A_370 = vector.multi_reduction <minimumf>, %get3A_368, %reduce_min3A_369 [1] : vector<128x256xf32> to vector<128xf32>
    %broadcast_in_dim3A_371 = vector.shape_cast %reduce_min3A_370 : vector<128xf32> to vector<128x1xf32>
    %eq3A_372 = vector.broadcast %broadcast_in_dim3A_371 : vector<128x1xf32> to vector<128x256xf32>
    %eq3A_373 = arith.cmpf oeq, %get3A_368, %eq3A_372 : vector<128x256xf32>
    %jit3A_374 = arith.constant 256 : i32
    %broadcast_in_dim3A_375 = vector.broadcast %jit3A_374 : i32 to vector<128x256xi32>
    %select_n3A_376 = arith.select %eq3A_373, %iota3A, %broadcast_in_dim3A_375 : vector<128x256xi1>, vector<128x256xi32>
    %reduce_min3A_377 = arith.constant dense<2147483647> : vector<128xi32>
    %reduce_min3A_378 = vector.multi_reduction <minsi>, %select_n3A_376, %reduce_min3A_377 [1] : vector<128x256xi32> to vector<128xi32>
    %broadcast_in_dim3A_379 = vector.shape_cast %reduce_min3A_378 : vector<128xi32> to vector<128x1xi32>
    %add3A_380 = vector.broadcast %mul3A_34 : i32 to vector<128x1xi32>
    %add3A_381 = arith.addi %broadcast_in_dim3A_379, %add3A_380 : vector<128x1xi32>
    %eq3A_382 = vector.broadcast %broadcast_in_dim3A_379 : vector<128x1xi32> to vector<128x256xi32>
    %eq3A_383 = arith.cmpi eq, %iota3A, %eq3A_382 : vector<128x256xi32>
    %jit3A_384 = arith.constant 0x7F800000 : f32
    %broadcast_in_dim3A_385 = vector.broadcast %jit3A_384 : f32 to vector<128x256xf32>
    %select_n3A_386 = arith.select %eq3A_383, %broadcast_in_dim3A_385, %get3A_368 : vector<128x256xi1>, vector<128x256xf32>
    %swap3A_387 = arith.constant 0 : index
    %swap3A_388 = arith.constant 0 : index
    %swap3A_389 = vector.load %arg5[%swap3A_387, %swap3A_388] : memref<128x256xf32, #tpu.memory_space<vmem>>, vector<128x256xf32>
    tpu.vector_store %arg5[%swap3A_387, %swap3A_388], %select_n3A_386 {strides = array<i32>} : memref<128x256xf32, #tpu.memory_space<vmem>>, vector<128x256xf32>,
    %get3A_390 = arith.constant 0 : index
    %get3A_391 = arith.constant 0 : index
    %get3A_392 = vector.load %arg5[%get3A_390, %get3A_391] : memref<128x256xf32, #tpu.memory_space<vmem>>, vector<128x256xf32>
    %reduce_min3A_393 = arith.constant dense<0x7F800000> : vector<128xf32>
    %reduce_min3A_394 = vector.multi_reduction <minimumf>, %get3A_392, %reduce_min3A_393 [1] : vector<128x256xf32> to vector<128xf32>
    %broadcast_in_dim3A_395 = vector.shape_cast %reduce_min3A_394 : vector<128xf32> to vector<128x1xf32>
    %eq3A_396 = vector.broadcast %broadcast_in_dim3A_395 : vector<128x1xf32> to vector<128x256xf32>
    %eq3A_397 = arith.cmpf oeq, %get3A_392, %eq3A_396 : vector<128x256xf32>
    %jit3A_398 = arith.constant 256 : i32
    %broadcast_in_dim3A_399 = vector.broadcast %jit3A_398 : i32 to vector<128x256xi32>
    %select_n3A_400 = arith.select %eq3A_397, %iota3A, %broadcast_in_dim3A_399 : vector<128x256xi1>, vector<128x256xi32>
    %reduce_min3A_401 = arith.constant dense<2147483647> : vector<128xi32>
    %reduce_min3A_402 = vector.multi_reduction <minsi>, %select_n3A_400, %reduce_min3A_401 [1] : vector<128x256xi32> to vector<128xi32>
    %broadcast_in_dim3A_403 = vector.shape_cast %reduce_min3A_402 : vector<128xi32> to vector<128x1xi32>
    %add3A_404 = vector.broadcast %mul3A_34 : i32 to vector<128x1xi32>
    %add3A_405 = arith.addi %broadcast_in_dim3A_403, %add3A_404 : vector<128x1xi32>
    %eq3A_406 = vector.broadcast %broadcast_in_dim3A_403 : vector<128x1xi32> to vector<128x256xi32>
    %eq3A_407 = arith.cmpi eq, %iota3A, %eq3A_406 : vector<128x256xi32>
    %jit3A_408 = arith.constant 0x7F800000 : f32
    %broadcast_in_dim3A_409 = vector.broadcast %jit3A_408 : f32 to vector<128x256xf32>
    %select_n3A_410 = arith.select %eq3A_407, %broadcast_in_dim3A_409, %get3A_392 : vector<128x256xi1>, vector<128x256xf32>
    %swap3A_411 = arith.constant 0 : index
    %swap3A_412 = arith.constant 0 : index
    %swap3A_413 = vector.load %arg5[%swap3A_411, %swap3A_412] : memref<128x256xf32, #tpu.memory_space<vmem>>, vector<128x256xf32>
    tpu.vector_store %arg5[%swap3A_411, %swap3A_412], %select_n3A_410 {strides = array<i32>} : memref<128x256xf32, #tpu.memory_space<vmem>>, vector<128x256xf32>,
    %get3A_414 = arith.constant 0 : index
    %get3A_415 = arith.constant 0 : index
    %get3A_416 = vector.load %arg5[%get3A_414, %get3A_415] : memref<128x256xf32, #tpu.memory_space<vmem>>, vector<128x256xf32>
    %reduce_min3A_417 = arith.constant dense<0x7F800000> : vector<128xf32>
    %reduce_min3A_418 = vector.multi_reduction <minimumf>, %get3A_416, %reduce_min3A_417 [1] : vector<128x256xf32> to vector<128xf32>
    %broadcast_in_dim3A_419 = vector.shape_cast %reduce_min3A_418 : vector<128xf32> to vector<128x1xf32>
    %eq3A_420 = vector.broadcast %broadcast_in_dim3A_419 : vector<128x1xf32> to vector<128x256xf32>
    %eq3A_421 = arith.cmpf oeq, %get3A_416, %eq3A_420 : vector<128x256xf32>
    %jit3A_422 = arith.constant 256 : i32
    %broadcast_in_dim3A_423 = vector.broadcast %jit3A_422 : i32 to vector<128x256xi32>
    %select_n3A_424 = arith.select %eq3A_421, %iota3A, %broadcast_in_dim3A_423 : vector<128x256xi1>, vector<128x256xi32>
    %reduce_min3A_425 = arith.constant dense<2147483647> : vector<128xi32>
    %reduce_min3A_426 = vector.multi_reduction <minsi>, %select_n3A_424, %reduce_min3A_425 [1] : vector<128x256xi32> to vector<128xi32>
    %broadcast_in_dim3A_427 = vector.shape_cast %reduce_min3A_426 : vector<128xi32> to vector<128x1xi32>
    %add3A_428 = vector.broadcast %mul3A_34 : i32 to vector<128x1xi32>
    %add3A_429 = arith.addi %broadcast_in_dim3A_427, %add3A_428 : vector<128x1xi32>
    %eq3A_430 = vector.broadcast %broadcast_in_dim3A_427 : vector<128x1xi32> to vector<128x256xi32>
    %eq3A_431 = arith.cmpi eq, %iota3A, %eq3A_430 : vector<128x256xi32>
    %jit3A_432 = arith.constant 0x7F800000 : f32
    %broadcast_in_dim3A_433 = vector.broadcast %jit3A_432 : f32 to vector<128x256xf32>
    %select_n3A_434 = arith.select %eq3A_431, %broadcast_in_dim3A_433, %get3A_416 : vector<128x256xi1>, vector<128x256xf32>
    %swap3A_435 = arith.constant 0 : index
    %swap3A_436 = arith.constant 0 : index
    %swap3A_437 = vector.load %arg5[%swap3A_435, %swap3A_436] : memref<128x256xf32, #tpu.memory_space<vmem>>, vector<128x256xf32>
    tpu.vector_store %arg5[%swap3A_435, %swap3A_436], %select_n3A_434 {strides = array<i32>} : memref<128x256xf32, #tpu.memory_space<vmem>>, vector<128x256xf32>,
    %get3A_438 = arith.constant 0 : index
    %get3A_439 = arith.constant 0 : index
    %get3A_440 = vector.load %arg5[%get3A_438, %get3A_439] : memref<128x256xf32, #tpu.memory_space<vmem>>, vector<128x256xf32>
    %reduce_min3A_441 = arith.constant dense<0x7F800000> : vector<128xf32>
    %reduce_min3A_442 = vector.multi_reduction <minimumf>, %get3A_440, %reduce_min3A_441 [1] : vector<128x256xf32> to vector<128xf32>
    %broadcast_in_dim3A_443 = vector.shape_cast %reduce_min3A_442 : vector<128xf32> to vector<128x1xf32>
    %eq3A_444 = vector.broadcast %broadcast_in_dim3A_443 : vector<128x1xf32> to vector<128x256xf32>
    %eq3A_445 = arith.cmpf oeq, %get3A_440, %eq3A_444 : vector<128x256xf32>
    %jit3A_446 = arith.constant 256 : i32
    %broadcast_in_dim3A_447 = vector.broadcast %jit3A_446 : i32 to vector<128x256xi32>
    %select_n3A_448 = arith.select %eq3A_445, %iota3A, %broadcast_in_dim3A_447 : vector<128x256xi1>, vector<128x256xi32>
    %reduce_min3A_449 = arith.constant dense<2147483647> : vector<128xi32>
    %reduce_min3A_450 = vector.multi_reduction <minsi>, %select_n3A_448, %reduce_min3A_449 [1] : vector<128x256xi32> to vector<128xi32>
    %broadcast_in_dim3A_451 = vector.shape_cast %reduce_min3A_450 : vector<128xi32> to vector<128x1xi32>
    %add3A_452 = vector.broadcast %mul3A_34 : i32 to vector<128x1xi32>
    %add3A_453 = arith.addi %broadcast_in_dim3A_451, %add3A_452 : vector<128x1xi32>
    %eq3A_454 = vector.broadcast %broadcast_in_dim3A_451 : vector<128x1xi32> to vector<128x256xi32>
    %eq3A_455 = arith.cmpi eq, %iota3A, %eq3A_454 : vector<128x256xi32>
    %jit3A_456 = arith.constant 0x7F800000 : f32
    %broadcast_in_dim3A_457 = vector.broadcast %jit3A_456 : f32 to vector<128x256xf32>
    %select_n3A_458 = arith.select %eq3A_455, %broadcast_in_dim3A_457, %get3A_440 : vector<128x256xi1>, vector<128x256xf32>
    %swap3A_459 = arith.constant 0 : index
    %swap3A_460 = arith.constant 0 : index
    %swap3A_461 = vector.load %arg5[%swap3A_459, %swap3A_460] : memref<128x256xf32, #tpu.memory_space<vmem>>, vector<128x256xf32>
    tpu.vector_store %arg5[%swap3A_459, %swap3A_460], %select_n3A_458 {strides = array<i32>} : memref<128x256xf32, #tpu.memory_space<vmem>>, vector<128x256xf32>,
    %get3A_462 = arith.constant 0 : index
    %get3A_463 = arith.constant 0 : index
    %get3A_464 = vector.load %arg5[%get3A_462, %get3A_463] : memref<128x256xf32, #tpu.memory_space<vmem>>, vector<128x256xf32>
    %reduce_min3A_465 = arith.constant dense<0x7F800000> : vector<128xf32>
    %reduce_min3A_466 = vector.multi_reduction <minimumf>, %get3A_464, %reduce_min3A_465 [1] : vector<128x256xf32> to vector<128xf32>
    %broadcast_in_dim3A_467 = vector.shape_cast %reduce_min3A_466 : vector<128xf32> to vector<128x1xf32>
    %eq3A_468 = vector.broadcast %broadcast_in_dim3A_467 : vector<128x1xf32> to vector<128x256xf32>
    %eq3A_469 = arith.cmpf oeq, %get3A_464, %eq3A_468 : vector<128x256xf32>
    %jit3A_470 = arith.constant 256 : i32
    %broadcast_in_dim3A_471 = vector.broadcast %jit3A_470 : i32 to vector<128x256xi32>
    %select_n3A_472 = arith.select %eq3A_469, %iota3A, %broadcast_in_dim3A_471 : vector<128x256xi1>, vector<128x256xi32>
    %reduce_min3A_473 = arith.constant dense<2147483647> : vector<128xi32>
    %reduce_min3A_474 = vector.multi_reduction <minsi>, %select_n3A_472, %reduce_min3A_473 [1] : vector<128x256xi32> to vector<128xi32>
    %broadcast_in_dim3A_475 = vector.shape_cast %reduce_min3A_474 : vector<128xi32> to vector<128x1xi32>
    %add3A_476 = vector.broadcast %mul3A_34 : i32 to vector<128x1xi32>
    %add3A_477 = arith.addi %broadcast_in_dim3A_475, %add3A_476 : vector<128x1xi32>
    %eq3A_478 = vector.broadcast %broadcast_in_dim3A_475 : vector<128x1xi32> to vector<128x256xi32>
    %eq3A_479 = arith.cmpi eq, %iota3A, %eq3A_478 : vector<128x256xi32>
    %jit3A_480 = arith.constant 0x7F800000 : f32
    %broadcast_in_dim3A_481 = vector.broadcast %jit3A_480 : f32 to vector<128x256xf32>
    %select_n3A_482 = arith.select %eq3A_479, %broadcast_in_dim3A_481, %get3A_464 : vector<128x256xi1>, vector<128x256xf32>
    %swap3A_483 = arith.constant 0 : index
    %swap3A_484 = arith.constant 0 : index
    %swap3A_485 = vector.load %arg5[%swap3A_483, %swap3A_484] : memref<128x256xf32, #tpu.memory_space<vmem>>, vector<128x256xf32>
    tpu.vector_store %arg5[%swap3A_483, %swap3A_484], %select_n3A_482 {strides = array<i32>} : memref<128x256xf32, #tpu.memory_space<vmem>>, vector<128x256xf32>,
    %get3A_486 = arith.constant 0 : index
    %get3A_487 = arith.constant 0 : index
    %get3A_488 = vector.load %arg5[%get3A_486, %get3A_487] : memref<128x256xf32, #tpu.memory_space<vmem>>, vector<128x256xf32>
    %reduce_min3A_489 = arith.constant dense<0x7F800000> : vector<128xf32>
    %reduce_min3A_490 = vector.multi_reduction <minimumf>, %get3A_488, %reduce_min3A_489 [1] : vector<128x256xf32> to vector<128xf32>
    %broadcast_in_dim3A_491 = vector.shape_cast %reduce_min3A_490 : vector<128xf32> to vector<128x1xf32>
    %eq3A_492 = vector.broadcast %broadcast_in_dim3A_491 : vector<128x1xf32> to vector<128x256xf32>
    %eq3A_493 = arith.cmpf oeq, %get3A_488, %eq3A_492 : vector<128x256xf32>
    %jit3A_494 = arith.constant 256 : i32
    %broadcast_in_dim3A_495 = vector.broadcast %jit3A_494 : i32 to vector<128x256xi32>
    %select_n3A_496 = arith.select %eq3A_493, %iota3A, %broadcast_in_dim3A_495 : vector<128x256xi1>, vector<128x256xi32>
    %reduce_min3A_497 = arith.constant dense<2147483647> : vector<128xi32>
    %reduce_min3A_498 = vector.multi_reduction <minsi>, %select_n3A_496, %reduce_min3A_497 [1] : vector<128x256xi32> to vector<128xi32>
    %broadcast_in_dim3A_499 = vector.shape_cast %reduce_min3A_498 : vector<128xi32> to vector<128x1xi32>
    %add3A_500 = vector.broadcast %mul3A_34 : i32 to vector<128x1xi32>
    %add3A_501 = arith.addi %broadcast_in_dim3A_499, %add3A_500 : vector<128x1xi32>
    %eq3A_502 = vector.broadcast %broadcast_in_dim3A_499 : vector<128x1xi32> to vector<128x256xi32>
    %eq3A_503 = arith.cmpi eq, %iota3A, %eq3A_502 : vector<128x256xi32>
    %jit3A_504 = arith.constant 0x7F800000 : f32
    %broadcast_in_dim3A_505 = vector.broadcast %jit3A_504 : f32 to vector<128x256xf32>
    %select_n3A_506 = arith.select %eq3A_503, %broadcast_in_dim3A_505, %get3A_488 : vector<128x256xi1>, vector<128x256xf32>
    %swap3A_507 = arith.constant 0 : index
    %swap3A_508 = arith.constant 0 : index
    %swap3A_509 = vector.load %arg5[%swap3A_507, %swap3A_508] : memref<128x256xf32, #tpu.memory_space<vmem>>, vector<128x256xf32>
    tpu.vector_store %arg5[%swap3A_507, %swap3A_508], %select_n3A_506 {strides = array<i32>} : memref<128x256xf32, #tpu.memory_space<vmem>>, vector<128x256xf32>,
    %get3A_510 = arith.constant 0 : index
    %get3A_511 = arith.constant 0 : index
    %get3A_512 = vector.load %arg5[%get3A_510, %get3A_511] : memref<128x256xf32, #tpu.memory_space<vmem>>, vector<128x256xf32>
    %reduce_min3A_513 = arith.constant dense<0x7F800000> : vector<128xf32>
    %reduce_min3A_514 = vector.multi_reduction <minimumf>, %get3A_512, %reduce_min3A_513 [1] : vector<128x256xf32> to vector<128xf32>
    %broadcast_in_dim3A_515 = vector.shape_cast %reduce_min3A_514 : vector<128xf32> to vector<128x1xf32>
    %eq3A_516 = vector.broadcast %broadcast_in_dim3A_515 : vector<128x1xf32> to vector<128x256xf32>
    %eq3A_517 = arith.cmpf oeq, %get3A_512, %eq3A_516 : vector<128x256xf32>
    %jit3A_518 = arith.constant 256 : i32
    %broadcast_in_dim3A_519 = vector.broadcast %jit3A_518 : i32 to vector<128x256xi32>
    %select_n3A_520 = arith.select %eq3A_517, %iota3A, %broadcast_in_dim3A_519 : vector<128x256xi1>, vector<128x256xi32>
    %reduce_min3A_521 = arith.constant dense<2147483647> : vector<128xi32>
    %reduce_min3A_522 = vector.multi_reduction <minsi>, %select_n3A_520, %reduce_min3A_521 [1] : vector<128x256xi32> to vector<128xi32>
    %broadcast_in_dim3A_523 = vector.shape_cast %reduce_min3A_522 : vector<128xi32> to vector<128x1xi32>
    %add3A_524 = vector.broadcast %mul3A_34 : i32 to vector<128x1xi32>
    %add3A_525 = arith.addi %broadcast_in_dim3A_523, %add3A_524 : vector<128x1xi32>
    %eq3A_526 = vector.broadcast %broadcast_in_dim3A_523 : vector<128x1xi32> to vector<128x256xi32>
    %eq3A_527 = arith.cmpi eq, %iota3A, %eq3A_526 : vector<128x256xi32>
    %jit3A_528 = arith.constant 0x7F800000 : f32
    %broadcast_in_dim3A_529 = vector.broadcast %jit3A_528 : f32 to vector<128x256xf32>
    %select_n3A_530 = arith.select %eq3A_527, %broadcast_in_dim3A_529, %get3A_512 : vector<128x256xi1>, vector<128x256xf32>
    %swap3A_531 = arith.constant 0 : index
    %swap3A_532 = arith.constant 0 : index
    %swap3A_533 = vector.load %arg5[%swap3A_531, %swap3A_532] : memref<128x256xf32, #tpu.memory_space<vmem>>, vector<128x256xf32>
    tpu.vector_store %arg5[%swap3A_531, %swap3A_532], %select_n3A_530 {strides = array<i32>} : memref<128x256xf32, #tpu.memory_space<vmem>>, vector<128x256xf32>,
    %get3A_534 = arith.constant 0 : index
    %get3A_535 = arith.constant 0 : index
    %get3A_536 = vector.load %arg5[%get3A_534, %get3A_535] : memref<128x256xf32, #tpu.memory_space<vmem>>, vector<128x256xf32>
    %reduce_min3A_537 = arith.constant dense<0x7F800000> : vector<128xf32>
    %reduce_min3A_538 = vector.multi_reduction <minimumf>, %get3A_536, %reduce_min3A_537 [1] : vector<128x256xf32> to vector<128xf32>
    %broadcast_in_dim3A_539 = vector.shape_cast %reduce_min3A_538 : vector<128xf32> to vector<128x1xf32>
    %eq3A_540 = vector.broadcast %broadcast_in_dim3A_539 : vector<128x1xf32> to vector<128x256xf32>
    %eq3A_541 = arith.cmpf oeq, %get3A_536, %eq3A_540 : vector<128x256xf32>
    %jit3A_542 = arith.constant 256 : i32
    %broadcast_in_dim3A_543 = vector.broadcast %jit3A_542 : i32 to vector<128x256xi32>
    %select_n3A_544 = arith.select %eq3A_541, %iota3A, %broadcast_in_dim3A_543 : vector<128x256xi1>, vector<128x256xi32>
    %reduce_min3A_545 = arith.constant dense<2147483647> : vector<128xi32>
    %reduce_min3A_546 = vector.multi_reduction <minsi>, %select_n3A_544, %reduce_min3A_545 [1] : vector<128x256xi32> to vector<128xi32>
    %broadcast_in_dim3A_547 = vector.shape_cast %reduce_min3A_546 : vector<128xi32> to vector<128x1xi32>
    %add3A_548 = vector.broadcast %mul3A_34 : i32 to vector<128x1xi32>
    %add3A_549 = arith.addi %broadcast_in_dim3A_547, %add3A_548 : vector<128x1xi32>
    %eq3A_550 = vector.broadcast %broadcast_in_dim3A_547 : vector<128x1xi32> to vector<128x256xi32>
    %eq3A_551 = arith.cmpi eq, %iota3A, %eq3A_550 : vector<128x256xi32>
    %jit3A_552 = arith.constant 0x7F800000 : f32
    %broadcast_in_dim3A_553 = vector.broadcast %jit3A_552 : f32 to vector<128x256xf32>
    %select_n3A_554 = arith.select %eq3A_551, %broadcast_in_dim3A_553, %get3A_536 : vector<128x256xi1>, vector<128x256xf32>
    %swap3A_555 = arith.constant 0 : index
    %swap3A_556 = arith.constant 0 : index
    %swap3A_557 = vector.load %arg5[%swap3A_555, %swap3A_556] : memref<128x256xf32, #tpu.memory_space<vmem>>, vector<128x256xf32>
    tpu.vector_store %arg5[%swap3A_555, %swap3A_556], %select_n3A_554 {strides = array<i32>} : memref<128x256xf32, #tpu.memory_space<vmem>>, vector<128x256xf32>,
    %get3A_558 = arith.constant 0 : index
    %get3A_559 = arith.constant 0 : index
    %get3A_560 = vector.load %arg5[%get3A_558, %get3A_559] : memref<128x256xf32, #tpu.memory_space<vmem>>, vector<128x256xf32>
    %reduce_min3A_561 = arith.constant dense<0x7F800000> : vector<128xf32>
    %reduce_min3A_562 = vector.multi_reduction <minimumf>, %get3A_560, %reduce_min3A_561 [1] : vector<128x256xf32> to vector<128xf32>
    %broadcast_in_dim3A_563 = vector.shape_cast %reduce_min3A_562 : vector<128xf32> to vector<128x1xf32>
    %eq3A_564 = vector.broadcast %broadcast_in_dim3A_563 : vector<128x1xf32> to vector<128x256xf32>
    %eq3A_565 = arith.cmpf oeq, %get3A_560, %eq3A_564 : vector<128x256xf32>
    %jit3A_566 = arith.constant 256 : i32
    %broadcast_in_dim3A_567 = vector.broadcast %jit3A_566 : i32 to vector<128x256xi32>
    %select_n3A_568 = arith.select %eq3A_565, %iota3A, %broadcast_in_dim3A_567 : vector<128x256xi1>, vector<128x256xi32>
    %reduce_min3A_569 = arith.constant dense<2147483647> : vector<128xi32>
    %reduce_min3A_570 = vector.multi_reduction <minsi>, %select_n3A_568, %reduce_min3A_569 [1] : vector<128x256xi32> to vector<128xi32>
    %broadcast_in_dim3A_571 = vector.shape_cast %reduce_min3A_570 : vector<128xi32> to vector<128x1xi32>
    %add3A_572 = vector.broadcast %mul3A_34 : i32 to vector<128x1xi32>
    %add3A_573 = arith.addi %broadcast_in_dim3A_571, %add3A_572 : vector<128x1xi32>
    %eq3A_574 = vector.broadcast %broadcast_in_dim3A_571 : vector<128x1xi32> to vector<128x256xi32>
    %eq3A_575 = arith.cmpi eq, %iota3A, %eq3A_574 : vector<128x256xi32>
    %jit3A_576 = arith.constant 0x7F800000 : f32
    %broadcast_in_dim3A_577 = vector.broadcast %jit3A_576 : f32 to vector<128x256xf32>
    %select_n3A_578 = arith.select %eq3A_575, %broadcast_in_dim3A_577, %get3A_560 : vector<128x256xi1>, vector<128x256xf32>
    %swap3A_579 = arith.constant 0 : index
    %swap3A_580 = arith.constant 0 : index
    %swap3A_581 = vector.load %arg5[%swap3A_579, %swap3A_580] : memref<128x256xf32, #tpu.memory_space<vmem>>, vector<128x256xf32>
    tpu.vector_store %arg5[%swap3A_579, %swap3A_580], %select_n3A_578 {strides = array<i32>} : memref<128x256xf32, #tpu.memory_space<vmem>>, vector<128x256xf32>,
    %get3A_582 = arith.constant 0 : index
    %get3A_583 = arith.constant 0 : index
    %get3A_584 = vector.load %arg5[%get3A_582, %get3A_583] : memref<128x256xf32, #tpu.memory_space<vmem>>, vector<128x256xf32>
    %reduce_min3A_585 = arith.constant dense<0x7F800000> : vector<128xf32>
    %reduce_min3A_586 = vector.multi_reduction <minimumf>, %get3A_584, %reduce_min3A_585 [1] : vector<128x256xf32> to vector<128xf32>
    %broadcast_in_dim3A_587 = vector.shape_cast %reduce_min3A_586 : vector<128xf32> to vector<128x1xf32>
    %eq3A_588 = vector.broadcast %broadcast_in_dim3A_587 : vector<128x1xf32> to vector<128x256xf32>
    %eq3A_589 = arith.cmpf oeq, %get3A_584, %eq3A_588 : vector<128x256xf32>
    %jit3A_590 = arith.constant 256 : i32
    %broadcast_in_dim3A_591 = vector.broadcast %jit3A_590 : i32 to vector<128x256xi32>
    %select_n3A_592 = arith.select %eq3A_589, %iota3A, %broadcast_in_dim3A_591 : vector<128x256xi1>, vector<128x256xi32>
    %reduce_min3A_593 = arith.constant dense<2147483647> : vector<128xi32>
    %reduce_min3A_594 = vector.multi_reduction <minsi>, %select_n3A_592, %reduce_min3A_593 [1] : vector<128x256xi32> to vector<128xi32>
    %broadcast_in_dim3A_595 = vector.shape_cast %reduce_min3A_594 : vector<128xi32> to vector<128x1xi32>
    %add3A_596 = vector.broadcast %mul3A_34 : i32 to vector<128x1xi32>
    %add3A_597 = arith.addi %broadcast_in_dim3A_595, %add3A_596 : vector<128x1xi32>
    %eq3A_598 = vector.broadcast %broadcast_in_dim3A_595 : vector<128x1xi32> to vector<128x256xi32>
    %eq3A_599 = arith.cmpi eq, %iota3A, %eq3A_598 : vector<128x256xi32>
    %jit3A_600 = arith.constant 0x7F800000 : f32
    %broadcast_in_dim3A_601 = vector.broadcast %jit3A_600 : f32 to vector<128x256xf32>
    %select_n3A_602 = arith.select %eq3A_599, %broadcast_in_dim3A_601, %get3A_584 : vector<128x256xi1>, vector<128x256xf32>
    %swap3A_603 = arith.constant 0 : index
    %swap3A_604 = arith.constant 0 : index
    %swap3A_605 = vector.load %arg5[%swap3A_603, %swap3A_604] : memref<128x256xf32, #tpu.memory_space<vmem>>, vector<128x256xf32>
    tpu.vector_store %arg5[%swap3A_603, %swap3A_604], %select_n3A_602 {strides = array<i32>} : memref<128x256xf32, #tpu.memory_space<vmem>>, vector<128x256xf32>,
    %get3A_606 = arith.constant 0 : index
    %get3A_607 = arith.constant 0 : index
    %get3A_608 = vector.load %arg5[%get3A_606, %get3A_607] : memref<128x256xf32, #tpu.memory_space<vmem>>, vector<128x256xf32>
    %reduce_min3A_609 = arith.constant dense<0x7F800000> : vector<128xf32>
    %reduce_min3A_610 = vector.multi_reduction <minimumf>, %get3A_608, %reduce_min3A_609 [1] : vector<128x256xf32> to vector<128xf32>
    %broadcast_in_dim3A_611 = vector.shape_cast %reduce_min3A_610 : vector<128xf32> to vector<128x1xf32>
    %eq3A_612 = vector.broadcast %broadcast_in_dim3A_611 : vector<128x1xf32> to vector<128x256xf32>
    %eq3A_613 = arith.cmpf oeq, %get3A_608, %eq3A_612 : vector<128x256xf32>
    %jit3A_614 = arith.constant 256 : i32
    %broadcast_in_dim3A_615 = vector.broadcast %jit3A_614 : i32 to vector<128x256xi32>
    %select_n3A_616 = arith.select %eq3A_613, %iota3A, %broadcast_in_dim3A_615 : vector<128x256xi1>, vector<128x256xi32>
    %reduce_min3A_617 = arith.constant dense<2147483647> : vector<128xi32>
    %reduce_min3A_618 = vector.multi_reduction <minsi>, %select_n3A_616, %reduce_min3A_617 [1] : vector<128x256xi32> to vector<128xi32>
    %broadcast_in_dim3A_619 = vector.shape_cast %reduce_min3A_618 : vector<128xi32> to vector<128x1xi32>
    %add3A_620 = vector.broadcast %mul3A_34 : i32 to vector<128x1xi32>
    %add3A_621 = arith.addi %broadcast_in_dim3A_619, %add3A_620 : vector<128x1xi32>
    %eq3A_622 = vector.broadcast %broadcast_in_dim3A_619 : vector<128x1xi32> to vector<128x256xi32>
    %eq3A_623 = arith.cmpi eq, %iota3A, %eq3A_622 : vector<128x256xi32>
    %jit3A_624 = arith.constant 0x7F800000 : f32
    %broadcast_in_dim3A_625 = vector.broadcast %jit3A_624 : f32 to vector<128x256xf32>
    %select_n3A_626 = arith.select %eq3A_623, %broadcast_in_dim3A_625, %get3A_608 : vector<128x256xi1>, vector<128x256xf32>
    %swap3A_627 = arith.constant 0 : index
    %swap3A_628 = arith.constant 0 : index
    %swap3A_629 = vector.load %arg5[%swap3A_627, %swap3A_628] : memref<128x256xf32, #tpu.memory_space<vmem>>, vector<128x256xf32>
    tpu.vector_store %arg5[%swap3A_627, %swap3A_628], %select_n3A_626 {strides = array<i32>} : memref<128x256xf32, #tpu.memory_space<vmem>>, vector<128x256xf32>,
    %get3A_630 = arith.constant 0 : index
    %get3A_631 = arith.constant 0 : index
    %get3A_632 = vector.load %arg5[%get3A_630, %get3A_631] : memref<128x256xf32, #tpu.memory_space<vmem>>, vector<128x256xf32>
    %reduce_min3A_633 = arith.constant dense<0x7F800000> : vector<128xf32>
    %reduce_min3A_634 = vector.multi_reduction <minimumf>, %get3A_632, %reduce_min3A_633 [1] : vector<128x256xf32> to vector<128xf32>
    %broadcast_in_dim3A_635 = vector.shape_cast %reduce_min3A_634 : vector<128xf32> to vector<128x1xf32>
    %eq3A_636 = vector.broadcast %broadcast_in_dim3A_635 : vector<128x1xf32> to vector<128x256xf32>
    %eq3A_637 = arith.cmpf oeq, %get3A_632, %eq3A_636 : vector<128x256xf32>
    %jit3A_638 = arith.constant 256 : i32
    %broadcast_in_dim3A_639 = vector.broadcast %jit3A_638 : i32 to vector<128x256xi32>
    %select_n3A_640 = arith.select %eq3A_637, %iota3A, %broadcast_in_dim3A_639 : vector<128x256xi1>, vector<128x256xi32>
    %reduce_min3A_641 = arith.constant dense<2147483647> : vector<128xi32>
    %reduce_min3A_642 = vector.multi_reduction <minsi>, %select_n3A_640, %reduce_min3A_641 [1] : vector<128x256xi32> to vector<128xi32>
    %broadcast_in_dim3A_643 = vector.shape_cast %reduce_min3A_642 : vector<128xi32> to vector<128x1xi32>
    %add3A_644 = vector.broadcast %mul3A_34 : i32 to vector<128x1xi32>
    %add3A_645 = arith.addi %broadcast_in_dim3A_643, %add3A_644 : vector<128x1xi32>
    %eq3A_646 = vector.broadcast %broadcast_in_dim3A_643 : vector<128x1xi32> to vector<128x256xi32>
    %eq3A_647 = arith.cmpi eq, %iota3A, %eq3A_646 : vector<128x256xi32>
    %jit3A_648 = arith.constant 0x7F800000 : f32
    %broadcast_in_dim3A_649 = vector.broadcast %jit3A_648 : f32 to vector<128x256xf32>
    %select_n3A_650 = arith.select %eq3A_647, %broadcast_in_dim3A_649, %get3A_632 : vector<128x256xi1>, vector<128x256xf32>
    %swap3A_651 = arith.constant 0 : index
    %swap3A_652 = arith.constant 0 : index
    %swap3A_653 = vector.load %arg5[%swap3A_651, %swap3A_652] : memref<128x256xf32, #tpu.memory_space<vmem>>, vector<128x256xf32>
    tpu.vector_store %arg5[%swap3A_651, %swap3A_652], %select_n3A_650 {strides = array<i32>} : memref<128x256xf32, #tpu.memory_space<vmem>>, vector<128x256xf32>,
    %get3A_654 = arith.constant 0 : index
    %get3A_655 = arith.constant 0 : index
    %get3A_656 = vector.load %arg5[%get3A_654, %get3A_655] : memref<128x256xf32, #tpu.memory_space<vmem>>, vector<128x256xf32>
    %reduce_min3A_657 = arith.constant dense<0x7F800000> : vector<128xf32>
    %reduce_min3A_658 = vector.multi_reduction <minimumf>, %get3A_656, %reduce_min3A_657 [1] : vector<128x256xf32> to vector<128xf32>
    %broadcast_in_dim3A_659 = vector.shape_cast %reduce_min3A_658 : vector<128xf32> to vector<128x1xf32>
    %eq3A_660 = vector.broadcast %broadcast_in_dim3A_659 : vector<128x1xf32> to vector<128x256xf32>
    %eq3A_661 = arith.cmpf oeq, %get3A_656, %eq3A_660 : vector<128x256xf32>
    %jit3A_662 = arith.constant 256 : i32
    %broadcast_in_dim3A_663 = vector.broadcast %jit3A_662 : i32 to vector<128x256xi32>
    %select_n3A_664 = arith.select %eq3A_661, %iota3A, %broadcast_in_dim3A_663 : vector<128x256xi1>, vector<128x256xi32>
    %reduce_min3A_665 = arith.constant dense<2147483647> : vector<128xi32>
    %reduce_min3A_666 = vector.multi_reduction <minsi>, %select_n3A_664, %reduce_min3A_665 [1] : vector<128x256xi32> to vector<128xi32>
    %broadcast_in_dim3A_667 = vector.shape_cast %reduce_min3A_666 : vector<128xi32> to vector<128x1xi32>
    %add3A_668 = vector.broadcast %mul3A_34 : i32 to vector<128x1xi32>
    %add3A_669 = arith.addi %broadcast_in_dim3A_667, %add3A_668 : vector<128x1xi32>
    %eq3A_670 = vector.broadcast %broadcast_in_dim3A_667 : vector<128x1xi32> to vector<128x256xi32>
    %eq3A_671 = arith.cmpi eq, %iota3A, %eq3A_670 : vector<128x256xi32>
    %jit3A_672 = arith.constant 0x7F800000 : f32
    %broadcast_in_dim3A_673 = vector.broadcast %jit3A_672 : f32 to vector<128x256xf32>
    %select_n3A_674 = arith.select %eq3A_671, %broadcast_in_dim3A_673, %get3A_656 : vector<128x256xi1>, vector<128x256xf32>
    %swap3A_675 = arith.constant 0 : index
    %swap3A_676 = arith.constant 0 : index
    %swap3A_677 = vector.load %arg5[%swap3A_675, %swap3A_676] : memref<128x256xf32, #tpu.memory_space<vmem>>, vector<128x256xf32>
    tpu.vector_store %arg5[%swap3A_675, %swap3A_676], %select_n3A_674 {strides = array<i32>} : memref<128x256xf32, #tpu.memory_space<vmem>>, vector<128x256xf32>,
    %get3A_678 = arith.constant 0 : index
    %get3A_679 = arith.constant 0 : index
    %get3A_680 = vector.load %arg5[%get3A_678, %get3A_679] : memref<128x256xf32, #tpu.memory_space<vmem>>, vector<128x256xf32>
    %reduce_min3A_681 = arith.constant dense<0x7F800000> : vector<128xf32>
    %reduce_min3A_682 = vector.multi_reduction <minimumf>, %get3A_680, %reduce_min3A_681 [1] : vector<128x256xf32> to vector<128xf32>
    %broadcast_in_dim3A_683 = vector.shape_cast %reduce_min3A_682 : vector<128xf32> to vector<128x1xf32>
    %eq3A_684 = vector.broadcast %broadcast_in_dim3A_683 : vector<128x1xf32> to vector<128x256xf32>
    %eq3A_685 = arith.cmpf oeq, %get3A_680, %eq3A_684 : vector<128x256xf32>
    %jit3A_686 = arith.constant 256 : i32
    %broadcast_in_dim3A_687 = vector.broadcast %jit3A_686 : i32 to vector<128x256xi32>
    %select_n3A_688 = arith.select %eq3A_685, %iota3A, %broadcast_in_dim3A_687 : vector<128x256xi1>, vector<128x256xi32>
    %reduce_min3A_689 = arith.constant dense<2147483647> : vector<128xi32>
    %reduce_min3A_690 = vector.multi_reduction <minsi>, %select_n3A_688, %reduce_min3A_689 [1] : vector<128x256xi32> to vector<128xi32>
    %broadcast_in_dim3A_691 = vector.shape_cast %reduce_min3A_690 : vector<128xi32> to vector<128x1xi32>
    %add3A_692 = vector.broadcast %mul3A_34 : i32 to vector<128x1xi32>
    %add3A_693 = arith.addi %broadcast_in_dim3A_691, %add3A_692 : vector<128x1xi32>
    %eq3A_694 = vector.broadcast %broadcast_in_dim3A_691 : vector<128x1xi32> to vector<128x256xi32>
    %eq3A_695 = arith.cmpi eq, %iota3A, %eq3A_694 : vector<128x256xi32>
    %jit3A_696 = arith.constant 0x7F800000 : f32
    %broadcast_in_dim3A_697 = vector.broadcast %jit3A_696 : f32 to vector<128x256xf32>
    %select_n3A_698 = arith.select %eq3A_695, %broadcast_in_dim3A_697, %get3A_680 : vector<128x256xi1>, vector<128x256xf32>
    %swap3A_699 = arith.constant 0 : index
    %swap3A_700 = arith.constant 0 : index
    %swap3A_701 = vector.load %arg5[%swap3A_699, %swap3A_700] : memref<128x256xf32, #tpu.memory_space<vmem>>, vector<128x256xf32>
    tpu.vector_store %arg5[%swap3A_699, %swap3A_700], %select_n3A_698 {strides = array<i32>} : memref<128x256xf32, #tpu.memory_space<vmem>>, vector<128x256xf32>,
    %get3A_702 = arith.constant 0 : index
    %get3A_703 = arith.constant 0 : index
    %get3A_704 = vector.load %arg5[%get3A_702, %get3A_703] : memref<128x256xf32, #tpu.memory_space<vmem>>, vector<128x256xf32>
    %reduce_min3A_705 = arith.constant dense<0x7F800000> : vector<128xf32>
    %reduce_min3A_706 = vector.multi_reduction <minimumf>, %get3A_704, %reduce_min3A_705 [1] : vector<128x256xf32> to vector<128xf32>
    %broadcast_in_dim3A_707 = vector.shape_cast %reduce_min3A_706 : vector<128xf32> to vector<128x1xf32>
    %eq3A_708 = vector.broadcast %broadcast_in_dim3A_707 : vector<128x1xf32> to vector<128x256xf32>
    %eq3A_709 = arith.cmpf oeq, %get3A_704, %eq3A_708 : vector<128x256xf32>
    %jit3A_710 = arith.constant 256 : i32
    %broadcast_in_dim3A_711 = vector.broadcast %jit3A_710 : i32 to vector<128x256xi32>
    %select_n3A_712 = arith.select %eq3A_709, %iota3A, %broadcast_in_dim3A_711 : vector<128x256xi1>, vector<128x256xi32>
    %reduce_min3A_713 = arith.constant dense<2147483647> : vector<128xi32>
    %reduce_min3A_714 = vector.multi_reduction <minsi>, %select_n3A_712, %reduce_min3A_713 [1] : vector<128x256xi32> to vector<128xi32>
    %broadcast_in_dim3A_715 = vector.shape_cast %reduce_min3A_714 : vector<128xi32> to vector<128x1xi32>
    %add3A_716 = vector.broadcast %mul3A_34 : i32 to vector<128x1xi32>
    %add3A_717 = arith.addi %broadcast_in_dim3A_715, %add3A_716 : vector<128x1xi32>
    %eq3A_718 = vector.broadcast %broadcast_in_dim3A_715 : vector<128x1xi32> to vector<128x256xi32>
    %eq3A_719 = arith.cmpi eq, %iota3A, %eq3A_718 : vector<128x256xi32>
    %jit3A_720 = arith.constant 0x7F800000 : f32
    %broadcast_in_dim3A_721 = vector.broadcast %jit3A_720 : f32 to vector<128x256xf32>
    %select_n3A_722 = arith.select %eq3A_719, %broadcast_in_dim3A_721, %get3A_704 : vector<128x256xi1>, vector<128x256xf32>
    %swap3A_723 = arith.constant 0 : index
    %swap3A_724 = arith.constant 0 : index
    %swap3A_725 = vector.load %arg5[%swap3A_723, %swap3A_724] : memref<128x256xf32, #tpu.memory_space<vmem>>, vector<128x256xf32>
    tpu.vector_store %arg5[%swap3A_723, %swap3A_724], %select_n3A_722 {strides = array<i32>} : memref<128x256xf32, #tpu.memory_space<vmem>>, vector<128x256xf32>,
    %get3A_726 = arith.constant 0 : index
    %get3A_727 = arith.constant 0 : index
    %get3A_728 = vector.load %arg5[%get3A_726, %get3A_727] : memref<128x256xf32, #tpu.memory_space<vmem>>, vector<128x256xf32>
    %reduce_min3A_729 = arith.constant dense<0x7F800000> : vector<128xf32>
    %reduce_min3A_730 = vector.multi_reduction <minimumf>, %get3A_728, %reduce_min3A_729 [1] : vector<128x256xf32> to vector<128xf32>
    %broadcast_in_dim3A_731 = vector.shape_cast %reduce_min3A_730 : vector<128xf32> to vector<128x1xf32>
    %eq3A_732 = vector.broadcast %broadcast_in_dim3A_731 : vector<128x1xf32> to vector<128x256xf32>
    %eq3A_733 = arith.cmpf oeq, %get3A_728, %eq3A_732 : vector<128x256xf32>
    %jit3A_734 = arith.constant 256 : i32
    %broadcast_in_dim3A_735 = vector.broadcast %jit3A_734 : i32 to vector<128x256xi32>
    %select_n3A_736 = arith.select %eq3A_733, %iota3A, %broadcast_in_dim3A_735 : vector<128x256xi1>, vector<128x256xi32>
    %reduce_min3A_737 = arith.constant dense<2147483647> : vector<128xi32>
    %reduce_min3A_738 = vector.multi_reduction <minsi>, %select_n3A_736, %reduce_min3A_737 [1] : vector<128x256xi32> to vector<128xi32>
    %broadcast_in_dim3A_739 = vector.shape_cast %reduce_min3A_738 : vector<128xi32> to vector<128x1xi32>
    %add3A_740 = vector.broadcast %mul3A_34 : i32 to vector<128x1xi32>
    %add3A_741 = arith.addi %broadcast_in_dim3A_739, %add3A_740 : vector<128x1xi32>
    %eq3A_742 = vector.broadcast %broadcast_in_dim3A_739 : vector<128x1xi32> to vector<128x256xi32>
    %eq3A_743 = arith.cmpi eq, %iota3A, %eq3A_742 : vector<128x256xi32>
    %jit3A_744 = arith.constant 0x7F800000 : f32
    %broadcast_in_dim3A_745 = vector.broadcast %jit3A_744 : f32 to vector<128x256xf32>
    %select_n3A_746 = arith.select %eq3A_743, %broadcast_in_dim3A_745, %get3A_728 : vector<128x256xi1>, vector<128x256xf32>
    %swap3A_747 = arith.constant 0 : index
    %swap3A_748 = arith.constant 0 : index
    %swap3A_749 = vector.load %arg5[%swap3A_747, %swap3A_748] : memref<128x256xf32, #tpu.memory_space<vmem>>, vector<128x256xf32>
    tpu.vector_store %arg5[%swap3A_747, %swap3A_748], %select_n3A_746 {strides = array<i32>} : memref<128x256xf32, #tpu.memory_space<vmem>>, vector<128x256xf32>,
    %get3A_750 = arith.constant 0 : index
    %get3A_751 = arith.constant 0 : index
    %get3A_752 = vector.load %arg5[%get3A_750, %get3A_751] : memref<128x256xf32, #tpu.memory_space<vmem>>, vector<128x256xf32>
    %reduce_min3A_753 = arith.constant dense<0x7F800000> : vector<128xf32>
    %reduce_min3A_754 = vector.multi_reduction <minimumf>, %get3A_752, %reduce_min3A_753 [1] : vector<128x256xf32> to vector<128xf32>
    %broadcast_in_dim3A_755 = vector.shape_cast %reduce_min3A_754 : vector<128xf32> to vector<128x1xf32>
    %eq3A_756 = vector.broadcast %broadcast_in_dim3A_755 : vector<128x1xf32> to vector<128x256xf32>
    %eq3A_757 = arith.cmpf oeq, %get3A_752, %eq3A_756 : vector<128x256xf32>
    %jit3A_758 = arith.constant 256 : i32
    %broadcast_in_dim3A_759 = vector.broadcast %jit3A_758 : i32 to vector<128x256xi32>
    %select_n3A_760 = arith.select %eq3A_757, %iota3A, %broadcast_in_dim3A_759 : vector<128x256xi1>, vector<128x256xi32>
    %reduce_min3A_761 = arith.constant dense<2147483647> : vector<128xi32>
    %reduce_min3A_762 = vector.multi_reduction <minsi>, %select_n3A_760, %reduce_min3A_761 [1] : vector<128x256xi32> to vector<128xi32>
    %broadcast_in_dim3A_763 = vector.shape_cast %reduce_min3A_762 : vector<128xi32> to vector<128x1xi32>
    %add3A_764 = vector.broadcast %mul3A_34 : i32 to vector<128x1xi32>
    %add3A_765 = arith.addi %broadcast_in_dim3A_763, %add3A_764 : vector<128x1xi32>
    %eq3A_766 = vector.broadcast %broadcast_in_dim3A_763 : vector<128x1xi32> to vector<128x256xi32>
    %eq3A_767 = arith.cmpi eq, %iota3A, %eq3A_766 : vector<128x256xi32>
    %jit3A_768 = arith.constant 0x7F800000 : f32
    %broadcast_in_dim3A_769 = vector.broadcast %jit3A_768 : f32 to vector<128x256xf32>
    %select_n3A_770 = arith.select %eq3A_767, %broadcast_in_dim3A_769, %get3A_752 : vector<128x256xi1>, vector<128x256xf32>
    %swap3A_771 = arith.constant 0 : index
    %swap3A_772 = arith.constant 0 : index
    %swap3A_773 = vector.load %arg5[%swap3A_771, %swap3A_772] : memref<128x256xf32, #tpu.memory_space<vmem>>, vector<128x256xf32>
    tpu.vector_store %arg5[%swap3A_771, %swap3A_772], %select_n3A_770 {strides = array<i32>} : memref<128x256xf32, #tpu.memory_space<vmem>>, vector<128x256xf32>,
    %get3A_774 = arith.constant 0 : index
    %get3A_775 = arith.constant 0 : index
    %get3A_776 = vector.load %arg5[%get3A_774, %get3A_775] : memref<128x256xf32, #tpu.memory_space<vmem>>, vector<128x256xf32>
    %reduce_min3A_777 = arith.constant dense<0x7F800000> : vector<128xf32>
    %reduce_min3A_778 = vector.multi_reduction <minimumf>, %get3A_776, %reduce_min3A_777 [1] : vector<128x256xf32> to vector<128xf32>
    %broadcast_in_dim3A_779 = vector.shape_cast %reduce_min3A_778 : vector<128xf32> to vector<128x1xf32>
    %eq3A_780 = vector.broadcast %broadcast_in_dim3A_779 : vector<128x1xf32> to vector<128x256xf32>
    %eq3A_781 = arith.cmpf oeq, %get3A_776, %eq3A_780 : vector<128x256xf32>
    %jit3A_782 = arith.constant 256 : i32
    %broadcast_in_dim3A_783 = vector.broadcast %jit3A_782 : i32 to vector<128x256xi32>
    %select_n3A_784 = arith.select %eq3A_781, %iota3A, %broadcast_in_dim3A_783 : vector<128x256xi1>, vector<128x256xi32>
    %reduce_min3A_785 = arith.constant dense<2147483647> : vector<128xi32>
    %reduce_min3A_786 = vector.multi_reduction <minsi>, %select_n3A_784, %reduce_min3A_785 [1] : vector<128x256xi32> to vector<128xi32>
    %broadcast_in_dim3A_787 = vector.shape_cast %reduce_min3A_786 : vector<128xi32> to vector<128x1xi32>
    %add3A_788 = vector.broadcast %mul3A_34 : i32 to vector<128x1xi32>
    %add3A_789 = arith.addi %broadcast_in_dim3A_787, %add3A_788 : vector<128x1xi32>
    %eq3A_790 = vector.broadcast %broadcast_in_dim3A_787 : vector<128x1xi32> to vector<128x256xi32>
    %eq3A_791 = arith.cmpi eq, %iota3A, %eq3A_790 : vector<128x256xi32>
    %jit3A_792 = arith.constant 0x7F800000 : f32
    %broadcast_in_dim3A_793 = vector.broadcast %jit3A_792 : f32 to vector<128x256xf32>
    %select_n3A_794 = arith.select %eq3A_791, %broadcast_in_dim3A_793, %get3A_776 : vector<128x256xi1>, vector<128x256xf32>
    %swap3A_795 = arith.constant 0 : index
    %swap3A_796 = arith.constant 0 : index
    %swap3A_797 = vector.load %arg5[%swap3A_795, %swap3A_796] : memref<128x256xf32, #tpu.memory_space<vmem>>, vector<128x256xf32>
    tpu.vector_store %arg5[%swap3A_795, %swap3A_796], %select_n3A_794 {strides = array<i32>} : memref<128x256xf32, #tpu.memory_space<vmem>>, vector<128x256xf32>,
    %concatenate3A = tpu.concatenate %add3A_45, %add3A_69, %add3A_93, %add3A_117, %add3A_141, %add3A_165, %add3A_189, %add3A_213, %add3A_237, %add3A_261, %add3A_285, %add3A_309, %add3A_333, %add3A_357, %add3A_381, %add3A_405, %add3A_429, %add3A_453, %add3A_477, %add3A_501, %add3A_525, %add3A_549, %add3A_573, %add3A_597, %add3A_621, %add3A_645, %add3A_669, %add3A_693, %add3A_717, %add3A_741, %add3A_765, %add3A_789 in 1 : vector<128x1xi32>, vector<128x1xi32>, vector<128x1xi32>, vector<128x1xi32>, vector<128x1xi32>, vector<128x1xi32>, vector<128x1xi32>, vector<128x1xi32>, vector<128x1xi32>, vector<128x1xi32>, vector<128x1xi32>, vector<128x1xi32>, vector<128x1xi32>, vector<128x1xi32>, vector<128x1xi32>, vector<128x1xi32>, vector<128x1xi32>, vector<128x1xi32>, vector<128x1xi32>, vector<128x1xi32>, vector<128x1xi32>, vector<128x1xi32>, vector<128x1xi32>, vector<128x1xi32>, vector<128x1xi32>, vector<128x1xi32>, vector<128x1xi32>, vector<128x1xi32>, vector<128x1xi32>, vector<128x1xi32>, vector<128x1xi32>, vector<128x1xi32> -> vector<128x32xi32>
    %swap3A_798 = arith.constant 0 : index
    %swap3A_799 = arith.constant 0 : index
    %swap3A_800 = arith.constant 0 : index
    %swap3A_801 = vector.load %arg4[%swap3A_798, %swap3A_799, %swap3A_800] : memref<1x128x32xi32, #tpu.memory_space<vmem>>, vector<1x128x32xi32>
    %swap3A_802 = vector.shape_cast %swap3A_801 : vector<1x128x32xi32> to vector<128x32xi32>
    %swap3A_803 = vector.shape_cast %concatenate3A : vector<128x32xi32> to vector<1x128x32xi32>
    tpu.vector_store %arg4[%swap3A_798, %swap3A_799, %swap3A_800], %swap3A_803 {strides = array<i32>} : memref<1x128x32xi32, #tpu.memory_space<vmem>>, vector<1x128x32xi32>,
    return
  }
  func.func @transform_0(%arg0: i32, %arg1: i32) -> (i32, i32, i32) {
    %c0_i32 = arith.constant 0 : i32
    %c0_i32_0 = arith.constant 0 : i32
    %c0_i32_1 = arith.constant 0 : i32
    return %arg0, %c0_i32, %c0_i32_0 : i32, i32, i32
  }
  func.func @transform_1(%arg0: i32, %arg1: i32) -> (i32, i32, i32) {
    %c0_i32 = arith.constant 0 : i32
    %c0_i32_0 = arith.constant 0 : i32
    return %arg0, %arg1, %c0_i32 : i32, i32, i32
  }
  func.func @transform_2(%arg0: i32, %arg1: i32) -> (i32, i32, i32) {
    %c0_i32 = arith.constant 0 : i32
    %c0_i32_0 = arith.constant 0 : i32
    return %arg0, %arg1, %c0_i32 : i32, i32, i32
  }
}

module attributes {stable_mosaic.version = 14 : i64} {
  func.func @_mcg_body(%arg0: i32, %arg1: memref<2048x256xf32, #tpu.memory_space<vmem>>, %arg2: memref<64x3xf32, #tpu.memory_space<vmem>>, %arg3: memref<7x32xf32, #tpu.memory_space<vmem>>, %arg4: memref<1x32xf32, #tpu.memory_space<vmem>>, %arg5: memref<32x1xf32, #tpu.memory_space<vmem>>, %arg6: memref<1x1xf32, #tpu.memory_space<vmem>>, %arg7: memref<1x64xf32, #tpu.memory_space<vmem>>, %arg8: memref<1x64xf32, #tpu.memory_space<vmem>>, %arg9: memref<64x256xf32, #tpu.memory_space<vmem>>, %arg10: memref<1x256xf32, #tpu.memory_space<vmem>>, %arg11: memref<128x256xf32, #tpu.memory_space<vmem>>, %arg12: memref<64x256xf32, #tpu.memory_space<vmem>>) attributes {dimension_semantics = [#tpu.dimension_semantics<arbitrary>], iteration_bounds = array<i64: 64>, scalar_prefetch = 0 : i64, scratch_operands = 0 : i64, tpu.core_type = #tpu.core_type<tc>, window_params = [{transform_indices = @transform_0, window_bounds = array<i64: 2048, 256>}, {transform_indices = @transform_1, window_bounds = array<i64: 64, 3>}, {pipeline_mode = #tpu.pipeline_mode<synchronous>, transform_indices = @transform_2, window_bounds = array<i64: 7, 32>}, {pipeline_mode = #tpu.pipeline_mode<synchronous>, transform_indices = @transform_3, window_bounds = array<i64: 1, 32>}, {pipeline_mode = #tpu.pipeline_mode<synchronous>, transform_indices = @transform_4, window_bounds = array<i64: 32, 1>}, {pipeline_mode = #tpu.pipeline_mode<synchronous>, transform_indices = @transform_5, window_bounds = array<i64: 1, 1>}, {pipeline_mode = #tpu.pipeline_mode<synchronous>, transform_indices = @transform_6, window_bounds = array<i64: 1, 64>}, {pipeline_mode = #tpu.pipeline_mode<synchronous>, transform_indices = @transform_7, window_bounds = array<i64: 1, 64>}, {pipeline_mode = #tpu.pipeline_mode<synchronous>, transform_indices = @transform_8, window_bounds = array<i64: 64, 256>}, {pipeline_mode = #tpu.pipeline_mode<synchronous>, transform_indices = @transform_9, window_bounds = array<i64: 1, 256>}, {pipeline_mode = #tpu.pipeline_mode<synchronous>, transform_indices = @transform_10, window_bounds = array<i64: 128, 256>}, {transform_indices = @transform_11, window_bounds = array<i64: 64, 256>}]} {
    %get3A = arith.constant 0 : index
    %get3A_0 = arith.constant 0 : index
    %get3A_1 = vector.load %arg1[%get3A, %get3A_0] : memref<2048x256xf32, #tpu.memory_space<vmem>>, vector<2048x256xf32>
    %slice3A = vector.extract_strided_slice %get3A_1 {offsets = [0, 0], sizes = [2048, 3], strides = [1, 1]} : vector<2048x256xf32> to vector<2048x3xf32>
    %slice3A_2 = vector.extract_strided_slice %get3A_1 {offsets = [0, 3], sizes = [2048, 128], strides = [1, 1]} : vector<2048x256xf32> to vector<2048x128xf32>
    %get3A_3 = arith.constant 0 : index
    %get3A_4 = arith.constant 0 : index
    %get3A_5 = vector.load %arg2[%get3A_3, %get3A_4] : memref<64x3xf32, #tpu.memory_space<vmem>>, vector<64x3xf32>
    %broadcast_in_dim3A = vector.shape_cast %get3A_5 : vector<64x3xf32> to vector<64x1x3xf32>
    %broadcast_in_dim3A_6 = vector.shape_cast %broadcast_in_dim3A : vector<64x1x3xf32> to vector<64x1x3xf32>
    %broadcast_in_dim3A_7 = vector.broadcast %broadcast_in_dim3A_6 : vector<64x1x3xf32> to vector<64x32x3xf32>
    %reshape3A = vector.shape_cast %broadcast_in_dim3A_7 : vector<64x32x3xf32> to vector<2048x3xf32>
    %sub3A = arith.subf %slice3A, %reshape3A : vector<2048x3xf32>
    %mul3A = arith.mulf %sub3A, %sub3A : vector<2048x3xf32>
    %reduce_sum3A = arith.constant dense<0.000000e+00> : vector<2048xf32>
    %reduce_sum3A_8 = vector.multi_reduction <add>, %mul3A, %reduce_sum3A [1] : vector<2048x3xf32> to vector<2048xf32>
    %broadcast_in_dim3A_9 = vector.shape_cast %reduce_sum3A_8 : vector<2048xf32> to vector<2048x1xf32>
    %add3A = arith.constant 9.99999993E-9 : f32
    %add3A_10 = vector.broadcast %add3A : f32 to vector<2048x1xf32>
    %add3A_11 = arith.addf %broadcast_in_dim3A_9, %add3A_10 : vector<2048x1xf32>
    %sqrt3A = math.sqrt %add3A_11 : vector<2048x1xf32>
    %concatenate3A = tpu.concatenate %sub3A, %reshape3A, %sqrt3A in 1 : vector<2048x3xf32>, vector<2048x3xf32>, vector<2048x1xf32> -> vector<2048x7xf32>
    %get3A_12 = arith.constant 0 : index
    %get3A_13 = arith.constant 0 : index
    %get3A_14 = vector.load %arg3[%get3A_12, %get3A_13] : memref<7x32xf32, #tpu.memory_space<vmem>>, vector<7x32xf32>
    %dot_general3A = arith.constant dense<0.000000e+00> : vector<2048x32xf32>
    %dot_general3A_15 = tpu.matmul %concatenate3A, %get3A_14, %dot_general3A {dimension_numbers = #tpu.dot_dimension_numbers<[1], [0], [0], [1], [0, 0, 1, 1], [], []>, transpose_lhs_hint = false} : vector<2048x7xf32>, vector<7x32xf32>, vector<2048x32xf32> -> vector<2048x32xf32>
    %get3A_16 = arith.constant 0 : index
    %get3A_17 = arith.constant 0 : index
    %get3A_18 = vector.load %arg4[%get3A_16, %get3A_17] : memref<1x32xf32, #tpu.memory_space<vmem>>, vector<1x32xf32>
    %add3A_19 = vector.broadcast %get3A_18 : vector<1x32xf32> to vector<2048x32xf32>
    %add3A_20 = arith.addf %dot_general3A_15, %add3A_19 : vector<2048x32xf32>
    %max3A = arith.constant 0.000000e+00 : f32
    %max3A_21 = vector.broadcast %max3A : f32 to vector<2048x32xf32>
    %max3A_22 = arith.maximumf %add3A_20, %max3A_21 : vector<2048x32xf32>
    %get3A_23 = arith.constant 0 : index
    %get3A_24 = arith.constant 0 : index
    %get3A_25 = vector.load %arg5[%get3A_23, %get3A_24] : memref<32x1xf32, #tpu.memory_space<vmem>>, vector<32x1xf32>
    %dot_general3A_26 = arith.constant dense<0.000000e+00> : vector<2048x1xf32>
    %dot_general3A_27 = tpu.matmul %max3A_22, %get3A_25, %dot_general3A_26 {dimension_numbers = #tpu.dot_dimension_numbers<[1], [0], [0], [1], [0, 0, 1, 1], [], []>, transpose_lhs_hint = false} : vector<2048x32xf32>, vector<32x1xf32>, vector<2048x1xf32> -> vector<2048x1xf32>
    %get3A_28 = arith.constant 0 : index
    %get3A_29 = arith.constant 0 : index
    %get3A_30 = vector.load %arg6[%get3A_28, %get3A_29] : memref<1x1xf32, #tpu.memory_space<vmem>>, vector<1x1xf32>
    %add3A_31 = vector.broadcast %get3A_30 : vector<1x1xf32> to vector<2048x1xf32>
    %add3A_32 = arith.addf %dot_general3A_27, %add3A_31 : vector<2048x1xf32>
    %get3A_33 = arith.constant 0 : index
    %get3A_34 = arith.constant 0 : index
    %get3A_35 = vector.load %arg7[%get3A_33, %get3A_34] : memref<1x64xf32, #tpu.memory_space<vmem>>, vector<1x64xf32>
    %mul3A_36 = vector.broadcast %add3A_32 : vector<2048x1xf32> to vector<2048x64xf32>
    %mul3A_37 = vector.broadcast %get3A_35 : vector<1x64xf32> to vector<2048x64xf32>
    %mul3A_38 = arith.mulf %mul3A_36, %mul3A_37 : vector<2048x64xf32>
    %get3A_39 = arith.constant 0 : index
    %get3A_40 = arith.constant 0 : index
    %get3A_41 = vector.load %arg8[%get3A_39, %get3A_40] : memref<1x64xf32, #tpu.memory_space<vmem>>, vector<1x64xf32>
    %add3A_42 = vector.broadcast %get3A_41 : vector<1x64xf32> to vector<2048x64xf32>
    %add3A_43 = arith.addf %mul3A_38, %add3A_42 : vector<2048x64xf32>
    %max3A_44 = arith.constant 0.000000e+00 : f32
    %max3A_45 = vector.broadcast %max3A_44 : f32 to vector<2048x64xf32>
    %max3A_46 = arith.maximumf %add3A_43, %max3A_45 : vector<2048x64xf32>
    %get3A_47 = arith.constant 0 : index
    %get3A_48 = arith.constant 0 : index
    %get3A_49 = vector.load %arg9[%get3A_47, %get3A_48] : memref<64x256xf32, #tpu.memory_space<vmem>>, vector<64x256xf32>
    %dot_general3A_50 = arith.constant dense<0.000000e+00> : vector<2048x256xf32>
    %dot_general3A_51 = tpu.matmul %max3A_46, %get3A_49, %dot_general3A_50 {dimension_numbers = #tpu.dot_dimension_numbers<[1], [0], [0], [1], [0, 0, 1, 1], [], []>, transpose_lhs_hint = false} : vector<2048x64xf32>, vector<64x256xf32>, vector<2048x256xf32> -> vector<2048x256xf32>
    %get3A_52 = arith.constant 0 : index
    %get3A_53 = arith.constant 0 : index
    %get3A_54 = vector.load %arg10[%get3A_52, %get3A_53] : memref<1x256xf32, #tpu.memory_space<vmem>>, vector<1x256xf32>
    %add3A_55 = vector.broadcast %get3A_54 : vector<1x256xf32> to vector<2048x256xf32>
    %add3A_56 = arith.addf %dot_general3A_51, %add3A_55 : vector<2048x256xf32>
    %max3A_57 = arith.constant 0.000000e+00 : f32
    %max3A_58 = vector.broadcast %max3A_57 : f32 to vector<2048x256xf32>
    %max3A_59 = arith.maximumf %add3A_56, %max3A_58 : vector<2048x256xf32>
    %get3A_60 = arith.constant 0 : index
    %get3A_61 = arith.constant 0 : index
    %get3A_62 = vector.load %arg11[%get3A_60, %get3A_61] : memref<128x256xf32, #tpu.memory_space<vmem>>, vector<128x256xf32>
    %dot_general3A_63 = arith.constant dense<0.000000e+00> : vector<2048x256xf32>
    %dot_general3A_64 = tpu.matmul %slice3A_2, %get3A_62, %dot_general3A_63 {dimension_numbers = #tpu.dot_dimension_numbers<[1], [0], [0], [1], [0, 0, 1, 1], [], []>, transpose_lhs_hint = false} : vector<2048x128xf32>, vector<128x256xf32>, vector<2048x256xf32> -> vector<2048x256xf32>
    %mul3A_65 = arith.mulf %dot_general3A_64, %max3A_59 : vector<2048x256xf32>
    %reshape3A_66 = vector.shape_cast %mul3A_65 : vector<2048x256xf32> to vector<64x32x256xf32>
    %reduce_max3A = arith.constant dense<0xFF800000> : vector<64x256xf32>
    %reduce_max3A_67 = vector.multi_reduction <maximumf>, %reshape3A_66, %reduce_max3A [1] : vector<64x32x256xf32> to vector<64x256xf32>
    %swap3A = arith.constant 0 : index
    %swap3A_68 = arith.constant 0 : index
    %swap3A_69 = vector.load %arg12[%swap3A, %swap3A_68] : memref<64x256xf32, #tpu.memory_space<vmem>>, vector<64x256xf32>
    tpu.vector_store %arg12[%swap3A, %swap3A_68], %reduce_max3A_67 {strides = array<i32>} : memref<64x256xf32, #tpu.memory_space<vmem>>, vector<64x256xf32>,
    return
  }
  func.func @transform_0(%arg0: i32) -> (i32, i32) {
    %c0_i32 = arith.constant 0 : i32
    %c0_i32_0 = arith.constant 0 : i32
    return %arg0, %c0_i32 : i32, i32
  }
  func.func @transform_1(%arg0: i32) -> (i32, i32) {
    %c0_i32 = arith.constant 0 : i32
    %c0_i32_0 = arith.constant 0 : i32
    return %arg0, %c0_i32 : i32, i32
  }
  func.func @transform_2(%arg0: i32) -> (i32, i32) {
    %c0_i32 = arith.constant 0 : i32
    %c0_i32_0 = arith.constant 0 : i32
    %c0_i32_1 = arith.constant 0 : i32
    return %c0_i32, %c0_i32_0 : i32, i32
  }
  func.func @transform_3(%arg0: i32) -> (i32, i32) {
    %c0_i32 = arith.constant 0 : i32
    %c0_i32_0 = arith.constant 0 : i32
    %c0_i32_1 = arith.constant 0 : i32
    return %c0_i32, %c0_i32_0 : i32, i32
  }
  func.func @transform_4(%arg0: i32) -> (i32, i32) {
    %c0_i32 = arith.constant 0 : i32
    %c0_i32_0 = arith.constant 0 : i32
    %c0_i32_1 = arith.constant 0 : i32
    return %c0_i32, %c0_i32_0 : i32, i32
  }
  func.func @transform_5(%arg0: i32) -> (i32, i32) {
    %c0_i32 = arith.constant 0 : i32
    %c0_i32_0 = arith.constant 0 : i32
    %c0_i32_1 = arith.constant 0 : i32
    return %c0_i32, %c0_i32_0 : i32, i32
  }
  func.func @transform_6(%arg0: i32) -> (i32, i32) {
    %c0_i32 = arith.constant 0 : i32
    %c0_i32_0 = arith.constant 0 : i32
    %c0_i32_1 = arith.constant 0 : i32
    return %c0_i32, %c0_i32_0 : i32, i32
  }
  func.func @transform_7(%arg0: i32) -> (i32, i32) {
    %c0_i32 = arith.constant 0 : i32
    %c0_i32_0 = arith.constant 0 : i32
    %c0_i32_1 = arith.constant 0 : i32
    return %c0_i32, %c0_i32_0 : i32, i32
  }
  func.func @transform_8(%arg0: i32) -> (i32, i32) {
    %c0_i32 = arith.constant 0 : i32
    %c0_i32_0 = arith.constant 0 : i32
    %c0_i32_1 = arith.constant 0 : i32
    return %c0_i32, %c0_i32_0 : i32, i32
  }
  func.func @transform_9(%arg0: i32) -> (i32, i32) {
    %c0_i32 = arith.constant 0 : i32
    %c0_i32_0 = arith.constant 0 : i32
    %c0_i32_1 = arith.constant 0 : i32
    return %c0_i32, %c0_i32_0 : i32, i32
  }
  func.func @transform_10(%arg0: i32) -> (i32, i32) {
    %c0_i32 = arith.constant 0 : i32
    %c0_i32_0 = arith.constant 0 : i32
    %c0_i32_1 = arith.constant 0 : i32
    return %c0_i32, %c0_i32_0 : i32, i32
  }
  func.func @transform_11(%arg0: i32) -> (i32, i32) {
    %c0_i32 = arith.constant 0 : i32
    %c0_i32_0 = arith.constant 0 : i32
    return %arg0, %c0_i32 : i32, i32
  }
}

module attributes {stable_mosaic.version = 14 : i64} {
  func.func @_knn_body(%arg0: i32, %arg1: i32, %arg2: memref<1x3x128xf32, #tpu.memory_space<vmem>>, %arg3: memref<1x32x3xf32, #tpu.memory_space<vmem>>, %arg4: memref<1x32x32xi32, #tpu.memory_space<vmem>>, %arg5: memref<32x128xf32, #tpu.memory_space<vmem>>) attributes {dimension_semantics = [#tpu.dimension_semantics<arbitrary>, #tpu.dimension_semantics<arbitrary>], iteration_bounds = array<i64: 16, 1>, scalar_prefetch = 0 : i64, scratch_operands = 1 : i64, tpu.core_type = #tpu.core_type<tc>, window_params = [{transform_indices = @transform_0, window_bounds = array<i64: 1, 3, 128>}, {transform_indices = @transform_1, window_bounds = array<i64: 1, 32, 3>}, {transform_indices = @transform_2, window_bounds = array<i64: 1, 32, 32>}]} {
    %get3A = arith.constant 0 : index
    %get3A_0 = arith.constant 0 : index
    %get3A_1 = arith.constant 0 : index
    %get3A_2 = vector.load %arg3[%get3A, %get3A_0, %get3A_1] : memref<1x32x3xf32, #tpu.memory_space<vmem>>, vector<1x32x3xf32>
    %get3A_3 = vector.shape_cast %get3A_2 : vector<1x32x3xf32> to vector<32x3xf32>
    %get3A_4 = arith.constant 0 : index
    %get3A_5 = arith.constant 0 : index
    %get3A_6 = arith.constant 0 : index
    %get3A_7 = vector.load %arg2[%get3A_4, %get3A_5, %get3A_6] : memref<1x3x128xf32, #tpu.memory_space<vmem>>, vector<1x1x128xf32>
    %get3A_8 = vector.shape_cast %get3A_7 : vector<1x1x128xf32> to vector<1x128xf32>
    %slice3A = vector.extract_strided_slice %get3A_3 {offsets = [0, 0], sizes = [32, 1], strides = [1, 1]} : vector<32x3xf32> to vector<32x1xf32>
    %sub3A = vector.broadcast %get3A_8 : vector<1x128xf32> to vector<32x128xf32>
    %sub3A_9 = vector.broadcast %slice3A : vector<32x1xf32> to vector<32x128xf32>
    %sub3A_10 = arith.subf %sub3A, %sub3A_9 : vector<32x128xf32>
    %integer_pow3A = arith.mulf %sub3A_10, %sub3A_10 : vector<32x128xf32>
    %get3A_11 = arith.constant 0 : index
    %get3A_12 = arith.constant 1 : index
    %get3A_13 = arith.constant 0 : index
    %get3A_14 = vector.load %arg2[%get3A_11, %get3A_12, %get3A_13] : memref<1x3x128xf32, #tpu.memory_space<vmem>>, vector<1x1x128xf32>
    %get3A_15 = vector.shape_cast %get3A_14 : vector<1x1x128xf32> to vector<1x128xf32>
    %slice3A_16 = vector.extract_strided_slice %get3A_3 {offsets = [0, 1], sizes = [32, 1], strides = [1, 1]} : vector<32x3xf32> to vector<32x1xf32>
    %sub3A_17 = vector.broadcast %get3A_15 : vector<1x128xf32> to vector<32x128xf32>
    %sub3A_18 = vector.broadcast %slice3A_16 : vector<32x1xf32> to vector<32x128xf32>
    %sub3A_19 = arith.subf %sub3A_17, %sub3A_18 : vector<32x128xf32>
    %integer_pow3A_20 = arith.mulf %sub3A_19, %sub3A_19 : vector<32x128xf32>
    %add3A = arith.addf %integer_pow3A, %integer_pow3A_20 : vector<32x128xf32>
    %get3A_21 = arith.constant 0 : index
    %get3A_22 = arith.constant 2 : index
    %get3A_23 = arith.constant 0 : index
    %get3A_24 = vector.load %arg2[%get3A_21, %get3A_22, %get3A_23] : memref<1x3x128xf32, #tpu.memory_space<vmem>>, vector<1x1x128xf32>
    %get3A_25 = vector.shape_cast %get3A_24 : vector<1x1x128xf32> to vector<1x128xf32>
    %slice3A_26 = vector.extract_strided_slice %get3A_3 {offsets = [0, 2], sizes = [32, 1], strides = [1, 1]} : vector<32x3xf32> to vector<32x1xf32>
    %sub3A_27 = vector.broadcast %get3A_25 : vector<1x128xf32> to vector<32x128xf32>
    %sub3A_28 = vector.broadcast %slice3A_26 : vector<32x1xf32> to vector<32x128xf32>
    %sub3A_29 = arith.subf %sub3A_27, %sub3A_28 : vector<32x128xf32>
    %integer_pow3A_30 = arith.mulf %sub3A_29, %sub3A_29 : vector<32x128xf32>
    %add3A_31 = arith.addf %add3A, %integer_pow3A_30 : vector<32x128xf32>
    %swap3A = arith.constant 0 : index
    %swap3A_32 = arith.constant 0 : index
    %swap3A_33 = vector.load %arg5[%swap3A, %swap3A_32] : memref<32x128xf32, #tpu.memory_space<vmem>>, vector<32x128xf32>
    tpu.vector_store %arg5[%swap3A, %swap3A_32], %add3A_31 {strides = array<i32>} : memref<32x128xf32, #tpu.memory_space<vmem>>, vector<32x128xf32>,
    %iota3A = tpu.iota {dimensions = array<i32: 1>} : vector<32x128xi32>
    %mul3A = arith.constant 128 : i32
    %mul3A_34 = arith.muli %arg0, %mul3A : i32
    %get3A_35 = arith.constant 0 : index
    %get3A_36 = arith.constant 0 : index
    %get3A_37 = vector.load %arg5[%get3A_35, %get3A_36] : memref<32x128xf32, #tpu.memory_space<vmem>>, vector<32x128xf32>
    %reduce_min3A = arith.constant dense<0x7F800000> : vector<32xf32>
    %reduce_min3A_38 = vector.multi_reduction <minimumf>, %get3A_37, %reduce_min3A [1] : vector<32x128xf32> to vector<32xf32>
    %broadcast_in_dim3A = vector.shape_cast %reduce_min3A_38 : vector<32xf32> to vector<32x1xf32>
    %eq3A = vector.broadcast %broadcast_in_dim3A : vector<32x1xf32> to vector<32x128xf32>
    %eq3A_39 = arith.cmpf oeq, %get3A_37, %eq3A : vector<32x128xf32>
    %jit3A = arith.constant 128 : i32
    %broadcast_in_dim3A_40 = vector.broadcast %jit3A : i32 to vector<32x128xi32>
    %select_n3A = arith.select %eq3A_39, %iota3A, %broadcast_in_dim3A_40 : vector<32x128xi1>, vector<32x128xi32>
    %reduce_min3A_41 = arith.constant dense<2147483647> : vector<32xi32>
    %reduce_min3A_42 = vector.multi_reduction <minsi>, %select_n3A, %reduce_min3A_41 [1] : vector<32x128xi32> to vector<32xi32>
    %broadcast_in_dim3A_43 = vector.shape_cast %reduce_min3A_42 : vector<32xi32> to vector<32x1xi32>
    %add3A_44 = vector.broadcast %mul3A_34 : i32 to vector<32x1xi32>
    %add3A_45 = arith.addi %broadcast_in_dim3A_43, %add3A_44 : vector<32x1xi32>
    %eq3A_46 = vector.broadcast %broadcast_in_dim3A_43 : vector<32x1xi32> to vector<32x128xi32>
    %eq3A_47 = arith.cmpi eq, %iota3A, %eq3A_46 : vector<32x128xi32>
    %jit3A_48 = arith.constant 0x7F800000 : f32
    %broadcast_in_dim3A_49 = vector.broadcast %jit3A_48 : f32 to vector<32x128xf32>
    %select_n3A_50 = arith.select %eq3A_47, %broadcast_in_dim3A_49, %get3A_37 : vector<32x128xi1>, vector<32x128xf32>
    %swap3A_51 = arith.constant 0 : index
    %swap3A_52 = arith.constant 0 : index
    %swap3A_53 = vector.load %arg5[%swap3A_51, %swap3A_52] : memref<32x128xf32, #tpu.memory_space<vmem>>, vector<32x128xf32>
    tpu.vector_store %arg5[%swap3A_51, %swap3A_52], %select_n3A_50 {strides = array<i32>} : memref<32x128xf32, #tpu.memory_space<vmem>>, vector<32x128xf32>,
    %get3A_54 = arith.constant 0 : index
    %get3A_55 = arith.constant 0 : index
    %get3A_56 = vector.load %arg5[%get3A_54, %get3A_55] : memref<32x128xf32, #tpu.memory_space<vmem>>, vector<32x128xf32>
    %reduce_min3A_57 = arith.constant dense<0x7F800000> : vector<32xf32>
    %reduce_min3A_58 = vector.multi_reduction <minimumf>, %get3A_56, %reduce_min3A_57 [1] : vector<32x128xf32> to vector<32xf32>
    %broadcast_in_dim3A_59 = vector.shape_cast %reduce_min3A_58 : vector<32xf32> to vector<32x1xf32>
    %eq3A_60 = vector.broadcast %broadcast_in_dim3A_59 : vector<32x1xf32> to vector<32x128xf32>
    %eq3A_61 = arith.cmpf oeq, %get3A_56, %eq3A_60 : vector<32x128xf32>
    %jit3A_62 = arith.constant 128 : i32
    %broadcast_in_dim3A_63 = vector.broadcast %jit3A_62 : i32 to vector<32x128xi32>
    %select_n3A_64 = arith.select %eq3A_61, %iota3A, %broadcast_in_dim3A_63 : vector<32x128xi1>, vector<32x128xi32>
    %reduce_min3A_65 = arith.constant dense<2147483647> : vector<32xi32>
    %reduce_min3A_66 = vector.multi_reduction <minsi>, %select_n3A_64, %reduce_min3A_65 [1] : vector<32x128xi32> to vector<32xi32>
    %broadcast_in_dim3A_67 = vector.shape_cast %reduce_min3A_66 : vector<32xi32> to vector<32x1xi32>
    %add3A_68 = vector.broadcast %mul3A_34 : i32 to vector<32x1xi32>
    %add3A_69 = arith.addi %broadcast_in_dim3A_67, %add3A_68 : vector<32x1xi32>
    %eq3A_70 = vector.broadcast %broadcast_in_dim3A_67 : vector<32x1xi32> to vector<32x128xi32>
    %eq3A_71 = arith.cmpi eq, %iota3A, %eq3A_70 : vector<32x128xi32>
    %jit3A_72 = arith.constant 0x7F800000 : f32
    %broadcast_in_dim3A_73 = vector.broadcast %jit3A_72 : f32 to vector<32x128xf32>
    %select_n3A_74 = arith.select %eq3A_71, %broadcast_in_dim3A_73, %get3A_56 : vector<32x128xi1>, vector<32x128xf32>
    %swap3A_75 = arith.constant 0 : index
    %swap3A_76 = arith.constant 0 : index
    %swap3A_77 = vector.load %arg5[%swap3A_75, %swap3A_76] : memref<32x128xf32, #tpu.memory_space<vmem>>, vector<32x128xf32>
    tpu.vector_store %arg5[%swap3A_75, %swap3A_76], %select_n3A_74 {strides = array<i32>} : memref<32x128xf32, #tpu.memory_space<vmem>>, vector<32x128xf32>,
    %get3A_78 = arith.constant 0 : index
    %get3A_79 = arith.constant 0 : index
    %get3A_80 = vector.load %arg5[%get3A_78, %get3A_79] : memref<32x128xf32, #tpu.memory_space<vmem>>, vector<32x128xf32>
    %reduce_min3A_81 = arith.constant dense<0x7F800000> : vector<32xf32>
    %reduce_min3A_82 = vector.multi_reduction <minimumf>, %get3A_80, %reduce_min3A_81 [1] : vector<32x128xf32> to vector<32xf32>
    %broadcast_in_dim3A_83 = vector.shape_cast %reduce_min3A_82 : vector<32xf32> to vector<32x1xf32>
    %eq3A_84 = vector.broadcast %broadcast_in_dim3A_83 : vector<32x1xf32> to vector<32x128xf32>
    %eq3A_85 = arith.cmpf oeq, %get3A_80, %eq3A_84 : vector<32x128xf32>
    %jit3A_86 = arith.constant 128 : i32
    %broadcast_in_dim3A_87 = vector.broadcast %jit3A_86 : i32 to vector<32x128xi32>
    %select_n3A_88 = arith.select %eq3A_85, %iota3A, %broadcast_in_dim3A_87 : vector<32x128xi1>, vector<32x128xi32>
    %reduce_min3A_89 = arith.constant dense<2147483647> : vector<32xi32>
    %reduce_min3A_90 = vector.multi_reduction <minsi>, %select_n3A_88, %reduce_min3A_89 [1] : vector<32x128xi32> to vector<32xi32>
    %broadcast_in_dim3A_91 = vector.shape_cast %reduce_min3A_90 : vector<32xi32> to vector<32x1xi32>
    %add3A_92 = vector.broadcast %mul3A_34 : i32 to vector<32x1xi32>
    %add3A_93 = arith.addi %broadcast_in_dim3A_91, %add3A_92 : vector<32x1xi32>
    %eq3A_94 = vector.broadcast %broadcast_in_dim3A_91 : vector<32x1xi32> to vector<32x128xi32>
    %eq3A_95 = arith.cmpi eq, %iota3A, %eq3A_94 : vector<32x128xi32>
    %jit3A_96 = arith.constant 0x7F800000 : f32
    %broadcast_in_dim3A_97 = vector.broadcast %jit3A_96 : f32 to vector<32x128xf32>
    %select_n3A_98 = arith.select %eq3A_95, %broadcast_in_dim3A_97, %get3A_80 : vector<32x128xi1>, vector<32x128xf32>
    %swap3A_99 = arith.constant 0 : index
    %swap3A_100 = arith.constant 0 : index
    %swap3A_101 = vector.load %arg5[%swap3A_99, %swap3A_100] : memref<32x128xf32, #tpu.memory_space<vmem>>, vector<32x128xf32>
    tpu.vector_store %arg5[%swap3A_99, %swap3A_100], %select_n3A_98 {strides = array<i32>} : memref<32x128xf32, #tpu.memory_space<vmem>>, vector<32x128xf32>,
    %get3A_102 = arith.constant 0 : index
    %get3A_103 = arith.constant 0 : index
    %get3A_104 = vector.load %arg5[%get3A_102, %get3A_103] : memref<32x128xf32, #tpu.memory_space<vmem>>, vector<32x128xf32>
    %reduce_min3A_105 = arith.constant dense<0x7F800000> : vector<32xf32>
    %reduce_min3A_106 = vector.multi_reduction <minimumf>, %get3A_104, %reduce_min3A_105 [1] : vector<32x128xf32> to vector<32xf32>
    %broadcast_in_dim3A_107 = vector.shape_cast %reduce_min3A_106 : vector<32xf32> to vector<32x1xf32>
    %eq3A_108 = vector.broadcast %broadcast_in_dim3A_107 : vector<32x1xf32> to vector<32x128xf32>
    %eq3A_109 = arith.cmpf oeq, %get3A_104, %eq3A_108 : vector<32x128xf32>
    %jit3A_110 = arith.constant 128 : i32
    %broadcast_in_dim3A_111 = vector.broadcast %jit3A_110 : i32 to vector<32x128xi32>
    %select_n3A_112 = arith.select %eq3A_109, %iota3A, %broadcast_in_dim3A_111 : vector<32x128xi1>, vector<32x128xi32>
    %reduce_min3A_113 = arith.constant dense<2147483647> : vector<32xi32>
    %reduce_min3A_114 = vector.multi_reduction <minsi>, %select_n3A_112, %reduce_min3A_113 [1] : vector<32x128xi32> to vector<32xi32>
    %broadcast_in_dim3A_115 = vector.shape_cast %reduce_min3A_114 : vector<32xi32> to vector<32x1xi32>
    %add3A_116 = vector.broadcast %mul3A_34 : i32 to vector<32x1xi32>
    %add3A_117 = arith.addi %broadcast_in_dim3A_115, %add3A_116 : vector<32x1xi32>
    %eq3A_118 = vector.broadcast %broadcast_in_dim3A_115 : vector<32x1xi32> to vector<32x128xi32>
    %eq3A_119 = arith.cmpi eq, %iota3A, %eq3A_118 : vector<32x128xi32>
    %jit3A_120 = arith.constant 0x7F800000 : f32
    %broadcast_in_dim3A_121 = vector.broadcast %jit3A_120 : f32 to vector<32x128xf32>
    %select_n3A_122 = arith.select %eq3A_119, %broadcast_in_dim3A_121, %get3A_104 : vector<32x128xi1>, vector<32x128xf32>
    %swap3A_123 = arith.constant 0 : index
    %swap3A_124 = arith.constant 0 : index
    %swap3A_125 = vector.load %arg5[%swap3A_123, %swap3A_124] : memref<32x128xf32, #tpu.memory_space<vmem>>, vector<32x128xf32>
    tpu.vector_store %arg5[%swap3A_123, %swap3A_124], %select_n3A_122 {strides = array<i32>} : memref<32x128xf32, #tpu.memory_space<vmem>>, vector<32x128xf32>,
    %get3A_126 = arith.constant 0 : index
    %get3A_127 = arith.constant 0 : index
    %get3A_128 = vector.load %arg5[%get3A_126, %get3A_127] : memref<32x128xf32, #tpu.memory_space<vmem>>, vector<32x128xf32>
    %reduce_min3A_129 = arith.constant dense<0x7F800000> : vector<32xf32>
    %reduce_min3A_130 = vector.multi_reduction <minimumf>, %get3A_128, %reduce_min3A_129 [1] : vector<32x128xf32> to vector<32xf32>
    %broadcast_in_dim3A_131 = vector.shape_cast %reduce_min3A_130 : vector<32xf32> to vector<32x1xf32>
    %eq3A_132 = vector.broadcast %broadcast_in_dim3A_131 : vector<32x1xf32> to vector<32x128xf32>
    %eq3A_133 = arith.cmpf oeq, %get3A_128, %eq3A_132 : vector<32x128xf32>
    %jit3A_134 = arith.constant 128 : i32
    %broadcast_in_dim3A_135 = vector.broadcast %jit3A_134 : i32 to vector<32x128xi32>
    %select_n3A_136 = arith.select %eq3A_133, %iota3A, %broadcast_in_dim3A_135 : vector<32x128xi1>, vector<32x128xi32>
    %reduce_min3A_137 = arith.constant dense<2147483647> : vector<32xi32>
    %reduce_min3A_138 = vector.multi_reduction <minsi>, %select_n3A_136, %reduce_min3A_137 [1] : vector<32x128xi32> to vector<32xi32>
    %broadcast_in_dim3A_139 = vector.shape_cast %reduce_min3A_138 : vector<32xi32> to vector<32x1xi32>
    %add3A_140 = vector.broadcast %mul3A_34 : i32 to vector<32x1xi32>
    %add3A_141 = arith.addi %broadcast_in_dim3A_139, %add3A_140 : vector<32x1xi32>
    %eq3A_142 = vector.broadcast %broadcast_in_dim3A_139 : vector<32x1xi32> to vector<32x128xi32>
    %eq3A_143 = arith.cmpi eq, %iota3A, %eq3A_142 : vector<32x128xi32>
    %jit3A_144 = arith.constant 0x7F800000 : f32
    %broadcast_in_dim3A_145 = vector.broadcast %jit3A_144 : f32 to vector<32x128xf32>
    %select_n3A_146 = arith.select %eq3A_143, %broadcast_in_dim3A_145, %get3A_128 : vector<32x128xi1>, vector<32x128xf32>
    %swap3A_147 = arith.constant 0 : index
    %swap3A_148 = arith.constant 0 : index
    %swap3A_149 = vector.load %arg5[%swap3A_147, %swap3A_148] : memref<32x128xf32, #tpu.memory_space<vmem>>, vector<32x128xf32>
    tpu.vector_store %arg5[%swap3A_147, %swap3A_148], %select_n3A_146 {strides = array<i32>} : memref<32x128xf32, #tpu.memory_space<vmem>>, vector<32x128xf32>,
    %get3A_150 = arith.constant 0 : index
    %get3A_151 = arith.constant 0 : index
    %get3A_152 = vector.load %arg5[%get3A_150, %get3A_151] : memref<32x128xf32, #tpu.memory_space<vmem>>, vector<32x128xf32>
    %reduce_min3A_153 = arith.constant dense<0x7F800000> : vector<32xf32>
    %reduce_min3A_154 = vector.multi_reduction <minimumf>, %get3A_152, %reduce_min3A_153 [1] : vector<32x128xf32> to vector<32xf32>
    %broadcast_in_dim3A_155 = vector.shape_cast %reduce_min3A_154 : vector<32xf32> to vector<32x1xf32>
    %eq3A_156 = vector.broadcast %broadcast_in_dim3A_155 : vector<32x1xf32> to vector<32x128xf32>
    %eq3A_157 = arith.cmpf oeq, %get3A_152, %eq3A_156 : vector<32x128xf32>
    %jit3A_158 = arith.constant 128 : i32
    %broadcast_in_dim3A_159 = vector.broadcast %jit3A_158 : i32 to vector<32x128xi32>
    %select_n3A_160 = arith.select %eq3A_157, %iota3A, %broadcast_in_dim3A_159 : vector<32x128xi1>, vector<32x128xi32>
    %reduce_min3A_161 = arith.constant dense<2147483647> : vector<32xi32>
    %reduce_min3A_162 = vector.multi_reduction <minsi>, %select_n3A_160, %reduce_min3A_161 [1] : vector<32x128xi32> to vector<32xi32>
    %broadcast_in_dim3A_163 = vector.shape_cast %reduce_min3A_162 : vector<32xi32> to vector<32x1xi32>
    %add3A_164 = vector.broadcast %mul3A_34 : i32 to vector<32x1xi32>
    %add3A_165 = arith.addi %broadcast_in_dim3A_163, %add3A_164 : vector<32x1xi32>
    %eq3A_166 = vector.broadcast %broadcast_in_dim3A_163 : vector<32x1xi32> to vector<32x128xi32>
    %eq3A_167 = arith.cmpi eq, %iota3A, %eq3A_166 : vector<32x128xi32>
    %jit3A_168 = arith.constant 0x7F800000 : f32
    %broadcast_in_dim3A_169 = vector.broadcast %jit3A_168 : f32 to vector<32x128xf32>
    %select_n3A_170 = arith.select %eq3A_167, %broadcast_in_dim3A_169, %get3A_152 : vector<32x128xi1>, vector<32x128xf32>
    %swap3A_171 = arith.constant 0 : index
    %swap3A_172 = arith.constant 0 : index
    %swap3A_173 = vector.load %arg5[%swap3A_171, %swap3A_172] : memref<32x128xf32, #tpu.memory_space<vmem>>, vector<32x128xf32>
    tpu.vector_store %arg5[%swap3A_171, %swap3A_172], %select_n3A_170 {strides = array<i32>} : memref<32x128xf32, #tpu.memory_space<vmem>>, vector<32x128xf32>,
    %get3A_174 = arith.constant 0 : index
    %get3A_175 = arith.constant 0 : index
    %get3A_176 = vector.load %arg5[%get3A_174, %get3A_175] : memref<32x128xf32, #tpu.memory_space<vmem>>, vector<32x128xf32>
    %reduce_min3A_177 = arith.constant dense<0x7F800000> : vector<32xf32>
    %reduce_min3A_178 = vector.multi_reduction <minimumf>, %get3A_176, %reduce_min3A_177 [1] : vector<32x128xf32> to vector<32xf32>
    %broadcast_in_dim3A_179 = vector.shape_cast %reduce_min3A_178 : vector<32xf32> to vector<32x1xf32>
    %eq3A_180 = vector.broadcast %broadcast_in_dim3A_179 : vector<32x1xf32> to vector<32x128xf32>
    %eq3A_181 = arith.cmpf oeq, %get3A_176, %eq3A_180 : vector<32x128xf32>
    %jit3A_182 = arith.constant 128 : i32
    %broadcast_in_dim3A_183 = vector.broadcast %jit3A_182 : i32 to vector<32x128xi32>
    %select_n3A_184 = arith.select %eq3A_181, %iota3A, %broadcast_in_dim3A_183 : vector<32x128xi1>, vector<32x128xi32>
    %reduce_min3A_185 = arith.constant dense<2147483647> : vector<32xi32>
    %reduce_min3A_186 = vector.multi_reduction <minsi>, %select_n3A_184, %reduce_min3A_185 [1] : vector<32x128xi32> to vector<32xi32>
    %broadcast_in_dim3A_187 = vector.shape_cast %reduce_min3A_186 : vector<32xi32> to vector<32x1xi32>
    %add3A_188 = vector.broadcast %mul3A_34 : i32 to vector<32x1xi32>
    %add3A_189 = arith.addi %broadcast_in_dim3A_187, %add3A_188 : vector<32x1xi32>
    %eq3A_190 = vector.broadcast %broadcast_in_dim3A_187 : vector<32x1xi32> to vector<32x128xi32>
    %eq3A_191 = arith.cmpi eq, %iota3A, %eq3A_190 : vector<32x128xi32>
    %jit3A_192 = arith.constant 0x7F800000 : f32
    %broadcast_in_dim3A_193 = vector.broadcast %jit3A_192 : f32 to vector<32x128xf32>
    %select_n3A_194 = arith.select %eq3A_191, %broadcast_in_dim3A_193, %get3A_176 : vector<32x128xi1>, vector<32x128xf32>
    %swap3A_195 = arith.constant 0 : index
    %swap3A_196 = arith.constant 0 : index
    %swap3A_197 = vector.load %arg5[%swap3A_195, %swap3A_196] : memref<32x128xf32, #tpu.memory_space<vmem>>, vector<32x128xf32>
    tpu.vector_store %arg5[%swap3A_195, %swap3A_196], %select_n3A_194 {strides = array<i32>} : memref<32x128xf32, #tpu.memory_space<vmem>>, vector<32x128xf32>,
    %get3A_198 = arith.constant 0 : index
    %get3A_199 = arith.constant 0 : index
    %get3A_200 = vector.load %arg5[%get3A_198, %get3A_199] : memref<32x128xf32, #tpu.memory_space<vmem>>, vector<32x128xf32>
    %reduce_min3A_201 = arith.constant dense<0x7F800000> : vector<32xf32>
    %reduce_min3A_202 = vector.multi_reduction <minimumf>, %get3A_200, %reduce_min3A_201 [1] : vector<32x128xf32> to vector<32xf32>
    %broadcast_in_dim3A_203 = vector.shape_cast %reduce_min3A_202 : vector<32xf32> to vector<32x1xf32>
    %eq3A_204 = vector.broadcast %broadcast_in_dim3A_203 : vector<32x1xf32> to vector<32x128xf32>
    %eq3A_205 = arith.cmpf oeq, %get3A_200, %eq3A_204 : vector<32x128xf32>
    %jit3A_206 = arith.constant 128 : i32
    %broadcast_in_dim3A_207 = vector.broadcast %jit3A_206 : i32 to vector<32x128xi32>
    %select_n3A_208 = arith.select %eq3A_205, %iota3A, %broadcast_in_dim3A_207 : vector<32x128xi1>, vector<32x128xi32>
    %reduce_min3A_209 = arith.constant dense<2147483647> : vector<32xi32>
    %reduce_min3A_210 = vector.multi_reduction <minsi>, %select_n3A_208, %reduce_min3A_209 [1] : vector<32x128xi32> to vector<32xi32>
    %broadcast_in_dim3A_211 = vector.shape_cast %reduce_min3A_210 : vector<32xi32> to vector<32x1xi32>
    %add3A_212 = vector.broadcast %mul3A_34 : i32 to vector<32x1xi32>
    %add3A_213 = arith.addi %broadcast_in_dim3A_211, %add3A_212 : vector<32x1xi32>
    %eq3A_214 = vector.broadcast %broadcast_in_dim3A_211 : vector<32x1xi32> to vector<32x128xi32>
    %eq3A_215 = arith.cmpi eq, %iota3A, %eq3A_214 : vector<32x128xi32>
    %jit3A_216 = arith.constant 0x7F800000 : f32
    %broadcast_in_dim3A_217 = vector.broadcast %jit3A_216 : f32 to vector<32x128xf32>
    %select_n3A_218 = arith.select %eq3A_215, %broadcast_in_dim3A_217, %get3A_200 : vector<32x128xi1>, vector<32x128xf32>
    %swap3A_219 = arith.constant 0 : index
    %swap3A_220 = arith.constant 0 : index
    %swap3A_221 = vector.load %arg5[%swap3A_219, %swap3A_220] : memref<32x128xf32, #tpu.memory_space<vmem>>, vector<32x128xf32>
    tpu.vector_store %arg5[%swap3A_219, %swap3A_220], %select_n3A_218 {strides = array<i32>} : memref<32x128xf32, #tpu.memory_space<vmem>>, vector<32x128xf32>,
    %get3A_222 = arith.constant 0 : index
    %get3A_223 = arith.constant 0 : index
    %get3A_224 = vector.load %arg5[%get3A_222, %get3A_223] : memref<32x128xf32, #tpu.memory_space<vmem>>, vector<32x128xf32>
    %reduce_min3A_225 = arith.constant dense<0x7F800000> : vector<32xf32>
    %reduce_min3A_226 = vector.multi_reduction <minimumf>, %get3A_224, %reduce_min3A_225 [1] : vector<32x128xf32> to vector<32xf32>
    %broadcast_in_dim3A_227 = vector.shape_cast %reduce_min3A_226 : vector<32xf32> to vector<32x1xf32>
    %eq3A_228 = vector.broadcast %broadcast_in_dim3A_227 : vector<32x1xf32> to vector<32x128xf32>
    %eq3A_229 = arith.cmpf oeq, %get3A_224, %eq3A_228 : vector<32x128xf32>
    %jit3A_230 = arith.constant 128 : i32
    %broadcast_in_dim3A_231 = vector.broadcast %jit3A_230 : i32 to vector<32x128xi32>
    %select_n3A_232 = arith.select %eq3A_229, %iota3A, %broadcast_in_dim3A_231 : vector<32x128xi1>, vector<32x128xi32>
    %reduce_min3A_233 = arith.constant dense<2147483647> : vector<32xi32>
    %reduce_min3A_234 = vector.multi_reduction <minsi>, %select_n3A_232, %reduce_min3A_233 [1] : vector<32x128xi32> to vector<32xi32>
    %broadcast_in_dim3A_235 = vector.shape_cast %reduce_min3A_234 : vector<32xi32> to vector<32x1xi32>
    %add3A_236 = vector.broadcast %mul3A_34 : i32 to vector<32x1xi32>
    %add3A_237 = arith.addi %broadcast_in_dim3A_235, %add3A_236 : vector<32x1xi32>
    %eq3A_238 = vector.broadcast %broadcast_in_dim3A_235 : vector<32x1xi32> to vector<32x128xi32>
    %eq3A_239 = arith.cmpi eq, %iota3A, %eq3A_238 : vector<32x128xi32>
    %jit3A_240 = arith.constant 0x7F800000 : f32
    %broadcast_in_dim3A_241 = vector.broadcast %jit3A_240 : f32 to vector<32x128xf32>
    %select_n3A_242 = arith.select %eq3A_239, %broadcast_in_dim3A_241, %get3A_224 : vector<32x128xi1>, vector<32x128xf32>
    %swap3A_243 = arith.constant 0 : index
    %swap3A_244 = arith.constant 0 : index
    %swap3A_245 = vector.load %arg5[%swap3A_243, %swap3A_244] : memref<32x128xf32, #tpu.memory_space<vmem>>, vector<32x128xf32>
    tpu.vector_store %arg5[%swap3A_243, %swap3A_244], %select_n3A_242 {strides = array<i32>} : memref<32x128xf32, #tpu.memory_space<vmem>>, vector<32x128xf32>,
    %get3A_246 = arith.constant 0 : index
    %get3A_247 = arith.constant 0 : index
    %get3A_248 = vector.load %arg5[%get3A_246, %get3A_247] : memref<32x128xf32, #tpu.memory_space<vmem>>, vector<32x128xf32>
    %reduce_min3A_249 = arith.constant dense<0x7F800000> : vector<32xf32>
    %reduce_min3A_250 = vector.multi_reduction <minimumf>, %get3A_248, %reduce_min3A_249 [1] : vector<32x128xf32> to vector<32xf32>
    %broadcast_in_dim3A_251 = vector.shape_cast %reduce_min3A_250 : vector<32xf32> to vector<32x1xf32>
    %eq3A_252 = vector.broadcast %broadcast_in_dim3A_251 : vector<32x1xf32> to vector<32x128xf32>
    %eq3A_253 = arith.cmpf oeq, %get3A_248, %eq3A_252 : vector<32x128xf32>
    %jit3A_254 = arith.constant 128 : i32
    %broadcast_in_dim3A_255 = vector.broadcast %jit3A_254 : i32 to vector<32x128xi32>
    %select_n3A_256 = arith.select %eq3A_253, %iota3A, %broadcast_in_dim3A_255 : vector<32x128xi1>, vector<32x128xi32>
    %reduce_min3A_257 = arith.constant dense<2147483647> : vector<32xi32>
    %reduce_min3A_258 = vector.multi_reduction <minsi>, %select_n3A_256, %reduce_min3A_257 [1] : vector<32x128xi32> to vector<32xi32>
    %broadcast_in_dim3A_259 = vector.shape_cast %reduce_min3A_258 : vector<32xi32> to vector<32x1xi32>
    %add3A_260 = vector.broadcast %mul3A_34 : i32 to vector<32x1xi32>
    %add3A_261 = arith.addi %broadcast_in_dim3A_259, %add3A_260 : vector<32x1xi32>
    %eq3A_262 = vector.broadcast %broadcast_in_dim3A_259 : vector<32x1xi32> to vector<32x128xi32>
    %eq3A_263 = arith.cmpi eq, %iota3A, %eq3A_262 : vector<32x128xi32>
    %jit3A_264 = arith.constant 0x7F800000 : f32
    %broadcast_in_dim3A_265 = vector.broadcast %jit3A_264 : f32 to vector<32x128xf32>
    %select_n3A_266 = arith.select %eq3A_263, %broadcast_in_dim3A_265, %get3A_248 : vector<32x128xi1>, vector<32x128xf32>
    %swap3A_267 = arith.constant 0 : index
    %swap3A_268 = arith.constant 0 : index
    %swap3A_269 = vector.load %arg5[%swap3A_267, %swap3A_268] : memref<32x128xf32, #tpu.memory_space<vmem>>, vector<32x128xf32>
    tpu.vector_store %arg5[%swap3A_267, %swap3A_268], %select_n3A_266 {strides = array<i32>} : memref<32x128xf32, #tpu.memory_space<vmem>>, vector<32x128xf32>,
    %get3A_270 = arith.constant 0 : index
    %get3A_271 = arith.constant 0 : index
    %get3A_272 = vector.load %arg5[%get3A_270, %get3A_271] : memref<32x128xf32, #tpu.memory_space<vmem>>, vector<32x128xf32>
    %reduce_min3A_273 = arith.constant dense<0x7F800000> : vector<32xf32>
    %reduce_min3A_274 = vector.multi_reduction <minimumf>, %get3A_272, %reduce_min3A_273 [1] : vector<32x128xf32> to vector<32xf32>
    %broadcast_in_dim3A_275 = vector.shape_cast %reduce_min3A_274 : vector<32xf32> to vector<32x1xf32>
    %eq3A_276 = vector.broadcast %broadcast_in_dim3A_275 : vector<32x1xf32> to vector<32x128xf32>
    %eq3A_277 = arith.cmpf oeq, %get3A_272, %eq3A_276 : vector<32x128xf32>
    %jit3A_278 = arith.constant 128 : i32
    %broadcast_in_dim3A_279 = vector.broadcast %jit3A_278 : i32 to vector<32x128xi32>
    %select_n3A_280 = arith.select %eq3A_277, %iota3A, %broadcast_in_dim3A_279 : vector<32x128xi1>, vector<32x128xi32>
    %reduce_min3A_281 = arith.constant dense<2147483647> : vector<32xi32>
    %reduce_min3A_282 = vector.multi_reduction <minsi>, %select_n3A_280, %reduce_min3A_281 [1] : vector<32x128xi32> to vector<32xi32>
    %broadcast_in_dim3A_283 = vector.shape_cast %reduce_min3A_282 : vector<32xi32> to vector<32x1xi32>
    %add3A_284 = vector.broadcast %mul3A_34 : i32 to vector<32x1xi32>
    %add3A_285 = arith.addi %broadcast_in_dim3A_283, %add3A_284 : vector<32x1xi32>
    %eq3A_286 = vector.broadcast %broadcast_in_dim3A_283 : vector<32x1xi32> to vector<32x128xi32>
    %eq3A_287 = arith.cmpi eq, %iota3A, %eq3A_286 : vector<32x128xi32>
    %jit3A_288 = arith.constant 0x7F800000 : f32
    %broadcast_in_dim3A_289 = vector.broadcast %jit3A_288 : f32 to vector<32x128xf32>
    %select_n3A_290 = arith.select %eq3A_287, %broadcast_in_dim3A_289, %get3A_272 : vector<32x128xi1>, vector<32x128xf32>
    %swap3A_291 = arith.constant 0 : index
    %swap3A_292 = arith.constant 0 : index
    %swap3A_293 = vector.load %arg5[%swap3A_291, %swap3A_292] : memref<32x128xf32, #tpu.memory_space<vmem>>, vector<32x128xf32>
    tpu.vector_store %arg5[%swap3A_291, %swap3A_292], %select_n3A_290 {strides = array<i32>} : memref<32x128xf32, #tpu.memory_space<vmem>>, vector<32x128xf32>,
    %get3A_294 = arith.constant 0 : index
    %get3A_295 = arith.constant 0 : index
    %get3A_296 = vector.load %arg5[%get3A_294, %get3A_295] : memref<32x128xf32, #tpu.memory_space<vmem>>, vector<32x128xf32>
    %reduce_min3A_297 = arith.constant dense<0x7F800000> : vector<32xf32>
    %reduce_min3A_298 = vector.multi_reduction <minimumf>, %get3A_296, %reduce_min3A_297 [1] : vector<32x128xf32> to vector<32xf32>
    %broadcast_in_dim3A_299 = vector.shape_cast %reduce_min3A_298 : vector<32xf32> to vector<32x1xf32>
    %eq3A_300 = vector.broadcast %broadcast_in_dim3A_299 : vector<32x1xf32> to vector<32x128xf32>
    %eq3A_301 = arith.cmpf oeq, %get3A_296, %eq3A_300 : vector<32x128xf32>
    %jit3A_302 = arith.constant 128 : i32
    %broadcast_in_dim3A_303 = vector.broadcast %jit3A_302 : i32 to vector<32x128xi32>
    %select_n3A_304 = arith.select %eq3A_301, %iota3A, %broadcast_in_dim3A_303 : vector<32x128xi1>, vector<32x128xi32>
    %reduce_min3A_305 = arith.constant dense<2147483647> : vector<32xi32>
    %reduce_min3A_306 = vector.multi_reduction <minsi>, %select_n3A_304, %reduce_min3A_305 [1] : vector<32x128xi32> to vector<32xi32>
    %broadcast_in_dim3A_307 = vector.shape_cast %reduce_min3A_306 : vector<32xi32> to vector<32x1xi32>
    %add3A_308 = vector.broadcast %mul3A_34 : i32 to vector<32x1xi32>
    %add3A_309 = arith.addi %broadcast_in_dim3A_307, %add3A_308 : vector<32x1xi32>
    %eq3A_310 = vector.broadcast %broadcast_in_dim3A_307 : vector<32x1xi32> to vector<32x128xi32>
    %eq3A_311 = arith.cmpi eq, %iota3A, %eq3A_310 : vector<32x128xi32>
    %jit3A_312 = arith.constant 0x7F800000 : f32
    %broadcast_in_dim3A_313 = vector.broadcast %jit3A_312 : f32 to vector<32x128xf32>
    %select_n3A_314 = arith.select %eq3A_311, %broadcast_in_dim3A_313, %get3A_296 : vector<32x128xi1>, vector<32x128xf32>
    %swap3A_315 = arith.constant 0 : index
    %swap3A_316 = arith.constant 0 : index
    %swap3A_317 = vector.load %arg5[%swap3A_315, %swap3A_316] : memref<32x128xf32, #tpu.memory_space<vmem>>, vector<32x128xf32>
    tpu.vector_store %arg5[%swap3A_315, %swap3A_316], %select_n3A_314 {strides = array<i32>} : memref<32x128xf32, #tpu.memory_space<vmem>>, vector<32x128xf32>,
    %get3A_318 = arith.constant 0 : index
    %get3A_319 = arith.constant 0 : index
    %get3A_320 = vector.load %arg5[%get3A_318, %get3A_319] : memref<32x128xf32, #tpu.memory_space<vmem>>, vector<32x128xf32>
    %reduce_min3A_321 = arith.constant dense<0x7F800000> : vector<32xf32>
    %reduce_min3A_322 = vector.multi_reduction <minimumf>, %get3A_320, %reduce_min3A_321 [1] : vector<32x128xf32> to vector<32xf32>
    %broadcast_in_dim3A_323 = vector.shape_cast %reduce_min3A_322 : vector<32xf32> to vector<32x1xf32>
    %eq3A_324 = vector.broadcast %broadcast_in_dim3A_323 : vector<32x1xf32> to vector<32x128xf32>
    %eq3A_325 = arith.cmpf oeq, %get3A_320, %eq3A_324 : vector<32x128xf32>
    %jit3A_326 = arith.constant 128 : i32
    %broadcast_in_dim3A_327 = vector.broadcast %jit3A_326 : i32 to vector<32x128xi32>
    %select_n3A_328 = arith.select %eq3A_325, %iota3A, %broadcast_in_dim3A_327 : vector<32x128xi1>, vector<32x128xi32>
    %reduce_min3A_329 = arith.constant dense<2147483647> : vector<32xi32>
    %reduce_min3A_330 = vector.multi_reduction <minsi>, %select_n3A_328, %reduce_min3A_329 [1] : vector<32x128xi32> to vector<32xi32>
    %broadcast_in_dim3A_331 = vector.shape_cast %reduce_min3A_330 : vector<32xi32> to vector<32x1xi32>
    %add3A_332 = vector.broadcast %mul3A_34 : i32 to vector<32x1xi32>
    %add3A_333 = arith.addi %broadcast_in_dim3A_331, %add3A_332 : vector<32x1xi32>
    %eq3A_334 = vector.broadcast %broadcast_in_dim3A_331 : vector<32x1xi32> to vector<32x128xi32>
    %eq3A_335 = arith.cmpi eq, %iota3A, %eq3A_334 : vector<32x128xi32>
    %jit3A_336 = arith.constant 0x7F800000 : f32
    %broadcast_in_dim3A_337 = vector.broadcast %jit3A_336 : f32 to vector<32x128xf32>
    %select_n3A_338 = arith.select %eq3A_335, %broadcast_in_dim3A_337, %get3A_320 : vector<32x128xi1>, vector<32x128xf32>
    %swap3A_339 = arith.constant 0 : index
    %swap3A_340 = arith.constant 0 : index
    %swap3A_341 = vector.load %arg5[%swap3A_339, %swap3A_340] : memref<32x128xf32, #tpu.memory_space<vmem>>, vector<32x128xf32>
    tpu.vector_store %arg5[%swap3A_339, %swap3A_340], %select_n3A_338 {strides = array<i32>} : memref<32x128xf32, #tpu.memory_space<vmem>>, vector<32x128xf32>,
    %get3A_342 = arith.constant 0 : index
    %get3A_343 = arith.constant 0 : index
    %get3A_344 = vector.load %arg5[%get3A_342, %get3A_343] : memref<32x128xf32, #tpu.memory_space<vmem>>, vector<32x128xf32>
    %reduce_min3A_345 = arith.constant dense<0x7F800000> : vector<32xf32>
    %reduce_min3A_346 = vector.multi_reduction <minimumf>, %get3A_344, %reduce_min3A_345 [1] : vector<32x128xf32> to vector<32xf32>
    %broadcast_in_dim3A_347 = vector.shape_cast %reduce_min3A_346 : vector<32xf32> to vector<32x1xf32>
    %eq3A_348 = vector.broadcast %broadcast_in_dim3A_347 : vector<32x1xf32> to vector<32x128xf32>
    %eq3A_349 = arith.cmpf oeq, %get3A_344, %eq3A_348 : vector<32x128xf32>
    %jit3A_350 = arith.constant 128 : i32
    %broadcast_in_dim3A_351 = vector.broadcast %jit3A_350 : i32 to vector<32x128xi32>
    %select_n3A_352 = arith.select %eq3A_349, %iota3A, %broadcast_in_dim3A_351 : vector<32x128xi1>, vector<32x128xi32>
    %reduce_min3A_353 = arith.constant dense<2147483647> : vector<32xi32>
    %reduce_min3A_354 = vector.multi_reduction <minsi>, %select_n3A_352, %reduce_min3A_353 [1] : vector<32x128xi32> to vector<32xi32>
    %broadcast_in_dim3A_355 = vector.shape_cast %reduce_min3A_354 : vector<32xi32> to vector<32x1xi32>
    %add3A_356 = vector.broadcast %mul3A_34 : i32 to vector<32x1xi32>
    %add3A_357 = arith.addi %broadcast_in_dim3A_355, %add3A_356 : vector<32x1xi32>
    %eq3A_358 = vector.broadcast %broadcast_in_dim3A_355 : vector<32x1xi32> to vector<32x128xi32>
    %eq3A_359 = arith.cmpi eq, %iota3A, %eq3A_358 : vector<32x128xi32>
    %jit3A_360 = arith.constant 0x7F800000 : f32
    %broadcast_in_dim3A_361 = vector.broadcast %jit3A_360 : f32 to vector<32x128xf32>
    %select_n3A_362 = arith.select %eq3A_359, %broadcast_in_dim3A_361, %get3A_344 : vector<32x128xi1>, vector<32x128xf32>
    %swap3A_363 = arith.constant 0 : index
    %swap3A_364 = arith.constant 0 : index
    %swap3A_365 = vector.load %arg5[%swap3A_363, %swap3A_364] : memref<32x128xf32, #tpu.memory_space<vmem>>, vector<32x128xf32>
    tpu.vector_store %arg5[%swap3A_363, %swap3A_364], %select_n3A_362 {strides = array<i32>} : memref<32x128xf32, #tpu.memory_space<vmem>>, vector<32x128xf32>,
    %get3A_366 = arith.constant 0 : index
    %get3A_367 = arith.constant 0 : index
    %get3A_368 = vector.load %arg5[%get3A_366, %get3A_367] : memref<32x128xf32, #tpu.memory_space<vmem>>, vector<32x128xf32>
    %reduce_min3A_369 = arith.constant dense<0x7F800000> : vector<32xf32>
    %reduce_min3A_370 = vector.multi_reduction <minimumf>, %get3A_368, %reduce_min3A_369 [1] : vector<32x128xf32> to vector<32xf32>
    %broadcast_in_dim3A_371 = vector.shape_cast %reduce_min3A_370 : vector<32xf32> to vector<32x1xf32>
    %eq3A_372 = vector.broadcast %broadcast_in_dim3A_371 : vector<32x1xf32> to vector<32x128xf32>
    %eq3A_373 = arith.cmpf oeq, %get3A_368, %eq3A_372 : vector<32x128xf32>
    %jit3A_374 = arith.constant 128 : i32
    %broadcast_in_dim3A_375 = vector.broadcast %jit3A_374 : i32 to vector<32x128xi32>
    %select_n3A_376 = arith.select %eq3A_373, %iota3A, %broadcast_in_dim3A_375 : vector<32x128xi1>, vector<32x128xi32>
    %reduce_min3A_377 = arith.constant dense<2147483647> : vector<32xi32>
    %reduce_min3A_378 = vector.multi_reduction <minsi>, %select_n3A_376, %reduce_min3A_377 [1] : vector<32x128xi32> to vector<32xi32>
    %broadcast_in_dim3A_379 = vector.shape_cast %reduce_min3A_378 : vector<32xi32> to vector<32x1xi32>
    %add3A_380 = vector.broadcast %mul3A_34 : i32 to vector<32x1xi32>
    %add3A_381 = arith.addi %broadcast_in_dim3A_379, %add3A_380 : vector<32x1xi32>
    %eq3A_382 = vector.broadcast %broadcast_in_dim3A_379 : vector<32x1xi32> to vector<32x128xi32>
    %eq3A_383 = arith.cmpi eq, %iota3A, %eq3A_382 : vector<32x128xi32>
    %jit3A_384 = arith.constant 0x7F800000 : f32
    %broadcast_in_dim3A_385 = vector.broadcast %jit3A_384 : f32 to vector<32x128xf32>
    %select_n3A_386 = arith.select %eq3A_383, %broadcast_in_dim3A_385, %get3A_368 : vector<32x128xi1>, vector<32x128xf32>
    %swap3A_387 = arith.constant 0 : index
    %swap3A_388 = arith.constant 0 : index
    %swap3A_389 = vector.load %arg5[%swap3A_387, %swap3A_388] : memref<32x128xf32, #tpu.memory_space<vmem>>, vector<32x128xf32>
    tpu.vector_store %arg5[%swap3A_387, %swap3A_388], %select_n3A_386 {strides = array<i32>} : memref<32x128xf32, #tpu.memory_space<vmem>>, vector<32x128xf32>,
    %get3A_390 = arith.constant 0 : index
    %get3A_391 = arith.constant 0 : index
    %get3A_392 = vector.load %arg5[%get3A_390, %get3A_391] : memref<32x128xf32, #tpu.memory_space<vmem>>, vector<32x128xf32>
    %reduce_min3A_393 = arith.constant dense<0x7F800000> : vector<32xf32>
    %reduce_min3A_394 = vector.multi_reduction <minimumf>, %get3A_392, %reduce_min3A_393 [1] : vector<32x128xf32> to vector<32xf32>
    %broadcast_in_dim3A_395 = vector.shape_cast %reduce_min3A_394 : vector<32xf32> to vector<32x1xf32>
    %eq3A_396 = vector.broadcast %broadcast_in_dim3A_395 : vector<32x1xf32> to vector<32x128xf32>
    %eq3A_397 = arith.cmpf oeq, %get3A_392, %eq3A_396 : vector<32x128xf32>
    %jit3A_398 = arith.constant 128 : i32
    %broadcast_in_dim3A_399 = vector.broadcast %jit3A_398 : i32 to vector<32x128xi32>
    %select_n3A_400 = arith.select %eq3A_397, %iota3A, %broadcast_in_dim3A_399 : vector<32x128xi1>, vector<32x128xi32>
    %reduce_min3A_401 = arith.constant dense<2147483647> : vector<32xi32>
    %reduce_min3A_402 = vector.multi_reduction <minsi>, %select_n3A_400, %reduce_min3A_401 [1] : vector<32x128xi32> to vector<32xi32>
    %broadcast_in_dim3A_403 = vector.shape_cast %reduce_min3A_402 : vector<32xi32> to vector<32x1xi32>
    %add3A_404 = vector.broadcast %mul3A_34 : i32 to vector<32x1xi32>
    %add3A_405 = arith.addi %broadcast_in_dim3A_403, %add3A_404 : vector<32x1xi32>
    %eq3A_406 = vector.broadcast %broadcast_in_dim3A_403 : vector<32x1xi32> to vector<32x128xi32>
    %eq3A_407 = arith.cmpi eq, %iota3A, %eq3A_406 : vector<32x128xi32>
    %jit3A_408 = arith.constant 0x7F800000 : f32
    %broadcast_in_dim3A_409 = vector.broadcast %jit3A_408 : f32 to vector<32x128xf32>
    %select_n3A_410 = arith.select %eq3A_407, %broadcast_in_dim3A_409, %get3A_392 : vector<32x128xi1>, vector<32x128xf32>
    %swap3A_411 = arith.constant 0 : index
    %swap3A_412 = arith.constant 0 : index
    %swap3A_413 = vector.load %arg5[%swap3A_411, %swap3A_412] : memref<32x128xf32, #tpu.memory_space<vmem>>, vector<32x128xf32>
    tpu.vector_store %arg5[%swap3A_411, %swap3A_412], %select_n3A_410 {strides = array<i32>} : memref<32x128xf32, #tpu.memory_space<vmem>>, vector<32x128xf32>,
    %get3A_414 = arith.constant 0 : index
    %get3A_415 = arith.constant 0 : index
    %get3A_416 = vector.load %arg5[%get3A_414, %get3A_415] : memref<32x128xf32, #tpu.memory_space<vmem>>, vector<32x128xf32>
    %reduce_min3A_417 = arith.constant dense<0x7F800000> : vector<32xf32>
    %reduce_min3A_418 = vector.multi_reduction <minimumf>, %get3A_416, %reduce_min3A_417 [1] : vector<32x128xf32> to vector<32xf32>
    %broadcast_in_dim3A_419 = vector.shape_cast %reduce_min3A_418 : vector<32xf32> to vector<32x1xf32>
    %eq3A_420 = vector.broadcast %broadcast_in_dim3A_419 : vector<32x1xf32> to vector<32x128xf32>
    %eq3A_421 = arith.cmpf oeq, %get3A_416, %eq3A_420 : vector<32x128xf32>
    %jit3A_422 = arith.constant 128 : i32
    %broadcast_in_dim3A_423 = vector.broadcast %jit3A_422 : i32 to vector<32x128xi32>
    %select_n3A_424 = arith.select %eq3A_421, %iota3A, %broadcast_in_dim3A_423 : vector<32x128xi1>, vector<32x128xi32>
    %reduce_min3A_425 = arith.constant dense<2147483647> : vector<32xi32>
    %reduce_min3A_426 = vector.multi_reduction <minsi>, %select_n3A_424, %reduce_min3A_425 [1] : vector<32x128xi32> to vector<32xi32>
    %broadcast_in_dim3A_427 = vector.shape_cast %reduce_min3A_426 : vector<32xi32> to vector<32x1xi32>
    %add3A_428 = vector.broadcast %mul3A_34 : i32 to vector<32x1xi32>
    %add3A_429 = arith.addi %broadcast_in_dim3A_427, %add3A_428 : vector<32x1xi32>
    %eq3A_430 = vector.broadcast %broadcast_in_dim3A_427 : vector<32x1xi32> to vector<32x128xi32>
    %eq3A_431 = arith.cmpi eq, %iota3A, %eq3A_430 : vector<32x128xi32>
    %jit3A_432 = arith.constant 0x7F800000 : f32
    %broadcast_in_dim3A_433 = vector.broadcast %jit3A_432 : f32 to vector<32x128xf32>
    %select_n3A_434 = arith.select %eq3A_431, %broadcast_in_dim3A_433, %get3A_416 : vector<32x128xi1>, vector<32x128xf32>
    %swap3A_435 = arith.constant 0 : index
    %swap3A_436 = arith.constant 0 : index
    %swap3A_437 = vector.load %arg5[%swap3A_435, %swap3A_436] : memref<32x128xf32, #tpu.memory_space<vmem>>, vector<32x128xf32>
    tpu.vector_store %arg5[%swap3A_435, %swap3A_436], %select_n3A_434 {strides = array<i32>} : memref<32x128xf32, #tpu.memory_space<vmem>>, vector<32x128xf32>,
    %get3A_438 = arith.constant 0 : index
    %get3A_439 = arith.constant 0 : index
    %get3A_440 = vector.load %arg5[%get3A_438, %get3A_439] : memref<32x128xf32, #tpu.memory_space<vmem>>, vector<32x128xf32>
    %reduce_min3A_441 = arith.constant dense<0x7F800000> : vector<32xf32>
    %reduce_min3A_442 = vector.multi_reduction <minimumf>, %get3A_440, %reduce_min3A_441 [1] : vector<32x128xf32> to vector<32xf32>
    %broadcast_in_dim3A_443 = vector.shape_cast %reduce_min3A_442 : vector<32xf32> to vector<32x1xf32>
    %eq3A_444 = vector.broadcast %broadcast_in_dim3A_443 : vector<32x1xf32> to vector<32x128xf32>
    %eq3A_445 = arith.cmpf oeq, %get3A_440, %eq3A_444 : vector<32x128xf32>
    %jit3A_446 = arith.constant 128 : i32
    %broadcast_in_dim3A_447 = vector.broadcast %jit3A_446 : i32 to vector<32x128xi32>
    %select_n3A_448 = arith.select %eq3A_445, %iota3A, %broadcast_in_dim3A_447 : vector<32x128xi1>, vector<32x128xi32>
    %reduce_min3A_449 = arith.constant dense<2147483647> : vector<32xi32>
    %reduce_min3A_450 = vector.multi_reduction <minsi>, %select_n3A_448, %reduce_min3A_449 [1] : vector<32x128xi32> to vector<32xi32>
    %broadcast_in_dim3A_451 = vector.shape_cast %reduce_min3A_450 : vector<32xi32> to vector<32x1xi32>
    %add3A_452 = vector.broadcast %mul3A_34 : i32 to vector<32x1xi32>
    %add3A_453 = arith.addi %broadcast_in_dim3A_451, %add3A_452 : vector<32x1xi32>
    %eq3A_454 = vector.broadcast %broadcast_in_dim3A_451 : vector<32x1xi32> to vector<32x128xi32>
    %eq3A_455 = arith.cmpi eq, %iota3A, %eq3A_454 : vector<32x128xi32>
    %jit3A_456 = arith.constant 0x7F800000 : f32
    %broadcast_in_dim3A_457 = vector.broadcast %jit3A_456 : f32 to vector<32x128xf32>
    %select_n3A_458 = arith.select %eq3A_455, %broadcast_in_dim3A_457, %get3A_440 : vector<32x128xi1>, vector<32x128xf32>
    %swap3A_459 = arith.constant 0 : index
    %swap3A_460 = arith.constant 0 : index
    %swap3A_461 = vector.load %arg5[%swap3A_459, %swap3A_460] : memref<32x128xf32, #tpu.memory_space<vmem>>, vector<32x128xf32>
    tpu.vector_store %arg5[%swap3A_459, %swap3A_460], %select_n3A_458 {strides = array<i32>} : memref<32x128xf32, #tpu.memory_space<vmem>>, vector<32x128xf32>,
    %get3A_462 = arith.constant 0 : index
    %get3A_463 = arith.constant 0 : index
    %get3A_464 = vector.load %arg5[%get3A_462, %get3A_463] : memref<32x128xf32, #tpu.memory_space<vmem>>, vector<32x128xf32>
    %reduce_min3A_465 = arith.constant dense<0x7F800000> : vector<32xf32>
    %reduce_min3A_466 = vector.multi_reduction <minimumf>, %get3A_464, %reduce_min3A_465 [1] : vector<32x128xf32> to vector<32xf32>
    %broadcast_in_dim3A_467 = vector.shape_cast %reduce_min3A_466 : vector<32xf32> to vector<32x1xf32>
    %eq3A_468 = vector.broadcast %broadcast_in_dim3A_467 : vector<32x1xf32> to vector<32x128xf32>
    %eq3A_469 = arith.cmpf oeq, %get3A_464, %eq3A_468 : vector<32x128xf32>
    %jit3A_470 = arith.constant 128 : i32
    %broadcast_in_dim3A_471 = vector.broadcast %jit3A_470 : i32 to vector<32x128xi32>
    %select_n3A_472 = arith.select %eq3A_469, %iota3A, %broadcast_in_dim3A_471 : vector<32x128xi1>, vector<32x128xi32>
    %reduce_min3A_473 = arith.constant dense<2147483647> : vector<32xi32>
    %reduce_min3A_474 = vector.multi_reduction <minsi>, %select_n3A_472, %reduce_min3A_473 [1] : vector<32x128xi32> to vector<32xi32>
    %broadcast_in_dim3A_475 = vector.shape_cast %reduce_min3A_474 : vector<32xi32> to vector<32x1xi32>
    %add3A_476 = vector.broadcast %mul3A_34 : i32 to vector<32x1xi32>
    %add3A_477 = arith.addi %broadcast_in_dim3A_475, %add3A_476 : vector<32x1xi32>
    %eq3A_478 = vector.broadcast %broadcast_in_dim3A_475 : vector<32x1xi32> to vector<32x128xi32>
    %eq3A_479 = arith.cmpi eq, %iota3A, %eq3A_478 : vector<32x128xi32>
    %jit3A_480 = arith.constant 0x7F800000 : f32
    %broadcast_in_dim3A_481 = vector.broadcast %jit3A_480 : f32 to vector<32x128xf32>
    %select_n3A_482 = arith.select %eq3A_479, %broadcast_in_dim3A_481, %get3A_464 : vector<32x128xi1>, vector<32x128xf32>
    %swap3A_483 = arith.constant 0 : index
    %swap3A_484 = arith.constant 0 : index
    %swap3A_485 = vector.load %arg5[%swap3A_483, %swap3A_484] : memref<32x128xf32, #tpu.memory_space<vmem>>, vector<32x128xf32>
    tpu.vector_store %arg5[%swap3A_483, %swap3A_484], %select_n3A_482 {strides = array<i32>} : memref<32x128xf32, #tpu.memory_space<vmem>>, vector<32x128xf32>,
    %get3A_486 = arith.constant 0 : index
    %get3A_487 = arith.constant 0 : index
    %get3A_488 = vector.load %arg5[%get3A_486, %get3A_487] : memref<32x128xf32, #tpu.memory_space<vmem>>, vector<32x128xf32>
    %reduce_min3A_489 = arith.constant dense<0x7F800000> : vector<32xf32>
    %reduce_min3A_490 = vector.multi_reduction <minimumf>, %get3A_488, %reduce_min3A_489 [1] : vector<32x128xf32> to vector<32xf32>
    %broadcast_in_dim3A_491 = vector.shape_cast %reduce_min3A_490 : vector<32xf32> to vector<32x1xf32>
    %eq3A_492 = vector.broadcast %broadcast_in_dim3A_491 : vector<32x1xf32> to vector<32x128xf32>
    %eq3A_493 = arith.cmpf oeq, %get3A_488, %eq3A_492 : vector<32x128xf32>
    %jit3A_494 = arith.constant 128 : i32
    %broadcast_in_dim3A_495 = vector.broadcast %jit3A_494 : i32 to vector<32x128xi32>
    %select_n3A_496 = arith.select %eq3A_493, %iota3A, %broadcast_in_dim3A_495 : vector<32x128xi1>, vector<32x128xi32>
    %reduce_min3A_497 = arith.constant dense<2147483647> : vector<32xi32>
    %reduce_min3A_498 = vector.multi_reduction <minsi>, %select_n3A_496, %reduce_min3A_497 [1] : vector<32x128xi32> to vector<32xi32>
    %broadcast_in_dim3A_499 = vector.shape_cast %reduce_min3A_498 : vector<32xi32> to vector<32x1xi32>
    %add3A_500 = vector.broadcast %mul3A_34 : i32 to vector<32x1xi32>
    %add3A_501 = arith.addi %broadcast_in_dim3A_499, %add3A_500 : vector<32x1xi32>
    %eq3A_502 = vector.broadcast %broadcast_in_dim3A_499 : vector<32x1xi32> to vector<32x128xi32>
    %eq3A_503 = arith.cmpi eq, %iota3A, %eq3A_502 : vector<32x128xi32>
    %jit3A_504 = arith.constant 0x7F800000 : f32
    %broadcast_in_dim3A_505 = vector.broadcast %jit3A_504 : f32 to vector<32x128xf32>
    %select_n3A_506 = arith.select %eq3A_503, %broadcast_in_dim3A_505, %get3A_488 : vector<32x128xi1>, vector<32x128xf32>
    %swap3A_507 = arith.constant 0 : index
    %swap3A_508 = arith.constant 0 : index
    %swap3A_509 = vector.load %arg5[%swap3A_507, %swap3A_508] : memref<32x128xf32, #tpu.memory_space<vmem>>, vector<32x128xf32>
    tpu.vector_store %arg5[%swap3A_507, %swap3A_508], %select_n3A_506 {strides = array<i32>} : memref<32x128xf32, #tpu.memory_space<vmem>>, vector<32x128xf32>,
    %get3A_510 = arith.constant 0 : index
    %get3A_511 = arith.constant 0 : index
    %get3A_512 = vector.load %arg5[%get3A_510, %get3A_511] : memref<32x128xf32, #tpu.memory_space<vmem>>, vector<32x128xf32>
    %reduce_min3A_513 = arith.constant dense<0x7F800000> : vector<32xf32>
    %reduce_min3A_514 = vector.multi_reduction <minimumf>, %get3A_512, %reduce_min3A_513 [1] : vector<32x128xf32> to vector<32xf32>
    %broadcast_in_dim3A_515 = vector.shape_cast %reduce_min3A_514 : vector<32xf32> to vector<32x1xf32>
    %eq3A_516 = vector.broadcast %broadcast_in_dim3A_515 : vector<32x1xf32> to vector<32x128xf32>
    %eq3A_517 = arith.cmpf oeq, %get3A_512, %eq3A_516 : vector<32x128xf32>
    %jit3A_518 = arith.constant 128 : i32
    %broadcast_in_dim3A_519 = vector.broadcast %jit3A_518 : i32 to vector<32x128xi32>
    %select_n3A_520 = arith.select %eq3A_517, %iota3A, %broadcast_in_dim3A_519 : vector<32x128xi1>, vector<32x128xi32>
    %reduce_min3A_521 = arith.constant dense<2147483647> : vector<32xi32>
    %reduce_min3A_522 = vector.multi_reduction <minsi>, %select_n3A_520, %reduce_min3A_521 [1] : vector<32x128xi32> to vector<32xi32>
    %broadcast_in_dim3A_523 = vector.shape_cast %reduce_min3A_522 : vector<32xi32> to vector<32x1xi32>
    %add3A_524 = vector.broadcast %mul3A_34 : i32 to vector<32x1xi32>
    %add3A_525 = arith.addi %broadcast_in_dim3A_523, %add3A_524 : vector<32x1xi32>
    %eq3A_526 = vector.broadcast %broadcast_in_dim3A_523 : vector<32x1xi32> to vector<32x128xi32>
    %eq3A_527 = arith.cmpi eq, %iota3A, %eq3A_526 : vector<32x128xi32>
    %jit3A_528 = arith.constant 0x7F800000 : f32
    %broadcast_in_dim3A_529 = vector.broadcast %jit3A_528 : f32 to vector<32x128xf32>
    %select_n3A_530 = arith.select %eq3A_527, %broadcast_in_dim3A_529, %get3A_512 : vector<32x128xi1>, vector<32x128xf32>
    %swap3A_531 = arith.constant 0 : index
    %swap3A_532 = arith.constant 0 : index
    %swap3A_533 = vector.load %arg5[%swap3A_531, %swap3A_532] : memref<32x128xf32, #tpu.memory_space<vmem>>, vector<32x128xf32>
    tpu.vector_store %arg5[%swap3A_531, %swap3A_532], %select_n3A_530 {strides = array<i32>} : memref<32x128xf32, #tpu.memory_space<vmem>>, vector<32x128xf32>,
    %get3A_534 = arith.constant 0 : index
    %get3A_535 = arith.constant 0 : index
    %get3A_536 = vector.load %arg5[%get3A_534, %get3A_535] : memref<32x128xf32, #tpu.memory_space<vmem>>, vector<32x128xf32>
    %reduce_min3A_537 = arith.constant dense<0x7F800000> : vector<32xf32>
    %reduce_min3A_538 = vector.multi_reduction <minimumf>, %get3A_536, %reduce_min3A_537 [1] : vector<32x128xf32> to vector<32xf32>
    %broadcast_in_dim3A_539 = vector.shape_cast %reduce_min3A_538 : vector<32xf32> to vector<32x1xf32>
    %eq3A_540 = vector.broadcast %broadcast_in_dim3A_539 : vector<32x1xf32> to vector<32x128xf32>
    %eq3A_541 = arith.cmpf oeq, %get3A_536, %eq3A_540 : vector<32x128xf32>
    %jit3A_542 = arith.constant 128 : i32
    %broadcast_in_dim3A_543 = vector.broadcast %jit3A_542 : i32 to vector<32x128xi32>
    %select_n3A_544 = arith.select %eq3A_541, %iota3A, %broadcast_in_dim3A_543 : vector<32x128xi1>, vector<32x128xi32>
    %reduce_min3A_545 = arith.constant dense<2147483647> : vector<32xi32>
    %reduce_min3A_546 = vector.multi_reduction <minsi>, %select_n3A_544, %reduce_min3A_545 [1] : vector<32x128xi32> to vector<32xi32>
    %broadcast_in_dim3A_547 = vector.shape_cast %reduce_min3A_546 : vector<32xi32> to vector<32x1xi32>
    %add3A_548 = vector.broadcast %mul3A_34 : i32 to vector<32x1xi32>
    %add3A_549 = arith.addi %broadcast_in_dim3A_547, %add3A_548 : vector<32x1xi32>
    %eq3A_550 = vector.broadcast %broadcast_in_dim3A_547 : vector<32x1xi32> to vector<32x128xi32>
    %eq3A_551 = arith.cmpi eq, %iota3A, %eq3A_550 : vector<32x128xi32>
    %jit3A_552 = arith.constant 0x7F800000 : f32
    %broadcast_in_dim3A_553 = vector.broadcast %jit3A_552 : f32 to vector<32x128xf32>
    %select_n3A_554 = arith.select %eq3A_551, %broadcast_in_dim3A_553, %get3A_536 : vector<32x128xi1>, vector<32x128xf32>
    %swap3A_555 = arith.constant 0 : index
    %swap3A_556 = arith.constant 0 : index
    %swap3A_557 = vector.load %arg5[%swap3A_555, %swap3A_556] : memref<32x128xf32, #tpu.memory_space<vmem>>, vector<32x128xf32>
    tpu.vector_store %arg5[%swap3A_555, %swap3A_556], %select_n3A_554 {strides = array<i32>} : memref<32x128xf32, #tpu.memory_space<vmem>>, vector<32x128xf32>,
    %get3A_558 = arith.constant 0 : index
    %get3A_559 = arith.constant 0 : index
    %get3A_560 = vector.load %arg5[%get3A_558, %get3A_559] : memref<32x128xf32, #tpu.memory_space<vmem>>, vector<32x128xf32>
    %reduce_min3A_561 = arith.constant dense<0x7F800000> : vector<32xf32>
    %reduce_min3A_562 = vector.multi_reduction <minimumf>, %get3A_560, %reduce_min3A_561 [1] : vector<32x128xf32> to vector<32xf32>
    %broadcast_in_dim3A_563 = vector.shape_cast %reduce_min3A_562 : vector<32xf32> to vector<32x1xf32>
    %eq3A_564 = vector.broadcast %broadcast_in_dim3A_563 : vector<32x1xf32> to vector<32x128xf32>
    %eq3A_565 = arith.cmpf oeq, %get3A_560, %eq3A_564 : vector<32x128xf32>
    %jit3A_566 = arith.constant 128 : i32
    %broadcast_in_dim3A_567 = vector.broadcast %jit3A_566 : i32 to vector<32x128xi32>
    %select_n3A_568 = arith.select %eq3A_565, %iota3A, %broadcast_in_dim3A_567 : vector<32x128xi1>, vector<32x128xi32>
    %reduce_min3A_569 = arith.constant dense<2147483647> : vector<32xi32>
    %reduce_min3A_570 = vector.multi_reduction <minsi>, %select_n3A_568, %reduce_min3A_569 [1] : vector<32x128xi32> to vector<32xi32>
    %broadcast_in_dim3A_571 = vector.shape_cast %reduce_min3A_570 : vector<32xi32> to vector<32x1xi32>
    %add3A_572 = vector.broadcast %mul3A_34 : i32 to vector<32x1xi32>
    %add3A_573 = arith.addi %broadcast_in_dim3A_571, %add3A_572 : vector<32x1xi32>
    %eq3A_574 = vector.broadcast %broadcast_in_dim3A_571 : vector<32x1xi32> to vector<32x128xi32>
    %eq3A_575 = arith.cmpi eq, %iota3A, %eq3A_574 : vector<32x128xi32>
    %jit3A_576 = arith.constant 0x7F800000 : f32
    %broadcast_in_dim3A_577 = vector.broadcast %jit3A_576 : f32 to vector<32x128xf32>
    %select_n3A_578 = arith.select %eq3A_575, %broadcast_in_dim3A_577, %get3A_560 : vector<32x128xi1>, vector<32x128xf32>
    %swap3A_579 = arith.constant 0 : index
    %swap3A_580 = arith.constant 0 : index
    %swap3A_581 = vector.load %arg5[%swap3A_579, %swap3A_580] : memref<32x128xf32, #tpu.memory_space<vmem>>, vector<32x128xf32>
    tpu.vector_store %arg5[%swap3A_579, %swap3A_580], %select_n3A_578 {strides = array<i32>} : memref<32x128xf32, #tpu.memory_space<vmem>>, vector<32x128xf32>,
    %get3A_582 = arith.constant 0 : index
    %get3A_583 = arith.constant 0 : index
    %get3A_584 = vector.load %arg5[%get3A_582, %get3A_583] : memref<32x128xf32, #tpu.memory_space<vmem>>, vector<32x128xf32>
    %reduce_min3A_585 = arith.constant dense<0x7F800000> : vector<32xf32>
    %reduce_min3A_586 = vector.multi_reduction <minimumf>, %get3A_584, %reduce_min3A_585 [1] : vector<32x128xf32> to vector<32xf32>
    %broadcast_in_dim3A_587 = vector.shape_cast %reduce_min3A_586 : vector<32xf32> to vector<32x1xf32>
    %eq3A_588 = vector.broadcast %broadcast_in_dim3A_587 : vector<32x1xf32> to vector<32x128xf32>
    %eq3A_589 = arith.cmpf oeq, %get3A_584, %eq3A_588 : vector<32x128xf32>
    %jit3A_590 = arith.constant 128 : i32
    %broadcast_in_dim3A_591 = vector.broadcast %jit3A_590 : i32 to vector<32x128xi32>
    %select_n3A_592 = arith.select %eq3A_589, %iota3A, %broadcast_in_dim3A_591 : vector<32x128xi1>, vector<32x128xi32>
    %reduce_min3A_593 = arith.constant dense<2147483647> : vector<32xi32>
    %reduce_min3A_594 = vector.multi_reduction <minsi>, %select_n3A_592, %reduce_min3A_593 [1] : vector<32x128xi32> to vector<32xi32>
    %broadcast_in_dim3A_595 = vector.shape_cast %reduce_min3A_594 : vector<32xi32> to vector<32x1xi32>
    %add3A_596 = vector.broadcast %mul3A_34 : i32 to vector<32x1xi32>
    %add3A_597 = arith.addi %broadcast_in_dim3A_595, %add3A_596 : vector<32x1xi32>
    %eq3A_598 = vector.broadcast %broadcast_in_dim3A_595 : vector<32x1xi32> to vector<32x128xi32>
    %eq3A_599 = arith.cmpi eq, %iota3A, %eq3A_598 : vector<32x128xi32>
    %jit3A_600 = arith.constant 0x7F800000 : f32
    %broadcast_in_dim3A_601 = vector.broadcast %jit3A_600 : f32 to vector<32x128xf32>
    %select_n3A_602 = arith.select %eq3A_599, %broadcast_in_dim3A_601, %get3A_584 : vector<32x128xi1>, vector<32x128xf32>
    %swap3A_603 = arith.constant 0 : index
    %swap3A_604 = arith.constant 0 : index
    %swap3A_605 = vector.load %arg5[%swap3A_603, %swap3A_604] : memref<32x128xf32, #tpu.memory_space<vmem>>, vector<32x128xf32>
    tpu.vector_store %arg5[%swap3A_603, %swap3A_604], %select_n3A_602 {strides = array<i32>} : memref<32x128xf32, #tpu.memory_space<vmem>>, vector<32x128xf32>,
    %get3A_606 = arith.constant 0 : index
    %get3A_607 = arith.constant 0 : index
    %get3A_608 = vector.load %arg5[%get3A_606, %get3A_607] : memref<32x128xf32, #tpu.memory_space<vmem>>, vector<32x128xf32>
    %reduce_min3A_609 = arith.constant dense<0x7F800000> : vector<32xf32>
    %reduce_min3A_610 = vector.multi_reduction <minimumf>, %get3A_608, %reduce_min3A_609 [1] : vector<32x128xf32> to vector<32xf32>
    %broadcast_in_dim3A_611 = vector.shape_cast %reduce_min3A_610 : vector<32xf32> to vector<32x1xf32>
    %eq3A_612 = vector.broadcast %broadcast_in_dim3A_611 : vector<32x1xf32> to vector<32x128xf32>
    %eq3A_613 = arith.cmpf oeq, %get3A_608, %eq3A_612 : vector<32x128xf32>
    %jit3A_614 = arith.constant 128 : i32
    %broadcast_in_dim3A_615 = vector.broadcast %jit3A_614 : i32 to vector<32x128xi32>
    %select_n3A_616 = arith.select %eq3A_613, %iota3A, %broadcast_in_dim3A_615 : vector<32x128xi1>, vector<32x128xi32>
    %reduce_min3A_617 = arith.constant dense<2147483647> : vector<32xi32>
    %reduce_min3A_618 = vector.multi_reduction <minsi>, %select_n3A_616, %reduce_min3A_617 [1] : vector<32x128xi32> to vector<32xi32>
    %broadcast_in_dim3A_619 = vector.shape_cast %reduce_min3A_618 : vector<32xi32> to vector<32x1xi32>
    %add3A_620 = vector.broadcast %mul3A_34 : i32 to vector<32x1xi32>
    %add3A_621 = arith.addi %broadcast_in_dim3A_619, %add3A_620 : vector<32x1xi32>
    %eq3A_622 = vector.broadcast %broadcast_in_dim3A_619 : vector<32x1xi32> to vector<32x128xi32>
    %eq3A_623 = arith.cmpi eq, %iota3A, %eq3A_622 : vector<32x128xi32>
    %jit3A_624 = arith.constant 0x7F800000 : f32
    %broadcast_in_dim3A_625 = vector.broadcast %jit3A_624 : f32 to vector<32x128xf32>
    %select_n3A_626 = arith.select %eq3A_623, %broadcast_in_dim3A_625, %get3A_608 : vector<32x128xi1>, vector<32x128xf32>
    %swap3A_627 = arith.constant 0 : index
    %swap3A_628 = arith.constant 0 : index
    %swap3A_629 = vector.load %arg5[%swap3A_627, %swap3A_628] : memref<32x128xf32, #tpu.memory_space<vmem>>, vector<32x128xf32>
    tpu.vector_store %arg5[%swap3A_627, %swap3A_628], %select_n3A_626 {strides = array<i32>} : memref<32x128xf32, #tpu.memory_space<vmem>>, vector<32x128xf32>,
    %get3A_630 = arith.constant 0 : index
    %get3A_631 = arith.constant 0 : index
    %get3A_632 = vector.load %arg5[%get3A_630, %get3A_631] : memref<32x128xf32, #tpu.memory_space<vmem>>, vector<32x128xf32>
    %reduce_min3A_633 = arith.constant dense<0x7F800000> : vector<32xf32>
    %reduce_min3A_634 = vector.multi_reduction <minimumf>, %get3A_632, %reduce_min3A_633 [1] : vector<32x128xf32> to vector<32xf32>
    %broadcast_in_dim3A_635 = vector.shape_cast %reduce_min3A_634 : vector<32xf32> to vector<32x1xf32>
    %eq3A_636 = vector.broadcast %broadcast_in_dim3A_635 : vector<32x1xf32> to vector<32x128xf32>
    %eq3A_637 = arith.cmpf oeq, %get3A_632, %eq3A_636 : vector<32x128xf32>
    %jit3A_638 = arith.constant 128 : i32
    %broadcast_in_dim3A_639 = vector.broadcast %jit3A_638 : i32 to vector<32x128xi32>
    %select_n3A_640 = arith.select %eq3A_637, %iota3A, %broadcast_in_dim3A_639 : vector<32x128xi1>, vector<32x128xi32>
    %reduce_min3A_641 = arith.constant dense<2147483647> : vector<32xi32>
    %reduce_min3A_642 = vector.multi_reduction <minsi>, %select_n3A_640, %reduce_min3A_641 [1] : vector<32x128xi32> to vector<32xi32>
    %broadcast_in_dim3A_643 = vector.shape_cast %reduce_min3A_642 : vector<32xi32> to vector<32x1xi32>
    %add3A_644 = vector.broadcast %mul3A_34 : i32 to vector<32x1xi32>
    %add3A_645 = arith.addi %broadcast_in_dim3A_643, %add3A_644 : vector<32x1xi32>
    %eq3A_646 = vector.broadcast %broadcast_in_dim3A_643 : vector<32x1xi32> to vector<32x128xi32>
    %eq3A_647 = arith.cmpi eq, %iota3A, %eq3A_646 : vector<32x128xi32>
    %jit3A_648 = arith.constant 0x7F800000 : f32
    %broadcast_in_dim3A_649 = vector.broadcast %jit3A_648 : f32 to vector<32x128xf32>
    %select_n3A_650 = arith.select %eq3A_647, %broadcast_in_dim3A_649, %get3A_632 : vector<32x128xi1>, vector<32x128xf32>
    %swap3A_651 = arith.constant 0 : index
    %swap3A_652 = arith.constant 0 : index
    %swap3A_653 = vector.load %arg5[%swap3A_651, %swap3A_652] : memref<32x128xf32, #tpu.memory_space<vmem>>, vector<32x128xf32>
    tpu.vector_store %arg5[%swap3A_651, %swap3A_652], %select_n3A_650 {strides = array<i32>} : memref<32x128xf32, #tpu.memory_space<vmem>>, vector<32x128xf32>,
    %get3A_654 = arith.constant 0 : index
    %get3A_655 = arith.constant 0 : index
    %get3A_656 = vector.load %arg5[%get3A_654, %get3A_655] : memref<32x128xf32, #tpu.memory_space<vmem>>, vector<32x128xf32>
    %reduce_min3A_657 = arith.constant dense<0x7F800000> : vector<32xf32>
    %reduce_min3A_658 = vector.multi_reduction <minimumf>, %get3A_656, %reduce_min3A_657 [1] : vector<32x128xf32> to vector<32xf32>
    %broadcast_in_dim3A_659 = vector.shape_cast %reduce_min3A_658 : vector<32xf32> to vector<32x1xf32>
    %eq3A_660 = vector.broadcast %broadcast_in_dim3A_659 : vector<32x1xf32> to vector<32x128xf32>
    %eq3A_661 = arith.cmpf oeq, %get3A_656, %eq3A_660 : vector<32x128xf32>
    %jit3A_662 = arith.constant 128 : i32
    %broadcast_in_dim3A_663 = vector.broadcast %jit3A_662 : i32 to vector<32x128xi32>
    %select_n3A_664 = arith.select %eq3A_661, %iota3A, %broadcast_in_dim3A_663 : vector<32x128xi1>, vector<32x128xi32>
    %reduce_min3A_665 = arith.constant dense<2147483647> : vector<32xi32>
    %reduce_min3A_666 = vector.multi_reduction <minsi>, %select_n3A_664, %reduce_min3A_665 [1] : vector<32x128xi32> to vector<32xi32>
    %broadcast_in_dim3A_667 = vector.shape_cast %reduce_min3A_666 : vector<32xi32> to vector<32x1xi32>
    %add3A_668 = vector.broadcast %mul3A_34 : i32 to vector<32x1xi32>
    %add3A_669 = arith.addi %broadcast_in_dim3A_667, %add3A_668 : vector<32x1xi32>
    %eq3A_670 = vector.broadcast %broadcast_in_dim3A_667 : vector<32x1xi32> to vector<32x128xi32>
    %eq3A_671 = arith.cmpi eq, %iota3A, %eq3A_670 : vector<32x128xi32>
    %jit3A_672 = arith.constant 0x7F800000 : f32
    %broadcast_in_dim3A_673 = vector.broadcast %jit3A_672 : f32 to vector<32x128xf32>
    %select_n3A_674 = arith.select %eq3A_671, %broadcast_in_dim3A_673, %get3A_656 : vector<32x128xi1>, vector<32x128xf32>
    %swap3A_675 = arith.constant 0 : index
    %swap3A_676 = arith.constant 0 : index
    %swap3A_677 = vector.load %arg5[%swap3A_675, %swap3A_676] : memref<32x128xf32, #tpu.memory_space<vmem>>, vector<32x128xf32>
    tpu.vector_store %arg5[%swap3A_675, %swap3A_676], %select_n3A_674 {strides = array<i32>} : memref<32x128xf32, #tpu.memory_space<vmem>>, vector<32x128xf32>,
    %get3A_678 = arith.constant 0 : index
    %get3A_679 = arith.constant 0 : index
    %get3A_680 = vector.load %arg5[%get3A_678, %get3A_679] : memref<32x128xf32, #tpu.memory_space<vmem>>, vector<32x128xf32>
    %reduce_min3A_681 = arith.constant dense<0x7F800000> : vector<32xf32>
    %reduce_min3A_682 = vector.multi_reduction <minimumf>, %get3A_680, %reduce_min3A_681 [1] : vector<32x128xf32> to vector<32xf32>
    %broadcast_in_dim3A_683 = vector.shape_cast %reduce_min3A_682 : vector<32xf32> to vector<32x1xf32>
    %eq3A_684 = vector.broadcast %broadcast_in_dim3A_683 : vector<32x1xf32> to vector<32x128xf32>
    %eq3A_685 = arith.cmpf oeq, %get3A_680, %eq3A_684 : vector<32x128xf32>
    %jit3A_686 = arith.constant 128 : i32
    %broadcast_in_dim3A_687 = vector.broadcast %jit3A_686 : i32 to vector<32x128xi32>
    %select_n3A_688 = arith.select %eq3A_685, %iota3A, %broadcast_in_dim3A_687 : vector<32x128xi1>, vector<32x128xi32>
    %reduce_min3A_689 = arith.constant dense<2147483647> : vector<32xi32>
    %reduce_min3A_690 = vector.multi_reduction <minsi>, %select_n3A_688, %reduce_min3A_689 [1] : vector<32x128xi32> to vector<32xi32>
    %broadcast_in_dim3A_691 = vector.shape_cast %reduce_min3A_690 : vector<32xi32> to vector<32x1xi32>
    %add3A_692 = vector.broadcast %mul3A_34 : i32 to vector<32x1xi32>
    %add3A_693 = arith.addi %broadcast_in_dim3A_691, %add3A_692 : vector<32x1xi32>
    %eq3A_694 = vector.broadcast %broadcast_in_dim3A_691 : vector<32x1xi32> to vector<32x128xi32>
    %eq3A_695 = arith.cmpi eq, %iota3A, %eq3A_694 : vector<32x128xi32>
    %jit3A_696 = arith.constant 0x7F800000 : f32
    %broadcast_in_dim3A_697 = vector.broadcast %jit3A_696 : f32 to vector<32x128xf32>
    %select_n3A_698 = arith.select %eq3A_695, %broadcast_in_dim3A_697, %get3A_680 : vector<32x128xi1>, vector<32x128xf32>
    %swap3A_699 = arith.constant 0 : index
    %swap3A_700 = arith.constant 0 : index
    %swap3A_701 = vector.load %arg5[%swap3A_699, %swap3A_700] : memref<32x128xf32, #tpu.memory_space<vmem>>, vector<32x128xf32>
    tpu.vector_store %arg5[%swap3A_699, %swap3A_700], %select_n3A_698 {strides = array<i32>} : memref<32x128xf32, #tpu.memory_space<vmem>>, vector<32x128xf32>,
    %get3A_702 = arith.constant 0 : index
    %get3A_703 = arith.constant 0 : index
    %get3A_704 = vector.load %arg5[%get3A_702, %get3A_703] : memref<32x128xf32, #tpu.memory_space<vmem>>, vector<32x128xf32>
    %reduce_min3A_705 = arith.constant dense<0x7F800000> : vector<32xf32>
    %reduce_min3A_706 = vector.multi_reduction <minimumf>, %get3A_704, %reduce_min3A_705 [1] : vector<32x128xf32> to vector<32xf32>
    %broadcast_in_dim3A_707 = vector.shape_cast %reduce_min3A_706 : vector<32xf32> to vector<32x1xf32>
    %eq3A_708 = vector.broadcast %broadcast_in_dim3A_707 : vector<32x1xf32> to vector<32x128xf32>
    %eq3A_709 = arith.cmpf oeq, %get3A_704, %eq3A_708 : vector<32x128xf32>
    %jit3A_710 = arith.constant 128 : i32
    %broadcast_in_dim3A_711 = vector.broadcast %jit3A_710 : i32 to vector<32x128xi32>
    %select_n3A_712 = arith.select %eq3A_709, %iota3A, %broadcast_in_dim3A_711 : vector<32x128xi1>, vector<32x128xi32>
    %reduce_min3A_713 = arith.constant dense<2147483647> : vector<32xi32>
    %reduce_min3A_714 = vector.multi_reduction <minsi>, %select_n3A_712, %reduce_min3A_713 [1] : vector<32x128xi32> to vector<32xi32>
    %broadcast_in_dim3A_715 = vector.shape_cast %reduce_min3A_714 : vector<32xi32> to vector<32x1xi32>
    %add3A_716 = vector.broadcast %mul3A_34 : i32 to vector<32x1xi32>
    %add3A_717 = arith.addi %broadcast_in_dim3A_715, %add3A_716 : vector<32x1xi32>
    %eq3A_718 = vector.broadcast %broadcast_in_dim3A_715 : vector<32x1xi32> to vector<32x128xi32>
    %eq3A_719 = arith.cmpi eq, %iota3A, %eq3A_718 : vector<32x128xi32>
    %jit3A_720 = arith.constant 0x7F800000 : f32
    %broadcast_in_dim3A_721 = vector.broadcast %jit3A_720 : f32 to vector<32x128xf32>
    %select_n3A_722 = arith.select %eq3A_719, %broadcast_in_dim3A_721, %get3A_704 : vector<32x128xi1>, vector<32x128xf32>
    %swap3A_723 = arith.constant 0 : index
    %swap3A_724 = arith.constant 0 : index
    %swap3A_725 = vector.load %arg5[%swap3A_723, %swap3A_724] : memref<32x128xf32, #tpu.memory_space<vmem>>, vector<32x128xf32>
    tpu.vector_store %arg5[%swap3A_723, %swap3A_724], %select_n3A_722 {strides = array<i32>} : memref<32x128xf32, #tpu.memory_space<vmem>>, vector<32x128xf32>,
    %get3A_726 = arith.constant 0 : index
    %get3A_727 = arith.constant 0 : index
    %get3A_728 = vector.load %arg5[%get3A_726, %get3A_727] : memref<32x128xf32, #tpu.memory_space<vmem>>, vector<32x128xf32>
    %reduce_min3A_729 = arith.constant dense<0x7F800000> : vector<32xf32>
    %reduce_min3A_730 = vector.multi_reduction <minimumf>, %get3A_728, %reduce_min3A_729 [1] : vector<32x128xf32> to vector<32xf32>
    %broadcast_in_dim3A_731 = vector.shape_cast %reduce_min3A_730 : vector<32xf32> to vector<32x1xf32>
    %eq3A_732 = vector.broadcast %broadcast_in_dim3A_731 : vector<32x1xf32> to vector<32x128xf32>
    %eq3A_733 = arith.cmpf oeq, %get3A_728, %eq3A_732 : vector<32x128xf32>
    %jit3A_734 = arith.constant 128 : i32
    %broadcast_in_dim3A_735 = vector.broadcast %jit3A_734 : i32 to vector<32x128xi32>
    %select_n3A_736 = arith.select %eq3A_733, %iota3A, %broadcast_in_dim3A_735 : vector<32x128xi1>, vector<32x128xi32>
    %reduce_min3A_737 = arith.constant dense<2147483647> : vector<32xi32>
    %reduce_min3A_738 = vector.multi_reduction <minsi>, %select_n3A_736, %reduce_min3A_737 [1] : vector<32x128xi32> to vector<32xi32>
    %broadcast_in_dim3A_739 = vector.shape_cast %reduce_min3A_738 : vector<32xi32> to vector<32x1xi32>
    %add3A_740 = vector.broadcast %mul3A_34 : i32 to vector<32x1xi32>
    %add3A_741 = arith.addi %broadcast_in_dim3A_739, %add3A_740 : vector<32x1xi32>
    %eq3A_742 = vector.broadcast %broadcast_in_dim3A_739 : vector<32x1xi32> to vector<32x128xi32>
    %eq3A_743 = arith.cmpi eq, %iota3A, %eq3A_742 : vector<32x128xi32>
    %jit3A_744 = arith.constant 0x7F800000 : f32
    %broadcast_in_dim3A_745 = vector.broadcast %jit3A_744 : f32 to vector<32x128xf32>
    %select_n3A_746 = arith.select %eq3A_743, %broadcast_in_dim3A_745, %get3A_728 : vector<32x128xi1>, vector<32x128xf32>
    %swap3A_747 = arith.constant 0 : index
    %swap3A_748 = arith.constant 0 : index
    %swap3A_749 = vector.load %arg5[%swap3A_747, %swap3A_748] : memref<32x128xf32, #tpu.memory_space<vmem>>, vector<32x128xf32>
    tpu.vector_store %arg5[%swap3A_747, %swap3A_748], %select_n3A_746 {strides = array<i32>} : memref<32x128xf32, #tpu.memory_space<vmem>>, vector<32x128xf32>,
    %get3A_750 = arith.constant 0 : index
    %get3A_751 = arith.constant 0 : index
    %get3A_752 = vector.load %arg5[%get3A_750, %get3A_751] : memref<32x128xf32, #tpu.memory_space<vmem>>, vector<32x128xf32>
    %reduce_min3A_753 = arith.constant dense<0x7F800000> : vector<32xf32>
    %reduce_min3A_754 = vector.multi_reduction <minimumf>, %get3A_752, %reduce_min3A_753 [1] : vector<32x128xf32> to vector<32xf32>
    %broadcast_in_dim3A_755 = vector.shape_cast %reduce_min3A_754 : vector<32xf32> to vector<32x1xf32>
    %eq3A_756 = vector.broadcast %broadcast_in_dim3A_755 : vector<32x1xf32> to vector<32x128xf32>
    %eq3A_757 = arith.cmpf oeq, %get3A_752, %eq3A_756 : vector<32x128xf32>
    %jit3A_758 = arith.constant 128 : i32
    %broadcast_in_dim3A_759 = vector.broadcast %jit3A_758 : i32 to vector<32x128xi32>
    %select_n3A_760 = arith.select %eq3A_757, %iota3A, %broadcast_in_dim3A_759 : vector<32x128xi1>, vector<32x128xi32>
    %reduce_min3A_761 = arith.constant dense<2147483647> : vector<32xi32>
    %reduce_min3A_762 = vector.multi_reduction <minsi>, %select_n3A_760, %reduce_min3A_761 [1] : vector<32x128xi32> to vector<32xi32>
    %broadcast_in_dim3A_763 = vector.shape_cast %reduce_min3A_762 : vector<32xi32> to vector<32x1xi32>
    %add3A_764 = vector.broadcast %mul3A_34 : i32 to vector<32x1xi32>
    %add3A_765 = arith.addi %broadcast_in_dim3A_763, %add3A_764 : vector<32x1xi32>
    %eq3A_766 = vector.broadcast %broadcast_in_dim3A_763 : vector<32x1xi32> to vector<32x128xi32>
    %eq3A_767 = arith.cmpi eq, %iota3A, %eq3A_766 : vector<32x128xi32>
    %jit3A_768 = arith.constant 0x7F800000 : f32
    %broadcast_in_dim3A_769 = vector.broadcast %jit3A_768 : f32 to vector<32x128xf32>
    %select_n3A_770 = arith.select %eq3A_767, %broadcast_in_dim3A_769, %get3A_752 : vector<32x128xi1>, vector<32x128xf32>
    %swap3A_771 = arith.constant 0 : index
    %swap3A_772 = arith.constant 0 : index
    %swap3A_773 = vector.load %arg5[%swap3A_771, %swap3A_772] : memref<32x128xf32, #tpu.memory_space<vmem>>, vector<32x128xf32>
    tpu.vector_store %arg5[%swap3A_771, %swap3A_772], %select_n3A_770 {strides = array<i32>} : memref<32x128xf32, #tpu.memory_space<vmem>>, vector<32x128xf32>,
    %get3A_774 = arith.constant 0 : index
    %get3A_775 = arith.constant 0 : index
    %get3A_776 = vector.load %arg5[%get3A_774, %get3A_775] : memref<32x128xf32, #tpu.memory_space<vmem>>, vector<32x128xf32>
    %reduce_min3A_777 = arith.constant dense<0x7F800000> : vector<32xf32>
    %reduce_min3A_778 = vector.multi_reduction <minimumf>, %get3A_776, %reduce_min3A_777 [1] : vector<32x128xf32> to vector<32xf32>
    %broadcast_in_dim3A_779 = vector.shape_cast %reduce_min3A_778 : vector<32xf32> to vector<32x1xf32>
    %eq3A_780 = vector.broadcast %broadcast_in_dim3A_779 : vector<32x1xf32> to vector<32x128xf32>
    %eq3A_781 = arith.cmpf oeq, %get3A_776, %eq3A_780 : vector<32x128xf32>
    %jit3A_782 = arith.constant 128 : i32
    %broadcast_in_dim3A_783 = vector.broadcast %jit3A_782 : i32 to vector<32x128xi32>
    %select_n3A_784 = arith.select %eq3A_781, %iota3A, %broadcast_in_dim3A_783 : vector<32x128xi1>, vector<32x128xi32>
    %reduce_min3A_785 = arith.constant dense<2147483647> : vector<32xi32>
    %reduce_min3A_786 = vector.multi_reduction <minsi>, %select_n3A_784, %reduce_min3A_785 [1] : vector<32x128xi32> to vector<32xi32>
    %broadcast_in_dim3A_787 = vector.shape_cast %reduce_min3A_786 : vector<32xi32> to vector<32x1xi32>
    %add3A_788 = vector.broadcast %mul3A_34 : i32 to vector<32x1xi32>
    %add3A_789 = arith.addi %broadcast_in_dim3A_787, %add3A_788 : vector<32x1xi32>
    %eq3A_790 = vector.broadcast %broadcast_in_dim3A_787 : vector<32x1xi32> to vector<32x128xi32>
    %eq3A_791 = arith.cmpi eq, %iota3A, %eq3A_790 : vector<32x128xi32>
    %jit3A_792 = arith.constant 0x7F800000 : f32
    %broadcast_in_dim3A_793 = vector.broadcast %jit3A_792 : f32 to vector<32x128xf32>
    %select_n3A_794 = arith.select %eq3A_791, %broadcast_in_dim3A_793, %get3A_776 : vector<32x128xi1>, vector<32x128xf32>
    %swap3A_795 = arith.constant 0 : index
    %swap3A_796 = arith.constant 0 : index
    %swap3A_797 = vector.load %arg5[%swap3A_795, %swap3A_796] : memref<32x128xf32, #tpu.memory_space<vmem>>, vector<32x128xf32>
    tpu.vector_store %arg5[%swap3A_795, %swap3A_796], %select_n3A_794 {strides = array<i32>} : memref<32x128xf32, #tpu.memory_space<vmem>>, vector<32x128xf32>,
    %concatenate3A = tpu.concatenate %add3A_45, %add3A_69, %add3A_93, %add3A_117, %add3A_141, %add3A_165, %add3A_189, %add3A_213, %add3A_237, %add3A_261, %add3A_285, %add3A_309, %add3A_333, %add3A_357, %add3A_381, %add3A_405, %add3A_429, %add3A_453, %add3A_477, %add3A_501, %add3A_525, %add3A_549, %add3A_573, %add3A_597, %add3A_621, %add3A_645, %add3A_669, %add3A_693, %add3A_717, %add3A_741, %add3A_765, %add3A_789 in 1 : vector<32x1xi32>, vector<32x1xi32>, vector<32x1xi32>, vector<32x1xi32>, vector<32x1xi32>, vector<32x1xi32>, vector<32x1xi32>, vector<32x1xi32>, vector<32x1xi32>, vector<32x1xi32>, vector<32x1xi32>, vector<32x1xi32>, vector<32x1xi32>, vector<32x1xi32>, vector<32x1xi32>, vector<32x1xi32>, vector<32x1xi32>, vector<32x1xi32>, vector<32x1xi32>, vector<32x1xi32>, vector<32x1xi32>, vector<32x1xi32>, vector<32x1xi32>, vector<32x1xi32>, vector<32x1xi32>, vector<32x1xi32>, vector<32x1xi32>, vector<32x1xi32>, vector<32x1xi32>, vector<32x1xi32>, vector<32x1xi32>, vector<32x1xi32> -> vector<32x32xi32>
    %swap3A_798 = arith.constant 0 : index
    %swap3A_799 = arith.constant 0 : index
    %swap3A_800 = arith.constant 0 : index
    %swap3A_801 = vector.load %arg4[%swap3A_798, %swap3A_799, %swap3A_800] : memref<1x32x32xi32, #tpu.memory_space<vmem>>, vector<1x32x32xi32>
    %swap3A_802 = vector.shape_cast %swap3A_801 : vector<1x32x32xi32> to vector<32x32xi32>
    %swap3A_803 = vector.shape_cast %concatenate3A : vector<32x32xi32> to vector<1x32x32xi32>
    tpu.vector_store %arg4[%swap3A_798, %swap3A_799, %swap3A_800], %swap3A_803 {strides = array<i32>} : memref<1x32x32xi32, #tpu.memory_space<vmem>>, vector<1x32x32xi32>,
    return
  }
  func.func @transform_0(%arg0: i32, %arg1: i32) -> (i32, i32, i32) {
    %c0_i32 = arith.constant 0 : i32
    %c0_i32_0 = arith.constant 0 : i32
    %c0_i32_1 = arith.constant 0 : i32
    return %arg0, %c0_i32, %c0_i32_0 : i32, i32, i32
  }
  func.func @transform_1(%arg0: i32, %arg1: i32) -> (i32, i32, i32) {
    %c0_i32 = arith.constant 0 : i32
    %c0_i32_0 = arith.constant 0 : i32
    return %arg0, %arg1, %c0_i32 : i32, i32, i32
  }
  func.func @transform_2(%arg0: i32, %arg1: i32) -> (i32, i32, i32) {
    %c0_i32 = arith.constant 0 : i32
    %c0_i32_0 = arith.constant 0 : i32
    return %arg0, %arg1, %c0_i32 : i32, i32, i32
  }
}

module attributes {stable_mosaic.version = 14 : i64} {
  func.func @_mcg_body(%arg0: i32, %arg1: memref<2048x384xf32, #tpu.memory_space<vmem>>, %arg2: memref<64x3xf32, #tpu.memory_space<vmem>>, %arg3: memref<7x64xf32, #tpu.memory_space<vmem>>, %arg4: memref<1x64xf32, #tpu.memory_space<vmem>>, %arg5: memref<64x1xf32, #tpu.memory_space<vmem>>, %arg6: memref<1x1xf32, #tpu.memory_space<vmem>>, %arg7: memref<1x128xf32, #tpu.memory_space<vmem>>, %arg8: memref<1x128xf32, #tpu.memory_space<vmem>>, %arg9: memref<128x256xf32, #tpu.memory_space<vmem>>, %arg10: memref<1x256xf32, #tpu.memory_space<vmem>>, %arg11: memref<256x256xf32, #tpu.memory_space<vmem>>, %arg12: memref<64x256xf32, #tpu.memory_space<vmem>>) attributes {dimension_semantics = [#tpu.dimension_semantics<arbitrary>], iteration_bounds = array<i64: 32>, scalar_prefetch = 0 : i64, scratch_operands = 0 : i64, tpu.core_type = #tpu.core_type<tc>, window_params = [{transform_indices = @transform_0, window_bounds = array<i64: 2048, 384>}, {transform_indices = @transform_1, window_bounds = array<i64: 64, 3>}, {pipeline_mode = #tpu.pipeline_mode<synchronous>, transform_indices = @transform_2, window_bounds = array<i64: 7, 64>}, {pipeline_mode = #tpu.pipeline_mode<synchronous>, transform_indices = @transform_3, window_bounds = array<i64: 1, 64>}, {pipeline_mode = #tpu.pipeline_mode<synchronous>, transform_indices = @transform_4, window_bounds = array<i64: 64, 1>}, {pipeline_mode = #tpu.pipeline_mode<synchronous>, transform_indices = @transform_5, window_bounds = array<i64: 1, 1>}, {pipeline_mode = #tpu.pipeline_mode<synchronous>, transform_indices = @transform_6, window_bounds = array<i64: 1, 128>}, {pipeline_mode = #tpu.pipeline_mode<synchronous>, transform_indices = @transform_7, window_bounds = array<i64: 1, 128>}, {pipeline_mode = #tpu.pipeline_mode<synchronous>, transform_indices = @transform_8, window_bounds = array<i64: 128, 256>}, {pipeline_mode = #tpu.pipeline_mode<synchronous>, transform_indices = @transform_9, window_bounds = array<i64: 1, 256>}, {pipeline_mode = #tpu.pipeline_mode<synchronous>, transform_indices = @transform_10, window_bounds = array<i64: 256, 256>}, {transform_indices = @transform_11, window_bounds = array<i64: 64, 256>}]} {
    %get3A = arith.constant 0 : index
    %get3A_0 = arith.constant 0 : index
    %get3A_1 = vector.load %arg1[%get3A, %get3A_0] : memref<2048x384xf32, #tpu.memory_space<vmem>>, vector<2048x384xf32>
    %slice3A = vector.extract_strided_slice %get3A_1 {offsets = [0, 0], sizes = [2048, 3], strides = [1, 1]} : vector<2048x384xf32> to vector<2048x3xf32>
    %slice3A_2 = vector.extract_strided_slice %get3A_1 {offsets = [0, 3], sizes = [2048, 256], strides = [1, 1]} : vector<2048x384xf32> to vector<2048x256xf32>
    %get3A_3 = arith.constant 0 : index
    %get3A_4 = arith.constant 0 : index
    %get3A_5 = vector.load %arg2[%get3A_3, %get3A_4] : memref<64x3xf32, #tpu.memory_space<vmem>>, vector<64x3xf32>
    %broadcast_in_dim3A = vector.shape_cast %get3A_5 : vector<64x3xf32> to vector<64x1x3xf32>
    %broadcast_in_dim3A_6 = vector.shape_cast %broadcast_in_dim3A : vector<64x1x3xf32> to vector<64x1x3xf32>
    %broadcast_in_dim3A_7 = vector.broadcast %broadcast_in_dim3A_6 : vector<64x1x3xf32> to vector<64x32x3xf32>
    %reshape3A = vector.shape_cast %broadcast_in_dim3A_7 : vector<64x32x3xf32> to vector<2048x3xf32>
    %sub3A = arith.subf %slice3A, %reshape3A : vector<2048x3xf32>
    %mul3A = arith.mulf %sub3A, %sub3A : vector<2048x3xf32>
    %reduce_sum3A = arith.constant dense<0.000000e+00> : vector<2048xf32>
    %reduce_sum3A_8 = vector.multi_reduction <add>, %mul3A, %reduce_sum3A [1] : vector<2048x3xf32> to vector<2048xf32>
    %broadcast_in_dim3A_9 = vector.shape_cast %reduce_sum3A_8 : vector<2048xf32> to vector<2048x1xf32>
    %add3A = arith.constant 9.99999993E-9 : f32
    %add3A_10 = vector.broadcast %add3A : f32 to vector<2048x1xf32>
    %add3A_11 = arith.addf %broadcast_in_dim3A_9, %add3A_10 : vector<2048x1xf32>
    %sqrt3A = math.sqrt %add3A_11 : vector<2048x1xf32>
    %concatenate3A = tpu.concatenate %sub3A, %reshape3A, %sqrt3A in 1 : vector<2048x3xf32>, vector<2048x3xf32>, vector<2048x1xf32> -> vector<2048x7xf32>
    %get3A_12 = arith.constant 0 : index
    %get3A_13 = arith.constant 0 : index
    %get3A_14 = vector.load %arg3[%get3A_12, %get3A_13] : memref<7x64xf32, #tpu.memory_space<vmem>>, vector<7x64xf32>
    %dot_general3A = arith.constant dense<0.000000e+00> : vector<2048x64xf32>
    %dot_general3A_15 = tpu.matmul %concatenate3A, %get3A_14, %dot_general3A {dimension_numbers = #tpu.dot_dimension_numbers<[1], [0], [0], [1], [0, 0, 1, 1], [], []>, transpose_lhs_hint = false} : vector<2048x7xf32>, vector<7x64xf32>, vector<2048x64xf32> -> vector<2048x64xf32>
    %get3A_16 = arith.constant 0 : index
    %get3A_17 = arith.constant 0 : index
    %get3A_18 = vector.load %arg4[%get3A_16, %get3A_17] : memref<1x64xf32, #tpu.memory_space<vmem>>, vector<1x64xf32>
    %add3A_19 = vector.broadcast %get3A_18 : vector<1x64xf32> to vector<2048x64xf32>
    %add3A_20 = arith.addf %dot_general3A_15, %add3A_19 : vector<2048x64xf32>
    %max3A = arith.constant 0.000000e+00 : f32
    %max3A_21 = vector.broadcast %max3A : f32 to vector<2048x64xf32>
    %max3A_22 = arith.maximumf %add3A_20, %max3A_21 : vector<2048x64xf32>
    %get3A_23 = arith.constant 0 : index
    %get3A_24 = arith.constant 0 : index
    %get3A_25 = vector.load %arg5[%get3A_23, %get3A_24] : memref<64x1xf32, #tpu.memory_space<vmem>>, vector<64x1xf32>
    %dot_general3A_26 = arith.constant dense<0.000000e+00> : vector<2048x1xf32>
    %dot_general3A_27 = tpu.matmul %max3A_22, %get3A_25, %dot_general3A_26 {dimension_numbers = #tpu.dot_dimension_numbers<[1], [0], [0], [1], [0, 0, 1, 1], [], []>, transpose_lhs_hint = false} : vector<2048x64xf32>, vector<64x1xf32>, vector<2048x1xf32> -> vector<2048x1xf32>
    %get3A_28 = arith.constant 0 : index
    %get3A_29 = arith.constant 0 : index
    %get3A_30 = vector.load %arg6[%get3A_28, %get3A_29] : memref<1x1xf32, #tpu.memory_space<vmem>>, vector<1x1xf32>
    %add3A_31 = vector.broadcast %get3A_30 : vector<1x1xf32> to vector<2048x1xf32>
    %add3A_32 = arith.addf %dot_general3A_27, %add3A_31 : vector<2048x1xf32>
    %get3A_33 = arith.constant 0 : index
    %get3A_34 = arith.constant 0 : index
    %get3A_35 = vector.load %arg7[%get3A_33, %get3A_34] : memref<1x128xf32, #tpu.memory_space<vmem>>, vector<1x128xf32>
    %mul3A_36 = vector.broadcast %add3A_32 : vector<2048x1xf32> to vector<2048x128xf32>
    %mul3A_37 = vector.broadcast %get3A_35 : vector<1x128xf32> to vector<2048x128xf32>
    %mul3A_38 = arith.mulf %mul3A_36, %mul3A_37 : vector<2048x128xf32>
    %get3A_39 = arith.constant 0 : index
    %get3A_40 = arith.constant 0 : index
    %get3A_41 = vector.load %arg8[%get3A_39, %get3A_40] : memref<1x128xf32, #tpu.memory_space<vmem>>, vector<1x128xf32>
    %add3A_42 = vector.broadcast %get3A_41 : vector<1x128xf32> to vector<2048x128xf32>
    %add3A_43 = arith.addf %mul3A_38, %add3A_42 : vector<2048x128xf32>
    %max3A_44 = arith.constant 0.000000e+00 : f32
    %max3A_45 = vector.broadcast %max3A_44 : f32 to vector<2048x128xf32>
    %max3A_46 = arith.maximumf %add3A_43, %max3A_45 : vector<2048x128xf32>
    %get3A_47 = arith.constant 0 : index
    %get3A_48 = arith.constant 0 : index
    %get3A_49 = vector.load %arg9[%get3A_47, %get3A_48] : memref<128x256xf32, #tpu.memory_space<vmem>>, vector<128x256xf32>
    %dot_general3A_50 = arith.constant dense<0.000000e+00> : vector<2048x256xf32>
    %dot_general3A_51 = tpu.matmul %max3A_46, %get3A_49, %dot_general3A_50 {dimension_numbers = #tpu.dot_dimension_numbers<[1], [0], [0], [1], [0, 0, 1, 1], [], []>, transpose_lhs_hint = false} : vector<2048x128xf32>, vector<128x256xf32>, vector<2048x256xf32> -> vector<2048x256xf32>
    %get3A_52 = arith.constant 0 : index
    %get3A_53 = arith.constant 0 : index
    %get3A_54 = vector.load %arg10[%get3A_52, %get3A_53] : memref<1x256xf32, #tpu.memory_space<vmem>>, vector<1x256xf32>
    %add3A_55 = vector.broadcast %get3A_54 : vector<1x256xf32> to vector<2048x256xf32>
    %add3A_56 = arith.addf %dot_general3A_51, %add3A_55 : vector<2048x256xf32>
    %max3A_57 = arith.constant 0.000000e+00 : f32
    %max3A_58 = vector.broadcast %max3A_57 : f32 to vector<2048x256xf32>
    %max3A_59 = arith.maximumf %add3A_56, %max3A_58 : vector<2048x256xf32>
    %get3A_60 = arith.constant 0 : index
    %get3A_61 = arith.constant 0 : index
    %get3A_62 = vector.load %arg11[%get3A_60, %get3A_61] : memref<256x256xf32, #tpu.memory_space<vmem>>, vector<256x256xf32>
    %dot_general3A_63 = arith.constant dense<0.000000e+00> : vector<2048x256xf32>
    %dot_general3A_64 = tpu.matmul %slice3A_2, %get3A_62, %dot_general3A_63 {dimension_numbers = #tpu.dot_dimension_numbers<[1], [0], [0], [1], [0, 0, 1, 1], [], []>, transpose_lhs_hint = false} : vector<2048x256xf32>, vector<256x256xf32>, vector<2048x256xf32> -> vector<2048x256xf32>
    %mul3A_65 = arith.mulf %dot_general3A_64, %max3A_59 : vector<2048x256xf32>
    %reshape3A_66 = vector.shape_cast %mul3A_65 : vector<2048x256xf32> to vector<64x32x256xf32>
    %reduce_max3A = arith.constant dense<0xFF800000> : vector<64x256xf32>
    %reduce_max3A_67 = vector.multi_reduction <maximumf>, %reshape3A_66, %reduce_max3A [1] : vector<64x32x256xf32> to vector<64x256xf32>
    %swap3A = arith.constant 0 : index
    %swap3A_68 = arith.constant 0 : index
    %swap3A_69 = vector.load %arg12[%swap3A, %swap3A_68] : memref<64x256xf32, #tpu.memory_space<vmem>>, vector<64x256xf32>
    tpu.vector_store %arg12[%swap3A, %swap3A_68], %reduce_max3A_67 {strides = array<i32>} : memref<64x256xf32, #tpu.memory_space<vmem>>, vector<64x256xf32>,
    return
  }
  func.func @transform_0(%arg0: i32) -> (i32, i32) {
    %c0_i32 = arith.constant 0 : i32
    %c0_i32_0 = arith.constant 0 : i32
    return %arg0, %c0_i32 : i32, i32
  }
  func.func @transform_1(%arg0: i32) -> (i32, i32) {
    %c0_i32 = arith.constant 0 : i32
    %c0_i32_0 = arith.constant 0 : i32
    return %arg0, %c0_i32 : i32, i32
  }
  func.func @transform_2(%arg0: i32) -> (i32, i32) {
    %c0_i32 = arith.constant 0 : i32
    %c0_i32_0 = arith.constant 0 : i32
    %c0_i32_1 = arith.constant 0 : i32
    return %c0_i32, %c0_i32_0 : i32, i32
  }
  func.func @transform_3(%arg0: i32) -> (i32, i32) {
    %c0_i32 = arith.constant 0 : i32
    %c0_i32_0 = arith.constant 0 : i32
    %c0_i32_1 = arith.constant 0 : i32
    return %c0_i32, %c0_i32_0 : i32, i32
  }
  func.func @transform_4(%arg0: i32) -> (i32, i32) {
    %c0_i32 = arith.constant 0 : i32
    %c0_i32_0 = arith.constant 0 : i32
    %c0_i32_1 = arith.constant 0 : i32
    return %c0_i32, %c0_i32_0 : i32, i32
  }
  func.func @transform_5(%arg0: i32) -> (i32, i32) {
    %c0_i32 = arith.constant 0 : i32
    %c0_i32_0 = arith.constant 0 : i32
    %c0_i32_1 = arith.constant 0 : i32
    return %c0_i32, %c0_i32_0 : i32, i32
  }
  func.func @transform_6(%arg0: i32) -> (i32, i32) {
    %c0_i32 = arith.constant 0 : i32
    %c0_i32_0 = arith.constant 0 : i32
    %c0_i32_1 = arith.constant 0 : i32
    return %c0_i32, %c0_i32_0 : i32, i32
  }
  func.func @transform_7(%arg0: i32) -> (i32, i32) {
    %c0_i32 = arith.constant 0 : i32
    %c0_i32_0 = arith.constant 0 : i32
    %c0_i32_1 = arith.constant 0 : i32
    return %c0_i32, %c0_i32_0 : i32, i32
  }
  func.func @transform_8(%arg0: i32) -> (i32, i32) {
    %c0_i32 = arith.constant 0 : i32
    %c0_i32_0 = arith.constant 0 : i32
    %c0_i32_1 = arith.constant 0 : i32
    return %c0_i32, %c0_i32_0 : i32, i32
  }
  func.func @transform_9(%arg0: i32) -> (i32, i32) {
    %c0_i32 = arith.constant 0 : i32
    %c0_i32_0 = arith.constant 0 : i32
    %c0_i32_1 = arith.constant 0 : i32
    return %c0_i32, %c0_i32_0 : i32, i32
  }
  func.func @transform_10(%arg0: i32) -> (i32, i32) {
    %c0_i32 = arith.constant 0 : i32
    %c0_i32_0 = arith.constant 0 : i32
    %c0_i32_1 = arith.constant 0 : i32
    return %c0_i32, %c0_i32_0 : i32, i32
  }
  func.func @transform_11(%arg0: i32) -> (i32, i32) {
    %c0_i32 = arith.constant 0 : i32
    %c0_i32_0 = arith.constant 0 : i32
    return %arg0, %c0_i32 : i32, i32
  }
}

module attributes {stable_mosaic.version = 14 : i64} {
  func.func @_mcg_body(%arg0: i32, %arg1: memref<2048x384xf32, #tpu.memory_space<vmem>>, %arg2: memref<64x3xf32, #tpu.memory_space<vmem>>, %arg3: memref<7x64xf32, #tpu.memory_space<vmem>>, %arg4: memref<1x64xf32, #tpu.memory_space<vmem>>, %arg5: memref<64x1xf32, #tpu.memory_space<vmem>>, %arg6: memref<1x1xf32, #tpu.memory_space<vmem>>, %arg7: memref<1x128xf32, #tpu.memory_space<vmem>>, %arg8: memref<1x128xf32, #tpu.memory_space<vmem>>, %arg9: memref<128x512xf32, #tpu.memory_space<vmem>>, %arg10: memref<1x512xf32, #tpu.memory_space<vmem>>, %arg11: memref<256x512xf32, #tpu.memory_space<vmem>>, %arg12: memref<64x512xf32, #tpu.memory_space<vmem>>) attributes {dimension_semantics = [#tpu.dimension_semantics<arbitrary>], iteration_bounds = array<i64: 8>, scalar_prefetch = 0 : i64, scratch_operands = 0 : i64, tpu.core_type = #tpu.core_type<tc>, window_params = [{transform_indices = @transform_0, window_bounds = array<i64: 2048, 384>}, {transform_indices = @transform_1, window_bounds = array<i64: 64, 3>}, {pipeline_mode = #tpu.pipeline_mode<synchronous>, transform_indices = @transform_2, window_bounds = array<i64: 7, 64>}, {pipeline_mode = #tpu.pipeline_mode<synchronous>, transform_indices = @transform_3, window_bounds = array<i64: 1, 64>}, {pipeline_mode = #tpu.pipeline_mode<synchronous>, transform_indices = @transform_4, window_bounds = array<i64: 64, 1>}, {pipeline_mode = #tpu.pipeline_mode<synchronous>, transform_indices = @transform_5, window_bounds = array<i64: 1, 1>}, {pipeline_mode = #tpu.pipeline_mode<synchronous>, transform_indices = @transform_6, window_bounds = array<i64: 1, 128>}, {pipeline_mode = #tpu.pipeline_mode<synchronous>, transform_indices = @transform_7, window_bounds = array<i64: 1, 128>}, {pipeline_mode = #tpu.pipeline_mode<synchronous>, transform_indices = @transform_8, window_bounds = array<i64: 128, 512>}, {pipeline_mode = #tpu.pipeline_mode<synchronous>, transform_indices = @transform_9, window_bounds = array<i64: 1, 512>}, {pipeline_mode = #tpu.pipeline_mode<synchronous>, transform_indices = @transform_10, window_bounds = array<i64: 256, 512>}, {transform_indices = @transform_11, window_bounds = array<i64: 64, 512>}]} {
    %get3A = arith.constant 0 : index
    %get3A_0 = arith.constant 0 : index
    %get3A_1 = vector.load %arg1[%get3A, %get3A_0] : memref<2048x384xf32, #tpu.memory_space<vmem>>, vector<2048x384xf32>
    %slice3A = vector.extract_strided_slice %get3A_1 {offsets = [0, 0], sizes = [2048, 3], strides = [1, 1]} : vector<2048x384xf32> to vector<2048x3xf32>
    %slice3A_2 = vector.extract_strided_slice %get3A_1 {offsets = [0, 3], sizes = [2048, 256], strides = [1, 1]} : vector<2048x384xf32> to vector<2048x256xf32>
    %get3A_3 = arith.constant 0 : index
    %get3A_4 = arith.constant 0 : index
    %get3A_5 = vector.load %arg2[%get3A_3, %get3A_4] : memref<64x3xf32, #tpu.memory_space<vmem>>, vector<64x3xf32>
    %broadcast_in_dim3A = vector.shape_cast %get3A_5 : vector<64x3xf32> to vector<64x1x3xf32>
    %broadcast_in_dim3A_6 = vector.shape_cast %broadcast_in_dim3A : vector<64x1x3xf32> to vector<64x1x3xf32>
    %broadcast_in_dim3A_7 = vector.broadcast %broadcast_in_dim3A_6 : vector<64x1x3xf32> to vector<64x32x3xf32>
    %reshape3A = vector.shape_cast %broadcast_in_dim3A_7 : vector<64x32x3xf32> to vector<2048x3xf32>
    %sub3A = arith.subf %slice3A, %reshape3A : vector<2048x3xf32>
    %mul3A = arith.mulf %sub3A, %sub3A : vector<2048x3xf32>
    %reduce_sum3A = arith.constant dense<0.000000e+00> : vector<2048xf32>
    %reduce_sum3A_8 = vector.multi_reduction <add>, %mul3A, %reduce_sum3A [1] : vector<2048x3xf32> to vector<2048xf32>
    %broadcast_in_dim3A_9 = vector.shape_cast %reduce_sum3A_8 : vector<2048xf32> to vector<2048x1xf32>
    %add3A = arith.constant 9.99999993E-9 : f32
    %add3A_10 = vector.broadcast %add3A : f32 to vector<2048x1xf32>
    %add3A_11 = arith.addf %broadcast_in_dim3A_9, %add3A_10 : vector<2048x1xf32>
    %sqrt3A = math.sqrt %add3A_11 : vector<2048x1xf32>
    %concatenate3A = tpu.concatenate %sub3A, %reshape3A, %sqrt3A in 1 : vector<2048x3xf32>, vector<2048x3xf32>, vector<2048x1xf32> -> vector<2048x7xf32>
    %get3A_12 = arith.constant 0 : index
    %get3A_13 = arith.constant 0 : index
    %get3A_14 = vector.load %arg3[%get3A_12, %get3A_13] : memref<7x64xf32, #tpu.memory_space<vmem>>, vector<7x64xf32>
    %dot_general3A = arith.constant dense<0.000000e+00> : vector<2048x64xf32>
    %dot_general3A_15 = tpu.matmul %concatenate3A, %get3A_14, %dot_general3A {dimension_numbers = #tpu.dot_dimension_numbers<[1], [0], [0], [1], [0, 0, 1, 1], [], []>, transpose_lhs_hint = false} : vector<2048x7xf32>, vector<7x64xf32>, vector<2048x64xf32> -> vector<2048x64xf32>
    %get3A_16 = arith.constant 0 : index
    %get3A_17 = arith.constant 0 : index
    %get3A_18 = vector.load %arg4[%get3A_16, %get3A_17] : memref<1x64xf32, #tpu.memory_space<vmem>>, vector<1x64xf32>
    %add3A_19 = vector.broadcast %get3A_18 : vector<1x64xf32> to vector<2048x64xf32>
    %add3A_20 = arith.addf %dot_general3A_15, %add3A_19 : vector<2048x64xf32>
    %max3A = arith.constant 0.000000e+00 : f32
    %max3A_21 = vector.broadcast %max3A : f32 to vector<2048x64xf32>
    %max3A_22 = arith.maximumf %add3A_20, %max3A_21 : vector<2048x64xf32>
    %get3A_23 = arith.constant 0 : index
    %get3A_24 = arith.constant 0 : index
    %get3A_25 = vector.load %arg5[%get3A_23, %get3A_24] : memref<64x1xf32, #tpu.memory_space<vmem>>, vector<64x1xf32>
    %dot_general3A_26 = arith.constant dense<0.000000e+00> : vector<2048x1xf32>
    %dot_general3A_27 = tpu.matmul %max3A_22, %get3A_25, %dot_general3A_26 {dimension_numbers = #tpu.dot_dimension_numbers<[1], [0], [0], [1], [0, 0, 1, 1], [], []>, transpose_lhs_hint = false} : vector<2048x64xf32>, vector<64x1xf32>, vector<2048x1xf32> -> vector<2048x1xf32>
    %get3A_28 = arith.constant 0 : index
    %get3A_29 = arith.constant 0 : index
    %get3A_30 = vector.load %arg6[%get3A_28, %get3A_29] : memref<1x1xf32, #tpu.memory_space<vmem>>, vector<1x1xf32>
    %add3A_31 = vector.broadcast %get3A_30 : vector<1x1xf32> to vector<2048x1xf32>
    %add3A_32 = arith.addf %dot_general3A_27, %add3A_31 : vector<2048x1xf32>
    %get3A_33 = arith.constant 0 : index
    %get3A_34 = arith.constant 0 : index
    %get3A_35 = vector.load %arg7[%get3A_33, %get3A_34] : memref<1x128xf32, #tpu.memory_space<vmem>>, vector<1x128xf32>
    %mul3A_36 = vector.broadcast %add3A_32 : vector<2048x1xf32> to vector<2048x128xf32>
    %mul3A_37 = vector.broadcast %get3A_35 : vector<1x128xf32> to vector<2048x128xf32>
    %mul3A_38 = arith.mulf %mul3A_36, %mul3A_37 : vector<2048x128xf32>
    %get3A_39 = arith.constant 0 : index
    %get3A_40 = arith.constant 0 : index
    %get3A_41 = vector.load %arg8[%get3A_39, %get3A_40] : memref<1x128xf32, #tpu.memory_space<vmem>>, vector<1x128xf32>
    %add3A_42 = vector.broadcast %get3A_41 : vector<1x128xf32> to vector<2048x128xf32>
    %add3A_43 = arith.addf %mul3A_38, %add3A_42 : vector<2048x128xf32>
    %max3A_44 = arith.constant 0.000000e+00 : f32
    %max3A_45 = vector.broadcast %max3A_44 : f32 to vector<2048x128xf32>
    %max3A_46 = arith.maximumf %add3A_43, %max3A_45 : vector<2048x128xf32>
    %get3A_47 = arith.constant 0 : index
    %get3A_48 = arith.constant 0 : index
    %get3A_49 = vector.load %arg9[%get3A_47, %get3A_48] : memref<128x512xf32, #tpu.memory_space<vmem>>, vector<128x512xf32>
    %dot_general3A_50 = arith.constant dense<0.000000e+00> : vector<2048x512xf32>
    %dot_general3A_51 = tpu.matmul %max3A_46, %get3A_49, %dot_general3A_50 {dimension_numbers = #tpu.dot_dimension_numbers<[1], [0], [0], [1], [0, 0, 1, 1], [], []>, transpose_lhs_hint = false} : vector<2048x128xf32>, vector<128x512xf32>, vector<2048x512xf32> -> vector<2048x512xf32>
    %get3A_52 = arith.constant 0 : index
    %get3A_53 = arith.constant 0 : index
    %get3A_54 = vector.load %arg10[%get3A_52, %get3A_53] : memref<1x512xf32, #tpu.memory_space<vmem>>, vector<1x512xf32>
    %add3A_55 = vector.broadcast %get3A_54 : vector<1x512xf32> to vector<2048x512xf32>
    %add3A_56 = arith.addf %dot_general3A_51, %add3A_55 : vector<2048x512xf32>
    %max3A_57 = arith.constant 0.000000e+00 : f32
    %max3A_58 = vector.broadcast %max3A_57 : f32 to vector<2048x512xf32>
    %max3A_59 = arith.maximumf %add3A_56, %max3A_58 : vector<2048x512xf32>
    %get3A_60 = arith.constant 0 : index
    %get3A_61 = arith.constant 0 : index
    %get3A_62 = vector.load %arg11[%get3A_60, %get3A_61] : memref<256x512xf32, #tpu.memory_space<vmem>>, vector<256x512xf32>
    %dot_general3A_63 = arith.constant dense<0.000000e+00> : vector<2048x512xf32>
    %dot_general3A_64 = tpu.matmul %slice3A_2, %get3A_62, %dot_general3A_63 {dimension_numbers = #tpu.dot_dimension_numbers<[1], [0], [0], [1], [0, 0, 1, 1], [], []>, transpose_lhs_hint = false} : vector<2048x256xf32>, vector<256x512xf32>, vector<2048x512xf32> -> vector<2048x512xf32>
    %mul3A_65 = arith.mulf %dot_general3A_64, %max3A_59 : vector<2048x512xf32>
    %reshape3A_66 = vector.shape_cast %mul3A_65 : vector<2048x512xf32> to vector<64x32x512xf32>
    %reduce_max3A = arith.constant dense<0xFF800000> : vector<64x512xf32>
    %reduce_max3A_67 = vector.multi_reduction <maximumf>, %reshape3A_66, %reduce_max3A [1] : vector<64x32x512xf32> to vector<64x512xf32>
    %swap3A = arith.constant 0 : index
    %swap3A_68 = arith.constant 0 : index
    %swap3A_69 = vector.load %arg12[%swap3A, %swap3A_68] : memref<64x512xf32, #tpu.memory_space<vmem>>, vector<64x512xf32>
    tpu.vector_store %arg12[%swap3A, %swap3A_68], %reduce_max3A_67 {strides = array<i32>} : memref<64x512xf32, #tpu.memory_space<vmem>>, vector<64x512xf32>,
    return
  }
  func.func @transform_0(%arg0: i32) -> (i32, i32) {
    %c0_i32 = arith.constant 0 : i32
    %c0_i32_0 = arith.constant 0 : i32
    return %arg0, %c0_i32 : i32, i32
  }
  func.func @transform_1(%arg0: i32) -> (i32, i32) {
    %c0_i32 = arith.constant 0 : i32
    %c0_i32_0 = arith.constant 0 : i32
    return %arg0, %c0_i32 : i32, i32
  }
  func.func @transform_2(%arg0: i32) -> (i32, i32) {
    %c0_i32 = arith.constant 0 : i32
    %c0_i32_0 = arith.constant 0 : i32
    %c0_i32_1 = arith.constant 0 : i32
    return %c0_i32, %c0_i32_0 : i32, i32
  }
  func.func @transform_3(%arg0: i32) -> (i32, i32) {
    %c0_i32 = arith.constant 0 : i32
    %c0_i32_0 = arith.constant 0 : i32
    %c0_i32_1 = arith.constant 0 : i32
    return %c0_i32, %c0_i32_0 : i32, i32
  }
  func.func @transform_4(%arg0: i32) -> (i32, i32) {
    %c0_i32 = arith.constant 0 : i32
    %c0_i32_0 = arith.constant 0 : i32
    %c0_i32_1 = arith.constant 0 : i32
    return %c0_i32, %c0_i32_0 : i32, i32
  }
  func.func @transform_5(%arg0: i32) -> (i32, i32) {
    %c0_i32 = arith.constant 0 : i32
    %c0_i32_0 = arith.constant 0 : i32
    %c0_i32_1 = arith.constant 0 : i32
    return %c0_i32, %c0_i32_0 : i32, i32
  }
  func.func @transform_6(%arg0: i32) -> (i32, i32) {
    %c0_i32 = arith.constant 0 : i32
    %c0_i32_0 = arith.constant 0 : i32
    %c0_i32_1 = arith.constant 0 : i32
    return %c0_i32, %c0_i32_0 : i32, i32
  }
  func.func @transform_7(%arg0: i32) -> (i32, i32) {
    %c0_i32 = arith.constant 0 : i32
    %c0_i32_0 = arith.constant 0 : i32
    %c0_i32_1 = arith.constant 0 : i32
    return %c0_i32, %c0_i32_0 : i32, i32
  }
  func.func @transform_8(%arg0: i32) -> (i32, i32) {
    %c0_i32 = arith.constant 0 : i32
    %c0_i32_0 = arith.constant 0 : i32
    %c0_i32_1 = arith.constant 0 : i32
    return %c0_i32, %c0_i32_0 : i32, i32
  }
  func.func @transform_9(%arg0: i32) -> (i32, i32) {
    %c0_i32 = arith.constant 0 : i32
    %c0_i32_0 = arith.constant 0 : i32
    %c0_i32_1 = arith.constant 0 : i32
    return %c0_i32, %c0_i32_0 : i32, i32
  }
  func.func @transform_10(%arg0: i32) -> (i32, i32) {
    %c0_i32 = arith.constant 0 : i32
    %c0_i32_0 = arith.constant 0 : i32
    %c0_i32_1 = arith.constant 0 : i32
    return %c0_i32, %c0_i32_0 : i32, i32
  }
  func.func @transform_11(%arg0: i32) -> (i32, i32) {
    %c0_i32 = arith.constant 0 : i32
    %c0_i32_0 = arith.constant 0 : i32
    return %arg0, %c0_i32 : i32, i32
  }
}

module attributes {stable_mosaic.version = 14 : i64} {
  func.func @_tail_body(%arg0: memref<512x528xf32, #tpu.memory_space<vmem>>, %arg1: memref<16x512xf32, #tpu.memory_space<vmem>>, %arg2: memref<7x128xf32, #tpu.memory_space<vmem>>, %arg3: memref<1x128xf32, #tpu.memory_space<vmem>>, %arg4: memref<128x1xf32, #tpu.memory_space<vmem>>, %arg5: memref<1x1xf32, #tpu.memory_space<vmem>>, %arg6: memref<1x256xf32, #tpu.memory_space<vmem>>, %arg7: memref<1x256xf32, #tpu.memory_space<vmem>>, %arg8: memref<256x1024xf32, #tpu.memory_space<vmem>>, %arg9: memref<1x1024xf32, #tpu.memory_space<vmem>>, %arg10: memref<512x1024xf32, #tpu.memory_space<vmem>>, %arg11: memref<1024x512xf32, #tpu.memory_space<vmem>>, %arg12: memref<2x512xf32, #tpu.memory_space<vmem>>, %arg13: memref<512x256xf32, #tpu.memory_space<vmem>>, %arg14: memref<2x256xf32, #tpu.memory_space<vmem>>, %arg15: memref<256x40xf32, #tpu.memory_space<vmem>>, %arg16: memref<1x40xf32, #tpu.memory_space<vmem>>, %arg17: memref<16x40xf32, #tpu.memory_space<vmem>>) attributes {dimension_semantics = [], scalar_prefetch = 0 : i64, scratch_operands = 0 : i64, tpu.core_type = #tpu.core_type<tc>} {
    %get3A = arith.constant 0 : index
    %get3A_0 = arith.constant 0 : index
    %get3A_1 = vector.load %arg0[%get3A, %get3A_0] : memref<512x528xf32, #tpu.memory_space<vmem>>, vector<512x528xf32>
    %slice3A = vector.extract_strided_slice %get3A_1 {offsets = [0, 0], sizes = [512, 512], strides = [1, 1]} : vector<512x528xf32> to vector<512x512xf32>
    %slice3A_2 = vector.extract_strided_slice %get3A_1 {offsets = [0, 512], sizes = [512, 3], strides = [1, 1]} : vector<512x528xf32> to vector<512x3xf32>
    %get3A_3 = arith.constant 0 : index
    %get3A_4 = arith.constant 0 : index
    %get3A_5 = vector.load %arg1[%get3A_3, %get3A_4] : memref<16x512xf32, #tpu.memory_space<vmem>>, vector<16x512xf32>
    %dot_general3A = arith.constant dense<0.000000e+00> : vector<16x3xf32>
    %dot_general3A_6 = tpu.matmul %get3A_5, %slice3A_2, %dot_general3A {dimension_numbers = #tpu.dot_dimension_numbers<[1], [0], [0], [1], [0, 0, 1, 1], [], []>, transpose_lhs_hint = false} : vector<16x512xf32>, vector<512x3xf32>, vector<16x3xf32> -> vector<16x3xf32>
    %broadcast_in_dim3A = vector.shape_cast %dot_general3A_6 : vector<16x3xf32> to vector<16x1x3xf32>
    %broadcast_in_dim3A_7 = vector.shape_cast %broadcast_in_dim3A : vector<16x1x3xf32> to vector<16x1x3xf32>
    %broadcast_in_dim3A_8 = vector.broadcast %broadcast_in_dim3A_7 : vector<16x1x3xf32> to vector<16x32x3xf32>
    %reshape3A = vector.shape_cast %broadcast_in_dim3A_8 : vector<16x32x3xf32> to vector<512x3xf32>
    %sub3A = arith.subf %slice3A_2, %reshape3A : vector<512x3xf32>
    %mul3A = arith.mulf %sub3A, %sub3A : vector<512x3xf32>
    %reduce_sum3A = arith.constant dense<0.000000e+00> : vector<512xf32>
    %reduce_sum3A_9 = vector.multi_reduction <add>, %mul3A, %reduce_sum3A [1] : vector<512x3xf32> to vector<512xf32>
    %broadcast_in_dim3A_10 = vector.shape_cast %reduce_sum3A_9 : vector<512xf32> to vector<512x1xf32>
    %add3A = arith.constant 9.99999993E-9 : f32
    %add3A_11 = vector.broadcast %add3A : f32 to vector<512x1xf32>
    %add3A_12 = arith.addf %broadcast_in_dim3A_10, %add3A_11 : vector<512x1xf32>
    %sqrt3A = math.sqrt %add3A_12 : vector<512x1xf32>
    %concatenate3A = tpu.concatenate %sub3A, %reshape3A, %sqrt3A in 1 : vector<512x3xf32>, vector<512x3xf32>, vector<512x1xf32> -> vector<512x7xf32>
    %get3A_13 = arith.constant 0 : index
    %get3A_14 = arith.constant 0 : index
    %get3A_15 = vector.load %arg2[%get3A_13, %get3A_14] : memref<7x128xf32, #tpu.memory_space<vmem>>, vector<7x128xf32>
    %dot_general3A_16 = arith.constant dense<0.000000e+00> : vector<512x128xf32>
    %dot_general3A_17 = tpu.matmul %concatenate3A, %get3A_15, %dot_general3A_16 {dimension_numbers = #tpu.dot_dimension_numbers<[1], [0], [0], [1], [0, 0, 1, 1], [], []>, transpose_lhs_hint = false} : vector<512x7xf32>, vector<7x128xf32>, vector<512x128xf32> -> vector<512x128xf32>
    %get3A_18 = arith.constant 0 : index
    %get3A_19 = arith.constant 0 : index
    %get3A_20 = vector.load %arg3[%get3A_18, %get3A_19] : memref<1x128xf32, #tpu.memory_space<vmem>>, vector<1x128xf32>
    %add3A_21 = vector.broadcast %get3A_20 : vector<1x128xf32> to vector<512x128xf32>
    %add3A_22 = arith.addf %dot_general3A_17, %add3A_21 : vector<512x128xf32>
    %max3A = arith.constant 0.000000e+00 : f32
    %max3A_23 = vector.broadcast %max3A : f32 to vector<512x128xf32>
    %max3A_24 = arith.maximumf %add3A_22, %max3A_23 : vector<512x128xf32>
    %get3A_25 = arith.constant 0 : index
    %get3A_26 = arith.constant 0 : index
    %get3A_27 = vector.load %arg4[%get3A_25, %get3A_26] : memref<128x1xf32, #tpu.memory_space<vmem>>, vector<128x1xf32>
    %dot_general3A_28 = arith.constant dense<0.000000e+00> : vector<512x1xf32>
    %dot_general3A_29 = tpu.matmul %max3A_24, %get3A_27, %dot_general3A_28 {dimension_numbers = #tpu.dot_dimension_numbers<[1], [0], [0], [1], [0, 0, 1, 1], [], []>, transpose_lhs_hint = false} : vector<512x128xf32>, vector<128x1xf32>, vector<512x1xf32> -> vector<512x1xf32>
    %get3A_30 = arith.constant 0 : index
    %get3A_31 = arith.constant 0 : index
    %get3A_32 = vector.load %arg5[%get3A_30, %get3A_31] : memref<1x1xf32, #tpu.memory_space<vmem>>, vector<1x1xf32>
    %add3A_33 = vector.broadcast %get3A_32 : vector<1x1xf32> to vector<512x1xf32>
    %add3A_34 = arith.addf %dot_general3A_29, %add3A_33 : vector<512x1xf32>
    %get3A_35 = arith.constant 0 : index
    %get3A_36 = arith.constant 0 : index
    %get3A_37 = vector.load %arg6[%get3A_35, %get3A_36] : memref<1x256xf32, #tpu.memory_space<vmem>>, vector<1x256xf32>
    %mul3A_38 = vector.broadcast %add3A_34 : vector<512x1xf32> to vector<512x256xf32>
    %mul3A_39 = vector.broadcast %get3A_37 : vector<1x256xf32> to vector<512x256xf32>
    %mul3A_40 = arith.mulf %mul3A_38, %mul3A_39 : vector<512x256xf32>
    %get3A_41 = arith.constant 0 : index
    %get3A_42 = arith.constant 0 : index
    %get3A_43 = vector.load %arg7[%get3A_41, %get3A_42] : memref<1x256xf32, #tpu.memory_space<vmem>>, vector<1x256xf32>
    %add3A_44 = vector.broadcast %get3A_43 : vector<1x256xf32> to vector<512x256xf32>
    %add3A_45 = arith.addf %mul3A_40, %add3A_44 : vector<512x256xf32>
    %max3A_46 = arith.constant 0.000000e+00 : f32
    %max3A_47 = vector.broadcast %max3A_46 : f32 to vector<512x256xf32>
    %max3A_48 = arith.maximumf %add3A_45, %max3A_47 : vector<512x256xf32>
    %get3A_49 = arith.constant 0 : index
    %get3A_50 = arith.constant 0 : index
    %get3A_51 = vector.load %arg8[%get3A_49, %get3A_50] : memref<256x1024xf32, #tpu.memory_space<vmem>>, vector<256x1024xf32>
    %dot_general3A_52 = arith.constant dense<0.000000e+00> : vector<512x1024xf32>
    %dot_general3A_53 = tpu.matmul %max3A_48, %get3A_51, %dot_general3A_52 {dimension_numbers = #tpu.dot_dimension_numbers<[1], [0], [0], [1], [0, 0, 1, 1], [], []>, transpose_lhs_hint = false} : vector<512x256xf32>, vector<256x1024xf32>, vector<512x1024xf32> -> vector<512x1024xf32>
    %get3A_54 = arith.constant 0 : index
    %get3A_55 = arith.constant 0 : index
    %get3A_56 = vector.load %arg9[%get3A_54, %get3A_55] : memref<1x1024xf32, #tpu.memory_space<vmem>>, vector<1x1024xf32>
    %add3A_57 = vector.broadcast %get3A_56 : vector<1x1024xf32> to vector<512x1024xf32>
    %add3A_58 = arith.addf %dot_general3A_53, %add3A_57 : vector<512x1024xf32>
    %max3A_59 = arith.constant 0.000000e+00 : f32
    %max3A_60 = vector.broadcast %max3A_59 : f32 to vector<512x1024xf32>
    %max3A_61 = arith.maximumf %add3A_58, %max3A_60 : vector<512x1024xf32>
    %get3A_62 = arith.constant 0 : index
    %get3A_63 = arith.constant 0 : index
    %get3A_64 = vector.load %arg10[%get3A_62, %get3A_63] : memref<512x1024xf32, #tpu.memory_space<vmem>>, vector<512x1024xf32>
    %dot_general3A_65 = arith.constant dense<0.000000e+00> : vector<512x1024xf32>
    %dot_general3A_66 = tpu.matmul %slice3A, %get3A_64, %dot_general3A_65 {dimension_numbers = #tpu.dot_dimension_numbers<[1], [0], [0], [1], [0, 0, 1, 1], [], []>, transpose_lhs_hint = false} : vector<512x512xf32>, vector<512x1024xf32>, vector<512x1024xf32> -> vector<512x1024xf32>
    %mul3A_67 = arith.mulf %dot_general3A_66, %max3A_61 : vector<512x1024xf32>
    %reshape3A_68 = vector.shape_cast %mul3A_67 : vector<512x1024xf32> to vector<16x32x1024xf32>
    %reduce_max3A = arith.constant dense<0xFF800000> : vector<16x1024xf32>
    %reduce_max3A_69 = vector.multi_reduction <maximumf>, %reshape3A_68, %reduce_max3A [1] : vector<16x32x1024xf32> to vector<16x1024xf32>
    %sqrt3A_70 = arith.constant 1.000010e+00 : f32
    %sqrt3A_71 = math.sqrt %sqrt3A_70 : f32
    %div3A = arith.constant 1.000000e+00 : f32
    %div3A_72 = arith.divf %div3A, %sqrt3A_71 : f32
    %get3A_73 = arith.constant 0 : index
    %get3A_74 = arith.constant 0 : index
    %get3A_75 = vector.load %arg11[%get3A_73, %get3A_74] : memref<1024x512xf32, #tpu.memory_space<vmem>>, vector<1024x512xf32>
    %dot_general3A_76 = arith.constant dense<0.000000e+00> : vector<16x512xf32>
    %dot_general3A_77 = tpu.matmul %reduce_max3A_69, %get3A_75, %dot_general3A_76 {dimension_numbers = #tpu.dot_dimension_numbers<[1], [0], [0], [1], [0, 0, 1, 1], [], []>, transpose_lhs_hint = false} : vector<16x1024xf32>, vector<1024x512xf32>, vector<16x512xf32> -> vector<16x512xf32>
    %mul3A_78 = vector.broadcast %div3A_72 : f32 to vector<16x512xf32>
    %mul3A_79 = arith.mulf %dot_general3A_77, %mul3A_78 : vector<16x512xf32>
    %get3A_80 = arith.constant 0 : index
    %get3A_81 = arith.constant 0 : index
    %get3A_82 = vector.load %arg12[%get3A_80, %get3A_81] : memref<2x512xf32, #tpu.memory_space<vmem>>, vector<1x512xf32>
    %mul3A_83 = vector.broadcast %get3A_82 : vector<1x512xf32> to vector<16x512xf32>
    %mul3A_84 = arith.mulf %mul3A_79, %mul3A_83 : vector<16x512xf32>
    %get3A_85 = arith.constant 1 : index
    %get3A_86 = arith.constant 0 : index
    %get3A_87 = vector.load %arg12[%get3A_85, %get3A_86] : memref<2x512xf32, #tpu.memory_space<vmem>>, vector<1x512xf32>
    %add3A_88 = vector.broadcast %get3A_87 : vector<1x512xf32> to vector<16x512xf32>
    %add3A_89 = arith.addf %mul3A_84, %add3A_88 : vector<16x512xf32>
    %max3A_90 = arith.constant 0.000000e+00 : f32
    %max3A_91 = vector.broadcast %max3A_90 : f32 to vector<16x512xf32>
    %max3A_92 = arith.maximumf %add3A_89, %max3A_91 : vector<16x512xf32>
    %get3A_93 = arith.constant 0 : index
    %get3A_94 = arith.constant 0 : index
    %get3A_95 = vector.load %arg13[%get3A_93, %get3A_94] : memref<512x256xf32, #tpu.memory_space<vmem>>, vector<512x256xf32>
    %dot_general3A_96 = arith.constant dense<0.000000e+00> : vector<16x256xf32>
    %dot_general3A_97 = tpu.matmul %max3A_92, %get3A_95, %dot_general3A_96 {dimension_numbers = #tpu.dot_dimension_numbers<[1], [0], [0], [1], [0, 0, 1, 1], [], []>, transpose_lhs_hint = false} : vector<16x512xf32>, vector<512x256xf32>, vector<16x256xf32> -> vector<16x256xf32>
    %mul3A_98 = vector.broadcast %div3A_72 : f32 to vector<16x256xf32>
    %mul3A_99 = arith.mulf %dot_general3A_97, %mul3A_98 : vector<16x256xf32>
    %get3A_100 = arith.constant 0 : index
    %get3A_101 = arith.constant 0 : index
    %get3A_102 = vector.load %arg14[%get3A_100, %get3A_101] : memref<2x256xf32, #tpu.memory_space<vmem>>, vector<1x256xf32>
    %mul3A_103 = vector.broadcast %get3A_102 : vector<1x256xf32> to vector<16x256xf32>
    %mul3A_104 = arith.mulf %mul3A_99, %mul3A_103 : vector<16x256xf32>
    %get3A_105 = arith.constant 1 : index
    %get3A_106 = arith.constant 0 : index
    %get3A_107 = vector.load %arg14[%get3A_105, %get3A_106] : memref<2x256xf32, #tpu.memory_space<vmem>>, vector<1x256xf32>
    %add3A_108 = vector.broadcast %get3A_107 : vector<1x256xf32> to vector<16x256xf32>
    %add3A_109 = arith.addf %mul3A_104, %add3A_108 : vector<16x256xf32>
    %max3A_110 = arith.constant 0.000000e+00 : f32
    %max3A_111 = vector.broadcast %max3A_110 : f32 to vector<16x256xf32>
    %max3A_112 = arith.maximumf %add3A_109, %max3A_111 : vector<16x256xf32>
    %get3A_113 = arith.constant 0 : index
    %get3A_114 = arith.constant 0 : index
    %get3A_115 = vector.load %arg15[%get3A_113, %get3A_114] : memref<256x40xf32, #tpu.memory_space<vmem>>, vector<256x40xf32>
    %dot_general3A_116 = arith.constant dense<0.000000e+00> : vector<16x40xf32>
    %dot_general3A_117 = tpu.matmul %max3A_112, %get3A_115, %dot_general3A_116 {dimension_numbers = #tpu.dot_dimension_numbers<[1], [0], [0], [1], [0, 0, 1, 1], [], []>, transpose_lhs_hint = false} : vector<16x256xf32>, vector<256x40xf32>, vector<16x40xf32> -> vector<16x40xf32>
    %get3A_118 = arith.constant 0 : index
    %get3A_119 = arith.constant 0 : index
    %get3A_120 = vector.load %arg16[%get3A_118, %get3A_119] : memref<1x40xf32, #tpu.memory_space<vmem>>, vector<1x40xf32>
    %add3A_121 = vector.broadcast %get3A_120 : vector<1x40xf32> to vector<16x40xf32>
    %add3A_122 = arith.addf %dot_general3A_117, %add3A_121 : vector<16x40xf32>
    %swap3A = arith.constant 0 : index
    %swap3A_123 = arith.constant 0 : index
    %swap3A_124 = vector.load %arg17[%swap3A, %swap3A_123] : memref<16x40xf32, #tpu.memory_space<vmem>>, vector<16x40xf32>
    tpu.vector_store %arg17[%swap3A, %swap3A_123], %add3A_122 {strides = array<i32>} : memref<16x40xf32, #tpu.memory_space<vmem>>, vector<16x40xf32>,
    return
  }
}

</mosaic_0001>

<sc_bundles>
// kernel: kernel.15.cloned.1.call-start
scs
__scs_entry_jumppad:
0x0: {  	(pc) =	sbr.rel $0x88, $3  }
0x1: {  	(tag) =	ssettag $0x0;
	lr =	simm.s32 $0x1  }
0x2: {  	[smem:$0x3F69] =	sst lr;
	_ =	strace $0xD0000000  }
0x3: {  	_ = 	snop  }
0x4: {  	_ = 	snop  }
0x5: {  	_ = 	snop  }
0x6: {  	_ = 	snop  }
0x7: {  	_ = 	snop  }
__scs_overlays_trampoline_lowered:
0x8: {  	[smem:$0x3F78] =	sst s0  }
0x9: {  	[smem:$0x3F79] =	sst s1  }
0xa: {  	[smem:$0x3F7A] =	sst s2  }
0xb: {  	[smem:$0x3F7B] =	sst s3  }
0xc: {  	[smem:$0x3F7C] =	sst s4  }
0xd: {  	[smem:$0x3F7D] =	sst s5  }
0xe: {  	[smem:$0x3F7E] =	sst s6  }
0xf: {  	[smem:$0x3F7F] =	sst s7  }
0x10: {  	[smem:$0x3F80] =	sst s8  }
0x11: {  	[smem:$0x3F81] =	sst s9;
	s0 =	simm.s32 @!p0 $0x0  }
0x12: {  	s1 =	sld [smem:$0x3F67];
	s0 =	simm.s32 @p0 $0x1  }
0x13: {  	[smem:$0x3F82] =	sst s0;
	s0 =	simm.s32 @!p1 $0x0  }
0x14: {  	s2 =	sld [smem:$0x3F66];
	s0 =	simm.s32 @p1 $0x1  }
0x15: {  	[smem:$0x3F83] =	sst s0;
	s0 =	simm.s32 @!p2 $0x0  }
0x16: {  	s3 =	sld [smem:$0x3FDB];
	s0 =	simm.s32 @p2 $0x1  }
0x17: {  	s4 =	simm.s32 $0x1BF5;
	[smem:$0x3F85] =	sst s0  }
0x18: {  	s0 =	sld [smem:$0x3F68];
	_ =	swait.ge [sflag:s4], $0x0  }
0x19: {  	s7 =	sld [smem:$0x3F69]  }
0x1a: {  	s8 =	sadd.s32 $0xFFFFE003, lr  }
0x1b: {  	s9 =	sadd.s32 $0xFFFFFEF7, lr;
	s5 =	simm.s32 $0xFFFFFFFF;
	p2 =	slt.u32 s8, $0xFFFFF086  }
0x1c: {  	p1 =	slt.u32 s9, $0xF7A;
	s5 =	simm.s32 @!p2 $0x0  }
0x1d: {  	s5 =	simm.s32 @p1 $0x1;
	p0 =	seq.s32 s7, s2  }
0x1e: {  	s7 =	smul.u32 @!p0 $0xF7A, s2;
	p2 =	seq.s32 @!p0 s5, $0x0  }
0x1f: {  	s9 =	smul.u32 $0xF7A, s1;
	s8 =	simm.s32 @!p0 $0x1BF5;
	p2 =	por !p2, p0  }
0x20: {  	[sflag:s8] =	ssyncset.s32 @!p0 $0xFFFFF086;
	s6 =	sadd.s32 @!p0 s3, s7;
	s7 =	simm.s32 @!p0 $0x108  }
0x21: {  	s3 =	sadd.s32 s3, s9;
	s6 =	sadd.s32 @!p0 $0x88, s6;
	s7 =	simm.s32 @p2 $0x1082  }
0x22: {  	[simem:s7], [sflag:s8] =	dma.local @!p0 [hbm:s6], $0xF7A  }
0x23: {  	s9 =	sor.u32 $0xD0000000, s2;
	s6 =	simm.s32 $0x108;
	_ =	swait.ge @!p0 [sflag:s8], $0x0  }
0x24: {  	s3 =	sadd.s32 $0x88, s3;
	s6 =	simm.s32 @!p1 $0x1082;
	[sflag:s4] =	ssyncset.s32 $0xFFFFF086  }
0x25: {  	[simem:s6], [sflag:s4] =	dma.local [hbm:s3], $0xF7A  }
0x26: {  	[smem:$0x3F69] =	sst s1;
	(tag) =	ssettag s2;
	_ =	strace s9  }
0x27: {  	s1 =	sld [smem:$0x3F79]  }
0x28: {  	s2 =	sld [smem:$0x3F7A]  }
0x29: {  	s4 =	sld [smem:$0x3F7C]  }
0x2a: {  	p0 =	seq.s32 s5, $0x0;
	s5 =	sld [smem:$0x3F7D]  }
0x2b: {  	s6 =	sld [smem:$0x3F7E]  }
0x2c: {  	s7 =	sld [smem:$0x3F7F]  }
0x2d: {  	s3 =	simm.s32 $0x108;
	s8 =	sld [smem:$0x3F80]  }
0x2e: {  	s3 =	simm.s32 @!p0 $0x1082;
	s9 =	sld [smem:$0x3F81]  }
0x2f: {  	lr =	sadd.s32 s0, s3;
	s0 =	sld [smem:$0x3F78]  }
0x30: {  	s3 =	sld [smem:$0x3F7B]  }
0x31: {  	[smem:$0x3F84] =	sst s10  }
0x32: {  	s10 =	sld [smem:$0x3F82];
	_ =	sdelay $0x3  }
0x33: {  	p0 =	seq.s32 s10, $0x1;
	s10 =	sld [smem:$0x3F84];
	_ =	sdelay $0x3  }
0x34: {  	[smem:$0x3F84] =	sst s10  }
0x35: {  	s10 =	sld [smem:$0x3F83];
	_ =	sdelay $0x3  }
0x36: {  	p1 =	seq.s32 s10, $0x1;
	s10 =	sld [smem:$0x3F84];
	_ =	sdelay $0x3  }
0x37: {  	[smem:$0x3F84] =	sst s10  }
0x38: {  	s10 =	sld [smem:$0x3F85]  }
0x39: {  	_ = 	snop;
	(pc) =	sbr.ind lr, $3  }
0x3a: {  	_ = 	snop  }
0x3b: {  	_ = 	snop  }
0x3c: {  	p2 =	seq.s32 s10, $0x1;
	s10 =	sld [smem:$0x3F84]  }
0x3d: {  	_ =	shalt  }
0x3e: {  	_ =	shalt  }
0x3f: {  	_ =	shalt  }
0x40: {  	_ =	shalt  }
0x41: {  	_ =	shalt  }
0x42: {  	_ =	shalt  }
0x43: {  	_ =	shalt  }
0x44: {  	_ =	shalt  }
0x45: {  	_ =	shalt  }
0x46: {  	_ =	shalt  }
0x47: {  	_ =	shalt  }
0x48: {  	_ =	shalt  }
0x49: {  	_ =	shalt  }
0x4a: {  	_ =	shalt  }
0x4b: {  	_ =	shalt  }
0x4c: {  	_ =	shalt  }
0x4d: {  	_ =	shalt  }
0x4e: {  	_ =	shalt  }
0x4f: {  	_ =	shalt  }
0x50: {  	_ =	shalt  }
0x51: {  	_ =	shalt  }
0x52: {  	_ =	shalt  }
0x53: {  	_ =	shalt  }
0x54: {  	_ =	shalt  }
0x55: {  	_ =	shalt  }
0x56: {  	_ =	shalt  }
0x57: {  	_ =	shalt  }
0x58: {  	_ =	shalt  }
0x59: {  	_ =	shalt  }
0x5a: {  	_ =	shalt  }
0x5b: {  	_ =	shalt  }
0x5c: {  	_ =	shalt  }
0x5d: {  	_ =	shalt  }
0x5e: {  	_ =	shalt  }
0x5f: {  	_ =	shalt  }
0x60: {  	_ =	shalt  }
0x61: {  	_ =	shalt  }
0x62: {  	_ =	shalt  }
0x63: {  	_ =	shalt  }
0x64: {  	_ =	shalt  }
0x65: {  	_ =	shalt  }
0x66: {  	_ =	shalt  }
0x67: {  	_ =	shalt  }
0x68: {  	_ =	shalt  }
0x69: {  	_ =	shalt  }
0x6a: {  	_ =	shalt  }
0x6b: {  	_ =	shalt  }
0x6c: {  	_ =	shalt  }
0x6d: {  	_ =	shalt  }
0x6e: {  	_ =	shalt  }
0x6f: {  	_ =	shalt  }
0x70: {  	_ =	shalt  }
0x71: {  	_ =	shalt  }
0x72: {  	_ =	shalt  }
0x73: {  	_ =	shalt  }
0x74: {  	_ =	shalt  }
0x75: {  	_ =	shalt  }
0x76: {  	_ =	shalt  }
0x77: {  	_ =	shalt  }
0x78: {  	_ =	shalt  }
0x79: {  	_ =	shalt  }
0x7a: {  	_ =	shalt  }
0x7b: {  	_ =	shalt  }
0x7c: {  	_ =	shalt  }
0x7d: {  	_ =	shalt  }
0x7e: {  	_ =	shalt  }
0x7f: {  	_ =	shalt  }
0x80: {  	_ =	shalt  }
0x81: {  	_ =	shalt  }
0x82: {  	_ =	shalt  }
0x83: {  	_ =	shalt  }
0x84: {  	_ =	shalt  }
0x85: {  	_ =	shalt  }
0x86: {  	_ =	shalt  }
0x87: {  	_ =	shalt  }
.Lfunc_end0:
.L_simem_size_0:
called_computation_lowered:
.L_overlay_start_0:
0x88: {  	s2 =	sld [smem:$0x3FD9]  }
0x89: {  	s3 =	sld [smem:$0x3FFE];
	_ =	sdelay $0x1  }
0x8a: {  	s1 =	srdreg.scid  }
0x8b: {  	s0 =	sand.u32 $0x1, s1  }
0x8c: {  	s16 =	sshll.u32 s0, $0xA;
	s2 =	sadd.s32 s3, s2  }
0x8d: {  	s2 =	sadd.s32 s2, s16  }
0x8e: {  	[smem:$0x3F90] =	sst s2  }
0x8f: {  	_ = 	snop  }
0x90: {  	(tm) =	ssettm $0x1  }
0x91: {  	s17 =	sld [smem:$0x3FFB];
	_ =	sdelay $0x3  }
0x92: {  	_ =	strace s17  }
0x93: {  	s2 =	sld [smem:$0x3FFC];
	_ =	sdelay $0x3  }
0x94: {  	_ =	strace s2  }
0x95: {  	s2 =	sld [smem:$0x3FFD];
	_ =	sdelay $0x3  }
0x96: {  	_ =	strace s2  }
0x97: {  	_ =	strace $0x8FFFFFFF  }
0x98: {  	s18 =	sld [smem:$0x3FDB];
	_ =	sdelay $0x1  }
0x99: {  	s19 =	simm.s32 $_scs_section_size  }
0x9a: {  	s4 =	simm.s32 $_size__tile_overlayer_lowered;
	s5 =	simm.s32 $_tile_overlayer_lowered  }
0x9b: {  	s22 =	simm.s32 $0x1BFF;
	s21 =	sshll.u32 s5, $0x1;
	s2 =	sadd.s32 s19, s18  }
0x9c: {  	s6 =	simm.s32 $0x0;
	s20 =	sshll.u32 s4, $0x1;
	s4 =	sadd.s32 s21, s2  }
0x9d: {  	[timem:s6], [sflag:s22] =	dma.local [hbm:s4], s20  }
0x9e: {  	_ =	swait.ge [sflag:s22], s20  }
0x9f: {  	s3 =	ssub.s32 $0x0, s20;
	[sflag:s22] =	ssyncset.done $0x0  }
0xa0: {  	[sflag:s22] =	ssyncadd.s32 s3;
	_ =	sdelay $0x1  }
0xa1: {  	s23 =	simm.s32 $0x1B8B  }
0xa2: {  	_ =	swait.ge [sflag:s23], $0x1  }
0xa3: {  	[sflag:s23] =	ssyncset.done $0x0  }
0xa4: {  	s25 =	simm.s32 $0x1B8E;
	s24 =	sld [smem:$0x3FFE];
	[sflag:s23] =	ssyncadd.s32 $0xFFFFFFFF  }
0xa5: {  	s26 =	simm.s32 $execute0_lowered;
	[smem:$0x3FD2] =	sst s25  }
0xa6: {  	s4 =	sshll.u32 s26, $0x1;
	_ =	strace $0x80000046;
	[dreg:$0x1] =	wrdreg $0xFFFFFFFF  }
0xa7: {  	s28 =	simm.s32 $_size_execute0_lowered;
	s2 =	sadd.s32 s2, s4;
	[dreg:$0x0] =	wrdreg $0x0  }
0xa8: {  	s4 =	sshll.u32 s28, $0x1;
	[dreg:$0x2] =	wrdreg s2  }
0xa9: {  	[dreg:$0x3] =	wrdreg s4  }
0xaa: {  	[dreg:$0x4] =	wrdreg $0xC0  }
0xab: {  	_ =	task [dreg:s6], $0x5FFFF  }
0xac: {  	[dreg:$0x1] =	wrdreg $0xFFFFFFFF  }
0xad: {  	[dreg:$0x0] =	wrdreg $0x60  }
0xae: {  	[dreg:$0x2] =	wrdreg s24  }
0xaf: {  	[dreg:$0x3] =	wrdreg $0x9  }
0xb0: {  	_ =	task.clear_ibuf [dreg:s6], $0x4FFFF;
	_ =	strace $0x90000046  }
0xb1: {  	s29 =	simm.s32 $0x9;
	_ =	strace $0x80000048  }
0xb2: {  	_ =	swait.ge [sflag:s29], $0x1  }
0xb3: {  	[sflag:s29] =	ssyncadd.s32 $0xFFFFFFFF  }
0xb4: {  	_ =	strace $0x90000048  }
0xb5: {  	_ =	sfence  }
0xb6: {  	s30 =	sld [smem:$0x0];
	_ =	sdelay $0x2  }
0xb7: {  	s31 =	sshll.u32 s1, $0xD;
	s1 =	sshrl.u32 s1, $0x2  }
0xb8: {  	s3 =	sand.u32 $0x4000, s31;
	s1 =	sadd.s32 s1, s30  }
0xb9: {  	s0 =	sor.u32 s3, s0;
	s1 =	sshll.u32 s1, $0x11  }
0xba: {  	s0 =	sor.u32 s1, s0  }
0xbb: {  	s0 =	sadd.s32 $0x8F2B, s0  }
0xbc: {  	[sflag:s0] =	ssyncadd.remote.s32 $0x1  }
0xbd: {  	_ =	sfence.sel $0xFFFF  }
0xbe: {  	[dreg:$0x0] =	wrdreg $0xFFFFFFFF;
	(pc) =	sbr.abs _section_cstart, $3  }
0xbf: {  	[dreg:$0x1] =	wrdreg $0xFFFFFFFF  }
0xc0: {  	_ =	task.clear_ibuf [dreg:s6], $0x2FFFF;
	_ =	strace $0x9FFFFFFF  }
0xc1: {  	(tm) =	ssettm $0x7FFFFFFF  }
tec
execute0_lowered:
.L_overlay_start_1:
0x0: {  	(tag) =	ssettag $0x1  }
0x1: {  	s4 =	rddreg [dreg:$0x0]  }
0x2: {  	s0 =	rddreg [dreg:$0x1]  }
0x3: {  	s3 =	srdreg.scid;
	s2 =	simm.s32 $0x0;
	s1 =	stileid.u32  }
0x4: {  	s10 =	simm.s32 $0x1;
	s11 =	simm.s32 $0x0;
	s5 =	sand.u32 $0x1, s3  }
0x5: {  	[smem:$0x7FF] =	sst s2;
	s29 =	sshll.u32 s1, $0xE;
	s3 =	sadd.s32 $0x230600, s4  }
0x6: {  	s8 =	sshll.u32 s1, $0x12;
	s6 =	sshll.u32 s5, $0xD;
	_ =	strace $0x80000047  }
0x7: {  	s7 =	ssub.s32 $0x2, s5;
	s8 =	sadd.s32 s8, s4;
	s30 =	sshll.u32 s5, $0x11  }
0x8: {  	s6 =	sor.u32 s6, s29;
	s9 =	sshrl.u32 s7, $0x1;
	s31 =	sadd.s32 s30, s8  }
0x9: {  	s8 =	simm.s32 $0x200;
	s6 =	sshrl.u32 s6, $0x3;
	s7 =	ssub.s32 s7, s9  }
0xa: {  	s9 =	simm.s32 $0x2000;
	s6 =	sadd.s32 s6, s4;
	s5 =	smax.u32 s7, $0x1  }
0xb: {  	s7 =	simm.s32 $0x2;
	s4 =	sadd.s32 $0x128600, s6;
	s6 =	sadd.s32 $0x330600, s31  }
.LBB2_1:
0xc: {  	[tilespmem:s2], [sflag:$0x2] =	stream.linear.gather [hbm4b:s4+s2], $0x2000, $0x38;
	[tilespmem:$0x12000] =	vst v63  }
0xd: {  	_ =	swait.ge [sflag:s7], $0x2000  }
0xe: {  	[sflag:s7] =	ssyncset.done $0x0  }
0xf: {  	s12 =	simm.s32 $0x0;
	[sflag:s7] =	ssyncadd.s32 $0xFFFFE000  }
0x10: {  	[tilespmem:s9], [sflag:$0x1] =	stream.indirect.gather [hbm4b:s3+s8], $0x80, s12, s8, $0xb8;
	[tilespmem:$0x12000] =	vst v63  }
0x11: {  	_ =	swait.ge [sflag:s10], $0x10000  }
0x12: {  	[sflag:s10] =	ssyncset.done $0x0  }
0x13: {  	[sflag:s10] =	ssyncadd.s32 $0xFFFF0000  }
0x14: {  	[hbm4b:s6+s2] =	stream.linear.scatter [tilespmem:s9], [sflag:$0x2], $0x10000, $0x38;
	[tilespmem:$0x12000] =	vst v63  }
0x15: {  	s13 =	simm.s32 $0x800;
	_ =	swait.ge [sflag:s7], $0x10000  }
0x16: {  	s14 =	simm.s32 $0x1000;
	s12 =	sadd.s32 $0x2000, s6;
	[sflag:s7] =	ssyncset.done $0x0  }
.LBB2_2:
0x17: {  	s15 =	sshra.s32 s13, $0x2  }
0x18: {  	[sflag:s7] =	ssyncadd.s32 $0xFFFF0000;
	s13 =	smov.u32 s14;
	s16 =	sadd.s32 $0x800, s14  }
0x19: {  	[tilespmem:s9], [sflag:$0x1] =	stream.indirect.gather [hbm4b:s3+s8], $0x80, s15, s8, $0xb8;
	[tilespmem:$0x12000] =	vst v63  }
0x1a: {  	p0 =	sne.s32 s14, $0x7800;
	_ =	swait.ge [sflag:s10], $0x10000  }
.Ltmp0:
0x1b: {  	[sflag:s10] =	ssyncset.done $0x0;
	(pc) =	sbr.rel @p0 .LBB2_2-.Ltmp0, $4  }
0x1c: {  	[sflag:s10] =	ssyncadd.s32 $0xFFFF0000  }
0x1d: {  	[hbm4b:s12+s2] =	stream.linear.scatter [tilespmem:s9], [sflag:$0x2], $0x10000, $0x38;
	[tilespmem:$0x12000] =	vst v63  }
0x1e: {  	_ =	swait.ge [sflag:s7], $0x10000  }
0x1f: {  	s14 =	smov.u32 s16;
	s12 =	sadd.s32 $0x2000, s12;
	[sflag:s7] =	ssyncset.done $0x0  }
0x20: {  	s13 =	sshra.s32 s13, $0x2;
	[sflag:s7] =	ssyncadd.s32 $0xFFFF0000  }
0x21: {  	[tilespmem:s9], [sflag:$0x1] =	stream.indirect.gather [hbm4b:s3+s8], $0x80, s13, s8, $0xb8;
	[tilespmem:$0x12000] =	vst v63  }
0x22: {  	s11 =	sadd.s32 $0x1, s11;
	_ =	swait.ge [sflag:s10], $0x10000  }
0x23: {  	p0 =	sne.s32 s11, s5;
	[sflag:s10] =	ssyncset.done $0x0  }
.Ltmp1:
0x24: {  	[sflag:s10] =	ssyncadd.s32 $0xFFFF0000;
	(pc) =	sbr.rel @p0 .LBB2_1-.Ltmp1, $4  }
0x25: {  	[hbm4b:s12+s2] =	stream.linear.scatter [tilespmem:s9], [sflag:$0x2], $0x10000, $0x38;
	[tilespmem:$0x12000] =	vst v63  }
0x26: {  	_ =	swait.ge [sflag:s7], $0x10000  }
0x27: {  	[sflag:s7] =	ssyncset.done $0x0  }
0x28: {  	[sflag:s7] =	ssyncadd.s32 $0xFFFF0000  }
0x29: {  	_ =	sfence.sel $0x180000  }
0x2a: {  	[bflag:$0x0] =	sbarrier.arrive $0xFFFF  }
0x2b: {  	p0 =	sne.s32 s1, $0x0;
	_ =	strace $0x90000047  }
0x2c: {  	s0 =	sadd.s32 @!p0 $0x100000, s0;
	[bflag:$0x2] =	sbarrier.arrive $0xFFFF  }
0x2d: {  	[sflag:s0] =	ssyncadd.tile.s32 @!p0 $0x1;
	_ =	shalt  }
.Lfunc_end2:
_tile_overlayer_lowered:
.L_overlay_start_2:
0x2e: {  	(tag) =	ssettag $0x2  }
0x2f: {  	s0 =	rddreg [dreg:$0x0];
	s2 =	stileid.u32  }
0x30: {  	s1 =	rddreg [dreg:$0x1];
	p0 =	sne.s32 s2, $0x0  }
0x31: {  	s3 =	rddreg [dreg:$0x2];
	[bflag:$0x3] =	sbarrier.arrive $0xFFFF;
	s2 =	simm.s32 @!p0 $0x1C02  }
0x32: {  	[timem:s3], [sflag:s2] =	dma.local @!p0 [hbm:s0], s1  }
0x33: {  	s0 =	simm.s32 @!p0 $0x2  }
0x34: {  	_ =	swait.ge @!p0 [sflag:s0], s1  }
0x35: {  	s1 =	ssub.s32 @!p0 $0x0, s1;
	[sflag:s0] =	ssyncset.done @!p0 $0x0  }
0x36: {  	[sflag:s0] =	ssyncadd.s32 @!p0 s1  }
0x37: {  	[bflag:$0x3] =	sbarrier.arrive $0xFFFF  }
0x38: {  	_ =	shalt  }

// kernel: kernel.18.cloned.1.call-start
scs
__scs_entry_jumppad:
0x0: {  	(pc) =	sbr.rel $0x88, $3  }
0x1: {  	(tag) =	ssettag $0x0;
	lr =	simm.s32 $0x1  }
0x2: {  	[smem:$0x3F69] =	sst lr;
	_ =	strace $0xD0000000  }
0x3: {  	_ = 	snop  }
0x4: {  	_ = 	snop  }
0x5: {  	_ = 	snop  }
0x6: {  	_ = 	snop  }
0x7: {  	_ = 	snop  }
__scs_overlays_trampoline_lowered:
0x8: {  	[smem:$0x3F78] =	sst s0  }
0x9: {  	[smem:$0x3F79] =	sst s1  }
0xa: {  	[smem:$0x3F7A] =	sst s2  }
0xb: {  	[smem:$0x3F7B] =	sst s3  }
0xc: {  	[smem:$0x3F7C] =	sst s4  }
0xd: {  	[smem:$0x3F7D] =	sst s5  }
0xe: {  	[smem:$0x3F7E] =	sst s6  }
0xf: {  	[smem:$0x3F7F] =	sst s7  }
0x10: {  	[smem:$0x3F80] =	sst s8  }
0x11: {  	[smem:$0x3F81] =	sst s9;
	s0 =	simm.s32 @!p0 $0x0  }
0x12: {  	s1 =	sld [smem:$0x3F67];
	s0 =	simm.s32 @p0 $0x1  }
0x13: {  	[smem:$0x3F82] =	sst s0;
	s0 =	simm.s32 @!p1 $0x0  }
0x14: {  	s2 =	sld [smem:$0x3F66];
	s0 =	simm.s32 @p1 $0x1  }
0x15: {  	[smem:$0x3F83] =	sst s0;
	s0 =	simm.s32 @!p2 $0x0  }
0x16: {  	s3 =	sld [smem:$0x3FDB];
	s0 =	simm.s32 @p2 $0x1  }
0x17: {  	s4 =	simm.s32 $0x1BF5;
	[smem:$0x3F85] =	sst s0  }
0x18: {  	s0 =	sld [smem:$0x3F68];
	_ =	swait.ge [sflag:s4], $0x0  }
0x19: {  	s7 =	sld [smem:$0x3F69]  }
0x1a: {  	s8 =	sadd.s32 $0xFFFFE003, lr  }
0x1b: {  	s9 =	sadd.s32 $0xFFFFFEF7, lr;
	s5 =	simm.s32 $0xFFFFFFFF;
	p2 =	slt.u32 s8, $0xFFFFF086  }
0x1c: {  	p1 =	slt.u32 s9, $0xF7A;
	s5 =	simm.s32 @!p2 $0x0  }
0x1d: {  	s5 =	simm.s32 @p1 $0x1;
	p0 =	seq.s32 s7, s2  }
0x1e: {  	s7 =	smul.u32 @!p0 $0xF7A, s2;
	p2 =	seq.s32 @!p0 s5, $0x0  }
0x1f: {  	s9 =	smul.u32 $0xF7A, s1;
	s8 =	simm.s32 @!p0 $0x1BF5;
	p2 =	por !p2, p0  }
0x20: {  	[sflag:s8] =	ssyncset.s32 @!p0 $0xFFFFF086;
	s6 =	sadd.s32 @!p0 s3, s7;
	s7 =	simm.s32 @!p0 $0x108  }
0x21: {  	s3 =	sadd.s32 s3, s9;
	s6 =	sadd.s32 @!p0 $0x88, s6;
	s7 =	simm.s32 @p2 $0x1082  }
0x22: {  	[simem:s7], [sflag:s8] =	dma.local @!p0 [hbm:s6], $0xF7A  }
0x23: {  	s9 =	sor.u32 $0xD0000000, s2;
	s6 =	simm.s32 $0x108;
	_ =	swait.ge @!p0 [sflag:s8], $0x0  }
0x24: {  	s3 =	sadd.s32 $0x88, s3;
	s6 =	simm.s32 @!p1 $0x1082;
	[sflag:s4] =	ssyncset.s32 $0xFFFFF086  }
0x25: {  	[simem:s6], [sflag:s4] =	dma.local [hbm:s3], $0xF7A  }
0x26: {  	[smem:$0x3F69] =	sst s1;
	(tag) =	ssettag s2;
	_ =	strace s9  }
0x27: {  	s1 =	sld [smem:$0x3F79]  }
0x28: {  	s2 =	sld [smem:$0x3F7A]  }
0x29: {  	s4 =	sld [smem:$0x3F7C]  }
0x2a: {  	p0 =	seq.s32 s5, $0x0;
	s5 =	sld [smem:$0x3F7D]  }
0x2b: {  	s6 =	sld [smem:$0x3F7E]  }
0x2c: {  	s7 =	sld [smem:$0x3F7F]  }
0x2d: {  	s3 =	simm.s32 $0x108;
	s8 =	sld [smem:$0x3F80]  }
0x2e: {  	s3 =	simm.s32 @!p0 $0x1082;
	s9 =	sld [smem:$0x3F81]  }
0x2f: {  	lr =	sadd.s32 s0, s3;
	s0 =	sld [smem:$0x3F78]  }
0x30: {  	s3 =	sld [smem:$0x3F7B]  }
0x31: {  	[smem:$0x3F84] =	sst s10  }
0x32: {  	s10 =	sld [smem:$0x3F82];
	_ =	sdelay $0x3  }
0x33: {  	p0 =	seq.s32 s10, $0x1;
	s10 =	sld [smem:$0x3F84];
	_ =	sdelay $0x3  }
0x34: {  	[smem:$0x3F84] =	sst s10  }
0x35: {  	s10 =	sld [smem:$0x3F83];
	_ =	sdelay $0x3  }
0x36: {  	p1 =	seq.s32 s10, $0x1;
	s10 =	sld [smem:$0x3F84];
	_ =	sdelay $0x3  }
0x37: {  	[smem:$0x3F84] =	sst s10  }
0x38: {  	s10 =	sld [smem:$0x3F85]  }
0x39: {  	_ = 	snop;
	(pc) =	sbr.ind lr, $3  }
0x3a: {  	_ = 	snop  }
0x3b: {  	_ = 	snop  }
0x3c: {  	p2 =	seq.s32 s10, $0x1;
	s10 =	sld [smem:$0x3F84]  }
0x3d: {  	_ =	shalt  }
0x3e: {  	_ =	shalt  }
0x3f: {  	_ =	shalt  }
0x40: {  	_ =	shalt  }
0x41: {  	_ =	shalt  }
0x42: {  	_ =	shalt  }
0x43: {  	_ =	shalt  }
0x44: {  	_ =	shalt  }
0x45: {  	_ =	shalt  }
0x46: {  	_ =	shalt  }
0x47: {  	_ =	shalt  }
0x48: {  	_ =	shalt  }
0x49: {  	_ =	shalt  }
0x4a: {  	_ =	shalt  }
0x4b: {  	_ =	shalt  }
0x4c: {  	_ =	shalt  }
0x4d: {  	_ =	shalt  }
0x4e: {  	_ =	shalt  }
0x4f: {  	_ =	shalt  }
0x50: {  	_ =	shalt  }
0x51: {  	_ =	shalt  }
0x52: {  	_ =	shalt  }
0x53: {  	_ =	shalt  }
0x54: {  	_ =	shalt  }
0x55: {  	_ =	shalt  }
0x56: {  	_ =	shalt  }
0x57: {  	_ =	shalt  }
0x58: {  	_ =	shalt  }
0x59: {  	_ =	shalt  }
0x5a: {  	_ =	shalt  }
0x5b: {  	_ =	shalt  }
0x5c: {  	_ =	shalt  }
0x5d: {  	_ =	shalt  }
0x5e: {  	_ =	shalt  }
0x5f: {  	_ =	shalt  }
0x60: {  	_ =	shalt  }
0x61: {  	_ =	shalt  }
0x62: {  	_ =	shalt  }
0x63: {  	_ =	shalt  }
0x64: {  	_ =	shalt  }
0x65: {  	_ =	shalt  }
0x66: {  	_ =	shalt  }
0x67: {  	_ =	shalt  }
0x68: {  	_ =	shalt  }
0x69: {  	_ =	shalt  }
0x6a: {  	_ =	shalt  }
0x6b: {  	_ =	shalt  }
0x6c: {  	_ =	shalt  }
0x6d: {  	_ =	shalt  }
0x6e: {  	_ =	shalt  }
0x6f: {  	_ =	shalt  }
0x70: {  	_ =	shalt  }
0x71: {  	_ =	shalt  }
0x72: {  	_ =	shalt  }
0x73: {  	_ =	shalt  }
0x74: {  	_ =	shalt  }
0x75: {  	_ =	shalt  }
0x76: {  	_ =	shalt  }
0x77: {  	_ =	shalt  }
0x78: {  	_ =	shalt  }
0x79: {  	_ =	shalt  }
0x7a: {  	_ =	shalt  }
0x7b: {  	_ =	shalt  }
0x7c: {  	_ =	shalt  }
0x7d: {  	_ =	shalt  }
0x7e: {  	_ =	shalt  }
0x7f: {  	_ =	shalt  }
0x80: {  	_ =	shalt  }
0x81: {  	_ =	shalt  }
0x82: {  	_ =	shalt  }
0x83: {  	_ =	shalt  }
0x84: {  	_ =	shalt  }
0x85: {  	_ =	shalt  }
0x86: {  	_ =	shalt  }
0x87: {  	_ =	shalt  }
.Lfunc_end0:
.L_simem_size_0:
called_computation.1_lowered:
.L_overlay_start_0:
0x88: {  	s2 =	sld [smem:$0x3FD9]  }
0x89: {  	s3 =	sld [smem:$0x3FFE];
	_ =	sdelay $0x1  }
0x8a: {  	s1 =	srdreg.scid  }
0x8b: {  	s0 =	sand.u32 $0x1, s1  }
0x8c: {  	s16 =	sshll.u32 s0, $0xA;
	s2 =	sadd.s32 s3, s2  }
0x8d: {  	s2 =	sadd.s32 s2, s16  }
0x8e: {  	[smem:$0x3F90] =	sst s2  }
0x8f: {  	_ = 	snop  }
0x90: {  	(tm) =	ssettm $0x1  }
0x91: {  	s17 =	sld [smem:$0x3FFB];
	_ =	sdelay $0x3  }
0x92: {  	_ =	strace s17  }
0x93: {  	s2 =	sld [smem:$0x3FFC];
	_ =	sdelay $0x3  }
0x94: {  	_ =	strace s2  }
0x95: {  	s2 =	sld [smem:$0x3FFD];
	_ =	sdelay $0x3  }
0x96: {  	_ =	strace s2  }
0x97: {  	_ =	strace $0x8FFFFFFF  }
0x98: {  	s18 =	sld [smem:$0x3FDB];
	_ =	sdelay $0x1  }
0x99: {  	s19 =	simm.s32 $_scs_section_size  }
0x9a: {  	s4 =	simm.s32 $_size__tile_overlayer_lowered;
	s5 =	simm.s32 $_tile_overlayer_lowered  }
0x9b: {  	s22 =	simm.s32 $0x1BFF;
	s21 =	sshll.u32 s5, $0x1;
	s2 =	sadd.s32 s19, s18  }
0x9c: {  	s6 =	simm.s32 $0x0;
	s20 =	sshll.u32 s4, $0x1;
	s4 =	sadd.s32 s21, s2  }
0x9d: {  	[timem:s6], [sflag:s22] =	dma.local [hbm:s4], s20  }
0x9e: {  	_ =	swait.ge [sflag:s22], s20  }
0x9f: {  	s3 =	ssub.s32 $0x0, s20;
	[sflag:s22] =	ssyncset.done $0x0  }
0xa0: {  	[sflag:s22] =	ssyncadd.s32 s3;
	_ =	sdelay $0x1  }
0xa1: {  	s23 =	simm.s32 $0x1B8B  }
0xa2: {  	_ =	swait.ge [sflag:s23], $0x1  }
0xa3: {  	[sflag:s23] =	ssyncset.done $0x0  }
0xa4: {  	s25 =	simm.s32 $0x1B8E;
	s24 =	sld [smem:$0x3FFE];
	[sflag:s23] =	ssyncadd.s32 $0xFFFFFFFF  }
0xa5: {  	s26 =	simm.s32 $execute0_lowered;
	[smem:$0x3FD2] =	sst s25  }
0xa6: {  	s4 =	sshll.u32 s26, $0x1;
	_ =	strace $0x80000049;
	[dreg:$0x1] =	wrdreg $0xFFFFFFFF  }
0xa7: {  	s28 =	simm.s32 $_size_execute0_lowered;
	s2 =	sadd.s32 s2, s4;
	[dreg:$0x0] =	wrdreg $0x0  }
0xa8: {  	s4 =	sshll.u32 s28, $0x1;
	[dreg:$0x2] =	wrdreg s2  }
0xa9: {  	[dreg:$0x3] =	wrdreg s4  }
0xaa: {  	[dreg:$0x4] =	wrdreg $0xC0  }
0xab: {  	_ =	task [dreg:s6], $0x5FFFF  }
0xac: {  	[dreg:$0x1] =	wrdreg $0xFFFFFFFF  }
0xad: {  	[dreg:$0x0] =	wrdreg $0x60  }
0xae: {  	[dreg:$0x2] =	wrdreg s24  }
0xaf: {  	[dreg:$0x3] =	wrdreg $0x9  }
0xb0: {  	_ =	task.clear_ibuf [dreg:s6], $0x4FFFF;
	_ =	strace $0x90000049  }
0xb1: {  	s29 =	simm.s32 $0x9;
	_ =	strace $0x8000004B  }
0xb2: {  	_ =	swait.ge [sflag:s29], $0x1  }
0xb3: {  	[sflag:s29] =	ssyncadd.s32 $0xFFFFFFFF  }
0xb4: {  	_ =	strace $0x9000004B  }
0xb5: {  	_ =	sfence  }
0xb6: {  	s30 =	sld [smem:$0x0];
	_ =	sdelay $0x2  }
0xb7: {  	s31 =	sshll.u32 s1, $0xD;
	s1 =	sshrl.u32 s1, $0x2  }
0xb8: {  	s3 =	sand.u32 $0x4000, s31;
	s1 =	sadd.s32 s1, s30  }
0xb9: {  	s0 =	sor.u32 s3, s0;
	s1 =	sshll.u32 s1, $0x11  }
0xba: {  	s0 =	sor.u32 s1, s0  }
0xbb: {  	s0 =	sadd.s32 $0x8F2B, s0  }
0xbc: {  	[sflag:s0] =	ssyncadd.remote.s32 $0x1  }
0xbd: {  	_ =	sfence.sel $0xFFFF  }
0xbe: {  	[dreg:$0x0] =	wrdreg $0xFFFFFFFF;
	(pc) =	sbr.abs _section_cstart, $3  }
0xbf: {  	[dreg:$0x1] =	wrdreg $0xFFFFFFFF  }
0xc0: {  	_ =	task.clear_ibuf [dreg:s6], $0x2FFFF;
	_ =	strace $0x9FFFFFFF  }
0xc1: {  	(tm) =	ssettm $0x7FFFFFFF  }
tec
execute0_lowered:
.L_overlay_start_1:
0x0: {  	(tag) =	ssettag $0x1  }
0x1: {  	s0 =	rddreg [dreg:$0x0];
	s1 =	srdreg.scid  }
0x2: {  	s6 =	stileid.u32;
	s2 =	simm.s32 $0x0;
	s16 =	simm.s32 $0x1800  }
0x3: {  	s17 =	simm.s32 $0x2000;
	s18 =	simm.s32 $0x2800;
	s19 =	simm.s32 $0x3000  }
0x4: {  	s21 =	simm.s32 $0x3800;
	s22 =	simm.s32 $0x4000;
	s23 =	simm.s32 $0x4800  }
0x5: {  	s24 =	simm.s32 $0x5000;
	s25 =	simm.s32 $0x5800;
	s7 =	simm.s32 $0x1000  }
0x6: {  	s26 =	simm.s32 $0x6000;
	s8 =	simm.s32 $0x6800;
	[smem:$0x7FF] =	sst s2  }
0x7: {  	s9 =	simm.s32 $0x7000;
	_ =	strace $0x8000004A;
	[dreg:$0x3] =	wrdreg s16  }
0x8: {  	s10 =	simm.s32 $0x7800;
	s11 =	simm.s32 $0x8000;
	[dreg:$0x4] =	wrdreg s17  }
0x9: {  	s12 =	simm.s32 $0x8800;
	s13 =	simm.s32 $0x9000;
	[dreg:$0x5] =	wrdreg s18  }
0xa: {  	s28 =	simm.s32 $0x10000;
	s29 =	simm.s32 $0x10800;
	[dreg:$0x6] =	wrdreg s19  }
0xb: {  	s30 =	simm.s32 $0x1;
	s31 =	simm.s32 $0x0;
	[dreg:$0x7] =	wrdreg s21  }
0xc: {  	s1 =	sand.u32 $0x1, s1;
	s3 =	sshll.u32 s6, $0x12;
	[dreg:$0x8] =	wrdreg s22  }
0xd: {  	s14 =	sshll.u32 s6, $0xD;
	s6 =	simm.s32 $0x2;
	[dreg:$0x9] =	wrdreg s23  }
0xe: {  	s4 =	sadd.s32 s3, s0;
	s5 =	sshll.u32 s1, $0x11;
	[dreg:$0xa] =	wrdreg s24  }
0xf: {  	s3 =	sadd.s32 $0x8600, s0;
	s15 =	sshll.u32 s1, $0xC;
	[dreg:$0xb] =	wrdreg s25  }
0x10: {  	s1 =	ssub.s32 $0x2, s1;
	[dreg:$0xc] =	wrdreg s26;
	s16 =	simm.s32 $0xA800  }
0x11: {  	s17 =	simm.s32 $0xB000;
	s18 =	simm.s32 $0xB800;
	s19 =	simm.s32 $0xC000  }
0x12: {  	s21 =	simm.s32 $0xD000;
	s22 =	simm.s32 $0xD800;
	s23 =	simm.s32 $0xE000  }
0x13: {  	s24 =	simm.s32 $0xE800;
	s25 =	simm.s32 $0xF000;
	s26 =	simm.s32 $0xF800  }
0x14: {  	s4 =	sadd.s32 s5, s4;
	s5 =	sor.u32 s15, s14;
	s20 =	sshrl.u32 s1, $0x1  }
0x15: {  	s4 =	sadd.s32 $0x144600, s4;
	s5 =	sshrl.u32 s5, $0x3;
	s1 =	ssub.s32 s1, s20  }
0x16: {  	v2 =	vlaneseq.u32;
	[dreg:$0x2] =	wrdreg s4;
	s0 =	sadd.s32 s5, s0;
	s1 =	smax.u32 s1, $0x1  }
0x17: {  	vm0 =	vmmov $0xffff;
	v1 =	vshrl.u32 v2, $0x3;
	s14 =	simm.s32 $0x9800;
	s0 =	sadd.s32 $0x140600, s0;
	[dreg:$0xe] =	wrdreg s1  }
0x18: {  	v0 =	vand.u32 $0x7, v2;
	v2 =	vor.u32 $0x8, v2;
	v1 =	vmul.u32 $0x8, v1;
	s15 =	simm.s32 $0xA000;
	s20 =	simm.s32 $0xC800;
	[dreg:$0xd] =	wrdreg s0  }
.LBB2_1:
0x19: {  	s0 =	rddreg [dreg:$0xd]  }
0x1a: {  	[tilespmem:s2], [sflag:$0x2] =	stream.linear.gather [hbm4b:s0+s2], $0x1000, $0x38;
	[tilespmem:$0x11000] =	vst v63  }
0x1b: {  	_ =	swait.ge [sflag:s6], $0x1000  }
0x1c: {  	[sflag:s6] =	ssyncset.done $0x0  }
0x1d: {  	s1 =	simm.s32 $0x0;
	s0 =	simm.s32 $0x80;
	[sflag:s6] =	ssyncadd.s32 $0xFFFFF000  }
.LBB2_2:
0x1e: {  	v3 =	vld [tilespmem:s0+$0xFFFFFF80];
	_ =	sdelay $0x4  }
0x1f: {  	v4 =	vshll.u32 v3, $0x1  }
0x20: {  	v3 =	vand.u32 $0x7, v3;
	v4 =	vand.u32 $0xFFFFFFF0, v4  }
0x21: {  	v3 =	vor.u32 v3, v4  }
0x22: {  	v4 =	vperm.xlane v3, v0;
	_ =	sdelay $0x1  }
0x23: {  	v3 =	vperm.xlane v3, v2;
	v4 =	vadd.s32 v1, v4;
	_ =	sdelay $0x1  }
0x24: {  	v3 =	vadd.s32 v1, v3;
	_ =	sdelay $0x2  }
0x25: {  	[tilespmem:s7], [sflag:$0x1] =	stream.indirect_vreg.gather [hbm4b:s3+s2], $0x80, v4, vm0, $0xb8;
	[tilespmem:$0x11000] =	vst v63  }
0x26: {  	s4 =	rddreg [dreg:$0x3]  }
0x27: {  	[tilespmem:s4], [sflag:$0x1] =	stream.indirect_vreg.gather [hbm4b:s3+s2], $0x80, v3, vm0, $0xb8;
	[tilespmem:$0x11000] =	vst v63  }
0x28: {  	v3 =	vld [tilespmem:s0+$0xFFFFFF90];
	_ =	sdelay $0x4  }
0x29: {  	v49 =	vshll.u32 v3, $0x1  }
0x2a: {  	v3 =	vand.u32 $0x7, v3;
	v4 =	vand.u32 $0xFFFFFFF0, v49  }
0x2b: {  	v3 =	vor.u32 v3, v4  }
0x2c: {  	v4 =	vperm.xlane v3, v0;
	_ =	sdelay $0x1  }
0x2d: {  	v3 =	vperm.xlane v3, v2;
	v4 =	vadd.s32 v1, v4;
	_ =	sdelay $0x1  }
0x2e: {  	v3 =	vadd.s32 v1, v3;
	_ =	sdelay $0x1  }
0x2f: {  	s4 =	rddreg [dreg:$0x4]  }
0x30: {  	[tilespmem:s4], [sflag:$0x1] =	stream.indirect_vreg.gather [hbm4b:s3+s2], $0x80, v4, vm0, $0xb8;
	[tilespmem:$0x11000] =	vst v63  }
0x31: {  	s5 =	rddreg [dreg:$0x5]  }
0x32: {  	[tilespmem:s5], [sflag:$0x1] =	stream.indirect_vreg.gather [hbm4b:s3+s2], $0x80, v3, vm0, $0xb8;
	[tilespmem:$0x11000] =	vst v63  }
0x33: {  	v3 =	vld [tilespmem:s0+$0xFFFFFFA0];
	_ =	sdelay $0x4  }
0x34: {  	v50 =	vshll.u32 v3, $0x1  }
0x35: {  	v3 =	vand.u32 $0x7, v3;
	v4 =	vand.u32 $0xFFFFFFF0, v50  }
0x36: {  	v3 =	vor.u32 v3, v4  }
0x37: {  	v4 =	vperm.xlane v3, v0;
	_ =	sdelay $0x1  }
0x38: {  	v3 =	vperm.xlane v3, v2;
	v4 =	vadd.s32 v1, v4;
	_ =	sdelay $0x1  }
0x39: {  	v3 =	vadd.s32 v1, v3;
	_ =	sdelay $0x1  }
0x3a: {  	s4 =	rddreg [dreg:$0x6]  }
0x3b: {  	[tilespmem:s4], [sflag:$0x1] =	stream.indirect_vreg.gather [hbm4b:s3+s2], $0x80, v4, vm0, $0xb8;
	[tilespmem:$0x11000] =	vst v63  }
0x3c: {  	s5 =	rddreg [dreg:$0x7]  }
0x3d: {  	[tilespmem:s5], [sflag:$0x1] =	stream.indirect_vreg.gather [hbm4b:s3+s2], $0x80, v3, vm0, $0xb8;
	[tilespmem:$0x11000] =	vst v63  }
0x3e: {  	v3 =	vld [tilespmem:s0+$0xFFFFFFB0];
	_ =	sdelay $0x4  }
0x3f: {  	v51 =	vshll.u32 v3, $0x1  }
0x40: {  	v3 =	vand.u32 $0x7, v3;
	v4 =	vand.u32 $0xFFFFFFF0, v51  }
0x41: {  	v3 =	vor.u32 v3, v4  }
0x42: {  	v4 =	vperm.xlane v3, v0;
	_ =	sdelay $0x1  }
0x43: {  	v3 =	vperm.xlane v3, v2;
	v4 =	vadd.s32 v1, v4;
	_ =	sdelay $0x1  }
0x44: {  	v3 =	vadd.s32 v1, v3;
	_ =	sdelay $0x1  }
0x45: {  	s4 =	rddreg [dreg:$0x8]  }
0x46: {  	[tilespmem:s4], [sflag:$0x1] =	stream.indirect_vreg.gather [hbm4b:s3+s2], $0x80, v4, vm0, $0xb8;
	[tilespmem:$0x11000] =	vst v63  }
0x47: {  	s5 =	rddreg [dreg:$0x9]  }
0x48: {  	[tilespmem:s5], [sflag:$0x1] =	stream.indirect_vreg.gather [hbm4b:s3+s2], $0x80, v3, vm0, $0xb8;
	[tilespmem:$0x11000] =	vst v63  }
0x49: {  	v3 =	vld [tilespmem:s0+$0xFFFFFFC0];
	_ =	sdelay $0x4  }
0x4a: {  	v52 =	vshll.u32 v3, $0x1  }
0x4b: {  	v3 =	vand.u32 $0x7, v3;
	v4 =	vand.u32 $0xFFFFFFF0, v52  }
0x4c: {  	v3 =	vor.u32 v3, v4  }
0x4d: {  	v4 =	vperm.xlane v3, v0;
	_ =	sdelay $0x1  }
0x4e: {  	v3 =	vperm.xlane v3, v2;
	v4 =	vadd.s32 v1, v4;
	_ =	sdelay $0x1  }
0x4f: {  	v3 =	vadd.s32 v1, v3;
	_ =	sdelay $0x1  }
0x50: {  	s4 =	rddreg [dreg:$0xa]  }
0x51: {  	[tilespmem:s4], [sflag:$0x1] =	stream.indirect_vreg.gather [hbm4b:s3+s2], $0x80, v4, vm0, $0xb8;
	[tilespmem:$0x11000] =	vst v63  }
0x52: {  	s5 =	rddreg [dreg:$0xb]  }
0x53: {  	[tilespmem:s5], [sflag:$0x1] =	stream.indirect_vreg.gather [hbm4b:s3+s2], $0x80, v3, vm0, $0xb8;
	[tilespmem:$0x11000] =	vst v63  }
0x54: {  	v3 =	vld [tilespmem:s0+$0xFFFFFFD0];
	_ =	sdelay $0x4  }
0x55: {  	v53 =	vshll.u32 v3, $0x1  }
0x56: {  	v3 =	vand.u32 $0x7, v3;
	v4 =	vand.u32 $0xFFFFFFF0, v53  }
0x57: {  	v3 =	vor.u32 v3, v4  }
0x58: {  	v4 =	vperm.xlane v3, v0;
	_ =	sdelay $0x1  }
0x59: {  	v3 =	vperm.xlane v3, v2;
	v4 =	vadd.s32 v1, v4;
	_ =	sdelay $0x1  }
0x5a: {  	v3 =	vadd.s32 v1, v3;
	_ =	sdelay $0x1  }
0x5b: {  	s5 =	rddreg [dreg:$0xc]  }
0x5c: {  	[tilespmem:s5], [sflag:$0x1] =	stream.indirect_vreg.gather [hbm4b:s3+s2], $0x80, v4, vm0, $0xb8;
	[tilespmem:$0x11000] =	vst v63  }
0x5d: {  	_ = 	snop  }
0x5e: {  	[tilespmem:s8], [sflag:$0x1] =	stream.indirect_vreg.gather [hbm4b:s3+s2], $0x80, v3, vm0, $0xb8;
	[tilespmem:$0x11000] =	vst v63  }
0x5f: {  	v3 =	vld [tilespmem:s0+$0xFFFFFFE0];
	_ =	sdelay $0x4  }
0x60: {  	v54 =	vshll.u32 v3, $0x1  }
0x61: {  	v3 =	vand.u32 $0x7, v3;
	v4 =	vand.u32 $0xFFFFFFF0, v54  }
0x62: {  	v3 =	vor.u32 v3, v4  }
0x63: {  	v4 =	vperm.xlane v3, v0;
	_ =	sdelay $0x1  }
0x64: {  	v3 =	vperm.xlane v3, v2;
	v4 =	vadd.s32 v1, v4;
	_ =	sdelay $0x1  }
0x65: {  	v3 =	vadd.s32 v1, v3;
	_ =	sdelay $0x2  }
0x66: {  	[tilespmem:s9], [sflag:$0x1] =	stream.indirect_vreg.gather [hbm4b:s3+s2], $0x80, v4, vm0, $0xb8;
	[tilespmem:$0x11000] =	vst v63  }
0x67: {  	_ = 	snop  }
0x68: {  	[tilespmem:s10], [sflag:$0x1] =	stream.indirect_vreg.gather [hbm4b:s3+s2], $0x80, v3, vm0, $0xb8;
	[tilespmem:$0x11000] =	vst v63  }
0x69: {  	v3 =	vld [tilespmem:s0+$0xFFFFFFF0];
	_ =	sdelay $0x4  }
0x6a: {  	v55 =	vshll.u32 v3, $0x1  }
0x6b: {  	v3 =	vand.u32 $0x7, v3;
	v4 =	vand.u32 $0xFFFFFFF0, v55  }
0x6c: {  	v3 =	vor.u32 v3, v4  }
0x6d: {  	v4 =	vperm.xlane v3, v0;
	_ =	sdelay $0x1  }
0x6e: {  	v3 =	vperm.xlane v3, v2;
	v4 =	vadd.s32 v1, v4;
	_ =	sdelay $0x1  }
0x6f: {  	v3 =	vadd.s32 v1, v3;
	_ =	sdelay $0x2  }
0x70: {  	[tilespmem:s11], [sflag:$0x1] =	stream.indirect_vreg.gather [hbm4b:s3+s2], $0x80, v4, vm0, $0xb8;
	[tilespmem:$0x11000] =	vst v63  }
0x71: {  	_ = 	snop  }
0x72: {  	[tilespmem:s12], [sflag:$0x1] =	stream.indirect_vreg.gather [hbm4b:s3+s2], $0x80, v3, vm0, $0xb8;
	[tilespmem:$0x11000] =	vst v63  }
0x73: {  	v3 =	vld [tilespmem:s0+$0x0];
	_ =	sdelay $0x4  }
0x74: {  	v56 =	vshll.u32 v3, $0x1  }
0x75: {  	v3 =	vand.u32 $0x7, v3;
	v4 =	vand.u32 $0xFFFFFFF0, v56  }
0x76: {  	v3 =	vor.u32 v3, v4  }
0x77: {  	v4 =	vperm.xlane v3, v0;
	_ =	sdelay $0x1  }
0x78: {  	v3 =	vperm.xlane v3, v2;
	v4 =	vadd.s32 v1, v4;
	_ =	sdelay $0x1  }
0x79: {  	v3 =	vadd.s32 v1, v3;
	_ =	sdelay $0x2  }
0x7a: {  	[tilespmem:s13], [sflag:$0x1] =	stream.indirect_vreg.gather [hbm4b:s3+s2], $0x80, v4, vm0, $0xb8;
	[tilespmem:$0x11000] =	vst v63  }
0x7b: {  	_ = 	snop  }
0x7c: {  	[tilespmem:s14], [sflag:$0x1] =	stream.indirect_vreg.gather [hbm4b:s3+s2], $0x80, v3, vm0, $0xb8;
	[tilespmem:$0x11000] =	vst v63  }
0x7d: {  	v3 =	vld [tilespmem:s0+$0x10];
	_ =	sdelay $0x4  }
0x7e: {  	v57 =	vshll.u32 v3, $0x1  }
0x7f: {  	v3 =	vand.u32 $0x7, v3;
	v4 =	vand.u32 $0xFFFFFFF0, v57  }
0x80: {  	v3 =	vor.u32 v3, v4  }
0x81: {  	v4 =	vperm.xlane v3, v0;
	_ =	sdelay $0x1  }
0x82: {  	v3 =	vperm.xlane v3, v2;
	v4 =	vadd.s32 v1, v4;
	_ =	sdelay $0x1  }
0x83: {  	v3 =	vadd.s32 v1, v3;
	_ =	sdelay $0x2  }
0x84: {  	[tilespmem:s15], [sflag:$0x1] =	stream.indirect_vreg.gather [hbm4b:s3+s2], $0x80, v4, vm0, $0xb8;
	[tilespmem:$0x11000] =	vst v63  }
0x85: {  	_ = 	snop  }
0x86: {  	[tilespmem:s16], [sflag:$0x1] =	stream.indirect_vreg.gather [hbm4b:s3+s2], $0x80, v3, vm0, $0xb8;
	[tilespmem:$0x11000] =	vst v63  }
0x87: {  	v3 =	vld [tilespmem:s0+$0x20];
	_ =	sdelay $0x4  }
0x88: {  	v58 =	vshll.u32 v3, $0x1  }
0x89: {  	v3 =	vand.u32 $0x7, v3;
	v4 =	vand.u32 $0xFFFFFFF0, v58  }
0x8a: {  	v3 =	vor.u32 v3, v4  }
0x8b: {  	v4 =	vperm.xlane v3, v0;
	_ =	sdelay $0x1  }
0x8c: {  	v3 =	vperm.xlane v3, v2;
	v4 =	vadd.s32 v1, v4;
	_ =	sdelay $0x1  }
0x8d: {  	v3 =	vadd.s32 v1, v3;
	_ =	sdelay $0x2  }
0x8e: {  	[tilespmem:s17], [sflag:$0x1] =	stream.indirect_vreg.gather [hbm4b:s3+s2], $0x80, v4, vm0, $0xb8;
	[tilespmem:$0x11000] =	vst v63  }
0x8f: {  	_ = 	snop  }
0x90: {  	[tilespmem:s18], [sflag:$0x1] =	stream.indirect_vreg.gather [hbm4b:s3+s2], $0x80, v3, vm0, $0xb8;
	[tilespmem:$0x11000] =	vst v63  }
0x91: {  	v3 =	vld [tilespmem:s0+$0x30];
	_ =	sdelay $0x4  }
0x92: {  	v59 =	vshll.u32 v3, $0x1  }
0x93: {  	v3 =	vand.u32 $0x7, v3;
	v4 =	vand.u32 $0xFFFFFFF0, v59  }
0x94: {  	v3 =	vor.u32 v3, v4  }
0x95: {  	v4 =	vperm.xlane v3, v0;
	_ =	sdelay $0x1  }
0x96: {  	v3 =	vperm.xlane v3, v2;
	v4 =	vadd.s32 v1, v4;
	_ =	sdelay $0x1  }
0x97: {  	v3 =	vadd.s32 v1, v3;
	_ =	sdelay $0x2  }
0x98: {  	[tilespmem:s19], [sflag:$0x1] =	stream.indirect_vreg.gather [hbm4b:s3+s2], $0x80, v4, vm0, $0xb8;
	[tilespmem:$0x11000] =	vst v63  }
0x99: {  	_ = 	snop  }
0x9a: {  	[tilespmem:s20], [sflag:$0x1] =	stream.indirect_vreg.gather [hbm4b:s3+s2], $0x80, v3, vm0, $0xb8;
	[tilespmem:$0x11000] =	vst v63  }
0x9b: {  	v3 =	vld [tilespmem:s0+$0x40];
	_ =	sdelay $0x4  }
0x9c: {  	v60 =	vshll.u32 v3, $0x1  }
0x9d: {  	v3 =	vand.u32 $0x7, v3;
	v4 =	vand.u32 $0xFFFFFFF0, v60  }
0x9e: {  	v3 =	vor.u32 v3, v4  }
0x9f: {  	v4 =	vperm.xlane v3, v0;
	_ =	sdelay $0x1  }
0xa0: {  	v3 =	vperm.xlane v3, v2;
	v4 =	vadd.s32 v1, v4;
	_ =	sdelay $0x1  }
0xa1: {  	v3 =	vadd.s32 v1, v3;
	_ =	sdelay $0x2  }
0xa2: {  	[tilespmem:s21], [sflag:$0x1] =	stream.indirect_vreg.gather [hbm4b:s3+s2], $0x80, v4, vm0, $0xb8;
	[tilespmem:$0x11000] =	vst v63  }
0xa3: {  	_ = 	snop  }
0xa4: {  	[tilespmem:s22], [sflag:$0x1] =	stream.indirect_vreg.gather [hbm4b:s3+s2], $0x80, v3, vm0, $0xb8;
	[tilespmem:$0x11000] =	vst v63  }
0xa5: {  	v3 =	vld [tilespmem:s0+$0x50];
	_ =	sdelay $0x4  }
0xa6: {  	v61 =	vshll.u32 v3, $0x1  }
0xa7: {  	v3 =	vand.u32 $0x7, v3;
	v4 =	vand.u32 $0xFFFFFFF0, v61  }
0xa8: {  	v3 =	vor.u32 v3, v4  }
0xa9: {  	v4 =	vperm.xlane v3, v0;
	_ =	sdelay $0x1  }
0xaa: {  	v3 =	vperm.xlane v3, v2;
	v4 =	vadd.s32 v1, v4;
	_ =	sdelay $0x1  }
0xab: {  	v3 =	vadd.s32 v1, v3;
	_ =	sdelay $0x2  }
0xac: {  	[tilespmem:s23], [sflag:$0x1] =	stream.indirect_vreg.gather [hbm4b:s3+s2], $0x80, v4, vm0, $0xb8;
	[tilespmem:$0x11000] =	vst v63  }
0xad: {  	_ = 	snop  }
0xae: {  	[tilespmem:s24], [sflag:$0x1] =	stream.indirect_vreg.gather [hbm4b:s3+s2], $0x80, v3, vm0, $0xb8;
	[tilespmem:$0x11000] =	vst v63  }
0xaf: {  	v3 =	vld [tilespmem:s0+$0x60];
	_ =	sdelay $0x4  }
0xb0: {  	v62 =	vshll.u32 v3, $0x1  }
0xb1: {  	v3 =	vand.u32 $0x7, v3;
	v4 =	vand.u32 $0xFFFFFFF0, v62  }
0xb2: {  	v3 =	vor.u32 v3, v4  }
0xb3: {  	v4 =	vperm.xlane v3, v0;
	_ =	sdelay $0x1  }
0xb4: {  	v3 =	vperm.xlane v3, v2;
	v4 =	vadd.s32 v1, v4;
	_ =	sdelay $0x1  }
0xb5: {  	v3 =	vadd.s32 v1, v3;
	_ =	sdelay $0x2  }
0xb6: {  	[tilespmem:s25], [sflag:$0x1] =	stream.indirect_vreg.gather [hbm4b:s3+s2], $0x80, v4, vm0, $0xb8;
	[tilespmem:$0x11000] =	vst v63  }
0xb7: {  	_ = 	snop  }
0xb8: {  	[tilespmem:s26], [sflag:$0x1] =	stream.indirect_vreg.gather [hbm4b:s3+s2], $0x80, v3, vm0, $0xb8;
	[tilespmem:$0x11000] =	vst v63  }
0xb9: {  	v3 =	vld [tilespmem:s0+$0x70];
	_ =	sdelay $0x4  }
0xba: {  	v63 =	vshll.u32 v3, $0x1  }
0xbb: {  	v3 =	vand.u32 $0x7, v3;
	v4 =	vand.u32 $0xFFFFFFF0, v63  }
0xbc: {  	v3 =	vor.u32 v3, v4  }
0xbd: {  	v4 =	vperm.xlane v3, v0;
	_ =	sdelay $0x1  }
0xbe: {  	v3 =	vperm.xlane v3, v2;
	v4 =	vadd.s32 v1, v4;
	_ =	sdelay $0x1  }
0xbf: {  	v3 =	vadd.s32 v1, v3;
	_ =	sdelay $0x2  }
0xc0: {  	[tilespmem:s28], [sflag:$0x1] =	stream.indirect_vreg.gather [hbm4b:s3+s2], $0x80, v4, vm0, $0xb8;
	[tilespmem:$0x11000] =	vst v63  }
0xc1: {  	_ = 	snop  }
0xc2: {  	[tilespmem:s29], [sflag:$0x1] =	stream.indirect_vreg.gather [hbm4b:s3+s2], $0x80, v3, vm0, $0xb8;
	[tilespmem:$0x11000] =	vst v63  }
0xc3: {  	_ =	swait.ge [sflag:s30], $0x10000  }
0xc4: {  	p0 =	sne.s32 s1, $0x1E000;
	s5 =	rddreg [dreg:$0x2];
	[sflag:s30] =	ssyncset.done $0x0  }
.Ltmp0:
0xc5: {  	[sflag:s30] =	ssyncadd.s32 $0xFFFF0000;
	s4 =	sadd.s32 s1, s5;
	(pc) =	sbr.rel @p0 .LBB2_2-.Ltmp0, $4  }
0xc6: {  	[hbm4b:s4+s2] =	stream.linear.scatter [tilespmem:s7], [sflag:$0x2], $0x10000, $0x38;
	[tilespmem:$0x11000] =	vst v63  }
0xc7: {  	_ =	swait.ge [sflag:s6], $0x10000  }
0xc8: {  	[sflag:s6] =	ssyncset.done $0x0  }
0xc9: {  	s0 =	sadd.s32 $0x100, s0;
	s1 =	sadd.s32 $0x2000, s1;
	[sflag:s6] =	ssyncadd.s32 $0xFFFF0000  }
0xca: {  	s31 =	sadd.s32 $0x1, s31;
	s0 =	rddreg [dreg:$0xe]  }
0xcb: {  	p0 =	sne.s32 s31, s0  }
.Ltmp1:
0xcc: {  	_ = 	snop;
	(pc) =	sbr.rel @p0 .LBB2_1-.Ltmp1, $1  }
0xcd: {  	_ =	sdelay $0x3  }
0xce: {  	_ =	sfence.sel $0x180000  }
0xcf: {  	[bflag:$0x0] =	sbarrier.arrive $0xFFFF  }
0xd0: {  	_ =	strace $0x9000004A  }
0xd1: {  	s0 =	stileid.u32;
	[bflag:$0x2] =	sbarrier.arrive $0xFFFF  }
0xd2: {  	p0 =	sne.s32 s0, $0x0;
	s0 =	rddreg [dreg:$0x1]  }
0xd3: {  	s0 =	sadd.s32 @!p0 $0x100000, s0  }
0xd4: {  	[sflag:s0] =	ssyncadd.tile.s32 @!p0 $0x1;
	_ =	shalt  }
.Lfunc_end2:
_tile_overlayer_lowered:
.L_overlay_start_2:
0xd5: {  	(tag) =	ssettag $0x2  }
0xd6: {  	s0 =	rddreg [dreg:$0x0];
	s2 =	stileid.u32  }
0xd7: {  	s1 =	rddreg [dreg:$0x1];
	p0 =	sne.s32 s2, $0x0  }
0xd8: {  	s3 =	rddreg [dreg:$0x2];
	[bflag:$0x3] =	sbarrier.arrive $0xFFFF;
	s2 =	simm.s32 @!p0 $0x1C02  }
0xd9: {  	[timem:s3], [sflag:s2] =	dma.local @!p0 [hbm:s0], s1  }
0xda: {  	s0 =	simm.s32 @!p0 $0x2  }
0xdb: {  	_ =	swait.ge @!p0 [sflag:s0], s1  }
0xdc: {  	s1 =	ssub.s32 @!p0 $0x0, s1;
	[sflag:s0] =	ssyncset.done @!p0 $0x0  }
0xdd: {  	[sflag:s0] =	ssyncadd.s32 @!p0 s1  }
0xde: {  	[bflag:$0x3] =	sbarrier.arrive $0xFFFF  }
0xdf: {  	_ =	shalt  }

// kernel: kernel.21.cloned.1.call-start
scs
__scs_entry_jumppad:
0x0: {  	(pc) =	sbr.rel $0x88, $3  }
0x1: {  	(tag) =	ssettag $0x0;
	lr =	simm.s32 $0x1  }
0x2: {  	[smem:$0x3F69] =	sst lr;
	_ =	strace $0xD0000000  }
0x3: {  	_ = 	snop  }
0x4: {  	_ = 	snop  }
0x5: {  	_ = 	snop  }
0x6: {  	_ = 	snop  }
0x7: {  	_ = 	snop  }
__scs_overlays_trampoline_lowered:
0x8: {  	[smem:$0x3F78] =	sst s0  }
0x9: {  	[smem:$0x3F79] =	sst s1  }
0xa: {  	[smem:$0x3F7A] =	sst s2  }
0xb: {  	[smem:$0x3F7B] =	sst s3  }
0xc: {  	[smem:$0x3F7C] =	sst s4  }
0xd: {  	[smem:$0x3F7D] =	sst s5  }
0xe: {  	[smem:$0x3F7E] =	sst s6  }
0xf: {  	[smem:$0x3F7F] =	sst s7  }
0x10: {  	[smem:$0x3F80] =	sst s8  }
0x11: {  	[smem:$0x3F81] =	sst s9;
	s0 =	simm.s32 @!p0 $0x0  }
0x12: {  	s1 =	sld [smem:$0x3F67];
	s0 =	simm.s32 @p0 $0x1  }
0x13: {  	[smem:$0x3F82] =	sst s0;
	s0 =	simm.s32 @!p1 $0x0  }
0x14: {  	s2 =	sld [smem:$0x3F66];
	s0 =	simm.s32 @p1 $0x1  }
0x15: {  	[smem:$0x3F83] =	sst s0;
	s0 =	simm.s32 @!p2 $0x0  }
0x16: {  	s3 =	sld [smem:$0x3FDB];
	s0 =	simm.s32 @p2 $0x1  }
0x17: {  	s4 =	simm.s32 $0x1BF5;
	[smem:$0x3F85] =	sst s0  }
0x18: {  	s0 =	sld [smem:$0x3F68];
	_ =	swait.ge [sflag:s4], $0x0  }
0x19: {  	s7 =	sld [smem:$0x3F69]  }
0x1a: {  	s8 =	sadd.s32 $0xFFFFE003, lr  }
0x1b: {  	s9 =	sadd.s32 $0xFFFFFEF7, lr;
	s5 =	simm.s32 $0xFFFFFFFF;
	p2 =	slt.u32 s8, $0xFFFFF086  }
0x1c: {  	p1 =	slt.u32 s9, $0xF7A;
	s5 =	simm.s32 @!p2 $0x0  }
0x1d: {  	s5 =	simm.s32 @p1 $0x1;
	p0 =	seq.s32 s7, s2  }
0x1e: {  	s7 =	smul.u32 @!p0 $0xF7A, s2;
	p2 =	seq.s32 @!p0 s5, $0x0  }
0x1f: {  	s9 =	smul.u32 $0xF7A, s1;
	s8 =	simm.s32 @!p0 $0x1BF5;
	p2 =	por !p2, p0  }
0x20: {  	[sflag:s8] =	ssyncset.s32 @!p0 $0xFFFFF086;
	s6 =	sadd.s32 @!p0 s3, s7;
	s7 =	simm.s32 @!p0 $0x108  }
0x21: {  	s3 =	sadd.s32 s3, s9;
	s6 =	sadd.s32 @!p0 $0x88, s6;
	s7 =	simm.s32 @p2 $0x1082  }
0x22: {  	[simem:s7], [sflag:s8] =	dma.local @!p0 [hbm:s6], $0xF7A  }
0x23: {  	s9 =	sor.u32 $0xD0000000, s2;
	s6 =	simm.s32 $0x108;
	_ =	swait.ge @!p0 [sflag:s8], $0x0  }
0x24: {  	s3 =	sadd.s32 $0x88, s3;
	s6 =	simm.s32 @!p1 $0x1082;
	[sflag:s4] =	ssyncset.s32 $0xFFFFF086  }
0x25: {  	[simem:s6], [sflag:s4] =	dma.local [hbm:s3], $0xF7A  }
0x26: {  	[smem:$0x3F69] =	sst s1;
	(tag) =	ssettag s2;
	_ =	strace s9  }
0x27: {  	s1 =	sld [smem:$0x3F79]  }
0x28: {  	s2 =	sld [smem:$0x3F7A]  }
0x29: {  	s4 =	sld [smem:$0x3F7C]  }
0x2a: {  	p0 =	seq.s32 s5, $0x0;
	s5 =	sld [smem:$0x3F7D]  }
0x2b: {  	s6 =	sld [smem:$0x3F7E]  }
0x2c: {  	s7 =	sld [smem:$0x3F7F]  }
0x2d: {  	s3 =	simm.s32 $0x108;
	s8 =	sld [smem:$0x3F80]  }
0x2e: {  	s3 =	simm.s32 @!p0 $0x1082;
	s9 =	sld [smem:$0x3F81]  }
0x2f: {  	lr =	sadd.s32 s0, s3;
	s0 =	sld [smem:$0x3F78]  }
0x30: {  	s3 =	sld [smem:$0x3F7B]  }
0x31: {  	[smem:$0x3F84] =	sst s10  }
0x32: {  	s10 =	sld [smem:$0x3F82];
	_ =	sdelay $0x3  }
0x33: {  	p0 =	seq.s32 s10, $0x1;
	s10 =	sld [smem:$0x3F84];
	_ =	sdelay $0x3  }
0x34: {  	[smem:$0x3F84] =	sst s10  }
0x35: {  	s10 =	sld [smem:$0x3F83];
	_ =	sdelay $0x3  }
0x36: {  	p1 =	seq.s32 s10, $0x1;
	s10 =	sld [smem:$0x3F84];
	_ =	sdelay $0x3  }
0x37: {  	[smem:$0x3F84] =	sst s10  }
0x38: {  	s10 =	sld [smem:$0x3F85]  }
0x39: {  	_ = 	snop;
	(pc) =	sbr.ind lr, $3  }
0x3a: {  	_ = 	snop  }
0x3b: {  	_ = 	snop  }
0x3c: {  	p2 =	seq.s32 s10, $0x1;
	s10 =	sld [smem:$0x3F84]  }
0x3d: {  	_ =	shalt  }
0x3e: {  	_ =	shalt  }
0x3f: {  	_ =	shalt  }
0x40: {  	_ =	shalt  }
0x41: {  	_ =	shalt  }
0x42: {  	_ =	shalt  }
0x43: {  	_ =	shalt  }
0x44: {  	_ =	shalt  }
0x45: {  	_ =	shalt  }
0x46: {  	_ =	shalt  }
0x47: {  	_ =	shalt  }
0x48: {  	_ =	shalt  }
0x49: {  	_ =	shalt  }
0x4a: {  	_ =	shalt  }
0x4b: {  	_ =	shalt  }
0x4c: {  	_ =	shalt  }
0x4d: {  	_ =	shalt  }
0x4e: {  	_ =	shalt  }
0x4f: {  	_ =	shalt  }
0x50: {  	_ =	shalt  }
0x51: {  	_ =	shalt  }
0x52: {  	_ =	shalt  }
0x53: {  	_ =	shalt  }
0x54: {  	_ =	shalt  }
0x55: {  	_ =	shalt  }
0x56: {  	_ =	shalt  }
0x57: {  	_ =	shalt  }
0x58: {  	_ =	shalt  }
0x59: {  	_ =	shalt  }
0x5a: {  	_ =	shalt  }
0x5b: {  	_ =	shalt  }
0x5c: {  	_ =	shalt  }
0x5d: {  	_ =	shalt  }
0x5e: {  	_ =	shalt  }
0x5f: {  	_ =	shalt  }
0x60: {  	_ =	shalt  }
0x61: {  	_ =	shalt  }
0x62: {  	_ =	shalt  }
0x63: {  	_ =	shalt  }
0x64: {  	_ =	shalt  }
0x65: {  	_ =	shalt  }
0x66: {  	_ =	shalt  }
0x67: {  	_ =	shalt  }
0x68: {  	_ =	shalt  }
0x69: {  	_ =	shalt  }
0x6a: {  	_ =	shalt  }
0x6b: {  	_ =	shalt  }
0x6c: {  	_ =	shalt  }
0x6d: {  	_ =	shalt  }
0x6e: {  	_ =	shalt  }
0x6f: {  	_ =	shalt  }
0x70: {  	_ =	shalt  }
0x71: {  	_ =	shalt  }
0x72: {  	_ =	shalt  }
0x73: {  	_ =	shalt  }
0x74: {  	_ =	shalt  }
0x75: {  	_ =	shalt  }
0x76: {  	_ =	shalt  }
0x77: {  	_ =	shalt  }
0x78: {  	_ =	shalt  }
0x79: {  	_ =	shalt  }
0x7a: {  	_ =	shalt  }
0x7b: {  	_ =	shalt  }
0x7c: {  	_ =	shalt  }
0x7d: {  	_ =	shalt  }
0x7e: {  	_ =	shalt  }
0x7f: {  	_ =	shalt  }
0x80: {  	_ =	shalt  }
0x81: {  	_ =	shalt  }
0x82: {  	_ =	shalt  }
0x83: {  	_ =	shalt  }
0x84: {  	_ =	shalt  }
0x85: {  	_ =	shalt  }
0x86: {  	_ =	shalt  }
0x87: {  	_ =	shalt  }
.Lfunc_end0:
.L_simem_size_0:
called_computation.2_lowered:
.L_overlay_start_0:
0x88: {  	s2 =	sld [smem:$0x3FD9]  }
0x89: {  	s3 =	sld [smem:$0x3FFE];
	_ =	sdelay $0x1  }
0x8a: {  	s1 =	srdreg.scid  }
0x8b: {  	s0 =	sand.u32 $0x1, s1  }
0x8c: {  	s16 =	sshll.u32 s0, $0xA;
	s2 =	sadd.s32 s3, s2  }
0x8d: {  	s2 =	sadd.s32 s2, s16  }
0x8e: {  	[smem:$0x3F90] =	sst s2  }
0x8f: {  	_ = 	snop  }
0x90: {  	(tm) =	ssettm $0x1  }
0x91: {  	s17 =	sld [smem:$0x3FFB];
	_ =	sdelay $0x3  }
0x92: {  	_ =	strace s17  }
0x93: {  	s2 =	sld [smem:$0x3FFC];
	_ =	sdelay $0x3  }
0x94: {  	_ =	strace s2  }
0x95: {  	s2 =	sld [smem:$0x3FFD];
	_ =	sdelay $0x3  }
0x96: {  	_ =	strace s2  }
0x97: {  	_ =	strace $0x8FFFFFFF  }
0x98: {  	s18 =	sld [smem:$0x3FDB];
	_ =	sdelay $0x1  }
0x99: {  	s19 =	simm.s32 $_scs_section_size  }
0x9a: {  	s4 =	simm.s32 $_size__tile_overlayer_lowered;
	s5 =	simm.s32 $_tile_overlayer_lowered  }
0x9b: {  	s22 =	simm.s32 $0x1BFF;
	s21 =	sshll.u32 s5, $0x1;
	s2 =	sadd.s32 s19, s18  }
0x9c: {  	s6 =	simm.s32 $0x0;
	s20 =	sshll.u32 s4, $0x1;
	s4 =	sadd.s32 s21, s2  }
0x9d: {  	[timem:s6], [sflag:s22] =	dma.local [hbm:s4], s20  }
0x9e: {  	_ =	swait.ge [sflag:s22], s20  }
0x9f: {  	s3 =	ssub.s32 $0x0, s20;
	[sflag:s22] =	ssyncset.done $0x0  }
0xa0: {  	[sflag:s22] =	ssyncadd.s32 s3;
	_ =	sdelay $0x1  }
0xa1: {  	s23 =	simm.s32 $0x1B8B  }
0xa2: {  	_ =	swait.ge [sflag:s23], $0x1  }
0xa3: {  	[sflag:s23] =	ssyncset.done $0x0  }
0xa4: {  	s25 =	simm.s32 $0x1B8E;
	s24 =	sld [smem:$0x3FFE];
	[sflag:s23] =	ssyncadd.s32 $0xFFFFFFFF  }
0xa5: {  	s26 =	simm.s32 $execute0_lowered;
	[smem:$0x3FD2] =	sst s25  }
0xa6: {  	s4 =	sshll.u32 s26, $0x1;
	_ =	strace $0x8000004C;
	[dreg:$0x1] =	wrdreg $0xFFFFFFFF  }
0xa7: {  	s28 =	simm.s32 $_size_execute0_lowered;
	s2 =	sadd.s32 s2, s4;
	[dreg:$0x0] =	wrdreg $0x0  }
0xa8: {  	s4 =	sshll.u32 s28, $0x1;
	[dreg:$0x2] =	wrdreg s2  }
0xa9: {  	[dreg:$0x3] =	wrdreg s4  }
0xaa: {  	[dreg:$0x4] =	wrdreg $0xC0  }
0xab: {  	_ =	task [dreg:s6], $0x5FFFF  }
0xac: {  	[dreg:$0x1] =	wrdreg $0xFFFFFFFF  }
0xad: {  	[dreg:$0x0] =	wrdreg $0x60  }
0xae: {  	[dreg:$0x2] =	wrdreg s24  }
0xaf: {  	[dreg:$0x3] =	wrdreg $0x9  }
0xb0: {  	_ =	task.clear_ibuf [dreg:s6], $0x4FFFF;
	_ =	strace $0x9000004C  }
0xb1: {  	s29 =	simm.s32 $0x9;
	_ =	strace $0x8000004E  }
0xb2: {  	_ =	swait.ge [sflag:s29], $0x1  }
0xb3: {  	[sflag:s29] =	ssyncadd.s32 $0xFFFFFFFF  }
0xb4: {  	_ =	strace $0x9000004E  }
0xb5: {  	_ =	sfence  }
0xb6: {  	s30 =	sld [smem:$0x0];
	_ =	sdelay $0x2  }
0xb7: {  	s31 =	sshll.u32 s1, $0xD;
	s1 =	sshrl.u32 s1, $0x2  }
0xb8: {  	s3 =	sand.u32 $0x4000, s31;
	s1 =	sadd.s32 s1, s30  }
0xb9: {  	s0 =	sor.u32 s3, s0;
	s1 =	sshll.u32 s1, $0x11  }
0xba: {  	s0 =	sor.u32 s1, s0  }
0xbb: {  	s0 =	sadd.s32 $0x8F2B, s0  }
0xbc: {  	[sflag:s0] =	ssyncadd.remote.s32 $0x1  }
0xbd: {  	_ =	sfence.sel $0xFFFF  }
0xbe: {  	[dreg:$0x0] =	wrdreg $0xFFFFFFFF;
	(pc) =	sbr.abs _section_cstart, $3  }
0xbf: {  	[dreg:$0x1] =	wrdreg $0xFFFFFFFF  }
0xc0: {  	_ =	task.clear_ibuf [dreg:s6], $0x2FFFF;
	_ =	strace $0x9FFFFFFF  }
0xc1: {  	(tm) =	ssettm $0x7FFFFFFF  }
tec
execute0_lowered:
.L_overlay_start_1:
0x0: {  	(tag) =	ssettag $0x1  }
0x1: {  	s0 =	srdreg.scid  }
0x2: {  	s2 =	stileid.u32;
	s1 =	sand.u32 $0x1, s0  }
0x3: {  	s5 =	sshll.u32 s2, $0xC;
	s2 =	simm.s32 $0x0;
	s6 =	sshll.u32 s1, $0xB  }
0x4: {  	[smem:$0x7FF] =	sst s2;
	s0 =	sor.u32 s6, s5  }
0x5: {  	s7 =	simm.s32 $0x1000;
	s4 =	sshrl.u32 s0, $0x3;
	s0 =	rddreg [dreg:$0x0]  }
0x6: {  	s8 =	simm.s32 $0x1400;
	_ =	strace $0x8000004D;
	[dreg:$0x3] =	wrdreg s7  }
0x7: {  	s9 =	simm.s32 $0x1C00;
	[dreg:$0x4] =	wrdreg s8  }
0x8: {  	s10 =	simm.s32 $0x2000;
	[dreg:$0x5] =	wrdreg s9  }
0x9: {  	s11 =	simm.s32 $0x2800;
	[dreg:$0x6] =	wrdreg s10  }
0xa: {  	s12 =	simm.s32 $0x2C00;
	[dreg:$0x7] =	wrdreg s11  }
0xb: {  	s13 =	simm.s32 $0x3400;
	[dreg:$0x8] =	wrdreg s12  }
0xc: {  	s14 =	simm.s32 $0x3800;
	[dreg:$0x9] =	wrdreg s13  }
0xd: {  	s15 =	simm.s32 $0x4000;
	[dreg:$0xa] =	wrdreg s14  }
0xe: {  	s16 =	simm.s32 $0x4400;
	[dreg:$0xb] =	wrdreg s15  }
0xf: {  	s17 =	simm.s32 $0x4C00;
	[dreg:$0xc] =	wrdreg s16  }
0x10: {  	s18 =	simm.s32 $0x5000;
	[dreg:$0xd] =	wrdreg s17  }
0x11: {  	s19 =	simm.s32 $0x5800;
	[dreg:$0xe] =	wrdreg s18  }
0x12: {  	s20 =	simm.s32 $0x5C00;
	[dreg:$0xf] =	wrdreg s19  }
0x13: {  	s21 =	simm.s32 $0x6400;
	[dreg:$0x10] =	wrdreg s20  }
0x14: {  	s22 =	simm.s32 $0x6800;
	[dreg:$0x11] =	wrdreg s21  }
0x15: {  	s23 =	simm.s32 $0x7000;
	[dreg:$0x12] =	wrdreg s22  }
0x16: {  	s24 =	simm.s32 $0x7400;
	[dreg:$0x13] =	wrdreg s23  }
0x17: {  	s25 =	simm.s32 $0x7C00;
	[dreg:$0x14] =	wrdreg s24  }
0x18: {  	s26 =	simm.s32 $0x8000;
	[dreg:$0x15] =	wrdreg s25  }
0x19: {  	s5 =	simm.s32 $0x8800;
	[dreg:$0x16] =	wrdreg s26  }
0x1a: {  	s6 =	simm.s32 $0x8C00;
	[dreg:$0x17] =	wrdreg s5  }
0x1b: {  	[dreg:$0x18] =	wrdreg s6;
	s7 =	simm.s32 $0x9400  }
0x1c: {  	s8 =	simm.s32 $0x9800;
	[dreg:$0x19] =	wrdreg s7  }
0x1d: {  	s9 =	simm.s32 $0xA000;
	[dreg:$0x1a] =	wrdreg s8  }
0x1e: {  	s10 =	simm.s32 $0xA400;
	[dreg:$0x1b] =	wrdreg s9  }
0x1f: {  	s11 =	simm.s32 $0xAC00;
	[dreg:$0x1c] =	wrdreg s10  }
0x20: {  	s12 =	simm.s32 $0xB000;
	[dreg:$0x1d] =	wrdreg s11  }
0x21: {  	s13 =	simm.s32 $0xB800;
	[dreg:$0x1e] =	wrdreg s12  }
0x22: {  	s14 =	simm.s32 $0xBC00;
	[dreg:$0x1f] =	wrdreg s13  }
0x23: {  	s15 =	simm.s32 $0xC400;
	[smem:$0x7EE] =	sst s14  }
0x24: {  	s28 =	simm.s32 $0x17C00;
	s16 =	simm.s32 $0xC800;
	[smem:$0x7EF] =	sst s15  }
0x25: {  	s29 =	simm.s32 $0x18400;
	s17 =	simm.s32 $0xD000;
	[smem:$0x7F0] =	sst s16  }
0x26: {  	s30 =	simm.s32 $0x1;
	s5 =	simm.s32 $0xD400;
	[smem:$0x7F1] =	sst s17  }
0x27: {  	s31 =	simm.s32 $0x0;
	s18 =	simm.s32 $0xDC00;
	[smem:$0x7F2] =	sst s5  }
0x28: {  	s1 =	ssub.s32 $0x2, s1;
	s19 =	simm.s32 $0xE000;
	[smem:$0x7F3] =	sst s18  }
0x29: {  	s20 =	simm.s32 $0xE800;
	s6 =	sshrl.u32 s1, $0x1;
	[smem:$0x7F4] =	sst s19  }
0x2a: {  	s21 =	simm.s32 $0xEC00;
	s22 =	simm.s32 $0xF400;
	[smem:$0x7F5] =	sst s20  }
0x2b: {  	s23 =	simm.s32 $0xF800;
	s24 =	simm.s32 $0x10000;
	[smem:$0x7F6] =	sst s21  }
0x2c: {  	s25 =	simm.s32 $0x10400;
	s26 =	simm.s32 $0x10C00;
	[smem:$0x7F8] =	sst s22  }
0x2d: {  	s3 =	smul.u32 $0x180, s4;
	s4 =	sadd.s32 s4, s0;
	[smem:$0x7F9] =	sst s23  }
0x2e: {  	s1 =	ssub.s32 s1, s6;
	s5 =	sadd.s32 $0x8700, s0;
	[smem:$0x7FB] =	sst s24  }
0x2f: {  	s7 =	simm.s32 $0x2;
	[smem:$0x7FC] =	sst s25;
	s8 =	simm.s32 $0x800  }
0x30: {  	[smem:$0x7FD] =	sst s26;
	s9 =	simm.s32 $0x11000;
	s10 =	simm.s32 $0x11800  }
0x31: {  	s11 =	simm.s32 $0x11C00;
	s12 =	simm.s32 $0x12400;
	s13 =	simm.s32 $0x12800  }
0x32: {  	s14 =	simm.s32 $0x13000;
	s15 =	simm.s32 $0x13400;
	s16 =	simm.s32 $0x13C00  }
0x33: {  	s17 =	simm.s32 $0x14000;
	s18 =	simm.s32 $0x14800;
	s19 =	simm.s32 $0x14C00  }
0x34: {  	s20 =	simm.s32 $0x15400;
	s21 =	simm.s32 $0x15800;
	s22 =	simm.s32 $0x16000  }
0x35: {  	s23 =	simm.s32 $0x16400;
	s24 =	simm.s32 $0x16C00;
	s4 =	sadd.s32 $0x50600, s4  }
0x36: {  	v2 =	vlaneseq.u32;
	s1 =	smax.u32 s1, $0x1;
	s3 =	sadd.s32 s3, s0;
	[smem:$0x7F7] =	sst s4  }
0x37: {  	vm0 =	vmmov $0xffff;
	vm1 =	vmmov $0xff;
	v1 =	vshrl.u32 v2, $0x3;
	s25 =	simm.s32 $0x17000;
	[smem:$0x7FA] =	sst s1;
	s3 =	sadd.s32 $0x52600, s3  }
0x38: {  	v0 =	vand.u32 $0x7, v2;
	v2 =	vor.u32 $0x8, v2;
	v1 =	vmul.u32 $0x8, v1;
	s26 =	simm.s32 $0x17800;
	[dreg:$0x2] =	wrdreg s3;
	s3 =	sadd.s32 $0x8600, s0  }
.LBB2_1:
0x39: {  	s0 =	sld [smem:$0x7F7];
	_ =	sdelay $0x2  }
0x3a: {  	[tilespmem:s2], [sflag:$0x2] =	stream.linear.gather [hbm4b:s0+s2], $0x800, $0x38;
	[tilespmem:$0x18800] =	vst v63  }
0x3b: {  	_ =	swait.ge [sflag:s7], $0x800  }
0x3c: {  	[sflag:s7] =	ssyncset.done $0x0  }
0x3d: {  	s1 =	simm.s32 $0x80;
	s0 =	simm.s32 $0x0;
	[sflag:s7] =	ssyncadd.s32 $0xFFFFF800  }
.LBB2_2:
0x3e: {  	v3 =	vld [tilespmem:s1+$0xFFFFFF80];
	_ =	sdelay $0x4  }
0x3f: {  	v4 =	vshrl.u32 v3, $0x3  }
0x40: {  	v4 =	vmul.u32 $0x18, v4  }
0x41: {  	v3 =	vand.u32 $0x7, v3  }
0x42: {  	v3 =	vor.u32 v3, v4  }
0x43: {  	v4 =	vperm.xlane v3, v0;
	_ =	sdelay $0x1  }
0x44: {  	v4 =	vadd.s32 v1, v4;
	_ =	sdelay $0x1  }
0x45: {  	v3 =	vperm.xlane v3, v2;
	_ =	sdelay $0x1  }
0x46: {  	v3 =	vadd.s32 v1, v3  }
0x47: {  	[tilespmem:s8], [sflag:$0x1] =	stream.indirect_vreg.gather [hbm4b:s3+s2], $0x80, v4, vm0, $0xb8;
	[tilespmem:$0x18800] =	vst v63  }
0x48: {  	s4 =	rddreg [dreg:$0x3]  }
0x49: {  	[tilespmem:s4], [sflag:$0x1] =	stream.indirect_vreg.gather [hbm4b:s5+s2], $0x80, v4, vm1, $0xb8;
	[tilespmem:$0x18800] =	vst v63  }
0x4a: {  	s6 =	rddreg [dreg:$0x4]  }
0x4b: {  	[tilespmem:s6], [sflag:$0x1] =	stream.indirect_vreg.gather [hbm4b:s3+s2], $0x80, v3, vm0, $0xb8;
	[tilespmem:$0x18800] =	vst v63  }
0x4c: {  	s4 =	rddreg [dreg:$0x5]  }
0x4d: {  	[tilespmem:s4], [sflag:$0x1] =	stream.indirect_vreg.gather [hbm4b:s5+s2], $0x80, v3, vm1, $0xb8;
	[tilespmem:$0x18800] =	vst v63  }
0x4e: {  	v3 =	vld [tilespmem:s1+$0xFFFFFF90];
	_ =	sdelay $0x4  }
0x4f: {  	v49 =	vshrl.u32 v3, $0x3  }
0x50: {  	v4 =	vmul.u32 $0x18, v49  }
0x51: {  	v3 =	vand.u32 $0x7, v3  }
0x52: {  	v3 =	vor.u32 v3, v4  }
0x53: {  	v4 =	vperm.xlane v3, v0;
	_ =	sdelay $0x1  }
0x54: {  	v4 =	vadd.s32 v1, v4;
	_ =	sdelay $0x1  }
0x55: {  	v3 =	vperm.xlane v3, v2;
	_ =	sdelay $0x1  }
0x56: {  	s4 =	rddreg [dreg:$0x6];
	v3 =	vadd.s32 v1, v3  }
0x57: {  	[tilespmem:s4], [sflag:$0x1] =	stream.indirect_vreg.gather [hbm4b:s3+s2], $0x80, v4, vm0, $0xb8;
	[tilespmem:$0x18800] =	vst v63  }
0x58: {  	s6 =	rddreg [dreg:$0x7]  }
0x59: {  	[tilespmem:s6], [sflag:$0x1] =	stream.indirect_vreg.gather [hbm4b:s5+s2], $0x80, v4, vm1, $0xb8;
	[tilespmem:$0x18800] =	vst v63  }
0x5a: {  	s4 =	rddreg [dreg:$0x8]  }
0x5b: {  	[tilespmem:s4], [sflag:$0x1] =	stream.indirect_vreg.gather [hbm4b:s3+s2], $0x80, v3, vm0, $0xb8;
	[tilespmem:$0x18800] =	vst v63  }
0x5c: {  	s6 =	rddreg [dreg:$0x9]  }
0x5d: {  	[tilespmem:s6], [sflag:$0x1] =	stream.indirect_vreg.gather [hbm4b:s5+s2], $0x80, v3, vm1, $0xb8;
	[tilespmem:$0x18800] =	vst v63  }
0x5e: {  	v3 =	vld [tilespmem:s1+$0xFFFFFFA0];
	_ =	sdelay $0x4  }
0x5f: {  	v50 =	vshrl.u32 v3, $0x3  }
0x60: {  	v4 =	vmul.u32 $0x18, v50  }
0x61: {  	v3 =	vand.u32 $0x7, v3  }
0x62: {  	v3 =	vor.u32 v3, v4  }
0x63: {  	v4 =	vperm.xlane v3, v0;
	_ =	sdelay $0x1  }
0x64: {  	v4 =	vadd.s32 v1, v4;
	_ =	sdelay $0x1  }
0x65: {  	v3 =	vperm.xlane v3, v2;
	_ =	sdelay $0x1  }
0x66: {  	s4 =	rddreg [dreg:$0xa];
	v3 =	vadd.s32 v1, v3  }
0x67: {  	[tilespmem:s4], [sflag:$0x1] =	stream.indirect_vreg.gather [hbm4b:s3+s2], $0x80, v4, vm0, $0xb8;
	[tilespmem:$0x18800] =	vst v63  }
0x68: {  	s6 =	rddreg [dreg:$0xb]  }
0x69: {  	[tilespmem:s6], [sflag:$0x1] =	stream.indirect_vreg.gather [hbm4b:s5+s2], $0x80, v4, vm1, $0xb8;
	[tilespmem:$0x18800] =	vst v63  }
0x6a: {  	s4 =	rddreg [dreg:$0xc]  }
0x6b: {  	[tilespmem:s4], [sflag:$0x1] =	stream.indirect_vreg.gather [hbm4b:s3+s2], $0x80, v3, vm0, $0xb8;
	[tilespmem:$0x18800] =	vst v63  }
0x6c: {  	s6 =	rddreg [dreg:$0xd]  }
0x6d: {  	[tilespmem:s6], [sflag:$0x1] =	stream.indirect_vreg.gather [hbm4b:s5+s2], $0x80, v3, vm1, $0xb8;
	[tilespmem:$0x18800] =	vst v63  }
0x6e: {  	v3 =	vld [tilespmem:s1+$0xFFFFFFB0];
	_ =	sdelay $0x4  }
0x6f: {  	v51 =	vshrl.u32 v3, $0x3  }
0x70: {  	v4 =	vmul.u32 $0x18, v51  }
0x71: {  	v3 =	vand.u32 $0x7, v3  }
0x72: {  	v3 =	vor.u32 v3, v4  }
0x73: {  	v4 =	vperm.xlane v3, v0;
	_ =	sdelay $0x1  }
0x74: {  	v4 =	vadd.s32 v1, v4;
	_ =	sdelay $0x1  }
0x75: {  	v3 =	vperm.xlane v3, v2;
	_ =	sdelay $0x1  }
0x76: {  	s4 =	rddreg [dreg:$0xe];
	v3 =	vadd.s32 v1, v3  }
0x77: {  	[tilespmem:s4], [sflag:$0x1] =	stream.indirect_vreg.gather [hbm4b:s3+s2], $0x80, v4, vm0, $0xb8;
	[tilespmem:$0x18800] =	vst v63  }
0x78: {  	s6 =	rddreg [dreg:$0xf]  }
0x79: {  	[tilespmem:s6], [sflag:$0x1] =	stream.indirect_vreg.gather [hbm4b:s5+s2], $0x80, v4, vm1, $0xb8;
	[tilespmem:$0x18800] =	vst v63  }
0x7a: {  	s4 =	rddreg [dreg:$0x10]  }
0x7b: {  	[tilespmem:s4], [sflag:$0x1] =	stream.indirect_vreg.gather [hbm4b:s3+s2], $0x80, v3, vm0, $0xb8;
	[tilespmem:$0x18800] =	vst v63  }
0x7c: {  	s6 =	rddreg [dreg:$0x11]  }
0x7d: {  	[tilespmem:s6], [sflag:$0x1] =	stream.indirect_vreg.gather [hbm4b:s5+s2], $0x80, v3, vm1, $0xb8;
	[tilespmem:$0x18800] =	vst v63  }
0x7e: {  	v3 =	vld [tilespmem:s1+$0xFFFFFFC0];
	_ =	sdelay $0x4  }
0x7f: {  	v52 =	vshrl.u32 v3, $0x3  }
0x80: {  	v4 =	vmul.u32 $0x18, v52  }
0x81: {  	v3 =	vand.u32 $0x7, v3  }
0x82: {  	v3 =	vor.u32 v3, v4  }
0x83: {  	v4 =	vperm.xlane v3, v0;
	_ =	sdelay $0x1  }
0x84: {  	v4 =	vadd.s32 v1, v4;
	_ =	sdelay $0x1  }
0x85: {  	v3 =	vperm.xlane v3, v2;
	_ =	sdelay $0x1  }
0x86: {  	s4 =	rddreg [dreg:$0x12];
	v3 =	vadd.s32 v1, v3  }
0x87: {  	[tilespmem:s4], [sflag:$0x1] =	stream.indirect_vreg.gather [hbm4b:s3+s2], $0x80, v4, vm0, $0xb8;
	[tilespmem:$0x18800] =	vst v63  }
0x88: {  	s6 =	rddreg [dreg:$0x13]  }
0x89: {  	[tilespmem:s6], [sflag:$0x1] =	stream.indirect_vreg.gather [hbm4b:s5+s2], $0x80, v4, vm1, $0xb8;
	[tilespmem:$0x18800] =	vst v63  }
0x8a: {  	s4 =	rddreg [dreg:$0x14]  }
0x8b: {  	[tilespmem:s4], [sflag:$0x1] =	stream.indirect_vreg.gather [hbm4b:s3+s2], $0x80, v3, vm0, $0xb8;
	[tilespmem:$0x18800] =	vst v63  }
0x8c: {  	s6 =	rddreg [dreg:$0x15]  }
0x8d: {  	[tilespmem:s6], [sflag:$0x1] =	stream.indirect_vreg.gather [hbm4b:s5+s2], $0x80, v3, vm1, $0xb8;
	[tilespmem:$0x18800] =	vst v63  }
0x8e: {  	v3 =	vld [tilespmem:s1+$0xFFFFFFD0];
	_ =	sdelay $0x4  }
0x8f: {  	v53 =	vshrl.u32 v3, $0x3  }
0x90: {  	v4 =	vmul.u32 $0x18, v53  }
0x91: {  	v3 =	vand.u32 $0x7, v3  }
0x92: {  	v3 =	vor.u32 v3, v4  }
0x93: {  	v4 =	vperm.xlane v3, v0;
	_ =	sdelay $0x1  }
0x94: {  	v4 =	vadd.s32 v1, v4;
	_ =	sdelay $0x1  }
0x95: {  	v3 =	vperm.xlane v3, v2;
	_ =	sdelay $0x1  }
0x96: {  	s4 =	rddreg [dreg:$0x16];
	v3 =	vadd.s32 v1, v3  }
0x97: {  	[tilespmem:s4], [sflag:$0x1] =	stream.indirect_vreg.gather [hbm4b:s3+s2], $0x80, v4, vm0, $0xb8;
	[tilespmem:$0x18800] =	vst v63  }
0x98: {  	s6 =	rddreg [dreg:$0x17]  }
0x99: {  	[tilespmem:s6], [sflag:$0x1] =	stream.indirect_vreg.gather [hbm4b:s5+s2], $0x80, v4, vm1, $0xb8;
	[tilespmem:$0x18800] =	vst v63  }
0x9a: {  	s4 =	rddreg [dreg:$0x18]  }
0x9b: {  	[tilespmem:s4], [sflag:$0x1] =	stream.indirect_vreg.gather [hbm4b:s3+s2], $0x80, v3, vm0, $0xb8;
	[tilespmem:$0x18800] =	vst v63  }
0x9c: {  	s6 =	rddreg [dreg:$0x19]  }
0x9d: {  	[tilespmem:s6], [sflag:$0x1] =	stream.indirect_vreg.gather [hbm4b:s5+s2], $0x80, v3, vm1, $0xb8;
	[tilespmem:$0x18800] =	vst v63  }
0x9e: {  	v3 =	vld [tilespmem:s1+$0xFFFFFFE0];
	_ =	sdelay $0x4  }
0x9f: {  	v54 =	vshrl.u32 v3, $0x3  }
0xa0: {  	v4 =	vmul.u32 $0x18, v54  }
0xa1: {  	v3 =	vand.u32 $0x7, v3  }
0xa2: {  	v3 =	vor.u32 v3, v4  }
0xa3: {  	v4 =	vperm.xlane v3, v0;
	_ =	sdelay $0x1  }
0xa4: {  	v4 =	vadd.s32 v1, v4;
	_ =	sdelay $0x1  }
0xa5: {  	v3 =	vperm.xlane v3, v2;
	_ =	sdelay $0x1  }
0xa6: {  	s4 =	rddreg [dreg:$0x1a];
	v3 =	vadd.s32 v1, v3  }
0xa7: {  	[tilespmem:s4], [sflag:$0x1] =	stream.indirect_vreg.gather [hbm4b:s3+s2], $0x80, v4, vm0, $0xb8;
	[tilespmem:$0x18800] =	vst v63  }
0xa8: {  	s6 =	rddreg [dreg:$0x1b]  }
0xa9: {  	[tilespmem:s6], [sflag:$0x1] =	stream.indirect_vreg.gather [hbm4b:s5+s2], $0x80, v4, vm1, $0xb8;
	[tilespmem:$0x18800] =	vst v63  }
0xaa: {  	s4 =	rddreg [dreg:$0x1c]  }
0xab: {  	[tilespmem:s4], [sflag:$0x1] =	stream.indirect_vreg.gather [hbm4b:s3+s2], $0x80, v3, vm0, $0xb8;
	[tilespmem:$0x18800] =	vst v63  }
0xac: {  	s6 =	rddreg [dreg:$0x1d]  }
0xad: {  	[tilespmem:s6], [sflag:$0x1] =	stream.indirect_vreg.gather [hbm4b:s5+s2], $0x80, v3, vm1, $0xb8;
	[tilespmem:$0x18800] =	vst v63  }
0xae: {  	v3 =	vld [tilespmem:s1+$0xFFFFFFF0];
	_ =	sdelay $0x4  }
0xaf: {  	v55 =	vshrl.u32 v3, $0x3  }
0xb0: {  	v4 =	vmul.u32 $0x18, v55  }
0xb1: {  	v3 =	vand.u32 $0x7, v3  }
0xb2: {  	v3 =	vor.u32 v3, v4  }
0xb3: {  	v4 =	vperm.xlane v3, v0;
	_ =	sdelay $0x1  }
0xb4: {  	v4 =	vadd.s32 v1, v4;
	_ =	sdelay $0x1  }
0xb5: {  	v3 =	vperm.xlane v3, v2  }
0xb6: {  	s4 =	rddreg [dreg:$0x1e]  }
0xb7: {  	s6 =	rddreg [dreg:$0x1f];
	v3 =	vadd.s32 v1, v3  }
0xb8: {  	[tilespmem:s4], [sflag:$0x1] =	stream.indirect_vreg.gather [hbm4b:s3+s2], $0x80, v4, vm0, $0xb8;
	[tilespmem:$0x18800] =	vst v63  }
0xb9: {  	s4 =	sld [smem:$0x7EE]  }
0xba: {  	[tilespmem:s6], [sflag:$0x1] =	stream.indirect_vreg.gather [hbm4b:s5+s2], $0x80, v4, vm1, $0xb8;
	[tilespmem:$0x18800] =	vst v63  }
0xbb: {  	s6 =	sld [smem:$0x7EF]  }
0xbc: {  	[tilespmem:s4], [sflag:$0x1] =	stream.indirect_vreg.gather [hbm4b:s3+s2], $0x80, v3, vm0, $0xb8;
	[tilespmem:$0x18800] =	vst v63  }
0xbd: {  	_ = 	snop  }
0xbe: {  	[tilespmem:s6], [sflag:$0x1] =	stream.indirect_vreg.gather [hbm4b:s5+s2], $0x80, v3, vm1, $0xb8;
	[tilespmem:$0x18800] =	vst v63  }
0xbf: {  	v3 =	vld [tilespmem:s1+$0x0];
	_ =	sdelay $0x4  }
0xc0: {  	v56 =	vshrl.u32 v3, $0x3  }
0xc1: {  	v4 =	vmul.u32 $0x18, v56  }
0xc2: {  	v3 =	vand.u32 $0x7, v3  }
0xc3: {  	v3 =	vor.u32 v3, v4  }
0xc4: {  	v4 =	vperm.xlane v3, v0;
	_ =	sdelay $0x1  }
0xc5: {  	v4 =	vadd.s32 v1, v4;
	_ =	sdelay $0x1  }
0xc6: {  	s4 =	sld [smem:$0x7F0];
	v3 =	vperm.xlane v3, v2;
	_ =	sdelay $0x1  }
0xc7: {  	s6 =	sld [smem:$0x7F1];
	v3 =	vadd.s32 v1, v3  }
0xc8: {  	[tilespmem:s4], [sflag:$0x1] =	stream.indirect_vreg.gather [hbm4b:s3+s2], $0x80, v4, vm0, $0xb8;
	[tilespmem:$0x18800] =	vst v63  }
0xc9: {  	s4 =	sld [smem:$0x7F2]  }
0xca: {  	[tilespmem:s6], [sflag:$0x1] =	stream.indirect_vreg.gather [hbm4b:s5+s2], $0x80, v4, vm1, $0xb8;
	[tilespmem:$0x18800] =	vst v63  }
0xcb: {  	s6 =	sld [smem:$0x7F3]  }
0xcc: {  	[tilespmem:s4], [sflag:$0x1] =	stream.indirect_vreg.gather [hbm4b:s3+s2], $0x80, v3, vm0, $0xb8;
	[tilespmem:$0x18800] =	vst v63  }
0xcd: {  	_ = 	snop  }
0xce: {  	[tilespmem:s6], [sflag:$0x1] =	stream.indirect_vreg.gather [hbm4b:s5+s2], $0x80, v3, vm1, $0xb8;
	[tilespmem:$0x18800] =	vst v63  }
0xcf: {  	v3 =	vld [tilespmem:s1+$0x10];
	_ =	sdelay $0x4  }
0xd0: {  	v57 =	vshrl.u32 v3, $0x3  }
0xd1: {  	v4 =	vmul.u32 $0x18, v57  }
0xd2: {  	v3 =	vand.u32 $0x7, v3  }
0xd3: {  	v3 =	vor.u32 v3, v4  }
0xd4: {  	v4 =	vperm.xlane v3, v0;
	_ =	sdelay $0x1  }
0xd5: {  	v4 =	vadd.s32 v1, v4;
	_ =	sdelay $0x1  }
0xd6: {  	s4 =	sld [smem:$0x7F4];
	v3 =	vperm.xlane v3, v2;
	_ =	sdelay $0x1  }
0xd7: {  	s6 =	sld [smem:$0x7F5];
	v3 =	vadd.s32 v1, v3  }
0xd8: {  	[tilespmem:s4], [sflag:$0x1] =	stream.indirect_vreg.gather [hbm4b:s3+s2], $0x80, v4, vm0, $0xb8;
	[tilespmem:$0x18800] =	vst v63  }
0xd9: {  	s4 =	sld [smem:$0x7F6]  }
0xda: {  	[tilespmem:s6], [sflag:$0x1] =	stream.indirect_vreg.gather [hbm4b:s5+s2], $0x80, v4, vm1, $0xb8;
	[tilespmem:$0x18800] =	vst v63  }
0xdb: {  	s6 =	sld [smem:$0x7F8]  }
0xdc: {  	[tilespmem:s4], [sflag:$0x1] =	stream.indirect_vreg.gather [hbm4b:s3+s2], $0x80, v3, vm0, $0xb8;
	[tilespmem:$0x18800] =	vst v63  }
0xdd: {  	_ = 	snop  }
0xde: {  	[tilespmem:s6], [sflag:$0x1] =	stream.indirect_vreg.gather [hbm4b:s5+s2], $0x80, v3, vm1, $0xb8;
	[tilespmem:$0x18800] =	vst v63  }
0xdf: {  	v3 =	vld [tilespmem:s1+$0x20];
	_ =	sdelay $0x4  }
0xe0: {  	v58 =	vshrl.u32 v3, $0x3  }
0xe1: {  	v4 =	vmul.u32 $0x18, v58  }
0xe2: {  	v3 =	vand.u32 $0x7, v3  }
0xe3: {  	v3 =	vor.u32 v3, v4  }
0xe4: {  	v4 =	vperm.xlane v3, v0;
	_ =	sdelay $0x1  }
0xe5: {  	v4 =	vadd.s32 v1, v4;
	_ =	sdelay $0x1  }
0xe6: {  	s4 =	sld [smem:$0x7F9];
	v3 =	vperm.xlane v3, v2;
	_ =	sdelay $0x1  }
0xe7: {  	s6 =	sld [smem:$0x7FB];
	v3 =	vadd.s32 v1, v3  }
0xe8: {  	[tilespmem:s4], [sflag:$0x1] =	stream.indirect_vreg.gather [hbm4b:s3+s2], $0x80, v4, vm0, $0xb8;
	[tilespmem:$0x18800] =	vst v63  }
0xe9: {  	s4 =	sld [smem:$0x7FC]  }
0xea: {  	[tilespmem:s6], [sflag:$0x1] =	stream.indirect_vreg.gather [hbm4b:s5+s2], $0x80, v4, vm1, $0xb8;
	[tilespmem:$0x18800] =	vst v63  }
0xeb: {  	s6 =	sld [smem:$0x7FD]  }
0xec: {  	[tilespmem:s4], [sflag:$0x1] =	stream.indirect_vreg.gather [hbm4b:s3+s2], $0x80, v3, vm0, $0xb8;
	[tilespmem:$0x18800] =	vst v63  }
0xed: {  	_ = 	snop  }
0xee: {  	[tilespmem:s6], [sflag:$0x1] =	stream.indirect_vreg.gather [hbm4b:s5+s2], $0x80, v3, vm1, $0xb8;
	[tilespmem:$0x18800] =	vst v63  }
0xef: {  	v3 =	vld [tilespmem:s1+$0x30];
	_ =	sdelay $0x4  }
0xf0: {  	v59 =	vshrl.u32 v3, $0x3  }
0xf1: {  	v4 =	vmul.u32 $0x18, v59  }
0xf2: {  	v3 =	vand.u32 $0x7, v3  }
0xf3: {  	v3 =	vor.u32 v3, v4  }
0xf4: {  	v4 =	vperm.xlane v3, v0;
	_ =	sdelay $0x1  }
0xf5: {  	v4 =	vadd.s32 v1, v4;
	_ =	sdelay $0x1  }
0xf6: {  	v3 =	vperm.xlane v3, v2;
	_ =	sdelay $0x1  }
0xf7: {  	v3 =	vadd.s32 v1, v3  }
0xf8: {  	[tilespmem:s9], [sflag:$0x1] =	stream.indirect_vreg.gather [hbm4b:s3+s2], $0x80, v4, vm0, $0xb8;
	[tilespmem:$0x18800] =	vst v63  }
0xf9: {  	_ = 	snop  }
0xfa: {  	[tilespmem:s10], [sflag:$0x1] =	stream.indirect_vreg.gather [hbm4b:s5+s2], $0x80, v4, vm1, $0xb8;
	[tilespmem:$0x18800] =	vst v63  }
0xfb: {  	_ = 	snop  }
0xfc: {  	[tilespmem:s11], [sflag:$0x1] =	stream.indirect_vreg.gather [hbm4b:s3+s2], $0x80, v3, vm0, $0xb8;
	[tilespmem:$0x18800] =	vst v63  }
0xfd: {  	_ = 	snop  }
0xfe: {  	[tilespmem:s12], [sflag:$0x1] =	stream.indirect_vreg.gather [hbm4b:s5+s2], $0x80, v3, vm1, $0xb8;
	[tilespmem:$0x18800] =	vst v63  }
0xff: {  	v3 =	vld [tilespmem:s1+$0x40];
	_ =	sdelay $0x4  }
0x100: {  	v60 =	vshrl.u32 v3, $0x3  }
0x101: {  	v4 =	vmul.u32 $0x18, v60  }
0x102: {  	v3 =	vand.u32 $0x7, v3  }
0x103: {  	v3 =	vor.u32 v3, v4  }
0x104: {  	v4 =	vperm.xlane v3, v0;
	_ =	sdelay $0x1  }
0x105: {  	v4 =	vadd.s32 v1, v4;
	_ =	sdelay $0x1  }
0x106: {  	v3 =	vperm.xlane v3, v2;
	_ =	sdelay $0x1  }
0x107: {  	v3 =	vadd.s32 v1, v3  }
0x108: {  	[tilespmem:s13], [sflag:$0x1] =	stream.indirect_vreg.gather [hbm4b:s3+s2], $0x80, v4, vm0, $0xb8;
	[tilespmem:$0x18800] =	vst v63  }
0x109: {  	_ = 	snop  }
0x10a: {  	[tilespmem:s14], [sflag:$0x1] =	stream.indirect_vreg.gather [hbm4b:s5+s2], $0x80, v4, vm1, $0xb8;
	[tilespmem:$0x18800] =	vst v63  }
0x10b: {  	_ = 	snop  }
0x10c: {  	[tilespmem:s15], [sflag:$0x1] =	stream.indirect_vreg.gather [hbm4b:s3+s2], $0x80, v3, vm0, $0xb8;
	[tilespmem:$0x18800] =	vst v63  }
0x10d: {  	_ = 	snop  }
0x10e: {  	[tilespmem:s16], [sflag:$0x1] =	stream.indirect_vreg.gather [hbm4b:s5+s2], $0x80, v3, vm1, $0xb8;
	[tilespmem:$0x18800] =	vst v63  }
0x10f: {  	v3 =	vld [tilespmem:s1+$0x50];
	_ =	sdelay $0x4  }
0x110: {  	v61 =	vshrl.u32 v3, $0x3  }
0x111: {  	v4 =	vmul.u32 $0x18, v61  }
0x112: {  	v3 =	vand.u32 $0x7, v3  }
0x113: {  	v3 =	vor.u32 v3, v4  }
0x114: {  	v4 =	vperm.xlane v3, v0;
	_ =	sdelay $0x1  }
0x115: {  	v4 =	vadd.s32 v1, v4;
	_ =	sdelay $0x1  }
0x116: {  	v3 =	vperm.xlane v3, v2;
	_ =	sdelay $0x1  }
0x117: {  	v3 =	vadd.s32 v1, v3  }
0x118: {  	[tilespmem:s17], [sflag:$0x1] =	stream.indirect_vreg.gather [hbm4b:s3+s2], $0x80, v4, vm0, $0xb8;
	[tilespmem:$0x18800] =	vst v63  }
0x119: {  	_ = 	snop  }
0x11a: {  	[tilespmem:s18], [sflag:$0x1] =	stream.indirect_vreg.gather [hbm4b:s5+s2], $0x80, v4, vm1, $0xb8;
	[tilespmem:$0x18800] =	vst v63  }
0x11b: {  	_ = 	snop  }
0x11c: {  	[tilespmem:s19], [sflag:$0x1] =	stream.indirect_vreg.gather [hbm4b:s3+s2], $0x80, v3, vm0, $0xb8;
	[tilespmem:$0x18800] =	vst v63  }
0x11d: {  	_ = 	snop  }
0x11e: {  	[tilespmem:s20], [sflag:$0x1] =	stream.indirect_vreg.gather [hbm4b:s5+s2], $0x80, v3, vm1, $0xb8;
	[tilespmem:$0x18800] =	vst v63  }
0x11f: {  	v3 =	vld [tilespmem:s1+$0x60];
	_ =	sdelay $0x4  }
0x120: {  	v62 =	vshrl.u32 v3, $0x3  }
0x121: {  	v4 =	vmul.u32 $0x18, v62  }
0x122: {  	v3 =	vand.u32 $0x7, v3  }
0x123: {  	v3 =	vor.u32 v3, v4  }
0x124: {  	v4 =	vperm.xlane v3, v0;
	_ =	sdelay $0x1  }
0x125: {  	v4 =	vadd.s32 v1, v4;
	_ =	sdelay $0x1  }
0x126: {  	v3 =	vperm.xlane v3, v2;
	_ =	sdelay $0x1  }
0x127: {  	v3 =	vadd.s32 v1, v3  }
0x128: {  	[tilespmem:s21], [sflag:$0x1] =	stream.indirect_vreg.gather [hbm4b:s3+s2], $0x80, v4, vm0, $0xb8;
	[tilespmem:$0x18800] =	vst v63  }
0x129: {  	_ = 	snop  }
0x12a: {  	[tilespmem:s22], [sflag:$0x1] =	stream.indirect_vreg.gather [hbm4b:s5+s2], $0x80, v4, vm1, $0xb8;
	[tilespmem:$0x18800] =	vst v63  }
0x12b: {  	_ = 	snop  }
0x12c: {  	[tilespmem:s23], [sflag:$0x1] =	stream.indirect_vreg.gather [hbm4b:s3+s2], $0x80, v3, vm0, $0xb8;
	[tilespmem:$0x18800] =	vst v63  }
0x12d: {  	_ = 	snop  }
0x12e: {  	[tilespmem:s24], [sflag:$0x1] =	stream.indirect_vreg.gather [hbm4b:s5+s2], $0x80, v3, vm1, $0xb8;
	[tilespmem:$0x18800] =	vst v63  }
0x12f: {  	v3 =	vld [tilespmem:s1+$0x70];
	_ =	sdelay $0x4  }
0x130: {  	v63 =	vshrl.u32 v3, $0x3  }
0x131: {  	v4 =	vmul.u32 $0x18, v63  }
0x132: {  	v3 =	vand.u32 $0x7, v3  }
0x133: {  	v3 =	vor.u32 v3, v4  }
0x134: {  	v4 =	vperm.xlane v3, v0;
	_ =	sdelay $0x1  }
0x135: {  	v4 =	vadd.s32 v1, v4;
	_ =	sdelay $0x1  }
0x136: {  	v3 =	vperm.xlane v3, v2;
	_ =	sdelay $0x1  }
0x137: {  	v3 =	vadd.s32 v1, v3  }
0x138: {  	[tilespmem:s25], [sflag:$0x1] =	stream.indirect_vreg.gather [hbm4b:s3+s2], $0x80, v4, vm0, $0xb8;
	[tilespmem:$0x18800] =	vst v63  }
0x139: {  	_ = 	snop  }
0x13a: {  	[tilespmem:s26], [sflag:$0x1] =	stream.indirect_vreg.gather [hbm4b:s5+s2], $0x80, v4, vm1, $0xb8;
	[tilespmem:$0x18800] =	vst v63  }
0x13b: {  	_ = 	snop  }
0x13c: {  	[tilespmem:s28], [sflag:$0x1] =	stream.indirect_vreg.gather [hbm4b:s3+s2], $0x80, v3, vm0, $0xb8;
	[tilespmem:$0x18800] =	vst v63  }
0x13d: {  	_ = 	snop  }
0x13e: {  	[tilespmem:s29], [sflag:$0x1] =	stream.indirect_vreg.gather [hbm4b:s5+s2], $0x80, v3, vm1, $0xb8;
	[tilespmem:$0x18800] =	vst v63  }
0x13f: {  	_ =	swait.ge [sflag:s30], $0x18000  }
0x140: {  	p0 =	sne.s32 s0, $0x15000;
	s6 =	rddreg [dreg:$0x2];
	[sflag:s30] =	ssyncset.done $0x0  }
.Ltmp0:
0x141: {  	[sflag:s30] =	ssyncadd.s32 $0xFFFE8000;
	s4 =	sadd.s32 s0, s6;
	(pc) =	sbr.rel @p0 .LBB2_2-.Ltmp0, $4  }
0x142: {  	[hbm4b:s4+s2] =	stream.linear.scatter [tilespmem:s8], [sflag:$0x2], $0x18000, $0x38;
	[tilespmem:$0x18800] =	vst v63  }
0x143: {  	_ =	swait.ge [sflag:s7], $0x18000  }
0x144: {  	[sflag:s7] =	ssyncset.done $0x0  }
0x145: {  	s1 =	sadd.s32 $0x100, s1;
	s0 =	sadd.s32 $0x3000, s0;
	[sflag:s7] =	ssyncadd.s32 $0xFFFE8000  }
0x146: {  	s0 =	sld [smem:$0x7FA];
	_ =	sdelay $0x1  }
0x147: {  	s31 =	sadd.s32 $0x1, s31  }
0x148: {  	p0 =	sne.s32 s31, s0  }
.Ltmp1:
0x149: {  	_ = 	snop;
	(pc) =	sbr.rel @p0 .LBB2_1-.Ltmp1, $1  }
0x14a: {  	_ =	sdelay $0x3  }
0x14b: {  	_ =	sfence.sel $0x180000  }
0x14c: {  	[bflag:$0x0] =	sbarrier.arrive $0xFFFF  }
0x14d: {  	_ =	strace $0x9000004D  }
0x14e: {  	s0 =	stileid.u32;
	[bflag:$0x2] =	sbarrier.arrive $0xFFFF  }
0x14f: {  	p0 =	sne.s32 s0, $0x0;
	s0 =	rddreg [dreg:$0x1]  }
0x150: {  	s0 =	sadd.s32 @!p0 $0x100000, s0  }
0x151: {  	[sflag:s0] =	ssyncadd.tile.s32 @!p0 $0x1;
	_ =	shalt  }
.Lfunc_end2:
_tile_overlayer_lowered:
.L_overlay_start_2:
0x152: {  	(tag) =	ssettag $0x2  }
0x153: {  	s0 =	rddreg [dreg:$0x0];
	s2 =	stileid.u32  }
0x154: {  	s1 =	rddreg [dreg:$0x1];
	p0 =	sne.s32 s2, $0x0  }
0x155: {  	s3 =	rddreg [dreg:$0x2];
	[bflag:$0x3] =	sbarrier.arrive $0xFFFF;
	s2 =	simm.s32 @!p0 $0x1C02  }
0x156: {  	[timem:s3], [sflag:s2] =	dma.local @!p0 [hbm:s0], s1  }
0x157: {  	s0 =	simm.s32 @!p0 $0x2  }
0x158: {  	_ =	swait.ge @!p0 [sflag:s0], s1  }
0x159: {  	s1 =	ssub.s32 @!p0 $0x0, s1;
	[sflag:s0] =	ssyncset.done @!p0 $0x0  }
0x15a: {  	[sflag:s0] =	ssyncadd.s32 @!p0 s1  }
0x15b: {  	[bflag:$0x3] =	sbarrier.arrive $0xFFFF  }
0x15c: {  	_ =	shalt  }

// kernel: kernel.24.cloned.1.call-start
scs
__scs_entry_jumppad:
0x0: {  	(pc) =	sbr.rel $0x88, $3  }
0x1: {  	(tag) =	ssettag $0x0;
	lr =	simm.s32 $0x1  }
0x2: {  	[smem:$0x3F69] =	sst lr;
	_ =	strace $0xD0000000  }
0x3: {  	_ = 	snop  }
0x4: {  	_ = 	snop  }
0x5: {  	_ = 	snop  }
0x6: {  	_ = 	snop  }
0x7: {  	_ = 	snop  }
__scs_overlays_trampoline_lowered:
0x8: {  	[smem:$0x3F78] =	sst s0  }
0x9: {  	[smem:$0x3F79] =	sst s1  }
0xa: {  	[smem:$0x3F7A] =	sst s2  }
0xb: {  	[smem:$0x3F7B] =	sst s3  }
0xc: {  	[smem:$0x3F7C] =	sst s4  }
0xd: {  	[smem:$0x3F7D] =	sst s5  }
0xe: {  	[smem:$0x3F7E] =	sst s6  }
0xf: {  	[smem:$0x3F7F] =	sst s7  }
0x10: {  	[smem:$0x3F80] =	sst s8  }
0x11: {  	[smem:$0x3F81] =	sst s9;
	s0 =	simm.s32 @!p0 $0x0  }
0x12: {  	s1 =	sld [smem:$0x3F67];
	s0 =	simm.s32 @p0 $0x1  }
0x13: {  	[smem:$0x3F82] =	sst s0;
	s0 =	simm.s32 @!p1 $0x0  }
0x14: {  	s2 =	sld [smem:$0x3F66];
	s0 =	simm.s32 @p1 $0x1  }
0x15: {  	[smem:$0x3F83] =	sst s0;
	s0 =	simm.s32 @!p2 $0x0  }
0x16: {  	s3 =	sld [smem:$0x3FDB];
	s0 =	simm.s32 @p2 $0x1  }
0x17: {  	s4 =	simm.s32 $0x1BF5;
	[smem:$0x3F85] =	sst s0  }
0x18: {  	s0 =	sld [smem:$0x3F68];
	_ =	swait.ge [sflag:s4], $0x0  }
0x19: {  	s7 =	sld [smem:$0x3F69]  }
0x1a: {  	s8 =	sadd.s32 $0xFFFFE003, lr  }
0x1b: {  	s9 =	sadd.s32 $0xFFFFFEF7, lr;
	s5 =	simm.s32 $0xFFFFFFFF;
	p2 =	slt.u32 s8, $0xFFFFF086  }
0x1c: {  	p1 =	slt.u32 s9, $0xF7A;
	s5 =	simm.s32 @!p2 $0x0  }
0x1d: {  	s5 =	simm.s32 @p1 $0x1;
	p0 =	seq.s32 s7, s2  }
0x1e: {  	s7 =	smul.u32 @!p0 $0xF7A, s2;
	p2 =	seq.s32 @!p0 s5, $0x0  }
0x1f: {  	s9 =	smul.u32 $0xF7A, s1;
	s8 =	simm.s32 @!p0 $0x1BF5;
	p2 =	por !p2, p0  }
0x20: {  	[sflag:s8] =	ssyncset.s32 @!p0 $0xFFFFF086;
	s6 =	sadd.s32 @!p0 s3, s7;
	s7 =	simm.s32 @!p0 $0x108  }
0x21: {  	s3 =	sadd.s32 s3, s9;
	s6 =	sadd.s32 @!p0 $0x88, s6;
	s7 =	simm.s32 @p2 $0x1082  }
0x22: {  	[simem:s7], [sflag:s8] =	dma.local @!p0 [hbm:s6], $0xF7A  }
0x23: {  	s9 =	sor.u32 $0xD0000000, s2;
	s6 =	simm.s32 $0x108;
	_ =	swait.ge @!p0 [sflag:s8], $0x0  }
0x24: {  	s3 =	sadd.s32 $0x88, s3;
	s6 =	simm.s32 @!p1 $0x1082;
	[sflag:s4] =	ssyncset.s32 $0xFFFFF086  }
0x25: {  	[simem:s6], [sflag:s4] =	dma.local [hbm:s3], $0xF7A  }
0x26: {  	[smem:$0x3F69] =	sst s1;
	(tag) =	ssettag s2;
	_ =	strace s9  }
0x27: {  	s1 =	sld [smem:$0x3F79]  }
0x28: {  	s2 =	sld [smem:$0x3F7A]  }
0x29: {  	s4 =	sld [smem:$0x3F7C]  }
0x2a: {  	p0 =	seq.s32 s5, $0x0;
	s5 =	sld [smem:$0x3F7D]  }
0x2b: {  	s6 =	sld [smem:$0x3F7E]  }
0x2c: {  	s7 =	sld [smem:$0x3F7F]  }
0x2d: {  	s3 =	simm.s32 $0x108;
	s8 =	sld [smem:$0x3F80]  }
0x2e: {  	s3 =	simm.s32 @!p0 $0x1082;
	s9 =	sld [smem:$0x3F81]  }
0x2f: {  	lr =	sadd.s32 s0, s3;
	s0 =	sld [smem:$0x3F78]  }
0x30: {  	s3 =	sld [smem:$0x3F7B]  }
0x31: {  	[smem:$0x3F84] =	sst s10  }
0x32: {  	s10 =	sld [smem:$0x3F82];
	_ =	sdelay $0x3  }
0x33: {  	p0 =	seq.s32 s10, $0x1;
	s10 =	sld [smem:$0x3F84];
	_ =	sdelay $0x3  }
0x34: {  	[smem:$0x3F84] =	sst s10  }
0x35: {  	s10 =	sld [smem:$0x3F83];
	_ =	sdelay $0x3  }
0x36: {  	p1 =	seq.s32 s10, $0x1;
	s10 =	sld [smem:$0x3F84];
	_ =	sdelay $0x3  }
0x37: {  	[smem:$0x3F84] =	sst s10  }
0x38: {  	s10 =	sld [smem:$0x3F85]  }
0x39: {  	_ = 	snop;
	(pc) =	sbr.ind lr, $3  }
0x3a: {  	_ = 	snop  }
0x3b: {  	_ = 	snop  }
0x3c: {  	p2 =	seq.s32 s10, $0x1;
	s10 =	sld [smem:$0x3F84]  }
0x3d: {  	_ =	shalt  }
0x3e: {  	_ =	shalt  }
0x3f: {  	_ =	shalt  }
0x40: {  	_ =	shalt  }
0x41: {  	_ =	shalt  }
0x42: {  	_ =	shalt  }
0x43: {  	_ =	shalt  }
0x44: {  	_ =	shalt  }
0x45: {  	_ =	shalt  }
0x46: {  	_ =	shalt  }
0x47: {  	_ =	shalt  }
0x48: {  	_ =	shalt  }
0x49: {  	_ =	shalt  }
0x4a: {  	_ =	shalt  }
0x4b: {  	_ =	shalt  }
0x4c: {  	_ =	shalt  }
0x4d: {  	_ =	shalt  }
0x4e: {  	_ =	shalt  }
0x4f: {  	_ =	shalt  }
0x50: {  	_ =	shalt  }
0x51: {  	_ =	shalt  }
0x52: {  	_ =	shalt  }
0x53: {  	_ =	shalt  }
0x54: {  	_ =	shalt  }
0x55: {  	_ =	shalt  }
0x56: {  	_ =	shalt  }
0x57: {  	_ =	shalt  }
0x58: {  	_ =	shalt  }
0x59: {  	_ =	shalt  }
0x5a: {  	_ =	shalt  }
0x5b: {  	_ =	shalt  }
0x5c: {  	_ =	shalt  }
0x5d: {  	_ =	shalt  }
0x5e: {  	_ =	shalt  }
0x5f: {  	_ =	shalt  }
0x60: {  	_ =	shalt  }
0x61: {  	_ =	shalt  }
0x62: {  	_ =	shalt  }
0x63: {  	_ =	shalt  }
0x64: {  	_ =	shalt  }
0x65: {  	_ =	shalt  }
0x66: {  	_ =	shalt  }
0x67: {  	_ =	shalt  }
0x68: {  	_ =	shalt  }
0x69: {  	_ =	shalt  }
0x6a: {  	_ =	shalt  }
0x6b: {  	_ =	shalt  }
0x6c: {  	_ =	shalt  }
0x6d: {  	_ =	shalt  }
0x6e: {  	_ =	shalt  }
0x6f: {  	_ =	shalt  }
0x70: {  	_ =	shalt  }
0x71: {  	_ =	shalt  }
0x72: {  	_ =	shalt  }
0x73: {  	_ =	shalt  }
0x74: {  	_ =	shalt  }
0x75: {  	_ =	shalt  }
0x76: {  	_ =	shalt  }
0x77: {  	_ =	shalt  }
0x78: {  	_ =	shalt  }
0x79: {  	_ =	shalt  }
0x7a: {  	_ =	shalt  }
0x7b: {  	_ =	shalt  }
0x7c: {  	_ =	shalt  }
0x7d: {  	_ =	shalt  }
0x7e: {  	_ =	shalt  }
0x7f: {  	_ =	shalt  }
0x80: {  	_ =	shalt  }
0x81: {  	_ =	shalt  }
0x82: {  	_ =	shalt  }
0x83: {  	_ =	shalt  }
0x84: {  	_ =	shalt  }
0x85: {  	_ =	shalt  }
0x86: {  	_ =	shalt  }
0x87: {  	_ =	shalt  }
.Lfunc_end0:
.L_simem_size_0:
called_computation.3_lowered:
.L_overlay_start_0:
0x88: {  	s2 =	sld [smem:$0x3FD9]  }
0x89: {  	s3 =	sld [smem:$0x3FFE];
	_ =	sdelay $0x1  }
0x8a: {  	s1 =	srdreg.scid  }
0x8b: {  	s0 =	sand.u32 $0x1, s1  }
0x8c: {  	s16 =	sshll.u32 s0, $0xA;
	s2 =	sadd.s32 s3, s2  }
0x8d: {  	s2 =	sadd.s32 s2, s16  }
0x8e: {  	[smem:$0x3F90] =	sst s2  }
0x8f: {  	_ = 	snop  }
0x90: {  	(tm) =	ssettm $0x1  }
0x91: {  	s17 =	sld [smem:$0x3FFB];
	_ =	sdelay $0x3  }
0x92: {  	_ =	strace s17  }
0x93: {  	s2 =	sld [smem:$0x3FFC];
	_ =	sdelay $0x3  }
0x94: {  	_ =	strace s2  }
0x95: {  	s2 =	sld [smem:$0x3FFD];
	_ =	sdelay $0x3  }
0x96: {  	_ =	strace s2  }
0x97: {  	_ =	strace $0x8FFFFFFF  }
0x98: {  	s18 =	sld [smem:$0x3FDB];
	_ =	sdelay $0x1  }
0x99: {  	s19 =	simm.s32 $_scs_section_size  }
0x9a: {  	s4 =	simm.s32 $_size__tile_overlayer_lowered;
	s5 =	simm.s32 $_tile_overlayer_lowered  }
0x9b: {  	s22 =	simm.s32 $0x1BFF;
	s21 =	sshll.u32 s5, $0x1;
	s2 =	sadd.s32 s19, s18  }
0x9c: {  	s6 =	simm.s32 $0x0;
	s20 =	sshll.u32 s4, $0x1;
	s4 =	sadd.s32 s21, s2  }
0x9d: {  	[timem:s6], [sflag:s22] =	dma.local [hbm:s4], s20  }
0x9e: {  	_ =	swait.ge [sflag:s22], s20  }
0x9f: {  	s3 =	ssub.s32 $0x0, s20;
	[sflag:s22] =	ssyncset.done $0x0  }
0xa0: {  	[sflag:s22] =	ssyncadd.s32 s3;
	_ =	sdelay $0x1  }
0xa1: {  	s23 =	simm.s32 $0x1B8B  }
0xa2: {  	_ =	swait.ge [sflag:s23], $0x1  }
0xa3: {  	[sflag:s23] =	ssyncset.done $0x0  }
0xa4: {  	s25 =	simm.s32 $0x1B8E;
	s24 =	sld [smem:$0x3FFE];
	[sflag:s23] =	ssyncadd.s32 $0xFFFFFFFF  }
0xa5: {  	s26 =	simm.s32 $execute0_lowered;
	[smem:$0x3FD2] =	sst s25  }
0xa6: {  	s4 =	sshll.u32 s26, $0x1;
	_ =	strace $0x8000004F;
	[dreg:$0x1] =	wrdreg $0xFFFFFFFF  }
0xa7: {  	s28 =	simm.s32 $_size_execute0_lowered;
	s2 =	sadd.s32 s2, s4;
	[dreg:$0x0] =	wrdreg $0x0  }
0xa8: {  	s4 =	sshll.u32 s28, $0x1;
	[dreg:$0x2] =	wrdreg s2  }
0xa9: {  	[dreg:$0x3] =	wrdreg s4  }
0xaa: {  	[dreg:$0x4] =	wrdreg $0xC0  }
0xab: {  	_ =	task [dreg:s6], $0x5FFFF  }
0xac: {  	[dreg:$0x1] =	wrdreg $0xFFFFFFFF  }
0xad: {  	[dreg:$0x0] =	wrdreg $0x60  }
0xae: {  	[dreg:$0x2] =	wrdreg s24  }
0xaf: {  	[dreg:$0x3] =	wrdreg $0x9  }
0xb0: {  	_ =	task.clear_ibuf [dreg:s6], $0x4FFFF;
	_ =	strace $0x9000004F  }
0xb1: {  	s29 =	simm.s32 $0x9;
	_ =	strace $0x80000051  }
0xb2: {  	_ =	swait.ge [sflag:s29], $0x1  }
0xb3: {  	[sflag:s29] =	ssyncadd.s32 $0xFFFFFFFF  }
0xb4: {  	_ =	strace $0x90000051  }
0xb5: {  	_ =	sfence  }
0xb6: {  	s30 =	sld [smem:$0x0];
	_ =	sdelay $0x2  }
0xb7: {  	s31 =	sshll.u32 s1, $0xD;
	s1 =	sshrl.u32 s1, $0x2  }
0xb8: {  	s3 =	sand.u32 $0x4000, s31;
	s1 =	sadd.s32 s1, s30  }
0xb9: {  	s0 =	sor.u32 s3, s0;
	s1 =	sshll.u32 s1, $0x11  }
0xba: {  	s0 =	sor.u32 s1, s0  }
0xbb: {  	s0 =	sadd.s32 $0x8F2B, s0  }
0xbc: {  	[sflag:s0] =	ssyncadd.remote.s32 $0x1  }
0xbd: {  	_ =	sfence.sel $0xFFFF  }
0xbe: {  	[dreg:$0x0] =	wrdreg $0xFFFFFFFF;
	(pc) =	sbr.abs _section_cstart, $3  }
0xbf: {  	[dreg:$0x1] =	wrdreg $0xFFFFFFFF  }
0xc0: {  	_ =	task.clear_ibuf [dreg:s6], $0x2FFFF;
	_ =	strace $0x9FFFFFFF  }
0xc1: {  	(tm) =	ssettm $0x7FFFFFFF  }
tec
execute0_lowered:
.L_overlay_start_1:
0x0: {  	(tag) =	ssettag $0x1  }
0x1: {  	s0 =	rddreg [dreg:$0x0]  }
0x2: {  	s1 =	srdreg.scid;
	s3 =	stileid.u32;
	s2 =	simm.s32 $0x0  }
0x3: {  	s9 =	simm.s32 $0x2;
	s10 =	simm.s32 $0x200;
	s26 =	simm.s32 $0x1  }
0x4: {  	s24 =	simm.s32 $0x10600;
	s25 =	simm.s32 $0x10A00;
	s29 =	simm.s32 $0x11200  }
0x5: {  	s30 =	simm.s32 $0x11600;
	s31 =	simm.s32 $0x11E00;
	s8 =	simm.s32 $0x13600  }
0x6: {  	s11 =	simm.s32 $0x13A00;
	s12 =	simm.s32 $0x14200;
	s13 =	simm.s32 $0x14600  }
0x7: {  	s14 =	simm.s32 $0x14E00;
	s15 =	simm.s32 $0x15200;
	s16 =	simm.s32 $0x15A00  }
0x8: {  	s17 =	simm.s32 $0x15E00;
	s18 =	simm.s32 $0x16600;
	s19 =	simm.s32 $0x16A00  }
0x9: {  	s20 =	simm.s32 $0x17200;
	s21 =	simm.s32 $0x17600;
	s22 =	simm.s32 $0x17E00  }
0xa: {  	s1 =	sand.u32 $0x1, s1;
	s3 =	sshll.u32 s3, $0xA;
	[smem:$0x7FF] =	sst s2  }
0xb: {  	s4 =	sshll.u32 s1, $0x9;
	_ =	strace $0x80000050;
	s1 =	ssub.s32 $0x2, s1  }
0xc: {  	s3 =	sor.u32 s4, s3;
	s4 =	sadd.s32 $0x8600, s0;
	s7 =	sshrl.u32 s1, $0x1  }
0xd: {  	s5 =	sshrl.u32 s3, $0x3;
	s1 =	ssub.s32 s1, s7;
	s7 =	sadd.s32 $0x8700, s0  }
0xe: {  	v2 =	vlaneseq.u32;
	s6 =	sadd.s32 s5, s0;
	s5 =	sadd.s32 $0x38E00, s0;
	s28 =	smax.u32 s1, $0x1  }
0xf: {  	vm0 =	vmmov $0xffff;
	vm1 =	vmmov $0xff;
	v1 =	vshrl.u32 v2, $0x3;
	s0 =	simm.s32 $0x0;
	s6 =	sadd.s32 $0x38600, s6;
	[dreg:$0x3] =	wrdreg s28  }
0x10: {  	v0 =	vand.u32 $0x7, v2;
	v2 =	vor.u32 $0x8, v2;
	v1 =	vmul.u32 $0x8, v1;
	s1 =	simm.s32 $0x12A00;
	[dreg:$0x2] =	wrdreg s6;
	s6 =	simm.s32 $0x12E00  }
.LBB2_1:
0x11: {  	[dreg:$0x4] =	wrdreg s0  }
0x12: {  	s28 =	rddreg [dreg:$0x2]  }
0x13: {  	[tilespmem:s2], [sflag:$0x2] =	stream.linear.gather [hbm4b:s28+s2], $0x200, $0x38;
	[tilespmem:$0x18200] =	vst v63  }
0x14: {  	_ =	swait.ge [sflag:s9], $0x200  }
0x15: {  	p0 =	por $0x1, $0x1;
	[sflag:s9] =	ssyncset.done $0x0  }
0x16: {  	s0 =	simm.s32 $0x12200;
	s28 =	simm.s32 $0x0;
	[sflag:s9] =	ssyncadd.s32 $0xFFFFFE00  }
.LBB2_2:
0x17: {  	v3 =	vld [tilespmem:s28+$0x0];
	_ =	sdelay $0x4  }
0x18: {  	v4 =	vshrl.u32 v3, $0x3  }
0x19: {  	v4 =	vmul.u32 $0x18, v4  }
0x1a: {  	v3 =	vand.u32 $0x7, v3  }
0x1b: {  	v3 =	vor.u32 v3, v4  }
0x1c: {  	v4 =	vperm.xlane v3, v0;
	_ =	sdelay $0x1  }
0x1d: {  	v4 =	vadd.s32 v1, v4;
	_ =	sdelay $0x1  }
0x1e: {  	v3 =	vperm.xlane v3, v2;
	_ =	sdelay $0x1  }
0x1f: {  	v3 =	vadd.s32 v1, v3  }
0x20: {  	[tilespmem:s10], [sflag:$0x1] =	stream.indirect_vreg.gather [hbm4b:s4+s2], $0x80, v4, vm0, $0xb8;
	[tilespmem:$0x18200] =	vst v63  }
0x21: {  	s23 =	simm.s32 $0xA00  }
0x22: {  	[tilespmem:s23], [sflag:$0x1] =	stream.indirect_vreg.gather [hbm4b:s7+s2], $0x80, v4, vm1, $0xb8;
	[tilespmem:$0x18200] =	vst v63  }
0x23: {  	s23 =	simm.s32 $0xE00  }
0x24: {  	[tilespmem:s23], [sflag:$0x1] =	stream.indirect_vreg.gather [hbm4b:s4+s2], $0x80, v3, vm0, $0xb8;
	[tilespmem:$0x18200] =	vst v63  }
0x25: {  	s23 =	simm.s32 $0x1600  }
0x26: {  	[tilespmem:s23], [sflag:$0x1] =	stream.indirect_vreg.gather [hbm4b:s7+s2], $0x80, v3, vm1, $0xb8;
	[tilespmem:$0x18200] =	vst v63  }
0x27: {  	v3 =	vld [tilespmem:s28+$0x10];
	_ =	sdelay $0x4  }
0x28: {  	v49 =	vshrl.u32 v3, $0x3  }
0x29: {  	v4 =	vmul.u32 $0x18, v49  }
0x2a: {  	v3 =	vand.u32 $0x7, v3  }
0x2b: {  	v3 =	vor.u32 v3, v4  }
0x2c: {  	v4 =	vperm.xlane v3, v0;
	_ =	sdelay $0x1  }
0x2d: {  	v4 =	vadd.s32 v1, v4;
	_ =	sdelay $0x1  }
0x2e: {  	v3 =	vperm.xlane v3, v2;
	_ =	sdelay $0x1  }
0x2f: {  	s23 =	simm.s32 $0x1A00;
	v3 =	vadd.s32 v1, v3  }
0x30: {  	[tilespmem:s23], [sflag:$0x1] =	stream.indirect_vreg.gather [hbm4b:s4+s2], $0x80, v4, vm0, $0xb8;
	[tilespmem:$0x18200] =	vst v63  }
0x31: {  	s23 =	simm.s32 $0x2200  }
0x32: {  	[tilespmem:s23], [sflag:$0x1] =	stream.indirect_vreg.gather [hbm4b:s7+s2], $0x80, v4, vm1, $0xb8;
	[tilespmem:$0x18200] =	vst v63  }
0x33: {  	s23 =	simm.s32 $0x2600  }
0x34: {  	[tilespmem:s23], [sflag:$0x1] =	stream.indirect_vreg.gather [hbm4b:s4+s2], $0x80, v3, vm0, $0xb8;
	[tilespmem:$0x18200] =	vst v63  }
0x35: {  	s23 =	simm.s32 $0x2E00  }
0x36: {  	[tilespmem:s23], [sflag:$0x1] =	stream.indirect_vreg.gather [hbm4b:s7+s2], $0x80, v3, vm1, $0xb8;
	[tilespmem:$0x18200] =	vst v63  }
0x37: {  	v3 =	vld [tilespmem:s28+$0x20];
	_ =	sdelay $0x4  }
0x38: {  	v50 =	vshrl.u32 v3, $0x3  }
0x39: {  	v4 =	vmul.u32 $0x18, v50  }
0x3a: {  	v3 =	vand.u32 $0x7, v3  }
0x3b: {  	v3 =	vor.u32 v3, v4  }
0x3c: {  	v4 =	vperm.xlane v3, v0;
	_ =	sdelay $0x1  }
0x3d: {  	v4 =	vadd.s32 v1, v4;
	_ =	sdelay $0x1  }
0x3e: {  	v3 =	vperm.xlane v3, v2;
	_ =	sdelay $0x1  }
0x3f: {  	s23 =	simm.s32 $0x3200;
	v3 =	vadd.s32 v1, v3  }
0x40: {  	[tilespmem:s23], [sflag:$0x1] =	stream.indirect_vreg.gather [hbm4b:s4+s2], $0x80, v4, vm0, $0xb8;
	[tilespmem:$0x18200] =	vst v63  }
0x41: {  	s23 =	simm.s32 $0x3A00  }
0x42: {  	[tilespmem:s23], [sflag:$0x1] =	stream.indirect_vreg.gather [hbm4b:s7+s2], $0x80, v4, vm1, $0xb8;
	[tilespmem:$0x18200] =	vst v63  }
0x43: {  	s23 =	simm.s32 $0x3E00  }
0x44: {  	[tilespmem:s23], [sflag:$0x1] =	stream.indirect_vreg.gather [hbm4b:s4+s2], $0x80, v3, vm0, $0xb8;
	[tilespmem:$0x18200] =	vst v63  }
0x45: {  	s23 =	simm.s32 $0x4600  }
0x46: {  	[tilespmem:s23], [sflag:$0x1] =	stream.indirect_vreg.gather [hbm4b:s7+s2], $0x80, v3, vm1, $0xb8;
	[tilespmem:$0x18200] =	vst v63  }
0x47: {  	v3 =	vld [tilespmem:s28+$0x30];
	_ =	sdelay $0x4  }
0x48: {  	v51 =	vshrl.u32 v3, $0x3  }
0x49: {  	v4 =	vmul.u32 $0x18, v51  }
0x4a: {  	v3 =	vand.u32 $0x7, v3  }
0x4b: {  	v3 =	vor.u32 v3, v4  }
0x4c: {  	v4 =	vperm.xlane v3, v0;
	_ =	sdelay $0x1  }
0x4d: {  	v4 =	vadd.s32 v1, v4;
	_ =	sdelay $0x1  }
0x4e: {  	v3 =	vperm.xlane v3, v2;
	_ =	sdelay $0x1  }
0x4f: {  	s23 =	simm.s32 $0x4A00;
	v3 =	vadd.s32 v1, v3  }
0x50: {  	[tilespmem:s23], [sflag:$0x1] =	stream.indirect_vreg.gather [hbm4b:s4+s2], $0x80, v4, vm0, $0xb8;
	[tilespmem:$0x18200] =	vst v63  }
0x51: {  	s23 =	simm.s32 $0x5200  }
0x52: {  	[tilespmem:s23], [sflag:$0x1] =	stream.indirect_vreg.gather [hbm4b:s7+s2], $0x80, v4, vm1, $0xb8;
	[tilespmem:$0x18200] =	vst v63  }
0x53: {  	s23 =	simm.s32 $0x5600  }
0x54: {  	[tilespmem:s23], [sflag:$0x1] =	stream.indirect_vreg.gather [hbm4b:s4+s2], $0x80, v3, vm0, $0xb8;
	[tilespmem:$0x18200] =	vst v63  }
0x55: {  	s23 =	simm.s32 $0x5E00  }
0x56: {  	[tilespmem:s23], [sflag:$0x1] =	stream.indirect_vreg.gather [hbm4b:s7+s2], $0x80, v3, vm1, $0xb8;
	[tilespmem:$0x18200] =	vst v63  }
0x57: {  	v3 =	vld [tilespmem:s28+$0x40];
	_ =	sdelay $0x4  }
0x58: {  	v52 =	vshrl.u32 v3, $0x3  }
0x59: {  	v4 =	vmul.u32 $0x18, v52  }
0x5a: {  	v3 =	vand.u32 $0x7, v3  }
0x5b: {  	v3 =	vor.u32 v3, v4  }
0x5c: {  	v4 =	vperm.xlane v3, v0;
	_ =	sdelay $0x1  }
0x5d: {  	v4 =	vadd.s32 v1, v4;
	_ =	sdelay $0x1  }
0x5e: {  	v3 =	vperm.xlane v3, v2;
	_ =	sdelay $0x1  }
0x5f: {  	s23 =	simm.s32 $0x6200;
	v3 =	vadd.s32 v1, v3  }
0x60: {  	[tilespmem:s23], [sflag:$0x1] =	stream.indirect_vreg.gather [hbm4b:s4+s2], $0x80, v4, vm0, $0xb8;
	[tilespmem:$0x18200] =	vst v63  }
0x61: {  	s23 =	simm.s32 $0x6A00  }
0x62: {  	[tilespmem:s23], [sflag:$0x1] =	stream.indirect_vreg.gather [hbm4b:s7+s2], $0x80, v4, vm1, $0xb8;
	[tilespmem:$0x18200] =	vst v63  }
0x63: {  	s23 =	simm.s32 $0x6E00  }
0x64: {  	[tilespmem:s23], [sflag:$0x1] =	stream.indirect_vreg.gather [hbm4b:s4+s2], $0x80, v3, vm0, $0xb8;
	[tilespmem:$0x18200] =	vst v63  }
0x65: {  	s23 =	simm.s32 $0x7600  }
0x66: {  	[tilespmem:s23], [sflag:$0x1] =	stream.indirect_vreg.gather [hbm4b:s7+s2], $0x80, v3, vm1, $0xb8;
	[tilespmem:$0x18200] =	vst v63  }
0x67: {  	v3 =	vld [tilespmem:s28+$0x50];
	_ =	sdelay $0x4  }
0x68: {  	v53 =	vshrl.u32 v3, $0x3  }
0x69: {  	v4 =	vmul.u32 $0x18, v53  }
0x6a: {  	v3 =	vand.u32 $0x7, v3  }
0x6b: {  	v3 =	vor.u32 v3, v4  }
0x6c: {  	v4 =	vperm.xlane v3, v0;
	_ =	sdelay $0x1  }
0x6d: {  	v4 =	vadd.s32 v1, v4;
	_ =	sdelay $0x1  }
0x6e: {  	v3 =	vperm.xlane v3, v2;
	_ =	sdelay $0x1  }
0x6f: {  	s23 =	simm.s32 $0x7A00;
	v3 =	vadd.s32 v1, v3  }
0x70: {  	[tilespmem:s23], [sflag:$0x1] =	stream.indirect_vreg.gather [hbm4b:s4+s2], $0x80, v4, vm0, $0xb8;
	[tilespmem:$0x18200] =	vst v63  }
0x71: {  	s23 =	simm.s32 $0x8200  }
0x72: {  	[tilespmem:s23], [sflag:$0x1] =	stream.indirect_vreg.gather [hbm4b:s7+s2], $0x80, v4, vm1, $0xb8;
	[tilespmem:$0x18200] =	vst v63  }
0x73: {  	s23 =	simm.s32 $0x8600  }
0x74: {  	[tilespmem:s23], [sflag:$0x1] =	stream.indirect_vreg.gather [hbm4b:s4+s2], $0x80, v3, vm0, $0xb8;
	[tilespmem:$0x18200] =	vst v63  }
0x75: {  	s23 =	simm.s32 $0x8E00  }
0x76: {  	[tilespmem:s23], [sflag:$0x1] =	stream.indirect_vreg.gather [hbm4b:s7+s2], $0x80, v3, vm1, $0xb8;
	[tilespmem:$0x18200] =	vst v63  }
0x77: {  	v3 =	vld [tilespmem:s28+$0x60];
	_ =	sdelay $0x4  }
0x78: {  	v54 =	vshrl.u32 v3, $0x3  }
0x79: {  	v4 =	vmul.u32 $0x18, v54  }
0x7a: {  	v3 =	vand.u32 $0x7, v3  }
0x7b: {  	v3 =	vor.u32 v3, v4  }
0x7c: {  	v4 =	vperm.xlane v3, v0;
	_ =	sdelay $0x1  }
0x7d: {  	v4 =	vadd.s32 v1, v4;
	_ =	sdelay $0x1  }
0x7e: {  	v3 =	vperm.xlane v3, v2;
	_ =	sdelay $0x1  }
0x7f: {  	s23 =	simm.s32 $0x9200;
	v3 =	vadd.s32 v1, v3  }
0x80: {  	[tilespmem:s23], [sflag:$0x1] =	stream.indirect_vreg.gather [hbm4b:s4+s2], $0x80, v4, vm0, $0xb8;
	[tilespmem:$0x18200] =	vst v63  }
0x81: {  	s23 =	simm.s32 $0x9A00  }
0x82: {  	[tilespmem:s23], [sflag:$0x1] =	stream.indirect_vreg.gather [hbm4b:s7+s2], $0x80, v4, vm1, $0xb8;
	[tilespmem:$0x18200] =	vst v63  }
0x83: {  	s23 =	simm.s32 $0x9E00  }
0x84: {  	[tilespmem:s23], [sflag:$0x1] =	stream.indirect_vreg.gather [hbm4b:s4+s2], $0x80, v3, vm0, $0xb8;
	[tilespmem:$0x18200] =	vst v63  }
0x85: {  	s23 =	simm.s32 $0xA600  }
0x86: {  	[tilespmem:s23], [sflag:$0x1] =	stream.indirect_vreg.gather [hbm4b:s7+s2], $0x80, v3, vm1, $0xb8;
	[tilespmem:$0x18200] =	vst v63  }
0x87: {  	v3 =	vld [tilespmem:s28+$0x70];
	_ =	sdelay $0x4  }
0x88: {  	v55 =	vshrl.u32 v3, $0x3  }
0x89: {  	v4 =	vmul.u32 $0x18, v55  }
0x8a: {  	v3 =	vand.u32 $0x7, v3  }
0x8b: {  	v3 =	vor.u32 v3, v4  }
0x8c: {  	v4 =	vperm.xlane v3, v0;
	_ =	sdelay $0x1  }
0x8d: {  	v4 =	vadd.s32 v1, v4;
	_ =	sdelay $0x1  }
0x8e: {  	v3 =	vperm.xlane v3, v2;
	_ =	sdelay $0x1  }
0x8f: {  	s23 =	simm.s32 $0xAA00;
	v3 =	vadd.s32 v1, v3  }
0x90: {  	[tilespmem:s23], [sflag:$0x1] =	stream.indirect_vreg.gather [hbm4b:s4+s2], $0x80, v4, vm0, $0xb8;
	[tilespmem:$0x18200] =	vst v63  }
0x91: {  	s23 =	simm.s32 $0xB200  }
0x92: {  	[tilespmem:s23], [sflag:$0x1] =	stream.indirect_vreg.gather [hbm4b:s7+s2], $0x80, v4, vm1, $0xb8;
	[tilespmem:$0x18200] =	vst v63  }
0x93: {  	s23 =	simm.s32 $0xB600  }
0x94: {  	[tilespmem:s23], [sflag:$0x1] =	stream.indirect_vreg.gather [hbm4b:s4+s2], $0x80, v3, vm0, $0xb8;
	[tilespmem:$0x18200] =	vst v63  }
0x95: {  	s23 =	simm.s32 $0xBE00  }
0x96: {  	[tilespmem:s23], [sflag:$0x1] =	stream.indirect_vreg.gather [hbm4b:s7+s2], $0x80, v3, vm1, $0xb8;
	[tilespmem:$0x18200] =	vst v63  }
0x97: {  	v3 =	vld [tilespmem:s28+$0x80];
	_ =	sdelay $0x4  }
0x98: {  	v56 =	vshrl.u32 v3, $0x3  }
0x99: {  	v4 =	vmul.u32 $0x18, v56  }
0x9a: {  	v3 =	vand.u32 $0x7, v3  }
0x9b: {  	v3 =	vor.u32 v3, v4  }
0x9c: {  	v4 =	vperm.xlane v3, v0;
	_ =	sdelay $0x1  }
0x9d: {  	v4 =	vadd.s32 v1, v4;
	_ =	sdelay $0x1  }
0x9e: {  	v3 =	vperm.xlane v3, v2;
	_ =	sdelay $0x1  }
0x9f: {  	s23 =	simm.s32 $0xC200;
	v3 =	vadd.s32 v1, v3  }
0xa0: {  	[tilespmem:s23], [sflag:$0x1] =	stream.indirect_vreg.gather [hbm4b:s4+s2], $0x80, v4, vm0, $0xb8;
	[tilespmem:$0x18200] =	vst v63  }
0xa1: {  	s23 =	simm.s32 $0xCA00  }
0xa2: {  	[tilespmem:s23], [sflag:$0x1] =	stream.indirect_vreg.gather [hbm4b:s7+s2], $0x80, v4, vm1, $0xb8;
	[tilespmem:$0x18200] =	vst v63  }
0xa3: {  	s23 =	simm.s32 $0xCE00  }
0xa4: {  	[tilespmem:s23], [sflag:$0x1] =	stream.indirect_vreg.gather [hbm4b:s4+s2], $0x80, v3, vm0, $0xb8;
	[tilespmem:$0x18200] =	vst v63  }
0xa5: {  	s23 =	simm.s32 $0xD600  }
0xa6: {  	[tilespmem:s23], [sflag:$0x1] =	stream.indirect_vreg.gather [hbm4b:s7+s2], $0x80, v3, vm1, $0xb8;
	[tilespmem:$0x18200] =	vst v63  }
0xa7: {  	v3 =	vld [tilespmem:s28+$0x90];
	_ =	sdelay $0x4  }
0xa8: {  	v57 =	vshrl.u32 v3, $0x3  }
0xa9: {  	v4 =	vmul.u32 $0x18, v57  }
0xaa: {  	v3 =	vand.u32 $0x7, v3  }
0xab: {  	v3 =	vor.u32 v3, v4  }
0xac: {  	v4 =	vperm.xlane v3, v0;
	_ =	sdelay $0x1  }
0xad: {  	v4 =	vadd.s32 v1, v4;
	_ =	sdelay $0x1  }
0xae: {  	v3 =	vperm.xlane v3, v2;
	_ =	sdelay $0x1  }
0xaf: {  	s23 =	simm.s32 $0xDA00;
	v3 =	vadd.s32 v1, v3  }
0xb0: {  	[tilespmem:s23], [sflag:$0x1] =	stream.indirect_vreg.gather [hbm4b:s4+s2], $0x80, v4, vm0, $0xb8;
	[tilespmem:$0x18200] =	vst v63  }
0xb1: {  	s23 =	simm.s32 $0xE200  }
0xb2: {  	[tilespmem:s23], [sflag:$0x1] =	stream.indirect_vreg.gather [hbm4b:s7+s2], $0x80, v4, vm1, $0xb8;
	[tilespmem:$0x18200] =	vst v63  }
0xb3: {  	s23 =	simm.s32 $0xE600  }
0xb4: {  	[tilespmem:s23], [sflag:$0x1] =	stream.indirect_vreg.gather [hbm4b:s4+s2], $0x80, v3, vm0, $0xb8;
	[tilespmem:$0x18200] =	vst v63  }
0xb5: {  	s23 =	simm.s32 $0xEE00  }
0xb6: {  	[tilespmem:s23], [sflag:$0x1] =	stream.indirect_vreg.gather [hbm4b:s7+s2], $0x80, v3, vm1, $0xb8;
	[tilespmem:$0x18200] =	vst v63  }
0xb7: {  	v3 =	vld [tilespmem:s28+$0xA0];
	_ =	sdelay $0x4  }
0xb8: {  	v58 =	vshrl.u32 v3, $0x3  }
0xb9: {  	v4 =	vmul.u32 $0x18, v58  }
0xba: {  	v3 =	vand.u32 $0x7, v3  }
0xbb: {  	v3 =	vor.u32 v3, v4  }
0xbc: {  	v4 =	vperm.xlane v3, v0;
	_ =	sdelay $0x1  }
0xbd: {  	v4 =	vadd.s32 v1, v4;
	_ =	sdelay $0x1  }
0xbe: {  	v3 =	vperm.xlane v3, v2;
	_ =	sdelay $0x1  }
0xbf: {  	s23 =	simm.s32 $0xF200;
	v3 =	vadd.s32 v1, v3  }
0xc0: {  	[tilespmem:s23], [sflag:$0x1] =	stream.indirect_vreg.gather [hbm4b:s4+s2], $0x80, v4, vm0, $0xb8;
	[tilespmem:$0x18200] =	vst v63  }
0xc1: {  	s23 =	simm.s32 $0xFA00  }
0xc2: {  	[tilespmem:s23], [sflag:$0x1] =	stream.indirect_vreg.gather [hbm4b:s7+s2], $0x80, v4, vm1, $0xb8;
	[tilespmem:$0x18200] =	vst v63  }
0xc3: {  	s23 =	simm.s32 $0xFE00  }
0xc4: {  	[tilespmem:s23], [sflag:$0x1] =	stream.indirect_vreg.gather [hbm4b:s4+s2], $0x80, v3, vm0, $0xb8;
	[tilespmem:$0x18200] =	vst v63  }
0xc5: {  	_ = 	snop  }
0xc6: {  	[tilespmem:s24], [sflag:$0x1] =	stream.indirect_vreg.gather [hbm4b:s7+s2], $0x80, v3, vm1, $0xb8;
	[tilespmem:$0x18200] =	vst v63  }
0xc7: {  	v3 =	vld [tilespmem:s28+$0xB0];
	_ =	sdelay $0x4  }
0xc8: {  	v59 =	vshrl.u32 v3, $0x3  }
0xc9: {  	v4 =	vmul.u32 $0x18, v59  }
0xca: {  	v3 =	vand.u32 $0x7, v3  }
0xcb: {  	v3 =	vor.u32 v3, v4  }
0xcc: {  	v4 =	vperm.xlane v3, v0;
	_ =	sdelay $0x1  }
0xcd: {  	v4 =	vadd.s32 v1, v4;
	_ =	sdelay $0x1  }
0xce: {  	v3 =	vperm.xlane v3, v2;
	_ =	sdelay $0x1  }
0xcf: {  	v3 =	vadd.s32 v1, v3  }
0xd0: {  	[tilespmem:s25], [sflag:$0x1] =	stream.indirect_vreg.gather [hbm4b:s4+s2], $0x80, v4, vm0, $0xb8;
	[tilespmem:$0x18200] =	vst v63  }
0xd1: {  	_ = 	snop  }
0xd2: {  	[tilespmem:s29], [sflag:$0x1] =	stream.indirect_vreg.gather [hbm4b:s7+s2], $0x80, v4, vm1, $0xb8;
	[tilespmem:$0x18200] =	vst v63  }
0xd3: {  	_ = 	snop  }
0xd4: {  	[tilespmem:s30], [sflag:$0x1] =	stream.indirect_vreg.gather [hbm4b:s4+s2], $0x80, v3, vm0, $0xb8;
	[tilespmem:$0x18200] =	vst v63  }
0xd5: {  	_ = 	snop  }
0xd6: {  	[tilespmem:s31], [sflag:$0x1] =	stream.indirect_vreg.gather [hbm4b:s7+s2], $0x80, v3, vm1, $0xb8;
	[tilespmem:$0x18200] =	vst v63  }
0xd7: {  	v3 =	vld [tilespmem:s28+$0xC0];
	_ =	sdelay $0x4  }
0xd8: {  	v60 =	vshrl.u32 v3, $0x3  }
0xd9: {  	v4 =	vmul.u32 $0x18, v60  }
0xda: {  	v3 =	vand.u32 $0x7, v3  }
0xdb: {  	v3 =	vor.u32 v3, v4  }
0xdc: {  	v4 =	vperm.xlane v3, v0;
	_ =	sdelay $0x1  }
0xdd: {  	v4 =	vadd.s32 v1, v4;
	_ =	sdelay $0x1  }
0xde: {  	v3 =	vperm.xlane v3, v2;
	_ =	sdelay $0x1  }
0xdf: {  	v3 =	vadd.s32 v1, v3  }
0xe0: {  	[tilespmem:s0], [sflag:$0x1] =	stream.indirect_vreg.gather [hbm4b:s4+s2], $0x80, v4, vm0, $0xb8;
	[tilespmem:$0x18200] =	vst v63  }
0xe1: {  	_ = 	snop  }
0xe2: {  	[tilespmem:s1], [sflag:$0x1] =	stream.indirect_vreg.gather [hbm4b:s7+s2], $0x80, v4, vm1, $0xb8;
	[tilespmem:$0x18200] =	vst v63  }
0xe3: {  	_ = 	snop  }
0xe4: {  	[tilespmem:s6], [sflag:$0x1] =	stream.indirect_vreg.gather [hbm4b:s4+s2], $0x80, v3, vm0, $0xb8;
	[tilespmem:$0x18200] =	vst v63  }
0xe5: {  	_ = 	snop  }
0xe6: {  	[tilespmem:s8], [sflag:$0x1] =	stream.indirect_vreg.gather [hbm4b:s7+s2], $0x80, v3, vm1, $0xb8;
	[tilespmem:$0x18200] =	vst v63  }
0xe7: {  	v3 =	vld [tilespmem:s28+$0xD0];
	_ =	sdelay $0x4  }
0xe8: {  	v61 =	vshrl.u32 v3, $0x3  }
0xe9: {  	v4 =	vmul.u32 $0x18, v61  }
0xea: {  	v3 =	vand.u32 $0x7, v3  }
0xeb: {  	v3 =	vor.u32 v3, v4  }
0xec: {  	v4 =	vperm.xlane v3, v0;
	_ =	sdelay $0x1  }
0xed: {  	v4 =	vadd.s32 v1, v4;
	_ =	sdelay $0x1  }
0xee: {  	v3 =	vperm.xlane v3, v2;
	_ =	sdelay $0x1  }
0xef: {  	v3 =	vadd.s32 v1, v3  }
0xf0: {  	[tilespmem:s11], [sflag:$0x1] =	stream.indirect_vreg.gather [hbm4b:s4+s2], $0x80, v4, vm0, $0xb8;
	[tilespmem:$0x18200] =	vst v63  }
0xf1: {  	_ = 	snop  }
0xf2: {  	[tilespmem:s12], [sflag:$0x1] =	stream.indirect_vreg.gather [hbm4b:s7+s2], $0x80, v4, vm1, $0xb8;
	[tilespmem:$0x18200] =	vst v63  }
0xf3: {  	_ = 	snop  }
0xf4: {  	[tilespmem:s13], [sflag:$0x1] =	stream.indirect_vreg.gather [hbm4b:s4+s2], $0x80, v3, vm0, $0xb8;
	[tilespmem:$0x18200] =	vst v63  }
0xf5: {  	_ = 	snop  }
0xf6: {  	[tilespmem:s14], [sflag:$0x1] =	stream.indirect_vreg.gather [hbm4b:s7+s2], $0x80, v3, vm1, $0xb8;
	[tilespmem:$0x18200] =	vst v63  }
0xf7: {  	v3 =	vld [tilespmem:s28+$0xE0];
	_ =	sdelay $0x4  }
0xf8: {  	v62 =	vshrl.u32 v3, $0x3  }
0xf9: {  	v4 =	vmul.u32 $0x18, v62  }
0xfa: {  	v3 =	vand.u32 $0x7, v3  }
0xfb: {  	v3 =	vor.u32 v3, v4  }
0xfc: {  	v4 =	vperm.xlane v3, v0;
	_ =	sdelay $0x1  }
0xfd: {  	v4 =	vadd.s32 v1, v4;
	_ =	sdelay $0x1  }
0xfe: {  	v3 =	vperm.xlane v3, v2;
	_ =	sdelay $0x1  }
0xff: {  	v3 =	vadd.s32 v1, v3  }
0x100: {  	[tilespmem:s15], [sflag:$0x1] =	stream.indirect_vreg.gather [hbm4b:s4+s2], $0x80, v4, vm0, $0xb8;
	[tilespmem:$0x18200] =	vst v63  }
0x101: {  	_ = 	snop  }
0x102: {  	[tilespmem:s16], [sflag:$0x1] =	stream.indirect_vreg.gather [hbm4b:s7+s2], $0x80, v4, vm1, $0xb8;
	[tilespmem:$0x18200] =	vst v63  }
0x103: {  	_ = 	snop  }
0x104: {  	[tilespmem:s17], [sflag:$0x1] =	stream.indirect_vreg.gather [hbm4b:s4+s2], $0x80, v3, vm0, $0xb8;
	[tilespmem:$0x18200] =	vst v63  }
0x105: {  	_ = 	snop  }
0x106: {  	[tilespmem:s18], [sflag:$0x1] =	stream.indirect_vreg.gather [hbm4b:s7+s2], $0x80, v3, vm1, $0xb8;
	[tilespmem:$0x18200] =	vst v63  }
0x107: {  	v3 =	vld [tilespmem:s28+$0xF0];
	_ =	sdelay $0x4  }
0x108: {  	v63 =	vshrl.u32 v3, $0x3  }
0x109: {  	v4 =	vmul.u32 $0x18, v63  }
0x10a: {  	v3 =	vand.u32 $0x7, v3  }
0x10b: {  	v3 =	vor.u32 v3, v4  }
0x10c: {  	v4 =	vperm.xlane v3, v0;
	_ =	sdelay $0x1  }
0x10d: {  	v4 =	vadd.s32 v1, v4;
	_ =	sdelay $0x1  }
0x10e: {  	v3 =	vperm.xlane v3, v2;
	_ =	sdelay $0x1  }
0x10f: {  	v3 =	vadd.s32 v1, v3  }
0x110: {  	[tilespmem:s19], [sflag:$0x1] =	stream.indirect_vreg.gather [hbm4b:s4+s2], $0x80, v4, vm0, $0xb8;
	[tilespmem:$0x18200] =	vst v63  }
0x111: {  	_ = 	snop  }
0x112: {  	[tilespmem:s20], [sflag:$0x1] =	stream.indirect_vreg.gather [hbm4b:s7+s2], $0x80, v4, vm1, $0xb8;
	[tilespmem:$0x18200] =	vst v63  }
0x113: {  	s28 =	sor.u32 s3, s28  }
0x114: {  	[tilespmem:s21], [sflag:$0x1] =	stream.indirect_vreg.gather [hbm4b:s4+s2], $0x80, v3, vm0, $0xb8;
	[tilespmem:$0x18200] =	vst v63  }
0x115: {  	s28 =	sshrl.u32 s28, $0x3  }
0x116: {  	[tilespmem:s22], [sflag:$0x1] =	stream.indirect_vreg.gather [hbm4b:s7+s2], $0x80, v3, vm1, $0xb8;
	[tilespmem:$0x18200] =	vst v63  }
0x117: {  	s28 =	smul.u32 $0x180, s28;
	_ =	swait.ge [sflag:s26], $0x18000  }
0x118: {  	p1 =	por p0, p0;
	[sflag:s26] =	ssyncset.done $0x0  }
.Ltmp0:
0x119: {  	s28 =	sadd.s32 s5, s28;
	[sflag:s26] =	ssyncadd.s32 $0xFFFE8000;
	(pc) =	sbr.rel @p1 .LBB2_2-.Ltmp0, $4  }
0x11a: {  	[hbm4b:s28+s2] =	stream.linear.scatter [tilespmem:s10], [sflag:$0x2], $0x18000, $0x38;
	[tilespmem:$0x18200] =	vst v63  }
0x11b: {  	_ =	swait.ge [sflag:s9], $0x18000  }
0x11c: {  	[sflag:s9] =	ssyncset.done $0x0  }
0x11d: {  	p0 =	por $0x0, $0x0;
	s28 =	simm.s32 $0x100;
	[sflag:s9] =	ssyncadd.s32 $0xFFFE8000  }
0x11e: {  	s0 =	rddreg [dreg:$0x4]  }
0x11f: {  	s28 =	rddreg [dreg:$0x3];
	s0 =	sadd.s32 $0x1, s0  }
0x120: {  	p0 =	sne.s32 s0, s28  }
.Ltmp1:
0x121: {  	_ = 	snop;
	(pc) =	sbr.rel @p0 .LBB2_1-.Ltmp1, $1  }
0x122: {  	_ =	sdelay $0x3  }
0x123: {  	_ =	sfence.sel $0x180000  }
0x124: {  	[bflag:$0x0] =	sbarrier.arrive $0xFFFF  }
0x125: {  	_ =	strace $0x90000050  }
0x126: {  	s0 =	stileid.u32;
	[bflag:$0x2] =	sbarrier.arrive $0xFFFF  }
0x127: {  	p0 =	sne.s32 s0, $0x0;
	s0 =	rddreg [dreg:$0x1]  }
0x128: {  	s0 =	sadd.s32 @!p0 $0x100000, s0  }
0x129: {  	[sflag:s0] =	ssyncadd.tile.s32 @!p0 $0x1;
	_ =	shalt  }
.Lfunc_end2:
_tile_overlayer_lowered:
.L_overlay_start_2:
0x12a: {  	(tag) =	ssettag $0x2  }
0x12b: {  	s0 =	rddreg [dreg:$0x0];
	s2 =	stileid.u32  }
0x12c: {  	s1 =	rddreg [dreg:$0x1];
	p0 =	sne.s32 s2, $0x0  }
0x12d: {  	s3 =	rddreg [dreg:$0x2];
	[bflag:$0x3] =	sbarrier.arrive $0xFFFF;
	s2 =	simm.s32 @!p0 $0x1C02  }
0x12e: {  	[timem:s3], [sflag:s2] =	dma.local @!p0 [hbm:s0], s1  }
0x12f: {  	s0 =	simm.s32 @!p0 $0x2  }
0x130: {  	_ =	swait.ge @!p0 [sflag:s0], s1  }
0x131: {  	s1 =	ssub.s32 @!p0 $0x0, s1;
	[sflag:s0] =	ssyncset.done @!p0 $0x0  }
0x132: {  	[sflag:s0] =	ssyncadd.s32 @!p0 s1  }
0x133: {  	[bflag:$0x3] =	sbarrier.arrive $0xFFFF  }
0x134: {  	_ =	shalt  }

</sc_bundles>
